<compile_context>
chip_gen: v7x
topology: tpu7x:2x2x1
jax: 0.10.2.dev20260603
libtpu: 0.0.44.dev20260713+nightly
codegen_flags: <defaults>
</compile_context>

<pallas_src>
import functools

import jax
import jax.numpy as jnp
from jax import lax
from jax.experimental import pallas as pl
from jax.experimental.pallas import tpu as pltpu
from jax.experimental.pallas import tpu_sc as plsc

VOCAB = 100000
EMBED_DIM = 128
BATCH = 16384
HIST_LEN = 50
OUT_DIM = 2

VBLK = 2048
VPAD = 100352
NLANE = 16
NWORK = 32
B_W = BATCH // NWORK
NGRP = B_W // NLANE
NSUB = 4
B_SUB = B_W // NSUB
NGRP_SUB = B_SUB // NLANE


def _proj_body(w_ref, b_ref, x_ref, out_ref):
    y = lax.dot_general(
        w_ref[...], x_ref[...],
        dimension_numbers=(((1,), (1,)), ((), ())),
        preferred_element_type=jnp.float32,
    )
    y = y + b_ref[...]
    u = lax.bitcast_convert_type(y, jnp.uint32)
    r = (u + jnp.uint32(0x7FFF) + ((u >> 16) & jnp.uint32(1))) >> 16
    packed = r[0:1, :] | (r[1:2, :] << 16)
    out_ref[...] = lax.bitcast_convert_type(packed.reshape(VBLK), jnp.int32)


def _project(emb_w, lin_w, lin_b):
    return pl.pallas_call(
        _proj_body,
        grid=(VPAD // VBLK,),
        in_specs=[
            pl.BlockSpec((OUT_DIM, EMBED_DIM), lambda i: (0, 0)),
            pl.BlockSpec((OUT_DIM, 1), lambda i: (0, 0)),
            pl.BlockSpec((VBLK, EMBED_DIM), lambda i: (i, 0)),
        ],
        out_specs=pl.BlockSpec((VBLK,), lambda i: (i,)),
        out_shape=jax.ShapeDtypeStruct((VPAD,), jnp.int32),
    )(lin_w, lin_b.reshape(OUT_DIM, 1), emb_w)


def _sc_body(p_hbm, idx_hbm, out_hbm, p_sh, p_v, idx_v0, idx_v1, out_v,
             sem_p, sem_i0, sem_i1):
    cid_axis = lax.axis_index("c")
    sid_axis = lax.axis_index("s")
    wid = sid_axis * 2 + cid_axis
    col0 = wid * B_W

    idx_bufs = (idx_v0, idx_v1)
    sems = (sem_i0, sem_i1)

    cp = [None, None]
    cp[0] = pltpu.async_copy(
        idx_hbm.at[:, pl.ds(col0, B_SUB)], idx_v0, sem_i0)

    @pl.when(sid_axis == 0)
    def _():
        pltpu.sync_copy(p_hbm, p_sh)

    plsc.subcore_barrier()
    pltpu.sync_copy(p_sh, p_v)

    hi_mask = jnp.full((NLANE,), -65536, jnp.int32)

    for sub in range(NSUB):
        buf = idx_bufs[sub % 2]
        cp[sub % 2].wait()
        if sub + 1 < NSUB:
            cp[(sub + 1) % 2] = pltpu.async_copy(
                idx_hbm.at[:, pl.ds(col0 + (sub + 1) * B_SUB, B_SUB)],
                idx_bufs[(sub + 1) % 2], sems[(sub + 1) % 2])

        def group_body(g, _, sub=sub, buf=buf):
            acc0 = jnp.zeros((NLANE,), jnp.float32)
            acc1 = jnp.zeros((NLANE,), jnp.float32)
            for l in range(HIST_LEN):
                idx = buf[l, pl.ds(g * NLANE, NLANE)]
                packed = plsc.load_gather(p_v, [idx])
                f0 = plsc.bitcast(packed << 16, jnp.float32)
                f1 = plsc.bitcast(packed & hi_mask, jnp.float32)
                acc0 = acc0 + f0
                acc1 = acc1 + f1
            out_v[0, sub * NGRP_SUB + g, :] = acc0
            out_v[1, sub * NGRP_SUB + g, :] = acc1
            return 0

        lax.fori_loop(0, NGRP_SUB, group_body, 0)

    pltpu.sync_copy(out_v, out_hbm.at[wid])


def _gather_sum(p_packed, s):
    mesh = plsc.VectorSubcoreMesh(core_axis_name="c", subcore_axis_name="s")
    k = functools.partial(
        pl.kernel,
        out_type=jax.ShapeDtypeStruct(
            (NWORK, OUT_DIM, NGRP, NLANE), jnp.float32),
        mesh=mesh,
        scratch_types=[
            pltpu.VMEM_SHARED((VPAD,), jnp.int32),
            pltpu.VMEM((VPAD,), jnp.int32),
            pltpu.VMEM((HIST_LEN, B_SUB), jnp.int32),
            pltpu.VMEM((HIST_LEN, B_SUB), jnp.int32),
            pltpu.VMEM((OUT_DIM, NGRP, NLANE), jnp.float32),
            pltpu.SemaphoreType.DMA,
            pltpu.SemaphoreType.DMA,
            pltpu.SemaphoreType.DMA,
        ],
        compiler_params=pltpu.CompilerParams(
            needs_layout_passes=False, use_tc_tiling_on_sc=True),
    )(_sc_body)
    return k(p_packed, s.T)


def kernel(s, emb_w, lin_w, lin_b):
    p_packed = _project(emb_w, lin_w, lin_b)
    out = _gather_sum(p_packed, s.astype(jnp.int32))
    return out.reshape(NWORK, OUT_DIM, B_W).transpose(0, 2, 1).reshape(
        BATCH, OUT_DIM)

# --- scband reference (transcript-rebuilt; emitter-appended) ---
"""Pipeline reference for scband-model-11879879542990 (READ-ONLY COPY).

The authoritative reference and input builder live on the scoring server;
editing this copy changes nothing except your own understanding.
"""

import jax, jax.numpy as jnp
import numpy as np

VOCAB = 100000
EMBED_DIM = 128
BATCH = 16384
HIST_LEN = 50
OUT_DIM = 2


def setup_inputs(seed: int = 0) -> dict:
    key = jax.random.key(seed)
    k_s, k_emb, k_w, k_b = jax.random.split(key, 4)
    s = jax.random.randint(k_s, (BATCH, HIST_LEN), 0, VOCAB, dtype=jnp.int64 if jax.config.jax_enable_x64 else jnp.int32)
    emb_w = jax.random.normal(k_emb, (VOCAB, EMBED_DIM), dtype=jnp.float32)
    lin_w = jax.random.normal(k_w, (OUT_DIM, EMBED_DIM), dtype=jnp.float32) * (1.0 / np.sqrt(EMBED_DIM))
    lin_b = jax.random.normal(k_b, (OUT_DIM,), dtype=jnp.float32) * (1.0 / np.sqrt(EMBED_DIM))
    return {"s": s, "emb_w": emb_w, "lin_w": lin_w, "lin_b": lin_b}


def reference(s, emb_w, lin_w, lin_b):
    # nn.Embedding lookup (padding_idx=0 only affects gradients, not forward values)
    e = jnp.take(emb_w, s, axis=0)              # [B, L, D]
    y = e @ lin_w.T + lin_b                     # [B, L, 2]  (nn.Linear)
    out = y.sum(axis=1)                         # [B, 2]
    return out

if __name__ == "__main__":
    import jax
    _d = setup_inputs()
    print(jax.jit(kernel)(*tuple(_d.values())))

</pallas_src>

<mosaic_0001>
#map = affine_map<(d0, d1) -> (0)>
#map1 = affine_map<(d0, d1) -> (0, 0)>
#map2 = affine_map<(d0, d1) -> (0, 0, 0, 0)>
module attributes {stable_mosaic.version = 14 : i64} {
  func.func @_sc_body(%arg0: i32, %arg1: i32, %arg2: memref<100352xi32, #tpu.memory_space<hbm>>, %arg3: memref<50x16384xi32, #tpu.memory_space<hbm>>, %arg4: memref<32x2x32x16xf32, #tpu.memory_space<hbm>>, %arg5: memref<100352xi32, #tpu.memory_space<vmem_shared>>, %arg6: memref<100352xi32, #tpu.memory_space<vmem>>, %arg7: memref<50x128xi32, #tpu.memory_space<vmem>>, %arg8: memref<50x128xi32, #tpu.memory_space<vmem>>, %arg9: memref<2x32x16xf32, #tpu.memory_space<vmem>>, %arg10: memref<!tpu.dma_semaphore, #tpu.memory_space<semaphore_mem>>, %arg11: memref<!tpu.dma_semaphore, #tpu.memory_space<semaphore_mem>>, %arg12: memref<!tpu.dma_semaphore, #tpu.memory_space<semaphore_mem>>) attributes {dimension_semantics = [#tpu.dimension_semantics<core_parallel>, #tpu.dimension_semantics<subcore_parallel>], iteration_bounds = array<i64: 2, 16>, scalar_prefetch = 0 : i64, scratch_operands = 8 : i64, tpu.core_type = #tpu.core_type<sc_vector_subcore>, window_params = [{transform_indices = #map}, {transform_indices = #map1}, {transform_indices = #map2}]} {
    %mul3A = arith.constant 2 : i32
    %mul3A_0 = arith.muli %arg1, %mul3A : i32
    %add3A = arith.addi %mul3A_0, %arg0 : i32
    %mul3A_1 = arith.constant 512 : i32
    %mul3A_2 = arith.muli %add3A, %mul3A_1 : i32
    %dma_start3A = arith.constant 0 : i32
    %dma_start3A_3 = tpu.memref_slice %arg3[%dma_start3A, %mul3A_2] : memref<50x16384xi32, #tpu.memory_space<hbm>> -> memref<50x128xi32, #tpu.memory_space<hbm>>
    %dma_start3A_4 = arith.constant 0 : i32
    %dma_start3A_5 = tpu.memref_slice %arg3[%dma_start3A_4, %mul3A_2] : memref<50x16384xi32, #tpu.memory_space<hbm>> -> memref<50x128xi32, #tpu.memory_space<hbm>>
    tpu.enqueue_dma source(%dma_start3A_5 : memref<50x128xi32, #tpu.memory_space<hbm>>) target(%arg7 : memref<50x128xi32, #tpu.memory_space<vmem>>) target_semaphore(%arg11 : memref<!tpu.dma_semaphore, #tpu.memory_space<semaphore_mem>>)
    %eq3A = arith.constant 0 : i32
    %eq3A_6 = arith.cmpi eq, %arg1, %eq3A : i32
    %convert_element_type3A = arith.extui %eq3A_6 : i1 to i32
    %cond3A = arith.constant 0 : i32
    %cond3A_7 = arith.cmpi ne, %convert_element_type3A, %cond3A : i32
    scf.if %cond3A_7 {
      "tpu.region"() ({
        %run_scoped3A = tpu.sem_alloc : memref<!tpu.dma_semaphore, #tpu.memory_space<semaphore_mem>>
        tpu.enqueue_dma source(%arg2 : memref<100352xi32, #tpu.memory_space<hbm>>) target(%arg5 : memref<100352xi32, #tpu.memory_space<vmem_shared>>) target_semaphore(%run_scoped3A : memref<!tpu.dma_semaphore, #tpu.memory_space<semaphore_mem>>)
        tpu.wait_dma2 semaphore(%run_scoped3A : memref<!tpu.dma_semaphore, #tpu.memory_space<semaphore_mem>>) src(%arg2 : memref<100352xi32, #tpu.memory_space<hbm>>) dst(%arg5 : memref<100352xi32, #tpu.memory_space<vmem_shared>>)
        tpu.yield
      }) : () -> ()
    } else {
    }
    %barrier3A = arith.constant 0 : index
    tpu.barrier barrier_id(%barrier3A)
    "tpu.region"() ({
      %run_scoped3A = tpu.sem_alloc : memref<!tpu.dma_semaphore, #tpu.memory_space<semaphore_mem>>
      tpu.enqueue_dma source(%arg5 : memref<100352xi32, #tpu.memory_space<vmem_shared>>) target(%arg6 : memref<100352xi32, #tpu.memory_space<vmem>>) target_semaphore(%run_scoped3A : memref<!tpu.dma_semaphore, #tpu.memory_space<semaphore_mem>>)
      tpu.wait_dma2 semaphore(%run_scoped3A : memref<!tpu.dma_semaphore, #tpu.memory_space<semaphore_mem>>) src(%arg5 : memref<100352xi32, #tpu.memory_space<vmem_shared>>) dst(%arg6 : memref<100352xi32, #tpu.memory_space<vmem>>)
      tpu.yield
    }) : () -> ()
    %broadcast_in_dim3A = arith.constant -65536 : i32
    %broadcast_in_dim3A_8 = vector.broadcast %broadcast_in_dim3A : i32 to vector<16xi32>
    %dma_wait3A = arith.constant 0 : i32
    %dma_wait3A_9 = tpu.memref_slice %arg3[%dma_wait3A, %mul3A_2] : memref<50x16384xi32, #tpu.memory_space<hbm>> -> memref<50x128xi32, #tpu.memory_space<hbm>>
    %dma_wait3A_10 = arith.constant 0 : i32
    %dma_wait3A_11 = tpu.memref_slice %arg3[%dma_wait3A_10, %mul3A_2] : memref<50x16384xi32, #tpu.memory_space<hbm>> -> memref<50x128xi32, #tpu.memory_space<hbm>>
    tpu.wait_dma2 semaphore(%arg11 : memref<!tpu.dma_semaphore, #tpu.memory_space<semaphore_mem>>) src(%dma_wait3A_11 : memref<50x128xi32, #tpu.memory_space<hbm>>) dst(%arg7 : memref<50x128xi32, #tpu.memory_space<vmem>>)
    %add3A_12 = arith.constant 128 : i32
    %add3A_13 = arith.addi %mul3A_2, %add3A_12 : i32
    %dma_start3A_14 = arith.constant 0 : i32
    %dma_start3A_15 = tpu.memref_slice %arg3[%dma_start3A_14, %add3A_13] : memref<50x16384xi32, #tpu.memory_space<hbm>> -> memref<50x128xi32, #tpu.memory_space<hbm>>
    %dma_start3A_16 = arith.constant 0 : i32
    %dma_start3A_17 = tpu.memref_slice %arg3[%dma_start3A_16, %add3A_13] : memref<50x16384xi32, #tpu.memory_space<hbm>> -> memref<50x128xi32, #tpu.memory_space<hbm>>
    tpu.enqueue_dma source(%dma_start3A_17 : memref<50x128xi32, #tpu.memory_space<hbm>>) target(%arg8 : memref<50x128xi32, #tpu.memory_space<vmem>>) target_semaphore(%arg12 : memref<!tpu.dma_semaphore, #tpu.memory_space<semaphore_mem>>)
    %scan3A = arith.constant 0 : i32
    %scan3A_18 = arith.constant 0 : i32
    %scan3A_19 = arith.constant 8 : i32
    %scan3A_20 = arith.addi %scan3A_18, %scan3A_19 : i32
    %scan3A_21 = arith.constant 1 : i32
    %scan3A_22 = scf.for %scan3A_69 = %scan3A_18 to %scan3A_20 step %scan3A_21 iter_args(%scan3A_70 = %scan3A) -> (i32)  : i32 {
      %broadcast_in_dim3A_71 = arith.constant 0.000000e+00 : f32
      %broadcast_in_dim3A_72 = vector.broadcast %broadcast_in_dim3A_71 : f32 to vector<16xf32>
      %broadcast_in_dim3A_73 = arith.constant 0.000000e+00 : f32
      %broadcast_in_dim3A_74 = vector.broadcast %broadcast_in_dim3A_73 : f32 to vector<16xf32>
      %mul3A_75 = arith.constant 16 : i32
      %mul3A_76 = arith.muli %scan3A_69, %mul3A_75 : i32
      %get3A = arith.constant 0 : i32
      %get3A_77 = arith.index_cast %get3A : i32 to index
      %get3A_78 = arith.index_cast %mul3A_76 : i32 to index
      %get3A_79 = tpu.vector_load %arg7[%get3A_77, %get3A_78] {strides = array<i32>} : memref<50x128xi32, #tpu.memory_space<vmem>>, vector<16xi32>,
      %gather3A = tpu.vector_load_idx %arg6[%get3A_79] : memref<100352xi32, #tpu.memory_space<vmem>>[vector<16xi32>], vector<16xi32>,
      %shift_left3A = arith.constant 16 : i32
      %shift_left3A_80 = vector.broadcast %shift_left3A : i32 to vector<16xi32>
      %shift_left3A_81 = arith.shli %gather3A, %shift_left3A_80 : vector<16xi32>
      %bitcast3A = vector.bitcast %shift_left3A_81 : vector<16xi32> to vector<16xf32>
      %and3A = arith.andi %gather3A, %broadcast_in_dim3A_8 : vector<16xi32>
      %bitcast3A_82 = vector.bitcast %and3A : vector<16xi32> to vector<16xf32>
      %add3A_83 = arith.addf %broadcast_in_dim3A_72, %bitcast3A : vector<16xf32>
      %add3A_84 = arith.addf %broadcast_in_dim3A_74, %bitcast3A_82 : vector<16xf32>
      %mul3A_85 = arith.constant 16 : i32
      %mul3A_86 = arith.muli %scan3A_69, %mul3A_85 : i32
      %get3A_87 = arith.constant 1 : i32
      %get3A_88 = arith.index_cast %get3A_87 : i32 to index
      %get3A_89 = arith.index_cast %mul3A_86 : i32 to index
      %get3A_90 = tpu.vector_load %arg7[%get3A_88, %get3A_89] {strides = array<i32>} : memref<50x128xi32, #tpu.memory_space<vmem>>, vector<16xi32>,
      %gather3A_91 = tpu.vector_load_idx %arg6[%get3A_90] : memref<100352xi32, #tpu.memory_space<vmem>>[vector<16xi32>], vector<16xi32>,
      %shift_left3A_92 = arith.constant 16 : i32
      %shift_left3A_93 = vector.broadcast %shift_left3A_92 : i32 to vector<16xi32>
      %shift_left3A_94 = arith.shli %gather3A_91, %shift_left3A_93 : vector<16xi32>
      %bitcast3A_95 = vector.bitcast %shift_left3A_94 : vector<16xi32> to vector<16xf32>
      %and3A_96 = arith.andi %gather3A_91, %broadcast_in_dim3A_8 : vector<16xi32>
      %bitcast3A_97 = vector.bitcast %and3A_96 : vector<16xi32> to vector<16xf32>
      %add3A_98 = arith.addf %add3A_83, %bitcast3A_95 : vector<16xf32>
      %add3A_99 = arith.addf %add3A_84, %bitcast3A_97 : vector<16xf32>
      %mul3A_100 = arith.constant 16 : i32
      %mul3A_101 = arith.muli %scan3A_69, %mul3A_100 : i32
      %get3A_102 = arith.constant 2 : i32
      %get3A_103 = arith.index_cast %get3A_102 : i32 to index
      %get3A_104 = arith.index_cast %mul3A_101 : i32 to index
      %get3A_105 = tpu.vector_load %arg7[%get3A_103, %get3A_104] {strides = array<i32>} : memref<50x128xi32, #tpu.memory_space<vmem>>, vector<16xi32>,
      %gather3A_106 = tpu.vector_load_idx %arg6[%get3A_105] : memref<100352xi32, #tpu.memory_space<vmem>>[vector<16xi32>], vector<16xi32>,
      %shift_left3A_107 = arith.constant 16 : i32
      %shift_left3A_108 = vector.broadcast %shift_left3A_107 : i32 to vector<16xi32>
      %shift_left3A_109 = arith.shli %gather3A_106, %shift_left3A_108 : vector<16xi32>
      %bitcast3A_110 = vector.bitcast %shift_left3A_109 : vector<16xi32> to vector<16xf32>
      %and3A_111 = arith.andi %gather3A_106, %broadcast_in_dim3A_8 : vector<16xi32>
      %bitcast3A_112 = vector.bitcast %and3A_111 : vector<16xi32> to vector<16xf32>
      %add3A_113 = arith.addf %add3A_98, %bitcast3A_110 : vector<16xf32>
      %add3A_114 = arith.addf %add3A_99, %bitcast3A_112 : vector<16xf32>
      %mul3A_115 = arith.constant 16 : i32
      %mul3A_116 = arith.muli %scan3A_69, %mul3A_115 : i32
      %get3A_117 = arith.constant 3 : i32
      %get3A_118 = arith.index_cast %get3A_117 : i32 to index
      %get3A_119 = arith.index_cast %mul3A_116 : i32 to index
      %get3A_120 = tpu.vector_load %arg7[%get3A_118, %get3A_119] {strides = array<i32>} : memref<50x128xi32, #tpu.memory_space<vmem>>, vector<16xi32>,
      %gather3A_121 = tpu.vector_load_idx %arg6[%get3A_120] : memref<100352xi32, #tpu.memory_space<vmem>>[vector<16xi32>], vector<16xi32>,
      %shift_left3A_122 = arith.constant 16 : i32
      %shift_left3A_123 = vector.broadcast %shift_left3A_122 : i32 to vector<16xi32>
      %shift_left3A_124 = arith.shli %gather3A_121, %shift_left3A_123 : vector<16xi32>
      %bitcast3A_125 = vector.bitcast %shift_left3A_124 : vector<16xi32> to vector<16xf32>
      %and3A_126 = arith.andi %gather3A_121, %broadcast_in_dim3A_8 : vector<16xi32>
      %bitcast3A_127 = vector.bitcast %and3A_126 : vector<16xi32> to vector<16xf32>
      %add3A_128 = arith.addf %add3A_113, %bitcast3A_125 : vector<16xf32>
      %add3A_129 = arith.addf %add3A_114, %bitcast3A_127 : vector<16xf32>
      %mul3A_130 = arith.constant 16 : i32
      %mul3A_131 = arith.muli %scan3A_69, %mul3A_130 : i32
      %get3A_132 = arith.constant 4 : i32
      %get3A_133 = arith.index_cast %get3A_132 : i32 to index
      %get3A_134 = arith.index_cast %mul3A_131 : i32 to index
      %get3A_135 = tpu.vector_load %arg7[%get3A_133, %get3A_134] {strides = array<i32>} : memref<50x128xi32, #tpu.memory_space<vmem>>, vector<16xi32>,
      %gather3A_136 = tpu.vector_load_idx %arg6[%get3A_135] : memref<100352xi32, #tpu.memory_space<vmem>>[vector<16xi32>], vector<16xi32>,
      %shift_left3A_137 = arith.constant 16 : i32
      %shift_left3A_138 = vector.broadcast %shift_left3A_137 : i32 to vector<16xi32>
      %shift_left3A_139 = arith.shli %gather3A_136, %shift_left3A_138 : vector<16xi32>
      %bitcast3A_140 = vector.bitcast %shift_left3A_139 : vector<16xi32> to vector<16xf32>
      %and3A_141 = arith.andi %gather3A_136, %broadcast_in_dim3A_8 : vector<16xi32>
      %bitcast3A_142 = vector.bitcast %and3A_141 : vector<16xi32> to vector<16xf32>
      %add3A_143 = arith.addf %add3A_128, %bitcast3A_140 : vector<16xf32>
      %add3A_144 = arith.addf %add3A_129, %bitcast3A_142 : vector<16xf32>
      %mul3A_145 = arith.constant 16 : i32
      %mul3A_146 = arith.muli %scan3A_69, %mul3A_145 : i32
      %get3A_147 = arith.constant 5 : i32
      %get3A_148 = arith.index_cast %get3A_147 : i32 to index
      %get3A_149 = arith.index_cast %mul3A_146 : i32 to index
      %get3A_150 = tpu.vector_load %arg7[%get3A_148, %get3A_149] {strides = array<i32>} : memref<50x128xi32, #tpu.memory_space<vmem>>, vector<16xi32>,
      %gather3A_151 = tpu.vector_load_idx %arg6[%get3A_150] : memref<100352xi32, #tpu.memory_space<vmem>>[vector<16xi32>], vector<16xi32>,
      %shift_left3A_152 = arith.constant 16 : i32
      %shift_left3A_153 = vector.broadcast %shift_left3A_152 : i32 to vector<16xi32>
      %shift_left3A_154 = arith.shli %gather3A_151, %shift_left3A_153 : vector<16xi32>
      %bitcast3A_155 = vector.bitcast %shift_left3A_154 : vector<16xi32> to vector<16xf32>
      %and3A_156 = arith.andi %gather3A_151, %broadcast_in_dim3A_8 : vector<16xi32>
      %bitcast3A_157 = vector.bitcast %and3A_156 : vector<16xi32> to vector<16xf32>
      %add3A_158 = arith.addf %add3A_143, %bitcast3A_155 : vector<16xf32>
      %add3A_159 = arith.addf %add3A_144, %bitcast3A_157 : vector<16xf32>
      %mul3A_160 = arith.constant 16 : i32
      %mul3A_161 = arith.muli %scan3A_69, %mul3A_160 : i32
      %get3A_162 = arith.constant 6 : i32
      %get3A_163 = arith.index_cast %get3A_162 : i32 to index
      %get3A_164 = arith.index_cast %mul3A_161 : i32 to index
      %get3A_165 = tpu.vector_load %arg7[%get3A_163, %get3A_164] {strides = array<i32>} : memref<50x128xi32, #tpu.memory_space<vmem>>, vector<16xi32>,
      %gather3A_166 = tpu.vector_load_idx %arg6[%get3A_165] : memref<100352xi32, #tpu.memory_space<vmem>>[vector<16xi32>], vector<16xi32>,
      %shift_left3A_167 = arith.constant 16 : i32
      %shift_left3A_168 = vector.broadcast %shift_left3A_167 : i32 to vector<16xi32>
      %shift_left3A_169 = arith.shli %gather3A_166, %shift_left3A_168 : vector<16xi32>
      %bitcast3A_170 = vector.bitcast %shift_left3A_169 : vector<16xi32> to vector<16xf32>
      %and3A_171 = arith.andi %gather3A_166, %broadcast_in_dim3A_8 : vector<16xi32>
      %bitcast3A_172 = vector.bitcast %and3A_171 : vector<16xi32> to vector<16xf32>
      %add3A_173 = arith.addf %add3A_158, %bitcast3A_170 : vector<16xf32>
      %add3A_174 = arith.addf %add3A_159, %bitcast3A_172 : vector<16xf32>
      %mul3A_175 = arith.constant 16 : i32
      %mul3A_176 = arith.muli %scan3A_69, %mul3A_175 : i32
      %get3A_177 = arith.constant 7 : i32
      %get3A_178 = arith.index_cast %get3A_177 : i32 to index
      %get3A_179 = arith.index_cast %mul3A_176 : i32 to index
      %get3A_180 = tpu.vector_load %arg7[%get3A_178, %get3A_179] {strides = array<i32>} : memref<50x128xi32, #tpu.memory_space<vmem>>, vector<16xi32>,
      %gather3A_181 = tpu.vector_load_idx %arg6[%get3A_180] : memref<100352xi32, #tpu.memory_space<vmem>>[vector<16xi32>], vector<16xi32>,
      %shift_left3A_182 = arith.constant 16 : i32
      %shift_left3A_183 = vector.broadcast %shift_left3A_182 : i32 to vector<16xi32>
      %shift_left3A_184 = arith.shli %gather3A_181, %shift_left3A_183 : vector<16xi32>
      %bitcast3A_185 = vector.bitcast %shift_left3A_184 : vector<16xi32> to vector<16xf32>
      %and3A_186 = arith.andi %gather3A_181, %broadcast_in_dim3A_8 : vector<16xi32>
      %bitcast3A_187 = vector.bitcast %and3A_186 : vector<16xi32> to vector<16xf32>
      %add3A_188 = arith.addf %add3A_173, %bitcast3A_185 : vector<16xf32>
      %add3A_189 = arith.addf %add3A_174, %bitcast3A_187 : vector<16xf32>
      %mul3A_190 = arith.constant 16 : i32
      %mul3A_191 = arith.muli %scan3A_69, %mul3A_190 : i32
      %get3A_192 = arith.constant 8 : i32
      %get3A_193 = arith.index_cast %get3A_192 : i32 to index
      %get3A_194 = arith.index_cast %mul3A_191 : i32 to index
      %get3A_195 = tpu.vector_load %arg7[%get3A_193, %get3A_194] {strides = array<i32>} : memref<50x128xi32, #tpu.memory_space<vmem>>, vector<16xi32>,
      %gather3A_196 = tpu.vector_load_idx %arg6[%get3A_195] : memref<100352xi32, #tpu.memory_space<vmem>>[vector<16xi32>], vector<16xi32>,
      %shift_left3A_197 = arith.constant 16 : i32
      %shift_left3A_198 = vector.broadcast %shift_left3A_197 : i32 to vector<16xi32>
      %shift_left3A_199 = arith.shli %gather3A_196, %shift_left3A_198 : vector<16xi32>
      %bitcast3A_200 = vector.bitcast %shift_left3A_199 : vector<16xi32> to vector<16xf32>
      %and3A_201 = arith.andi %gather3A_196, %broadcast_in_dim3A_8 : vector<16xi32>
      %bitcast3A_202 = vector.bitcast %and3A_201 : vector<16xi32> to vector<16xf32>
      %add3A_203 = arith.addf %add3A_188, %bitcast3A_200 : vector<16xf32>
      %add3A_204 = arith.addf %add3A_189, %bitcast3A_202 : vector<16xf32>
      %mul3A_205 = arith.constant 16 : i32
      %mul3A_206 = arith.muli %scan3A_69, %mul3A_205 : i32
      %get3A_207 = arith.constant 9 : i32
      %get3A_208 = arith.index_cast %get3A_207 : i32 to index
      %get3A_209 = arith.index_cast %mul3A_206 : i32 to index
      %get3A_210 = tpu.vector_load %arg7[%get3A_208, %get3A_209] {strides = array<i32>} : memref<50x128xi32, #tpu.memory_space<vmem>>, vector<16xi32>,
      %gather3A_211 = tpu.vector_load_idx %arg6[%get3A_210] : memref<100352xi32, #tpu.memory_space<vmem>>[vector<16xi32>], vector<16xi32>,
      %shift_left3A_212 = arith.constant 16 : i32
      %shift_left3A_213 = vector.broadcast %shift_left3A_212 : i32 to vector<16xi32>
      %shift_left3A_214 = arith.shli %gather3A_211, %shift_left3A_213 : vector<16xi32>
      %bitcast3A_215 = vector.bitcast %shift_left3A_214 : vector<16xi32> to vector<16xf32>
      %and3A_216 = arith.andi %gather3A_211, %broadcast_in_dim3A_8 : vector<16xi32>
      %bitcast3A_217 = vector.bitcast %and3A_216 : vector<16xi32> to vector<16xf32>
      %add3A_218 = arith.addf %add3A_203, %bitcast3A_215 : vector<16xf32>
      %add3A_219 = arith.addf %add3A_204, %bitcast3A_217 : vector<16xf32>
      %mul3A_220 = arith.constant 16 : i32
      %mul3A_221 = arith.muli %scan3A_69, %mul3A_220 : i32
      %get3A_222 = arith.constant 10 : i32
      %get3A_223 = arith.index_cast %get3A_222 : i32 to index
      %get3A_224 = arith.index_cast %mul3A_221 : i32 to index
      %get3A_225 = tpu.vector_load %arg7[%get3A_223, %get3A_224] {strides = array<i32>} : memref<50x128xi32, #tpu.memory_space<vmem>>, vector<16xi32>,
      %gather3A_226 = tpu.vector_load_idx %arg6[%get3A_225] : memref<100352xi32, #tpu.memory_space<vmem>>[vector<16xi32>], vector<16xi32>,
      %shift_left3A_227 = arith.constant 16 : i32
      %shift_left3A_228 = vector.broadcast %shift_left3A_227 : i32 to vector<16xi32>
      %shift_left3A_229 = arith.shli %gather3A_226, %shift_left3A_228 : vector<16xi32>
      %bitcast3A_230 = vector.bitcast %shift_left3A_229 : vector<16xi32> to vector<16xf32>
      %and3A_231 = arith.andi %gather3A_226, %broadcast_in_dim3A_8 : vector<16xi32>
      %bitcast3A_232 = vector.bitcast %and3A_231 : vector<16xi32> to vector<16xf32>
      %add3A_233 = arith.addf %add3A_218, %bitcast3A_230 : vector<16xf32>
      %add3A_234 = arith.addf %add3A_219, %bitcast3A_232 : vector<16xf32>
      %mul3A_235 = arith.constant 16 : i32
      %mul3A_236 = arith.muli %scan3A_69, %mul3A_235 : i32
      %get3A_237 = arith.constant 11 : i32
      %get3A_238 = arith.index_cast %get3A_237 : i32 to index
      %get3A_239 = arith.index_cast %mul3A_236 : i32 to index
      %get3A_240 = tpu.vector_load %arg7[%get3A_238, %get3A_239] {strides = array<i32>} : memref<50x128xi32, #tpu.memory_space<vmem>>, vector<16xi32>,
      %gather3A_241 = tpu.vector_load_idx %arg6[%get3A_240] : memref<100352xi32, #tpu.memory_space<vmem>>[vector<16xi32>], vector<16xi32>,
      %shift_left3A_242 = arith.constant 16 : i32
      %shift_left3A_243 = vector.broadcast %shift_left3A_242 : i32 to vector<16xi32>
      %shift_left3A_244 = arith.shli %gather3A_241, %shift_left3A_243 : vector<16xi32>
      %bitcast3A_245 = vector.bitcast %shift_left3A_244 : vector<16xi32> to vector<16xf32>
      %and3A_246 = arith.andi %gather3A_241, %broadcast_in_dim3A_8 : vector<16xi32>
      %bitcast3A_247 = vector.bitcast %and3A_246 : vector<16xi32> to vector<16xf32>
      %add3A_248 = arith.addf %add3A_233, %bitcast3A_245 : vector<16xf32>
      %add3A_249 = arith.addf %add3A_234, %bitcast3A_247 : vector<16xf32>
      %mul3A_250 = arith.constant 16 : i32
      %mul3A_251 = arith.muli %scan3A_69, %mul3A_250 : i32
      %get3A_252 = arith.constant 12 : i32
      %get3A_253 = arith.index_cast %get3A_252 : i32 to index
      %get3A_254 = arith.index_cast %mul3A_251 : i32 to index
      %get3A_255 = tpu.vector_load %arg7[%get3A_253, %get3A_254] {strides = array<i32>} : memref<50x128xi32, #tpu.memory_space<vmem>>, vector<16xi32>,
      %gather3A_256 = tpu.vector_load_idx %arg6[%get3A_255] : memref<100352xi32, #tpu.memory_space<vmem>>[vector<16xi32>], vector<16xi32>,
      %shift_left3A_257 = arith.constant 16 : i32
      %shift_left3A_258 = vector.broadcast %shift_left3A_257 : i32 to vector<16xi32>
      %shift_left3A_259 = arith.shli %gather3A_256, %shift_left3A_258 : vector<16xi32>
      %bitcast3A_260 = vector.bitcast %shift_left3A_259 : vector<16xi32> to vector<16xf32>
      %and3A_261 = arith.andi %gather3A_256, %broadcast_in_dim3A_8 : vector<16xi32>
      %bitcast3A_262 = vector.bitcast %and3A_261 : vector<16xi32> to vector<16xf32>
      %add3A_263 = arith.addf %add3A_248, %bitcast3A_260 : vector<16xf32>
      %add3A_264 = arith.addf %add3A_249, %bitcast3A_262 : vector<16xf32>
      %mul3A_265 = arith.constant 16 : i32
      %mul3A_266 = arith.muli %scan3A_69, %mul3A_265 : i32
      %get3A_267 = arith.constant 13 : i32
      %get3A_268 = arith.index_cast %get3A_267 : i32 to index
      %get3A_269 = arith.index_cast %mul3A_266 : i32 to index
      %get3A_270 = tpu.vector_load %arg7[%get3A_268, %get3A_269] {strides = array<i32>} : memref<50x128xi32, #tpu.memory_space<vmem>>, vector<16xi32>,
      %gather3A_271 = tpu.vector_load_idx %arg6[%get3A_270] : memref<100352xi32, #tpu.memory_space<vmem>>[vector<16xi32>], vector<16xi32>,
      %shift_left3A_272 = arith.constant 16 : i32
      %shift_left3A_273 = vector.broadcast %shift_left3A_272 : i32 to vector<16xi32>
      %shift_left3A_274 = arith.shli %gather3A_271, %shift_left3A_273 : vector<16xi32>
      %bitcast3A_275 = vector.bitcast %shift_left3A_274 : vector<16xi32> to vector<16xf32>
      %and3A_276 = arith.andi %gather3A_271, %broadcast_in_dim3A_8 : vector<16xi32>
      %bitcast3A_277 = vector.bitcast %and3A_276 : vector<16xi32> to vector<16xf32>
      %add3A_278 = arith.addf %add3A_263, %bitcast3A_275 : vector<16xf32>
      %add3A_279 = arith.addf %add3A_264, %bitcast3A_277 : vector<16xf32>
      %mul3A_280 = arith.constant 16 : i32
      %mul3A_281 = arith.muli %scan3A_69, %mul3A_280 : i32
      %get3A_282 = arith.constant 14 : i32
      %get3A_283 = arith.index_cast %get3A_282 : i32 to index
      %get3A_284 = arith.index_cast %mul3A_281 : i32 to index
      %get3A_285 = tpu.vector_load %arg7[%get3A_283, %get3A_284] {strides = array<i32>} : memref<50x128xi32, #tpu.memory_space<vmem>>, vector<16xi32>,
      %gather3A_286 = tpu.vector_load_idx %arg6[%get3A_285] : memref<100352xi32, #tpu.memory_space<vmem>>[vector<16xi32>], vector<16xi32>,
      %shift_left3A_287 = arith.constant 16 : i32
      %shift_left3A_288 = vector.broadcast %shift_left3A_287 : i32 to vector<16xi32>
      %shift_left3A_289 = arith.shli %gather3A_286, %shift_left3A_288 : vector<16xi32>
      %bitcast3A_290 = vector.bitcast %shift_left3A_289 : vector<16xi32> to vector<16xf32>
      %and3A_291 = arith.andi %gather3A_286, %broadcast_in_dim3A_8 : vector<16xi32>
      %bitcast3A_292 = vector.bitcast %and3A_291 : vector<16xi32> to vector<16xf32>
      %add3A_293 = arith.addf %add3A_278, %bitcast3A_290 : vector<16xf32>
      %add3A_294 = arith.addf %add3A_279, %bitcast3A_292 : vector<16xf32>
      %mul3A_295 = arith.constant 16 : i32
      %mul3A_296 = arith.muli %scan3A_69, %mul3A_295 : i32
      %get3A_297 = arith.constant 15 : i32
      %get3A_298 = arith.index_cast %get3A_297 : i32 to index
      %get3A_299 = arith.index_cast %mul3A_296 : i32 to index
      %get3A_300 = tpu.vector_load %arg7[%get3A_298, %get3A_299] {strides = array<i32>} : memref<50x128xi32, #tpu.memory_space<vmem>>, vector<16xi32>,
      %gather3A_301 = tpu.vector_load_idx %arg6[%get3A_300] : memref<100352xi32, #tpu.memory_space<vmem>>[vector<16xi32>], vector<16xi32>,
      %shift_left3A_302 = arith.constant 16 : i32
      %shift_left3A_303 = vector.broadcast %shift_left3A_302 : i32 to vector<16xi32>
      %shift_left3A_304 = arith.shli %gather3A_301, %shift_left3A_303 : vector<16xi32>
      %bitcast3A_305 = vector.bitcast %shift_left3A_304 : vector<16xi32> to vector<16xf32>
      %and3A_306 = arith.andi %gather3A_301, %broadcast_in_dim3A_8 : vector<16xi32>
      %bitcast3A_307 = vector.bitcast %and3A_306 : vector<16xi32> to vector<16xf32>
      %add3A_308 = arith.addf %add3A_293, %bitcast3A_305 : vector<16xf32>
      %add3A_309 = arith.addf %add3A_294, %bitcast3A_307 : vector<16xf32>
      %mul3A_310 = arith.constant 16 : i32
      %mul3A_311 = arith.muli %scan3A_69, %mul3A_310 : i32
      %get3A_312 = arith.constant 16 : i32
      %get3A_313 = arith.index_cast %get3A_312 : i32 to index
      %get3A_314 = arith.index_cast %mul3A_311 : i32 to index
      %get3A_315 = tpu.vector_load %arg7[%get3A_313, %get3A_314] {strides = array<i32>} : memref<50x128xi32, #tpu.memory_space<vmem>>, vector<16xi32>,
      %gather3A_316 = tpu.vector_load_idx %arg6[%get3A_315] : memref<100352xi32, #tpu.memory_space<vmem>>[vector<16xi32>], vector<16xi32>,
      %shift_left3A_317 = arith.constant 16 : i32
      %shift_left3A_318 = vector.broadcast %shift_left3A_317 : i32 to vector<16xi32>
      %shift_left3A_319 = arith.shli %gather3A_316, %shift_left3A_318 : vector<16xi32>
      %bitcast3A_320 = vector.bitcast %shift_left3A_319 : vector<16xi32> to vector<16xf32>
      %and3A_321 = arith.andi %gather3A_316, %broadcast_in_dim3A_8 : vector<16xi32>
      %bitcast3A_322 = vector.bitcast %and3A_321 : vector<16xi32> to vector<16xf32>
      %add3A_323 = arith.addf %add3A_308, %bitcast3A_320 : vector<16xf32>
      %add3A_324 = arith.addf %add3A_309, %bitcast3A_322 : vector<16xf32>
      %mul3A_325 = arith.constant 16 : i32
      %mul3A_326 = arith.muli %scan3A_69, %mul3A_325 : i32
      %get3A_327 = arith.constant 17 : i32
      %get3A_328 = arith.index_cast %get3A_327 : i32 to index
      %get3A_329 = arith.index_cast %mul3A_326 : i32 to index
      %get3A_330 = tpu.vector_load %arg7[%get3A_328, %get3A_329] {strides = array<i32>} : memref<50x128xi32, #tpu.memory_space<vmem>>, vector<16xi32>,
      %gather3A_331 = tpu.vector_load_idx %arg6[%get3A_330] : memref<100352xi32, #tpu.memory_space<vmem>>[vector<16xi32>], vector<16xi32>,
      %shift_left3A_332 = arith.constant 16 : i32
      %shift_left3A_333 = vector.broadcast %shift_left3A_332 : i32 to vector<16xi32>
      %shift_left3A_334 = arith.shli %gather3A_331, %shift_left3A_333 : vector<16xi32>
      %bitcast3A_335 = vector.bitcast %shift_left3A_334 : vector<16xi32> to vector<16xf32>
      %and3A_336 = arith.andi %gather3A_331, %broadcast_in_dim3A_8 : vector<16xi32>
      %bitcast3A_337 = vector.bitcast %and3A_336 : vector<16xi32> to vector<16xf32>
      %add3A_338 = arith.addf %add3A_323, %bitcast3A_335 : vector<16xf32>
      %add3A_339 = arith.addf %add3A_324, %bitcast3A_337 : vector<16xf32>
      %mul3A_340 = arith.constant 16 : i32
      %mul3A_341 = arith.muli %scan3A_69, %mul3A_340 : i32
      %get3A_342 = arith.constant 18 : i32
      %get3A_343 = arith.index_cast %get3A_342 : i32 to index
      %get3A_344 = arith.index_cast %mul3A_341 : i32 to index
      %get3A_345 = tpu.vector_load %arg7[%get3A_343, %get3A_344] {strides = array<i32>} : memref<50x128xi32, #tpu.memory_space<vmem>>, vector<16xi32>,
      %gather3A_346 = tpu.vector_load_idx %arg6[%get3A_345] : memref<100352xi32, #tpu.memory_space<vmem>>[vector<16xi32>], vector<16xi32>,
      %shift_left3A_347 = arith.constant 16 : i32
      %shift_left3A_348 = vector.broadcast %shift_left3A_347 : i32 to vector<16xi32>
      %shift_left3A_349 = arith.shli %gather3A_346, %shift_left3A_348 : vector<16xi32>
      %bitcast3A_350 = vector.bitcast %shift_left3A_349 : vector<16xi32> to vector<16xf32>
      %and3A_351 = arith.andi %gather3A_346, %broadcast_in_dim3A_8 : vector<16xi32>
      %bitcast3A_352 = vector.bitcast %and3A_351 : vector<16xi32> to vector<16xf32>
      %add3A_353 = arith.addf %add3A_338, %bitcast3A_350 : vector<16xf32>
      %add3A_354 = arith.addf %add3A_339, %bitcast3A_352 : vector<16xf32>
      %mul3A_355 = arith.constant 16 : i32
      %mul3A_356 = arith.muli %scan3A_69, %mul3A_355 : i32
      %get3A_357 = arith.constant 19 : i32
      %get3A_358 = arith.index_cast %get3A_357 : i32 to index
      %get3A_359 = arith.index_cast %mul3A_356 : i32 to index
      %get3A_360 = tpu.vector_load %arg7[%get3A_358, %get3A_359] {strides = array<i32>} : memref<50x128xi32, #tpu.memory_space<vmem>>, vector<16xi32>,
      %gather3A_361 = tpu.vector_load_idx %arg6[%get3A_360] : memref<100352xi32, #tpu.memory_space<vmem>>[vector<16xi32>], vector<16xi32>,
      %shift_left3A_362 = arith.constant 16 : i32
      %shift_left3A_363 = vector.broadcast %shift_left3A_362 : i32 to vector<16xi32>
      %shift_left3A_364 = arith.shli %gather3A_361, %shift_left3A_363 : vector<16xi32>
      %bitcast3A_365 = vector.bitcast %shift_left3A_364 : vector<16xi32> to vector<16xf32>
      %and3A_366 = arith.andi %gather3A_361, %broadcast_in_dim3A_8 : vector<16xi32>
      %bitcast3A_367 = vector.bitcast %and3A_366 : vector<16xi32> to vector<16xf32>
      %add3A_368 = arith.addf %add3A_353, %bitcast3A_365 : vector<16xf32>
      %add3A_369 = arith.addf %add3A_354, %bitcast3A_367 : vector<16xf32>
      %mul3A_370 = arith.constant 16 : i32
      %mul3A_371 = arith.muli %scan3A_69, %mul3A_370 : i32
      %get3A_372 = arith.constant 20 : i32
      %get3A_373 = arith.index_cast %get3A_372 : i32 to index
      %get3A_374 = arith.index_cast %mul3A_371 : i32 to index
      %get3A_375 = tpu.vector_load %arg7[%get3A_373, %get3A_374] {strides = array<i32>} : memref<50x128xi32, #tpu.memory_space<vmem>>, vector<16xi32>,
      %gather3A_376 = tpu.vector_load_idx %arg6[%get3A_375] : memref<100352xi32, #tpu.memory_space<vmem>>[vector<16xi32>], vector<16xi32>,
      %shift_left3A_377 = arith.constant 16 : i32
      %shift_left3A_378 = vector.broadcast %shift_left3A_377 : i32 to vector<16xi32>
      %shift_left3A_379 = arith.shli %gather3A_376, %shift_left3A_378 : vector<16xi32>
      %bitcast3A_380 = vector.bitcast %shift_left3A_379 : vector<16xi32> to vector<16xf32>
      %and3A_381 = arith.andi %gather3A_376, %broadcast_in_dim3A_8 : vector<16xi32>
      %bitcast3A_382 = vector.bitcast %and3A_381 : vector<16xi32> to vector<16xf32>
      %add3A_383 = arith.addf %add3A_368, %bitcast3A_380 : vector<16xf32>
      %add3A_384 = arith.addf %add3A_369, %bitcast3A_382 : vector<16xf32>
      %mul3A_385 = arith.constant 16 : i32
      %mul3A_386 = arith.muli %scan3A_69, %mul3A_385 : i32
      %get3A_387 = arith.constant 21 : i32
      %get3A_388 = arith.index_cast %get3A_387 : i32 to index
      %get3A_389 = arith.index_cast %mul3A_386 : i32 to index
      %get3A_390 = tpu.vector_load %arg7[%get3A_388, %get3A_389] {strides = array<i32>} : memref<50x128xi32, #tpu.memory_space<vmem>>, vector<16xi32>,
      %gather3A_391 = tpu.vector_load_idx %arg6[%get3A_390] : memref<100352xi32, #tpu.memory_space<vmem>>[vector<16xi32>], vector<16xi32>,
      %shift_left3A_392 = arith.constant 16 : i32
      %shift_left3A_393 = vector.broadcast %shift_left3A_392 : i32 to vector<16xi32>
      %shift_left3A_394 = arith.shli %gather3A_391, %shift_left3A_393 : vector<16xi32>
      %bitcast3A_395 = vector.bitcast %shift_left3A_394 : vector<16xi32> to vector<16xf32>
      %and3A_396 = arith.andi %gather3A_391, %broadcast_in_dim3A_8 : vector<16xi32>
      %bitcast3A_397 = vector.bitcast %and3A_396 : vector<16xi32> to vector<16xf32>
      %add3A_398 = arith.addf %add3A_383, %bitcast3A_395 : vector<16xf32>
      %add3A_399 = arith.addf %add3A_384, %bitcast3A_397 : vector<16xf32>
      %mul3A_400 = arith.constant 16 : i32
      %mul3A_401 = arith.muli %scan3A_69, %mul3A_400 : i32
      %get3A_402 = arith.constant 22 : i32
      %get3A_403 = arith.index_cast %get3A_402 : i32 to index
      %get3A_404 = arith.index_cast %mul3A_401 : i32 to index
      %get3A_405 = tpu.vector_load %arg7[%get3A_403, %get3A_404] {strides = array<i32>} : memref<50x128xi32, #tpu.memory_space<vmem>>, vector<16xi32>,
      %gather3A_406 = tpu.vector_load_idx %arg6[%get3A_405] : memref<100352xi32, #tpu.memory_space<vmem>>[vector<16xi32>], vector<16xi32>,
      %shift_left3A_407 = arith.constant 16 : i32
      %shift_left3A_408 = vector.broadcast %shift_left3A_407 : i32 to vector<16xi32>
      %shift_left3A_409 = arith.shli %gather3A_406, %shift_left3A_408 : vector<16xi32>
      %bitcast3A_410 = vector.bitcast %shift_left3A_409 : vector<16xi32> to vector<16xf32>
      %and3A_411 = arith.andi %gather3A_406, %broadcast_in_dim3A_8 : vector<16xi32>
      %bitcast3A_412 = vector.bitcast %and3A_411 : vector<16xi32> to vector<16xf32>
      %add3A_413 = arith.addf %add3A_398, %bitcast3A_410 : vector<16xf32>
      %add3A_414 = arith.addf %add3A_399, %bitcast3A_412 : vector<16xf32>
      %mul3A_415 = arith.constant 16 : i32
      %mul3A_416 = arith.muli %scan3A_69, %mul3A_415 : i32
      %get3A_417 = arith.constant 23 : i32
      %get3A_418 = arith.index_cast %get3A_417 : i32 to index
      %get3A_419 = arith.index_cast %mul3A_416 : i32 to index
      %get3A_420 = tpu.vector_load %arg7[%get3A_418, %get3A_419] {strides = array<i32>} : memref<50x128xi32, #tpu.memory_space<vmem>>, vector<16xi32>,
      %gather3A_421 = tpu.vector_load_idx %arg6[%get3A_420] : memref<100352xi32, #tpu.memory_space<vmem>>[vector<16xi32>], vector<16xi32>,
      %shift_left3A_422 = arith.constant 16 : i32
      %shift_left3A_423 = vector.broadcast %shift_left3A_422 : i32 to vector<16xi32>
      %shift_left3A_424 = arith.shli %gather3A_421, %shift_left3A_423 : vector<16xi32>
      %bitcast3A_425 = vector.bitcast %shift_left3A_424 : vector<16xi32> to vector<16xf32>
      %and3A_426 = arith.andi %gather3A_421, %broadcast_in_dim3A_8 : vector<16xi32>
      %bitcast3A_427 = vector.bitcast %and3A_426 : vector<16xi32> to vector<16xf32>
      %add3A_428 = arith.addf %add3A_413, %bitcast3A_425 : vector<16xf32>
      %add3A_429 = arith.addf %add3A_414, %bitcast3A_427 : vector<16xf32>
      %mul3A_430 = arith.constant 16 : i32
      %mul3A_431 = arith.muli %scan3A_69, %mul3A_430 : i32
      %get3A_432 = arith.constant 24 : i32
      %get3A_433 = arith.index_cast %get3A_432 : i32 to index
      %get3A_434 = arith.index_cast %mul3A_431 : i32 to index
      %get3A_435 = tpu.vector_load %arg7[%get3A_433, %get3A_434] {strides = array<i32>} : memref<50x128xi32, #tpu.memory_space<vmem>>, vector<16xi32>,
      %gather3A_436 = tpu.vector_load_idx %arg6[%get3A_435] : memref<100352xi32, #tpu.memory_space<vmem>>[vector<16xi32>], vector<16xi32>,
      %shift_left3A_437 = arith.constant 16 : i32
      %shift_left3A_438 = vector.broadcast %shift_left3A_437 : i32 to vector<16xi32>
      %shift_left3A_439 = arith.shli %gather3A_436, %shift_left3A_438 : vector<16xi32>
      %bitcast3A_440 = vector.bitcast %shift_left3A_439 : vector<16xi32> to vector<16xf32>
      %and3A_441 = arith.andi %gather3A_436, %broadcast_in_dim3A_8 : vector<16xi32>
      %bitcast3A_442 = vector.bitcast %and3A_441 : vector<16xi32> to vector<16xf32>
      %add3A_443 = arith.addf %add3A_428, %bitcast3A_440 : vector<16xf32>
      %add3A_444 = arith.addf %add3A_429, %bitcast3A_442 : vector<16xf32>
      %mul3A_445 = arith.constant 16 : i32
      %mul3A_446 = arith.muli %scan3A_69, %mul3A_445 : i32
      %get3A_447 = arith.constant 25 : i32
      %get3A_448 = arith.index_cast %get3A_447 : i32 to index
      %get3A_449 = arith.index_cast %mul3A_446 : i32 to index
      %get3A_450 = tpu.vector_load %arg7[%get3A_448, %get3A_449] {strides = array<i32>} : memref<50x128xi32, #tpu.memory_space<vmem>>, vector<16xi32>,
      %gather3A_451 = tpu.vector_load_idx %arg6[%get3A_450] : memref<100352xi32, #tpu.memory_space<vmem>>[vector<16xi32>], vector<16xi32>,
      %shift_left3A_452 = arith.constant 16 : i32
      %shift_left3A_453 = vector.broadcast %shift_left3A_452 : i32 to vector<16xi32>
      %shift_left3A_454 = arith.shli %gather3A_451, %shift_left3A_453 : vector<16xi32>
      %bitcast3A_455 = vector.bitcast %shift_left3A_454 : vector<16xi32> to vector<16xf32>
      %and3A_456 = arith.andi %gather3A_451, %broadcast_in_dim3A_8 : vector<16xi32>
      %bitcast3A_457 = vector.bitcast %and3A_456 : vector<16xi32> to vector<16xf32>
      %add3A_458 = arith.addf %add3A_443, %bitcast3A_455 : vector<16xf32>
      %add3A_459 = arith.addf %add3A_444, %bitcast3A_457 : vector<16xf32>
      %mul3A_460 = arith.constant 16 : i32
      %mul3A_461 = arith.muli %scan3A_69, %mul3A_460 : i32
      %get3A_462 = arith.constant 26 : i32
      %get3A_463 = arith.index_cast %get3A_462 : i32 to index
      %get3A_464 = arith.index_cast %mul3A_461 : i32 to index
      %get3A_465 = tpu.vector_load %arg7[%get3A_463, %get3A_464] {strides = array<i32>} : memref<50x128xi32, #tpu.memory_space<vmem>>, vector<16xi32>,
      %gather3A_466 = tpu.vector_load_idx %arg6[%get3A_465] : memref<100352xi32, #tpu.memory_space<vmem>>[vector<16xi32>], vector<16xi32>,
      %shift_left3A_467 = arith.constant 16 : i32
      %shift_left3A_468 = vector.broadcast %shift_left3A_467 : i32 to vector<16xi32>
      %shift_left3A_469 = arith.shli %gather3A_466, %shift_left3A_468 : vector<16xi32>
      %bitcast3A_470 = vector.bitcast %shift_left3A_469 : vector<16xi32> to vector<16xf32>
      %and3A_471 = arith.andi %gather3A_466, %broadcast_in_dim3A_8 : vector<16xi32>
      %bitcast3A_472 = vector.bitcast %and3A_471 : vector<16xi32> to vector<16xf32>
      %add3A_473 = arith.addf %add3A_458, %bitcast3A_470 : vector<16xf32>
      %add3A_474 = arith.addf %add3A_459, %bitcast3A_472 : vector<16xf32>
      %mul3A_475 = arith.constant 16 : i32
      %mul3A_476 = arith.muli %scan3A_69, %mul3A_475 : i32
      %get3A_477 = arith.constant 27 : i32
      %get3A_478 = arith.index_cast %get3A_477 : i32 to index
      %get3A_479 = arith.index_cast %mul3A_476 : i32 to index
      %get3A_480 = tpu.vector_load %arg7[%get3A_478, %get3A_479] {strides = array<i32>} : memref<50x128xi32, #tpu.memory_space<vmem>>, vector<16xi32>,
      %gather3A_481 = tpu.vector_load_idx %arg6[%get3A_480] : memref<100352xi32, #tpu.memory_space<vmem>>[vector<16xi32>], vector<16xi32>,
      %shift_left3A_482 = arith.constant 16 : i32
      %shift_left3A_483 = vector.broadcast %shift_left3A_482 : i32 to vector<16xi32>
      %shift_left3A_484 = arith.shli %gather3A_481, %shift_left3A_483 : vector<16xi32>
      %bitcast3A_485 = vector.bitcast %shift_left3A_484 : vector<16xi32> to vector<16xf32>
      %and3A_486 = arith.andi %gather3A_481, %broadcast_in_dim3A_8 : vector<16xi32>
      %bitcast3A_487 = vector.bitcast %and3A_486 : vector<16xi32> to vector<16xf32>
      %add3A_488 = arith.addf %add3A_473, %bitcast3A_485 : vector<16xf32>
      %add3A_489 = arith.addf %add3A_474, %bitcast3A_487 : vector<16xf32>
      %mul3A_490 = arith.constant 16 : i32
      %mul3A_491 = arith.muli %scan3A_69, %mul3A_490 : i32
      %get3A_492 = arith.constant 28 : i32
      %get3A_493 = arith.index_cast %get3A_492 : i32 to index
      %get3A_494 = arith.index_cast %mul3A_491 : i32 to index
      %get3A_495 = tpu.vector_load %arg7[%get3A_493, %get3A_494] {strides = array<i32>} : memref<50x128xi32, #tpu.memory_space<vmem>>, vector<16xi32>,
      %gather3A_496 = tpu.vector_load_idx %arg6[%get3A_495] : memref<100352xi32, #tpu.memory_space<vmem>>[vector<16xi32>], vector<16xi32>,
      %shift_left3A_497 = arith.constant 16 : i32
      %shift_left3A_498 = vector.broadcast %shift_left3A_497 : i32 to vector<16xi32>
      %shift_left3A_499 = arith.shli %gather3A_496, %shift_left3A_498 : vector<16xi32>
      %bitcast3A_500 = vector.bitcast %shift_left3A_499 : vector<16xi32> to vector<16xf32>
      %and3A_501 = arith.andi %gather3A_496, %broadcast_in_dim3A_8 : vector<16xi32>
      %bitcast3A_502 = vector.bitcast %and3A_501 : vector<16xi32> to vector<16xf32>
      %add3A_503 = arith.addf %add3A_488, %bitcast3A_500 : vector<16xf32>
      %add3A_504 = arith.addf %add3A_489, %bitcast3A_502 : vector<16xf32>
      %mul3A_505 = arith.constant 16 : i32
      %mul3A_506 = arith.muli %scan3A_69, %mul3A_505 : i32
      %get3A_507 = arith.constant 29 : i32
      %get3A_508 = arith.index_cast %get3A_507 : i32 to index
      %get3A_509 = arith.index_cast %mul3A_506 : i32 to index
      %get3A_510 = tpu.vector_load %arg7[%get3A_508, %get3A_509] {strides = array<i32>} : memref<50x128xi32, #tpu.memory_space<vmem>>, vector<16xi32>,
      %gather3A_511 = tpu.vector_load_idx %arg6[%get3A_510] : memref<100352xi32, #tpu.memory_space<vmem>>[vector<16xi32>], vector<16xi32>,
      %shift_left3A_512 = arith.constant 16 : i32
      %shift_left3A_513 = vector.broadcast %shift_left3A_512 : i32 to vector<16xi32>
      %shift_left3A_514 = arith.shli %gather3A_511, %shift_left3A_513 : vector<16xi32>
      %bitcast3A_515 = vector.bitcast %shift_left3A_514 : vector<16xi32> to vector<16xf32>
      %and3A_516 = arith.andi %gather3A_511, %broadcast_in_dim3A_8 : vector<16xi32>
      %bitcast3A_517 = vector.bitcast %and3A_516 : vector<16xi32> to vector<16xf32>
      %add3A_518 = arith.addf %add3A_503, %bitcast3A_515 : vector<16xf32>
      %add3A_519 = arith.addf %add3A_504, %bitcast3A_517 : vector<16xf32>
      %mul3A_520 = arith.constant 16 : i32
      %mul3A_521 = arith.muli %scan3A_69, %mul3A_520 : i32
      %get3A_522 = arith.constant 30 : i32
      %get3A_523 = arith.index_cast %get3A_522 : i32 to index
      %get3A_524 = arith.index_cast %mul3A_521 : i32 to index
      %get3A_525 = tpu.vector_load %arg7[%get3A_523, %get3A_524] {strides = array<i32>} : memref<50x128xi32, #tpu.memory_space<vmem>>, vector<16xi32>,
      %gather3A_526 = tpu.vector_load_idx %arg6[%get3A_525] : memref<100352xi32, #tpu.memory_space<vmem>>[vector<16xi32>], vector<16xi32>,
      %shift_left3A_527 = arith.constant 16 : i32
      %shift_left3A_528 = vector.broadcast %shift_left3A_527 : i32 to vector<16xi32>
      %shift_left3A_529 = arith.shli %gather3A_526, %shift_left3A_528 : vector<16xi32>
      %bitcast3A_530 = vector.bitcast %shift_left3A_529 : vector<16xi32> to vector<16xf32>
      %and3A_531 = arith.andi %gather3A_526, %broadcast_in_dim3A_8 : vector<16xi32>
      %bitcast3A_532 = vector.bitcast %and3A_531 : vector<16xi32> to vector<16xf32>
      %add3A_533 = arith.addf %add3A_518, %bitcast3A_530 : vector<16xf32>
      %add3A_534 = arith.addf %add3A_519, %bitcast3A_532 : vector<16xf32>
      %mul3A_535 = arith.constant 16 : i32
      %mul3A_536 = arith.muli %scan3A_69, %mul3A_535 : i32
      %get3A_537 = arith.constant 31 : i32
      %get3A_538 = arith.index_cast %get3A_537 : i32 to index
      %get3A_539 = arith.index_cast %mul3A_536 : i32 to index
      %get3A_540 = tpu.vector_load %arg7[%get3A_538, %get3A_539] {strides = array<i32>} : memref<50x128xi32, #tpu.memory_space<vmem>>, vector<16xi32>,
      %gather3A_541 = tpu.vector_load_idx %arg6[%get3A_540] : memref<100352xi32, #tpu.memory_space<vmem>>[vector<16xi32>], vector<16xi32>,
      %shift_left3A_542 = arith.constant 16 : i32
      %shift_left3A_543 = vector.broadcast %shift_left3A_542 : i32 to vector<16xi32>
      %shift_left3A_544 = arith.shli %gather3A_541, %shift_left3A_543 : vector<16xi32>
      %bitcast3A_545 = vector.bitcast %shift_left3A_544 : vector<16xi32> to vector<16xf32>
      %and3A_546 = arith.andi %gather3A_541, %broadcast_in_dim3A_8 : vector<16xi32>
      %bitcast3A_547 = vector.bitcast %and3A_546 : vector<16xi32> to vector<16xf32>
      %add3A_548 = arith.addf %add3A_533, %bitcast3A_545 : vector<16xf32>
      %add3A_549 = arith.addf %add3A_534, %bitcast3A_547 : vector<16xf32>
      %mul3A_550 = arith.constant 16 : i32
      %mul3A_551 = arith.muli %scan3A_69, %mul3A_550 : i32
      %get3A_552 = arith.constant 32 : i32
      %get3A_553 = arith.index_cast %get3A_552 : i32 to index
      %get3A_554 = arith.index_cast %mul3A_551 : i32 to index
      %get3A_555 = tpu.vector_load %arg7[%get3A_553, %get3A_554] {strides = array<i32>} : memref<50x128xi32, #tpu.memory_space<vmem>>, vector<16xi32>,
      %gather3A_556 = tpu.vector_load_idx %arg6[%get3A_555] : memref<100352xi32, #tpu.memory_space<vmem>>[vector<16xi32>], vector<16xi32>,
      %shift_left3A_557 = arith.constant 16 : i32
      %shift_left3A_558 = vector.broadcast %shift_left3A_557 : i32 to vector<16xi32>
      %shift_left3A_559 = arith.shli %gather3A_556, %shift_left3A_558 : vector<16xi32>
      %bitcast3A_560 = vector.bitcast %shift_left3A_559 : vector<16xi32> to vector<16xf32>
      %and3A_561 = arith.andi %gather3A_556, %broadcast_in_dim3A_8 : vector<16xi32>
      %bitcast3A_562 = vector.bitcast %and3A_561 : vector<16xi32> to vector<16xf32>
      %add3A_563 = arith.addf %add3A_548, %bitcast3A_560 : vector<16xf32>
      %add3A_564 = arith.addf %add3A_549, %bitcast3A_562 : vector<16xf32>
      %mul3A_565 = arith.constant 16 : i32
      %mul3A_566 = arith.muli %scan3A_69, %mul3A_565 : i32
      %get3A_567 = arith.constant 33 : i32
      %get3A_568 = arith.index_cast %get3A_567 : i32 to index
      %get3A_569 = arith.index_cast %mul3A_566 : i32 to index
      %get3A_570 = tpu.vector_load %arg7[%get3A_568, %get3A_569] {strides = array<i32>} : memref<50x128xi32, #tpu.memory_space<vmem>>, vector<16xi32>,
      %gather3A_571 = tpu.vector_load_idx %arg6[%get3A_570] : memref<100352xi32, #tpu.memory_space<vmem>>[vector<16xi32>], vector<16xi32>,
      %shift_left3A_572 = arith.constant 16 : i32
      %shift_left3A_573 = vector.broadcast %shift_left3A_572 : i32 to vector<16xi32>
      %shift_left3A_574 = arith.shli %gather3A_571, %shift_left3A_573 : vector<16xi32>
      %bitcast3A_575 = vector.bitcast %shift_left3A_574 : vector<16xi32> to vector<16xf32>
      %and3A_576 = arith.andi %gather3A_571, %broadcast_in_dim3A_8 : vector<16xi32>
      %bitcast3A_577 = vector.bitcast %and3A_576 : vector<16xi32> to vector<16xf32>
      %add3A_578 = arith.addf %add3A_563, %bitcast3A_575 : vector<16xf32>
      %add3A_579 = arith.addf %add3A_564, %bitcast3A_577 : vector<16xf32>
      %mul3A_580 = arith.constant 16 : i32
      %mul3A_581 = arith.muli %scan3A_69, %mul3A_580 : i32
      %get3A_582 = arith.constant 34 : i32
      %get3A_583 = arith.index_cast %get3A_582 : i32 to index
      %get3A_584 = arith.index_cast %mul3A_581 : i32 to index
      %get3A_585 = tpu.vector_load %arg7[%get3A_583, %get3A_584] {strides = array<i32>} : memref<50x128xi32, #tpu.memory_space<vmem>>, vector<16xi32>,
      %gather3A_586 = tpu.vector_load_idx %arg6[%get3A_585] : memref<100352xi32, #tpu.memory_space<vmem>>[vector<16xi32>], vector<16xi32>,
      %shift_left3A_587 = arith.constant 16 : i32
      %shift_left3A_588 = vector.broadcast %shift_left3A_587 : i32 to vector<16xi32>
      %shift_left3A_589 = arith.shli %gather3A_586, %shift_left3A_588 : vector<16xi32>
      %bitcast3A_590 = vector.bitcast %shift_left3A_589 : vector<16xi32> to vector<16xf32>
      %and3A_591 = arith.andi %gather3A_586, %broadcast_in_dim3A_8 : vector<16xi32>
      %bitcast3A_592 = vector.bitcast %and3A_591 : vector<16xi32> to vector<16xf32>
      %add3A_593 = arith.addf %add3A_578, %bitcast3A_590 : vector<16xf32>
      %add3A_594 = arith.addf %add3A_579, %bitcast3A_592 : vector<16xf32>
      %mul3A_595 = arith.constant 16 : i32
      %mul3A_596 = arith.muli %scan3A_69, %mul3A_595 : i32
      %get3A_597 = arith.constant 35 : i32
      %get3A_598 = arith.index_cast %get3A_597 : i32 to index
      %get3A_599 = arith.index_cast %mul3A_596 : i32 to index
      %get3A_600 = tpu.vector_load %arg7[%get3A_598, %get3A_599] {strides = array<i32>} : memref<50x128xi32, #tpu.memory_space<vmem>>, vector<16xi32>,
      %gather3A_601 = tpu.vector_load_idx %arg6[%get3A_600] : memref<100352xi32, #tpu.memory_space<vmem>>[vector<16xi32>], vector<16xi32>,
      %shift_left3A_602 = arith.constant 16 : i32
      %shift_left3A_603 = vector.broadcast %shift_left3A_602 : i32 to vector<16xi32>
      %shift_left3A_604 = arith.shli %gather3A_601, %shift_left3A_603 : vector<16xi32>
      %bitcast3A_605 = vector.bitcast %shift_left3A_604 : vector<16xi32> to vector<16xf32>
      %and3A_606 = arith.andi %gather3A_601, %broadcast_in_dim3A_8 : vector<16xi32>
      %bitcast3A_607 = vector.bitcast %and3A_606 : vector<16xi32> to vector<16xf32>
      %add3A_608 = arith.addf %add3A_593, %bitcast3A_605 : vector<16xf32>
      %add3A_609 = arith.addf %add3A_594, %bitcast3A_607 : vector<16xf32>
      %mul3A_610 = arith.constant 16 : i32
      %mul3A_611 = arith.muli %scan3A_69, %mul3A_610 : i32
      %get3A_612 = arith.constant 36 : i32
      %get3A_613 = arith.index_cast %get3A_612 : i32 to index
      %get3A_614 = arith.index_cast %mul3A_611 : i32 to index
      %get3A_615 = tpu.vector_load %arg7[%get3A_613, %get3A_614] {strides = array<i32>} : memref<50x128xi32, #tpu.memory_space<vmem>>, vector<16xi32>,
      %gather3A_616 = tpu.vector_load_idx %arg6[%get3A_615] : memref<100352xi32, #tpu.memory_space<vmem>>[vector<16xi32>], vector<16xi32>,
      %shift_left3A_617 = arith.constant 16 : i32
      %shift_left3A_618 = vector.broadcast %shift_left3A_617 : i32 to vector<16xi32>
      %shift_left3A_619 = arith.shli %gather3A_616, %shift_left3A_618 : vector<16xi32>
      %bitcast3A_620 = vector.bitcast %shift_left3A_619 : vector<16xi32> to vector<16xf32>
      %and3A_621 = arith.andi %gather3A_616, %broadcast_in_dim3A_8 : vector<16xi32>
      %bitcast3A_622 = vector.bitcast %and3A_621 : vector<16xi32> to vector<16xf32>
      %add3A_623 = arith.addf %add3A_608, %bitcast3A_620 : vector<16xf32>
      %add3A_624 = arith.addf %add3A_609, %bitcast3A_622 : vector<16xf32>
      %mul3A_625 = arith.constant 16 : i32
      %mul3A_626 = arith.muli %scan3A_69, %mul3A_625 : i32
      %get3A_627 = arith.constant 37 : i32
      %get3A_628 = arith.index_cast %get3A_627 : i32 to index
      %get3A_629 = arith.index_cast %mul3A_626 : i32 to index
      %get3A_630 = tpu.vector_load %arg7[%get3A_628, %get3A_629] {strides = array<i32>} : memref<50x128xi32, #tpu.memory_space<vmem>>, vector<16xi32>,
      %gather3A_631 = tpu.vector_load_idx %arg6[%get3A_630] : memref<100352xi32, #tpu.memory_space<vmem>>[vector<16xi32>], vector<16xi32>,
      %shift_left3A_632 = arith.constant 16 : i32
      %shift_left3A_633 = vector.broadcast %shift_left3A_632 : i32 to vector<16xi32>
      %shift_left3A_634 = arith.shli %gather3A_631, %shift_left3A_633 : vector<16xi32>
      %bitcast3A_635 = vector.bitcast %shift_left3A_634 : vector<16xi32> to vector<16xf32>
      %and3A_636 = arith.andi %gather3A_631, %broadcast_in_dim3A_8 : vector<16xi32>
      %bitcast3A_637 = vector.bitcast %and3A_636 : vector<16xi32> to vector<16xf32>
      %add3A_638 = arith.addf %add3A_623, %bitcast3A_635 : vector<16xf32>
      %add3A_639 = arith.addf %add3A_624, %bitcast3A_637 : vector<16xf32>
      %mul3A_640 = arith.constant 16 : i32
      %mul3A_641 = arith.muli %scan3A_69, %mul3A_640 : i32
      %get3A_642 = arith.constant 38 : i32
      %get3A_643 = arith.index_cast %get3A_642 : i32 to index
      %get3A_644 = arith.index_cast %mul3A_641 : i32 to index
      %get3A_645 = tpu.vector_load %arg7[%get3A_643, %get3A_644] {strides = array<i32>} : memref<50x128xi32, #tpu.memory_space<vmem>>, vector<16xi32>,
      %gather3A_646 = tpu.vector_load_idx %arg6[%get3A_645] : memref<100352xi32, #tpu.memory_space<vmem>>[vector<16xi32>], vector<16xi32>,
      %shift_left3A_647 = arith.constant 16 : i32
      %shift_left3A_648 = vector.broadcast %shift_left3A_647 : i32 to vector<16xi32>
      %shift_left3A_649 = arith.shli %gather3A_646, %shift_left3A_648 : vector<16xi32>
      %bitcast3A_650 = vector.bitcast %shift_left3A_649 : vector<16xi32> to vector<16xf32>
      %and3A_651 = arith.andi %gather3A_646, %broadcast_in_dim3A_8 : vector<16xi32>
      %bitcast3A_652 = vector.bitcast %and3A_651 : vector<16xi32> to vector<16xf32>
      %add3A_653 = arith.addf %add3A_638, %bitcast3A_650 : vector<16xf32>
      %add3A_654 = arith.addf %add3A_639, %bitcast3A_652 : vector<16xf32>
      %mul3A_655 = arith.constant 16 : i32
      %mul3A_656 = arith.muli %scan3A_69, %mul3A_655 : i32
      %get3A_657 = arith.constant 39 : i32
      %get3A_658 = arith.index_cast %get3A_657 : i32 to index
      %get3A_659 = arith.index_cast %mul3A_656 : i32 to index
      %get3A_660 = tpu.vector_load %arg7[%get3A_658, %get3A_659] {strides = array<i32>} : memref<50x128xi32, #tpu.memory_space<vmem>>, vector<16xi32>,
      %gather3A_661 = tpu.vector_load_idx %arg6[%get3A_660] : memref<100352xi32, #tpu.memory_space<vmem>>[vector<16xi32>], vector<16xi32>,
      %shift_left3A_662 = arith.constant 16 : i32
      %shift_left3A_663 = vector.broadcast %shift_left3A_662 : i32 to vector<16xi32>
      %shift_left3A_664 = arith.shli %gather3A_661, %shift_left3A_663 : vector<16xi32>
      %bitcast3A_665 = vector.bitcast %shift_left3A_664 : vector<16xi32> to vector<16xf32>
      %and3A_666 = arith.andi %gather3A_661, %broadcast_in_dim3A_8 : vector<16xi32>
      %bitcast3A_667 = vector.bitcast %and3A_666 : vector<16xi32> to vector<16xf32>
      %add3A_668 = arith.addf %add3A_653, %bitcast3A_665 : vector<16xf32>
      %add3A_669 = arith.addf %add3A_654, %bitcast3A_667 : vector<16xf32>
      %mul3A_670 = arith.constant 16 : i32
      %mul3A_671 = arith.muli %scan3A_69, %mul3A_670 : i32
      %get3A_672 = arith.constant 40 : i32
      %get3A_673 = arith.index_cast %get3A_672 : i32 to index
      %get3A_674 = arith.index_cast %mul3A_671 : i32 to index
      %get3A_675 = tpu.vector_load %arg7[%get3A_673, %get3A_674] {strides = array<i32>} : memref<50x128xi32, #tpu.memory_space<vmem>>, vector<16xi32>,
      %gather3A_676 = tpu.vector_load_idx %arg6[%get3A_675] : memref<100352xi32, #tpu.memory_space<vmem>>[vector<16xi32>], vector<16xi32>,
      %shift_left3A_677 = arith.constant 16 : i32
      %shift_left3A_678 = vector.broadcast %shift_left3A_677 : i32 to vector<16xi32>
      %shift_left3A_679 = arith.shli %gather3A_676, %shift_left3A_678 : vector<16xi32>
      %bitcast3A_680 = vector.bitcast %shift_left3A_679 : vector<16xi32> to vector<16xf32>
      %and3A_681 = arith.andi %gather3A_676, %broadcast_in_dim3A_8 : vector<16xi32>
      %bitcast3A_682 = vector.bitcast %and3A_681 : vector<16xi32> to vector<16xf32>
      %add3A_683 = arith.addf %add3A_668, %bitcast3A_680 : vector<16xf32>
      %add3A_684 = arith.addf %add3A_669, %bitcast3A_682 : vector<16xf32>
      %mul3A_685 = arith.constant 16 : i32
      %mul3A_686 = arith.muli %scan3A_69, %mul3A_685 : i32
      %get3A_687 = arith.constant 41 : i32
      %get3A_688 = arith.index_cast %get3A_687 : i32 to index
      %get3A_689 = arith.index_cast %mul3A_686 : i32 to index
      %get3A_690 = tpu.vector_load %arg7[%get3A_688, %get3A_689] {strides = array<i32>} : memref<50x128xi32, #tpu.memory_space<vmem>>, vector<16xi32>,
      %gather3A_691 = tpu.vector_load_idx %arg6[%get3A_690] : memref<100352xi32, #tpu.memory_space<vmem>>[vector<16xi32>], vector<16xi32>,
      %shift_left3A_692 = arith.constant 16 : i32
      %shift_left3A_693 = vector.broadcast %shift_left3A_692 : i32 to vector<16xi32>
      %shift_left3A_694 = arith.shli %gather3A_691, %shift_left3A_693 : vector<16xi32>
      %bitcast3A_695 = vector.bitcast %shift_left3A_694 : vector<16xi32> to vector<16xf32>
      %and3A_696 = arith.andi %gather3A_691, %broadcast_in_dim3A_8 : vector<16xi32>
      %bitcast3A_697 = vector.bitcast %and3A_696 : vector<16xi32> to vector<16xf32>
      %add3A_698 = arith.addf %add3A_683, %bitcast3A_695 : vector<16xf32>
      %add3A_699 = arith.addf %add3A_684, %bitcast3A_697 : vector<16xf32>
      %mul3A_700 = arith.constant 16 : i32
      %mul3A_701 = arith.muli %scan3A_69, %mul3A_700 : i32
      %get3A_702 = arith.constant 42 : i32
      %get3A_703 = arith.index_cast %get3A_702 : i32 to index
      %get3A_704 = arith.index_cast %mul3A_701 : i32 to index
      %get3A_705 = tpu.vector_load %arg7[%get3A_703, %get3A_704] {strides = array<i32>} : memref<50x128xi32, #tpu.memory_space<vmem>>, vector<16xi32>,
      %gather3A_706 = tpu.vector_load_idx %arg6[%get3A_705] : memref<100352xi32, #tpu.memory_space<vmem>>[vector<16xi32>], vector<16xi32>,
      %shift_left3A_707 = arith.constant 16 : i32
      %shift_left3A_708 = vector.broadcast %shift_left3A_707 : i32 to vector<16xi32>
      %shift_left3A_709 = arith.shli %gather3A_706, %shift_left3A_708 : vector<16xi32>
      %bitcast3A_710 = vector.bitcast %shift_left3A_709 : vector<16xi32> to vector<16xf32>
      %and3A_711 = arith.andi %gather3A_706, %broadcast_in_dim3A_8 : vector<16xi32>
      %bitcast3A_712 = vector.bitcast %and3A_711 : vector<16xi32> to vector<16xf32>
      %add3A_713 = arith.addf %add3A_698, %bitcast3A_710 : vector<16xf32>
      %add3A_714 = arith.addf %add3A_699, %bitcast3A_712 : vector<16xf32>
      %mul3A_715 = arith.constant 16 : i32
      %mul3A_716 = arith.muli %scan3A_69, %mul3A_715 : i32
      %get3A_717 = arith.constant 43 : i32
      %get3A_718 = arith.index_cast %get3A_717 : i32 to index
      %get3A_719 = arith.index_cast %mul3A_716 : i32 to index
      %get3A_720 = tpu.vector_load %arg7[%get3A_718, %get3A_719] {strides = array<i32>} : memref<50x128xi32, #tpu.memory_space<vmem>>, vector<16xi32>,
      %gather3A_721 = tpu.vector_load_idx %arg6[%get3A_720] : memref<100352xi32, #tpu.memory_space<vmem>>[vector<16xi32>], vector<16xi32>,
      %shift_left3A_722 = arith.constant 16 : i32
      %shift_left3A_723 = vector.broadcast %shift_left3A_722 : i32 to vector<16xi32>
      %shift_left3A_724 = arith.shli %gather3A_721, %shift_left3A_723 : vector<16xi32>
      %bitcast3A_725 = vector.bitcast %shift_left3A_724 : vector<16xi32> to vector<16xf32>
      %and3A_726 = arith.andi %gather3A_721, %broadcast_in_dim3A_8 : vector<16xi32>
      %bitcast3A_727 = vector.bitcast %and3A_726 : vector<16xi32> to vector<16xf32>
      %add3A_728 = arith.addf %add3A_713, %bitcast3A_725 : vector<16xf32>
      %add3A_729 = arith.addf %add3A_714, %bitcast3A_727 : vector<16xf32>
      %mul3A_730 = arith.constant 16 : i32
      %mul3A_731 = arith.muli %scan3A_69, %mul3A_730 : i32
      %get3A_732 = arith.constant 44 : i32
      %get3A_733 = arith.index_cast %get3A_732 : i32 to index
      %get3A_734 = arith.index_cast %mul3A_731 : i32 to index
      %get3A_735 = tpu.vector_load %arg7[%get3A_733, %get3A_734] {strides = array<i32>} : memref<50x128xi32, #tpu.memory_space<vmem>>, vector<16xi32>,
      %gather3A_736 = tpu.vector_load_idx %arg6[%get3A_735] : memref<100352xi32, #tpu.memory_space<vmem>>[vector<16xi32>], vector<16xi32>,
      %shift_left3A_737 = arith.constant 16 : i32
      %shift_left3A_738 = vector.broadcast %shift_left3A_737 : i32 to vector<16xi32>
      %shift_left3A_739 = arith.shli %gather3A_736, %shift_left3A_738 : vector<16xi32>
      %bitcast3A_740 = vector.bitcast %shift_left3A_739 : vector<16xi32> to vector<16xf32>
      %and3A_741 = arith.andi %gather3A_736, %broadcast_in_dim3A_8 : vector<16xi32>
      %bitcast3A_742 = vector.bitcast %and3A_741 : vector<16xi32> to vector<16xf32>
      %add3A_743 = arith.addf %add3A_728, %bitcast3A_740 : vector<16xf32>
      %add3A_744 = arith.addf %add3A_729, %bitcast3A_742 : vector<16xf32>
      %mul3A_745 = arith.constant 16 : i32
      %mul3A_746 = arith.muli %scan3A_69, %mul3A_745 : i32
      %get3A_747 = arith.constant 45 : i32
      %get3A_748 = arith.index_cast %get3A_747 : i32 to index
      %get3A_749 = arith.index_cast %mul3A_746 : i32 to index
      %get3A_750 = tpu.vector_load %arg7[%get3A_748, %get3A_749] {strides = array<i32>} : memref<50x128xi32, #tpu.memory_space<vmem>>, vector<16xi32>,
      %gather3A_751 = tpu.vector_load_idx %arg6[%get3A_750] : memref<100352xi32, #tpu.memory_space<vmem>>[vector<16xi32>], vector<16xi32>,
      %shift_left3A_752 = arith.constant 16 : i32
      %shift_left3A_753 = vector.broadcast %shift_left3A_752 : i32 to vector<16xi32>
      %shift_left3A_754 = arith.shli %gather3A_751, %shift_left3A_753 : vector<16xi32>
      %bitcast3A_755 = vector.bitcast %shift_left3A_754 : vector<16xi32> to vector<16xf32>
      %and3A_756 = arith.andi %gather3A_751, %broadcast_in_dim3A_8 : vector<16xi32>
      %bitcast3A_757 = vector.bitcast %and3A_756 : vector<16xi32> to vector<16xf32>
      %add3A_758 = arith.addf %add3A_743, %bitcast3A_755 : vector<16xf32>
      %add3A_759 = arith.addf %add3A_744, %bitcast3A_757 : vector<16xf32>
      %mul3A_760 = arith.constant 16 : i32
      %mul3A_761 = arith.muli %scan3A_69, %mul3A_760 : i32
      %get3A_762 = arith.constant 46 : i32
      %get3A_763 = arith.index_cast %get3A_762 : i32 to index
      %get3A_764 = arith.index_cast %mul3A_761 : i32 to index
      %get3A_765 = tpu.vector_load %arg7[%get3A_763, %get3A_764] {strides = array<i32>} : memref<50x128xi32, #tpu.memory_space<vmem>>, vector<16xi32>,
      %gather3A_766 = tpu.vector_load_idx %arg6[%get3A_765] : memref<100352xi32, #tpu.memory_space<vmem>>[vector<16xi32>], vector<16xi32>,
      %shift_left3A_767 = arith.constant 16 : i32
      %shift_left3A_768 = vector.broadcast %shift_left3A_767 : i32 to vector<16xi32>
      %shift_left3A_769 = arith.shli %gather3A_766, %shift_left3A_768 : vector<16xi32>
      %bitcast3A_770 = vector.bitcast %shift_left3A_769 : vector<16xi32> to vector<16xf32>
      %and3A_771 = arith.andi %gather3A_766, %broadcast_in_dim3A_8 : vector<16xi32>
      %bitcast3A_772 = vector.bitcast %and3A_771 : vector<16xi32> to vector<16xf32>
      %add3A_773 = arith.addf %add3A_758, %bitcast3A_770 : vector<16xf32>
      %add3A_774 = arith.addf %add3A_759, %bitcast3A_772 : vector<16xf32>
      %mul3A_775 = arith.constant 16 : i32
      %mul3A_776 = arith.muli %scan3A_69, %mul3A_775 : i32
      %get3A_777 = arith.constant 47 : i32
      %get3A_778 = arith.index_cast %get3A_777 : i32 to index
      %get3A_779 = arith.index_cast %mul3A_776 : i32 to index
      %get3A_780 = tpu.vector_load %arg7[%get3A_778, %get3A_779] {strides = array<i32>} : memref<50x128xi32, #tpu.memory_space<vmem>>, vector<16xi32>,
      %gather3A_781 = tpu.vector_load_idx %arg6[%get3A_780] : memref<100352xi32, #tpu.memory_space<vmem>>[vector<16xi32>], vector<16xi32>,
      %shift_left3A_782 = arith.constant 16 : i32
      %shift_left3A_783 = vector.broadcast %shift_left3A_782 : i32 to vector<16xi32>
      %shift_left3A_784 = arith.shli %gather3A_781, %shift_left3A_783 : vector<16xi32>
      %bitcast3A_785 = vector.bitcast %shift_left3A_784 : vector<16xi32> to vector<16xf32>
      %and3A_786 = arith.andi %gather3A_781, %broadcast_in_dim3A_8 : vector<16xi32>
      %bitcast3A_787 = vector.bitcast %and3A_786 : vector<16xi32> to vector<16xf32>
      %add3A_788 = arith.addf %add3A_773, %bitcast3A_785 : vector<16xf32>
      %add3A_789 = arith.addf %add3A_774, %bitcast3A_787 : vector<16xf32>
      %mul3A_790 = arith.constant 16 : i32
      %mul3A_791 = arith.muli %scan3A_69, %mul3A_790 : i32
      %get3A_792 = arith.constant 48 : i32
      %get3A_793 = arith.index_cast %get3A_792 : i32 to index
      %get3A_794 = arith.index_cast %mul3A_791 : i32 to index
      %get3A_795 = tpu.vector_load %arg7[%get3A_793, %get3A_794] {strides = array<i32>} : memref<50x128xi32, #tpu.memory_space<vmem>>, vector<16xi32>,
      %gather3A_796 = tpu.vector_load_idx %arg6[%get3A_795] : memref<100352xi32, #tpu.memory_space<vmem>>[vector<16xi32>], vector<16xi32>,
      %shift_left3A_797 = arith.constant 16 : i32
      %shift_left3A_798 = vector.broadcast %shift_left3A_797 : i32 to vector<16xi32>
      %shift_left3A_799 = arith.shli %gather3A_796, %shift_left3A_798 : vector<16xi32>
      %bitcast3A_800 = vector.bitcast %shift_left3A_799 : vector<16xi32> to vector<16xf32>
      %and3A_801 = arith.andi %gather3A_796, %broadcast_in_dim3A_8 : vector<16xi32>
      %bitcast3A_802 = vector.bitcast %and3A_801 : vector<16xi32> to vector<16xf32>
      %add3A_803 = arith.addf %add3A_788, %bitcast3A_800 : vector<16xf32>
      %add3A_804 = arith.addf %add3A_789, %bitcast3A_802 : vector<16xf32>
      %mul3A_805 = arith.constant 16 : i32
      %mul3A_806 = arith.muli %scan3A_69, %mul3A_805 : i32
      %get3A_807 = arith.constant 49 : i32
      %get3A_808 = arith.index_cast %get3A_807 : i32 to index
      %get3A_809 = arith.index_cast %mul3A_806 : i32 to index
      %get3A_810 = tpu.vector_load %arg7[%get3A_808, %get3A_809] {strides = array<i32>} : memref<50x128xi32, #tpu.memory_space<vmem>>, vector<16xi32>,
      %gather3A_811 = tpu.vector_load_idx %arg6[%get3A_810] : memref<100352xi32, #tpu.memory_space<vmem>>[vector<16xi32>], vector<16xi32>,
      %shift_left3A_812 = arith.constant 16 : i32
      %shift_left3A_813 = vector.broadcast %shift_left3A_812 : i32 to vector<16xi32>
      %shift_left3A_814 = arith.shli %gather3A_811, %shift_left3A_813 : vector<16xi32>
      %bitcast3A_815 = vector.bitcast %shift_left3A_814 : vector<16xi32> to vector<16xf32>
      %and3A_816 = arith.andi %gather3A_811, %broadcast_in_dim3A_8 : vector<16xi32>
      %bitcast3A_817 = vector.bitcast %and3A_816 : vector<16xi32> to vector<16xf32>
      %add3A_818 = arith.addf %add3A_803, %bitcast3A_815 : vector<16xf32>
      %add3A_819 = arith.addf %add3A_804, %bitcast3A_817 : vector<16xf32>
      %add3A_820 = arith.constant 0 : i32
      %add3A_821 = arith.addi %add3A_820, %scan3A_69 : i32
      %swap3A = arith.constant 0 : i32
      %swap3A_822 = arith.index_cast %swap3A : i32 to index
      %swap3A_823 = arith.index_cast %add3A_821 : i32 to index
      %swap3A_824 = arith.constant 0 : index
      %swap3A_825 = tpu.vector_load %arg9[%swap3A_822, %swap3A_823, %swap3A_824] {strides = array<i32>} : memref<2x32x16xf32, #tpu.memory_space<vmem>>, vector<16xf32>,
      tpu.vector_store %arg9[%swap3A_822, %swap3A_823, %swap3A_824], %add3A_818 {strides = array<i32>} : memref<2x32x16xf32, #tpu.memory_space<vmem>>, vector<16xf32>,
      %add3A_826 = arith.constant 0 : i32
      %add3A_827 = arith.addi %add3A_826, %scan3A_69 : i32
      %swap3A_828 = arith.constant 1 : i32
      %swap3A_829 = arith.index_cast %swap3A_828 : i32 to index
      %swap3A_830 = arith.index_cast %add3A_827 : i32 to index
      %swap3A_831 = arith.constant 0 : index
      %swap3A_832 = tpu.vector_load %arg9[%swap3A_829, %swap3A_830, %swap3A_831] {strides = array<i32>} : memref<2x32x16xf32, #tpu.memory_space<vmem>>, vector<16xf32>,
      tpu.vector_store %arg9[%swap3A_829, %swap3A_830, %swap3A_831], %add3A_819 {strides = array<i32>} : memref<2x32x16xf32, #tpu.memory_space<vmem>>, vector<16xf32>,
      %scan3A_833 = arith.constant 0 : i32
      scf.yield %scan3A_833 : i32
    }
    %scan3A_23 = arith.constant 8 : i32
    %dma_wait3A_24 = arith.constant 0 : i32
    %dma_wait3A_25 = tpu.memref_slice %arg3[%dma_wait3A_24, %add3A_13] : memref<50x16384xi32, #tpu.memory_space<hbm>> -> memref<50x128xi32, #tpu.memory_space<hbm>>
    %dma_wait3A_26 = arith.constant 0 : i32
    %dma_wait3A_27 = tpu.memref_slice %arg3[%dma_wait3A_26, %add3A_13] : memref<50x16384xi32, #tpu.memory_space<hbm>> -> memref<50x128xi32, #tpu.memory_space<hbm>>
    tpu.wait_dma2 semaphore(%arg12 : memref<!tpu.dma_semaphore, #tpu.memory_space<semaphore_mem>>) src(%dma_wait3A_27 : memref<50x128xi32, #tpu.memory_space<hbm>>) dst(%arg8 : memref<50x128xi32, #tpu.memory_space<vmem>>)
    %add3A_28 = arith.constant 256 : i32
    %add3A_29 = arith.addi %mul3A_2, %add3A_28 : i32
    %dma_start3A_30 = arith.constant 0 : i32
    %dma_start3A_31 = tpu.memref_slice %arg3[%dma_start3A_30, %add3A_29] : memref<50x16384xi32, #tpu.memory_space<hbm>> -> memref<50x128xi32, #tpu.memory_space<hbm>>
    %dma_start3A_32 = arith.constant 0 : i32
    %dma_start3A_33 = tpu.memref_slice %arg3[%dma_start3A_32, %add3A_29] : memref<50x16384xi32, #tpu.memory_space<hbm>> -> memref<50x128xi32, #tpu.memory_space<hbm>>
    tpu.enqueue_dma source(%dma_start3A_33 : memref<50x128xi32, #tpu.memory_space<hbm>>) target(%arg7 : memref<50x128xi32, #tpu.memory_space<vmem>>) target_semaphore(%arg11 : memref<!tpu.dma_semaphore, #tpu.memory_space<semaphore_mem>>)
    %scan3A_34 = arith.constant 0 : i32
    %scan3A_35 = arith.constant 0 : i32
    %scan3A_36 = arith.constant 8 : i32
    %scan3A_37 = arith.addi %scan3A_35, %scan3A_36 : i32
    %scan3A_38 = arith.constant 1 : i32
    %scan3A_39 = scf.for %scan3A_69 = %scan3A_35 to %scan3A_37 step %scan3A_38 iter_args(%scan3A_70 = %scan3A_34) -> (i32)  : i32 {
      %broadcast_in_dim3A_71 = arith.constant 0.000000e+00 : f32
      %broadcast_in_dim3A_72 = vector.broadcast %broadcast_in_dim3A_71 : f32 to vector<16xf32>
      %broadcast_in_dim3A_73 = arith.constant 0.000000e+00 : f32
      %broadcast_in_dim3A_74 = vector.broadcast %broadcast_in_dim3A_73 : f32 to vector<16xf32>
      %mul3A_75 = arith.constant 16 : i32
      %mul3A_76 = arith.muli %scan3A_69, %mul3A_75 : i32
      %get3A = arith.constant 0 : i32
      %get3A_77 = arith.index_cast %get3A : i32 to index
      %get3A_78 = arith.index_cast %mul3A_76 : i32 to index
      %get3A_79 = tpu.vector_load %arg8[%get3A_77, %get3A_78] {strides = array<i32>} : memref<50x128xi32, #tpu.memory_space<vmem>>, vector<16xi32>,
      %gather3A = tpu.vector_load_idx %arg6[%get3A_79] : memref<100352xi32, #tpu.memory_space<vmem>>[vector<16xi32>], vector<16xi32>,
      %shift_left3A = arith.constant 16 : i32
      %shift_left3A_80 = vector.broadcast %shift_left3A : i32 to vector<16xi32>
      %shift_left3A_81 = arith.shli %gather3A, %shift_left3A_80 : vector<16xi32>
      %bitcast3A = vector.bitcast %shift_left3A_81 : vector<16xi32> to vector<16xf32>
      %and3A = arith.andi %gather3A, %broadcast_in_dim3A_8 : vector<16xi32>
      %bitcast3A_82 = vector.bitcast %and3A : vector<16xi32> to vector<16xf32>
      %add3A_83 = arith.addf %broadcast_in_dim3A_72, %bitcast3A : vector<16xf32>
      %add3A_84 = arith.addf %broadcast_in_dim3A_74, %bitcast3A_82 : vector<16xf32>
      %mul3A_85 = arith.constant 16 : i32
      %mul3A_86 = arith.muli %scan3A_69, %mul3A_85 : i32
      %get3A_87 = arith.constant 1 : i32
      %get3A_88 = arith.index_cast %get3A_87 : i32 to index
      %get3A_89 = arith.index_cast %mul3A_86 : i32 to index
      %get3A_90 = tpu.vector_load %arg8[%get3A_88, %get3A_89] {strides = array<i32>} : memref<50x128xi32, #tpu.memory_space<vmem>>, vector<16xi32>,
      %gather3A_91 = tpu.vector_load_idx %arg6[%get3A_90] : memref<100352xi32, #tpu.memory_space<vmem>>[vector<16xi32>], vector<16xi32>,
      %shift_left3A_92 = arith.constant 16 : i32
      %shift_left3A_93 = vector.broadcast %shift_left3A_92 : i32 to vector<16xi32>
      %shift_left3A_94 = arith.shli %gather3A_91, %shift_left3A_93 : vector<16xi32>
      %bitcast3A_95 = vector.bitcast %shift_left3A_94 : vector<16xi32> to vector<16xf32>
      %and3A_96 = arith.andi %gather3A_91, %broadcast_in_dim3A_8 : vector<16xi32>
      %bitcast3A_97 = vector.bitcast %and3A_96 : vector<16xi32> to vector<16xf32>
      %add3A_98 = arith.addf %add3A_83, %bitcast3A_95 : vector<16xf32>
      %add3A_99 = arith.addf %add3A_84, %bitcast3A_97 : vector<16xf32>
      %mul3A_100 = arith.constant 16 : i32
      %mul3A_101 = arith.muli %scan3A_69, %mul3A_100 : i32
      %get3A_102 = arith.constant 2 : i32
      %get3A_103 = arith.index_cast %get3A_102 : i32 to index
      %get3A_104 = arith.index_cast %mul3A_101 : i32 to index
      %get3A_105 = tpu.vector_load %arg8[%get3A_103, %get3A_104] {strides = array<i32>} : memref<50x128xi32, #tpu.memory_space<vmem>>, vector<16xi32>,
      %gather3A_106 = tpu.vector_load_idx %arg6[%get3A_105] : memref<100352xi32, #tpu.memory_space<vmem>>[vector<16xi32>], vector<16xi32>,
      %shift_left3A_107 = arith.constant 16 : i32
      %shift_left3A_108 = vector.broadcast %shift_left3A_107 : i32 to vector<16xi32>
      %shift_left3A_109 = arith.shli %gather3A_106, %shift_left3A_108 : vector<16xi32>
      %bitcast3A_110 = vector.bitcast %shift_left3A_109 : vector<16xi32> to vector<16xf32>
      %and3A_111 = arith.andi %gather3A_106, %broadcast_in_dim3A_8 : vector<16xi32>
      %bitcast3A_112 = vector.bitcast %and3A_111 : vector<16xi32> to vector<16xf32>
      %add3A_113 = arith.addf %add3A_98, %bitcast3A_110 : vector<16xf32>
      %add3A_114 = arith.addf %add3A_99, %bitcast3A_112 : vector<16xf32>
      %mul3A_115 = arith.constant 16 : i32
      %mul3A_116 = arith.muli %scan3A_69, %mul3A_115 : i32
      %get3A_117 = arith.constant 3 : i32
      %get3A_118 = arith.index_cast %get3A_117 : i32 to index
      %get3A_119 = arith.index_cast %mul3A_116 : i32 to index
      %get3A_120 = tpu.vector_load %arg8[%get3A_118, %get3A_119] {strides = array<i32>} : memref<50x128xi32, #tpu.memory_space<vmem>>, vector<16xi32>,
      %gather3A_121 = tpu.vector_load_idx %arg6[%get3A_120] : memref<100352xi32, #tpu.memory_space<vmem>>[vector<16xi32>], vector<16xi32>,
      %shift_left3A_122 = arith.constant 16 : i32
      %shift_left3A_123 = vector.broadcast %shift_left3A_122 : i32 to vector<16xi32>
      %shift_left3A_124 = arith.shli %gather3A_121, %shift_left3A_123 : vector<16xi32>
      %bitcast3A_125 = vector.bitcast %shift_left3A_124 : vector<16xi32> to vector<16xf32>
      %and3A_126 = arith.andi %gather3A_121, %broadcast_in_dim3A_8 : vector<16xi32>
      %bitcast3A_127 = vector.bitcast %and3A_126 : vector<16xi32> to vector<16xf32>
      %add3A_128 = arith.addf %add3A_113, %bitcast3A_125 : vector<16xf32>
      %add3A_129 = arith.addf %add3A_114, %bitcast3A_127 : vector<16xf32>
      %mul3A_130 = arith.constant 16 : i32
      %mul3A_131 = arith.muli %scan3A_69, %mul3A_130 : i32
      %get3A_132 = arith.constant 4 : i32
      %get3A_133 = arith.index_cast %get3A_132 : i32 to index
      %get3A_134 = arith.index_cast %mul3A_131 : i32 to index
      %get3A_135 = tpu.vector_load %arg8[%get3A_133, %get3A_134] {strides = array<i32>} : memref<50x128xi32, #tpu.memory_space<vmem>>, vector<16xi32>,
      %gather3A_136 = tpu.vector_load_idx %arg6[%get3A_135] : memref<100352xi32, #tpu.memory_space<vmem>>[vector<16xi32>], vector<16xi32>,
      %shift_left3A_137 = arith.constant 16 : i32
      %shift_left3A_138 = vector.broadcast %shift_left3A_137 : i32 to vector<16xi32>
      %shift_left3A_139 = arith.shli %gather3A_136, %shift_left3A_138 : vector<16xi32>
      %bitcast3A_140 = vector.bitcast %shift_left3A_139 : vector<16xi32> to vector<16xf32>
      %and3A_141 = arith.andi %gather3A_136, %broadcast_in_dim3A_8 : vector<16xi32>
      %bitcast3A_142 = vector.bitcast %and3A_141 : vector<16xi32> to vector<16xf32>
      %add3A_143 = arith.addf %add3A_128, %bitcast3A_140 : vector<16xf32>
      %add3A_144 = arith.addf %add3A_129, %bitcast3A_142 : vector<16xf32>
      %mul3A_145 = arith.constant 16 : i32
      %mul3A_146 = arith.muli %scan3A_69, %mul3A_145 : i32
      %get3A_147 = arith.constant 5 : i32
      %get3A_148 = arith.index_cast %get3A_147 : i32 to index
      %get3A_149 = arith.index_cast %mul3A_146 : i32 to index
      %get3A_150 = tpu.vector_load %arg8[%get3A_148, %get3A_149] {strides = array<i32>} : memref<50x128xi32, #tpu.memory_space<vmem>>, vector<16xi32>,
      %gather3A_151 = tpu.vector_load_idx %arg6[%get3A_150] : memref<100352xi32, #tpu.memory_space<vmem>>[vector<16xi32>], vector<16xi32>,
      %shift_left3A_152 = arith.constant 16 : i32
      %shift_left3A_153 = vector.broadcast %shift_left3A_152 : i32 to vector<16xi32>
      %shift_left3A_154 = arith.shli %gather3A_151, %shift_left3A_153 : vector<16xi32>
      %bitcast3A_155 = vector.bitcast %shift_left3A_154 : vector<16xi32> to vector<16xf32>
      %and3A_156 = arith.andi %gather3A_151, %broadcast_in_dim3A_8 : vector<16xi32>
      %bitcast3A_157 = vector.bitcast %and3A_156 : vector<16xi32> to vector<16xf32>
      %add3A_158 = arith.addf %add3A_143, %bitcast3A_155 : vector<16xf32>
      %add3A_159 = arith.addf %add3A_144, %bitcast3A_157 : vector<16xf32>
      %mul3A_160 = arith.constant 16 : i32
      %mul3A_161 = arith.muli %scan3A_69, %mul3A_160 : i32
      %get3A_162 = arith.constant 6 : i32
      %get3A_163 = arith.index_cast %get3A_162 : i32 to index
      %get3A_164 = arith.index_cast %mul3A_161 : i32 to index
      %get3A_165 = tpu.vector_load %arg8[%get3A_163, %get3A_164] {strides = array<i32>} : memref<50x128xi32, #tpu.memory_space<vmem>>, vector<16xi32>,
      %gather3A_166 = tpu.vector_load_idx %arg6[%get3A_165] : memref<100352xi32, #tpu.memory_space<vmem>>[vector<16xi32>], vector<16xi32>,
      %shift_left3A_167 = arith.constant 16 : i32
      %shift_left3A_168 = vector.broadcast %shift_left3A_167 : i32 to vector<16xi32>
      %shift_left3A_169 = arith.shli %gather3A_166, %shift_left3A_168 : vector<16xi32>
      %bitcast3A_170 = vector.bitcast %shift_left3A_169 : vector<16xi32> to vector<16xf32>
      %and3A_171 = arith.andi %gather3A_166, %broadcast_in_dim3A_8 : vector<16xi32>
      %bitcast3A_172 = vector.bitcast %and3A_171 : vector<16xi32> to vector<16xf32>
      %add3A_173 = arith.addf %add3A_158, %bitcast3A_170 : vector<16xf32>
      %add3A_174 = arith.addf %add3A_159, %bitcast3A_172 : vector<16xf32>
      %mul3A_175 = arith.constant 16 : i32
      %mul3A_176 = arith.muli %scan3A_69, %mul3A_175 : i32
      %get3A_177 = arith.constant 7 : i32
      %get3A_178 = arith.index_cast %get3A_177 : i32 to index
      %get3A_179 = arith.index_cast %mul3A_176 : i32 to index
      %get3A_180 = tpu.vector_load %arg8[%get3A_178, %get3A_179] {strides = array<i32>} : memref<50x128xi32, #tpu.memory_space<vmem>>, vector<16xi32>,
      %gather3A_181 = tpu.vector_load_idx %arg6[%get3A_180] : memref<100352xi32, #tpu.memory_space<vmem>>[vector<16xi32>], vector<16xi32>,
      %shift_left3A_182 = arith.constant 16 : i32
      %shift_left3A_183 = vector.broadcast %shift_left3A_182 : i32 to vector<16xi32>
      %shift_left3A_184 = arith.shli %gather3A_181, %shift_left3A_183 : vector<16xi32>
      %bitcast3A_185 = vector.bitcast %shift_left3A_184 : vector<16xi32> to vector<16xf32>
      %and3A_186 = arith.andi %gather3A_181, %broadcast_in_dim3A_8 : vector<16xi32>
      %bitcast3A_187 = vector.bitcast %and3A_186 : vector<16xi32> to vector<16xf32>
      %add3A_188 = arith.addf %add3A_173, %bitcast3A_185 : vector<16xf32>
      %add3A_189 = arith.addf %add3A_174, %bitcast3A_187 : vector<16xf32>
      %mul3A_190 = arith.constant 16 : i32
      %mul3A_191 = arith.muli %scan3A_69, %mul3A_190 : i32
      %get3A_192 = arith.constant 8 : i32
      %get3A_193 = arith.index_cast %get3A_192 : i32 to index
      %get3A_194 = arith.index_cast %mul3A_191 : i32 to index
      %get3A_195 = tpu.vector_load %arg8[%get3A_193, %get3A_194] {strides = array<i32>} : memref<50x128xi32, #tpu.memory_space<vmem>>, vector<16xi32>,
      %gather3A_196 = tpu.vector_load_idx %arg6[%get3A_195] : memref<100352xi32, #tpu.memory_space<vmem>>[vector<16xi32>], vector<16xi32>,
      %shift_left3A_197 = arith.constant 16 : i32
      %shift_left3A_198 = vector.broadcast %shift_left3A_197 : i32 to vector<16xi32>
      %shift_left3A_199 = arith.shli %gather3A_196, %shift_left3A_198 : vector<16xi32>
      %bitcast3A_200 = vector.bitcast %shift_left3A_199 : vector<16xi32> to vector<16xf32>
      %and3A_201 = arith.andi %gather3A_196, %broadcast_in_dim3A_8 : vector<16xi32>
      %bitcast3A_202 = vector.bitcast %and3A_201 : vector<16xi32> to vector<16xf32>
      %add3A_203 = arith.addf %add3A_188, %bitcast3A_200 : vector<16xf32>
      %add3A_204 = arith.addf %add3A_189, %bitcast3A_202 : vector<16xf32>
      %mul3A_205 = arith.constant 16 : i32
      %mul3A_206 = arith.muli %scan3A_69, %mul3A_205 : i32
      %get3A_207 = arith.constant 9 : i32
      %get3A_208 = arith.index_cast %get3A_207 : i32 to index
      %get3A_209 = arith.index_cast %mul3A_206 : i32 to index
      %get3A_210 = tpu.vector_load %arg8[%get3A_208, %get3A_209] {strides = array<i32>} : memref<50x128xi32, #tpu.memory_space<vmem>>, vector<16xi32>,
      %gather3A_211 = tpu.vector_load_idx %arg6[%get3A_210] : memref<100352xi32, #tpu.memory_space<vmem>>[vector<16xi32>], vector<16xi32>,
      %shift_left3A_212 = arith.constant 16 : i32
      %shift_left3A_213 = vector.broadcast %shift_left3A_212 : i32 to vector<16xi32>
      %shift_left3A_214 = arith.shli %gather3A_211, %shift_left3A_213 : vector<16xi32>
      %bitcast3A_215 = vector.bitcast %shift_left3A_214 : vector<16xi32> to vector<16xf32>
      %and3A_216 = arith.andi %gather3A_211, %broadcast_in_dim3A_8 : vector<16xi32>
      %bitcast3A_217 = vector.bitcast %and3A_216 : vector<16xi32> to vector<16xf32>
      %add3A_218 = arith.addf %add3A_203, %bitcast3A_215 : vector<16xf32>
      %add3A_219 = arith.addf %add3A_204, %bitcast3A_217 : vector<16xf32>
      %mul3A_220 = arith.constant 16 : i32
      %mul3A_221 = arith.muli %scan3A_69, %mul3A_220 : i32
      %get3A_222 = arith.constant 10 : i32
      %get3A_223 = arith.index_cast %get3A_222 : i32 to index
      %get3A_224 = arith.index_cast %mul3A_221 : i32 to index
      %get3A_225 = tpu.vector_load %arg8[%get3A_223, %get3A_224] {strides = array<i32>} : memref<50x128xi32, #tpu.memory_space<vmem>>, vector<16xi32>,
      %gather3A_226 = tpu.vector_load_idx %arg6[%get3A_225] : memref<100352xi32, #tpu.memory_space<vmem>>[vector<16xi32>], vector<16xi32>,
      %shift_left3A_227 = arith.constant 16 : i32
      %shift_left3A_228 = vector.broadcast %shift_left3A_227 : i32 to vector<16xi32>
      %shift_left3A_229 = arith.shli %gather3A_226, %shift_left3A_228 : vector<16xi32>
      %bitcast3A_230 = vector.bitcast %shift_left3A_229 : vector<16xi32> to vector<16xf32>
      %and3A_231 = arith.andi %gather3A_226, %broadcast_in_dim3A_8 : vector<16xi32>
      %bitcast3A_232 = vector.bitcast %and3A_231 : vector<16xi32> to vector<16xf32>
      %add3A_233 = arith.addf %add3A_218, %bitcast3A_230 : vector<16xf32>
      %add3A_234 = arith.addf %add3A_219, %bitcast3A_232 : vector<16xf32>
      %mul3A_235 = arith.constant 16 : i32
      %mul3A_236 = arith.muli %scan3A_69, %mul3A_235 : i32
      %get3A_237 = arith.constant 11 : i32
      %get3A_238 = arith.index_cast %get3A_237 : i32 to index
      %get3A_239 = arith.index_cast %mul3A_236 : i32 to index
      %get3A_240 = tpu.vector_load %arg8[%get3A_238, %get3A_239] {strides = array<i32>} : memref<50x128xi32, #tpu.memory_space<vmem>>, vector<16xi32>,
      %gather3A_241 = tpu.vector_load_idx %arg6[%get3A_240] : memref<100352xi32, #tpu.memory_space<vmem>>[vector<16xi32>], vector<16xi32>,
      %shift_left3A_242 = arith.constant 16 : i32
      %shift_left3A_243 = vector.broadcast %shift_left3A_242 : i32 to vector<16xi32>
      %shift_left3A_244 = arith.shli %gather3A_241, %shift_left3A_243 : vector<16xi32>
      %bitcast3A_245 = vector.bitcast %shift_left3A_244 : vector<16xi32> to vector<16xf32>
      %and3A_246 = arith.andi %gather3A_241, %broadcast_in_dim3A_8 : vector<16xi32>
      %bitcast3A_247 = vector.bitcast %and3A_246 : vector<16xi32> to vector<16xf32>
      %add3A_248 = arith.addf %add3A_233, %bitcast3A_245 : vector<16xf32>
      %add3A_249 = arith.addf %add3A_234, %bitcast3A_247 : vector<16xf32>
      %mul3A_250 = arith.constant 16 : i32
      %mul3A_251 = arith.muli %scan3A_69, %mul3A_250 : i32
      %get3A_252 = arith.constant 12 : i32
      %get3A_253 = arith.index_cast %get3A_252 : i32 to index
      %get3A_254 = arith.index_cast %mul3A_251 : i32 to index
      %get3A_255 = tpu.vector_load %arg8[%get3A_253, %get3A_254] {strides = array<i32>} : memref<50x128xi32, #tpu.memory_space<vmem>>, vector<16xi32>,
      %gather3A_256 = tpu.vector_load_idx %arg6[%get3A_255] : memref<100352xi32, #tpu.memory_space<vmem>>[vector<16xi32>], vector<16xi32>,
      %shift_left3A_257 = arith.constant 16 : i32
      %shift_left3A_258 = vector.broadcast %shift_left3A_257 : i32 to vector<16xi32>
      %shift_left3A_259 = arith.shli %gather3A_256, %shift_left3A_258 : vector<16xi32>
      %bitcast3A_260 = vector.bitcast %shift_left3A_259 : vector<16xi32> to vector<16xf32>
      %and3A_261 = arith.andi %gather3A_256, %broadcast_in_dim3A_8 : vector<16xi32>
      %bitcast3A_262 = vector.bitcast %and3A_261 : vector<16xi32> to vector<16xf32>
      %add3A_263 = arith.addf %add3A_248, %bitcast3A_260 : vector<16xf32>
      %add3A_264 = arith.addf %add3A_249, %bitcast3A_262 : vector<16xf32>
      %mul3A_265 = arith.constant 16 : i32
      %mul3A_266 = arith.muli %scan3A_69, %mul3A_265 : i32
      %get3A_267 = arith.constant 13 : i32
      %get3A_268 = arith.index_cast %get3A_267 : i32 to index
      %get3A_269 = arith.index_cast %mul3A_266 : i32 to index
      %get3A_270 = tpu.vector_load %arg8[%get3A_268, %get3A_269] {strides = array<i32>} : memref<50x128xi32, #tpu.memory_space<vmem>>, vector<16xi32>,
      %gather3A_271 = tpu.vector_load_idx %arg6[%get3A_270] : memref<100352xi32, #tpu.memory_space<vmem>>[vector<16xi32>], vector<16xi32>,
      %shift_left3A_272 = arith.constant 16 : i32
      %shift_left3A_273 = vector.broadcast %shift_left3A_272 : i32 to vector<16xi32>
      %shift_left3A_274 = arith.shli %gather3A_271, %shift_left3A_273 : vector<16xi32>
      %bitcast3A_275 = vector.bitcast %shift_left3A_274 : vector<16xi32> to vector<16xf32>
      %and3A_276 = arith.andi %gather3A_271, %broadcast_in_dim3A_8 : vector<16xi32>
      %bitcast3A_277 = vector.bitcast %and3A_276 : vector<16xi32> to vector<16xf32>
      %add3A_278 = arith.addf %add3A_263, %bitcast3A_275 : vector<16xf32>
      %add3A_279 = arith.addf %add3A_264, %bitcast3A_277 : vector<16xf32>
      %mul3A_280 = arith.constant 16 : i32
      %mul3A_281 = arith.muli %scan3A_69, %mul3A_280 : i32
      %get3A_282 = arith.constant 14 : i32
      %get3A_283 = arith.index_cast %get3A_282 : i32 to index
      %get3A_284 = arith.index_cast %mul3A_281 : i32 to index
      %get3A_285 = tpu.vector_load %arg8[%get3A_283, %get3A_284] {strides = array<i32>} : memref<50x128xi32, #tpu.memory_space<vmem>>, vector<16xi32>,
      %gather3A_286 = tpu.vector_load_idx %arg6[%get3A_285] : memref<100352xi32, #tpu.memory_space<vmem>>[vector<16xi32>], vector<16xi32>,
      %shift_left3A_287 = arith.constant 16 : i32
      %shift_left3A_288 = vector.broadcast %shift_left3A_287 : i32 to vector<16xi32>
      %shift_left3A_289 = arith.shli %gather3A_286, %shift_left3A_288 : vector<16xi32>
      %bitcast3A_290 = vector.bitcast %shift_left3A_289 : vector<16xi32> to vector<16xf32>
      %and3A_291 = arith.andi %gather3A_286, %broadcast_in_dim3A_8 : vector<16xi32>
      %bitcast3A_292 = vector.bitcast %and3A_291 : vector<16xi32> to vector<16xf32>
      %add3A_293 = arith.addf %add3A_278, %bitcast3A_290 : vector<16xf32>
      %add3A_294 = arith.addf %add3A_279, %bitcast3A_292 : vector<16xf32>
      %mul3A_295 = arith.constant 16 : i32
      %mul3A_296 = arith.muli %scan3A_69, %mul3A_295 : i32
      %get3A_297 = arith.constant 15 : i32
      %get3A_298 = arith.index_cast %get3A_297 : i32 to index
      %get3A_299 = arith.index_cast %mul3A_296 : i32 to index
      %get3A_300 = tpu.vector_load %arg8[%get3A_298, %get3A_299] {strides = array<i32>} : memref<50x128xi32, #tpu.memory_space<vmem>>, vector<16xi32>,
      %gather3A_301 = tpu.vector_load_idx %arg6[%get3A_300] : memref<100352xi32, #tpu.memory_space<vmem>>[vector<16xi32>], vector<16xi32>,
      %shift_left3A_302 = arith.constant 16 : i32
      %shift_left3A_303 = vector.broadcast %shift_left3A_302 : i32 to vector<16xi32>
      %shift_left3A_304 = arith.shli %gather3A_301, %shift_left3A_303 : vector<16xi32>
      %bitcast3A_305 = vector.bitcast %shift_left3A_304 : vector<16xi32> to vector<16xf32>
      %and3A_306 = arith.andi %gather3A_301, %broadcast_in_dim3A_8 : vector<16xi32>
      %bitcast3A_307 = vector.bitcast %and3A_306 : vector<16xi32> to vector<16xf32>
      %add3A_308 = arith.addf %add3A_293, %bitcast3A_305 : vector<16xf32>
      %add3A_309 = arith.addf %add3A_294, %bitcast3A_307 : vector<16xf32>
      %mul3A_310 = arith.constant 16 : i32
      %mul3A_311 = arith.muli %scan3A_69, %mul3A_310 : i32
      %get3A_312 = arith.constant 16 : i32
      %get3A_313 = arith.index_cast %get3A_312 : i32 to index
      %get3A_314 = arith.index_cast %mul3A_311 : i32 to index
      %get3A_315 = tpu.vector_load %arg8[%get3A_313, %get3A_314] {strides = array<i32>} : memref<50x128xi32, #tpu.memory_space<vmem>>, vector<16xi32>,
      %gather3A_316 = tpu.vector_load_idx %arg6[%get3A_315] : memref<100352xi32, #tpu.memory_space<vmem>>[vector<16xi32>], vector<16xi32>,
      %shift_left3A_317 = arith.constant 16 : i32
      %shift_left3A_318 = vector.broadcast %shift_left3A_317 : i32 to vector<16xi32>
      %shift_left3A_319 = arith.shli %gather3A_316, %shift_left3A_318 : vector<16xi32>
      %bitcast3A_320 = vector.bitcast %shift_left3A_319 : vector<16xi32> to vector<16xf32>
      %and3A_321 = arith.andi %gather3A_316, %broadcast_in_dim3A_8 : vector<16xi32>
      %bitcast3A_322 = vector.bitcast %and3A_321 : vector<16xi32> to vector<16xf32>
      %add3A_323 = arith.addf %add3A_308, %bitcast3A_320 : vector<16xf32>
      %add3A_324 = arith.addf %add3A_309, %bitcast3A_322 : vector<16xf32>
      %mul3A_325 = arith.constant 16 : i32
      %mul3A_326 = arith.muli %scan3A_69, %mul3A_325 : i32
      %get3A_327 = arith.constant 17 : i32
      %get3A_328 = arith.index_cast %get3A_327 : i32 to index
      %get3A_329 = arith.index_cast %mul3A_326 : i32 to index
      %get3A_330 = tpu.vector_load %arg8[%get3A_328, %get3A_329] {strides = array<i32>} : memref<50x128xi32, #tpu.memory_space<vmem>>, vector<16xi32>,
      %gather3A_331 = tpu.vector_load_idx %arg6[%get3A_330] : memref<100352xi32, #tpu.memory_space<vmem>>[vector<16xi32>], vector<16xi32>,
      %shift_left3A_332 = arith.constant 16 : i32
      %shift_left3A_333 = vector.broadcast %shift_left3A_332 : i32 to vector<16xi32>
      %shift_left3A_334 = arith.shli %gather3A_331, %shift_left3A_333 : vector<16xi32>
      %bitcast3A_335 = vector.bitcast %shift_left3A_334 : vector<16xi32> to vector<16xf32>
      %and3A_336 = arith.andi %gather3A_331, %broadcast_in_dim3A_8 : vector<16xi32>
      %bitcast3A_337 = vector.bitcast %and3A_336 : vector<16xi32> to vector<16xf32>
      %add3A_338 = arith.addf %add3A_323, %bitcast3A_335 : vector<16xf32>
      %add3A_339 = arith.addf %add3A_324, %bitcast3A_337 : vector<16xf32>
      %mul3A_340 = arith.constant 16 : i32
      %mul3A_341 = arith.muli %scan3A_69, %mul3A_340 : i32
      %get3A_342 = arith.constant 18 : i32
      %get3A_343 = arith.index_cast %get3A_342 : i32 to index
      %get3A_344 = arith.index_cast %mul3A_341 : i32 to index
      %get3A_345 = tpu.vector_load %arg8[%get3A_343, %get3A_344] {strides = array<i32>} : memref<50x128xi32, #tpu.memory_space<vmem>>, vector<16xi32>,
      %gather3A_346 = tpu.vector_load_idx %arg6[%get3A_345] : memref<100352xi32, #tpu.memory_space<vmem>>[vector<16xi32>], vector<16xi32>,
      %shift_left3A_347 = arith.constant 16 : i32
      %shift_left3A_348 = vector.broadcast %shift_left3A_347 : i32 to vector<16xi32>
      %shift_left3A_349 = arith.shli %gather3A_346, %shift_left3A_348 : vector<16xi32>
      %bitcast3A_350 = vector.bitcast %shift_left3A_349 : vector<16xi32> to vector<16xf32>
      %and3A_351 = arith.andi %gather3A_346, %broadcast_in_dim3A_8 : vector<16xi32>
      %bitcast3A_352 = vector.bitcast %and3A_351 : vector<16xi32> to vector<16xf32>
      %add3A_353 = arith.addf %add3A_338, %bitcast3A_350 : vector<16xf32>
      %add3A_354 = arith.addf %add3A_339, %bitcast3A_352 : vector<16xf32>
      %mul3A_355 = arith.constant 16 : i32
      %mul3A_356 = arith.muli %scan3A_69, %mul3A_355 : i32
      %get3A_357 = arith.constant 19 : i32
      %get3A_358 = arith.index_cast %get3A_357 : i32 to index
      %get3A_359 = arith.index_cast %mul3A_356 : i32 to index
      %get3A_360 = tpu.vector_load %arg8[%get3A_358, %get3A_359] {strides = array<i32>} : memref<50x128xi32, #tpu.memory_space<vmem>>, vector<16xi32>,
      %gather3A_361 = tpu.vector_load_idx %arg6[%get3A_360] : memref<100352xi32, #tpu.memory_space<vmem>>[vector<16xi32>], vector<16xi32>,
      %shift_left3A_362 = arith.constant 16 : i32
      %shift_left3A_363 = vector.broadcast %shift_left3A_362 : i32 to vector<16xi32>
      %shift_left3A_364 = arith.shli %gather3A_361, %shift_left3A_363 : vector<16xi32>
      %bitcast3A_365 = vector.bitcast %shift_left3A_364 : vector<16xi32> to vector<16xf32>
      %and3A_366 = arith.andi %gather3A_361, %broadcast_in_dim3A_8 : vector<16xi32>
      %bitcast3A_367 = vector.bitcast %and3A_366 : vector<16xi32> to vector<16xf32>
      %add3A_368 = arith.addf %add3A_353, %bitcast3A_365 : vector<16xf32>
      %add3A_369 = arith.addf %add3A_354, %bitcast3A_367 : vector<16xf32>
      %mul3A_370 = arith.constant 16 : i32
      %mul3A_371 = arith.muli %scan3A_69, %mul3A_370 : i32
      %get3A_372 = arith.constant 20 : i32
      %get3A_373 = arith.index_cast %get3A_372 : i32 to index
      %get3A_374 = arith.index_cast %mul3A_371 : i32 to index
      %get3A_375 = tpu.vector_load %arg8[%get3A_373, %get3A_374] {strides = array<i32>} : memref<50x128xi32, #tpu.memory_space<vmem>>, vector<16xi32>,
      %gather3A_376 = tpu.vector_load_idx %arg6[%get3A_375] : memref<100352xi32, #tpu.memory_space<vmem>>[vector<16xi32>], vector<16xi32>,
      %shift_left3A_377 = arith.constant 16 : i32
      %shift_left3A_378 = vector.broadcast %shift_left3A_377 : i32 to vector<16xi32>
      %shift_left3A_379 = arith.shli %gather3A_376, %shift_left3A_378 : vector<16xi32>
      %bitcast3A_380 = vector.bitcast %shift_left3A_379 : vector<16xi32> to vector<16xf32>
      %and3A_381 = arith.andi %gather3A_376, %broadcast_in_dim3A_8 : vector<16xi32>
      %bitcast3A_382 = vector.bitcast %and3A_381 : vector<16xi32> to vector<16xf32>
      %add3A_383 = arith.addf %add3A_368, %bitcast3A_380 : vector<16xf32>
      %add3A_384 = arith.addf %add3A_369, %bitcast3A_382 : vector<16xf32>
      %mul3A_385 = arith.constant 16 : i32
      %mul3A_386 = arith.muli %scan3A_69, %mul3A_385 : i32
      %get3A_387 = arith.constant 21 : i32
      %get3A_388 = arith.index_cast %get3A_387 : i32 to index
      %get3A_389 = arith.index_cast %mul3A_386 : i32 to index
      %get3A_390 = tpu.vector_load %arg8[%get3A_388, %get3A_389] {strides = array<i32>} : memref<50x128xi32, #tpu.memory_space<vmem>>, vector<16xi32>,
      %gather3A_391 = tpu.vector_load_idx %arg6[%get3A_390] : memref<100352xi32, #tpu.memory_space<vmem>>[vector<16xi32>], vector<16xi32>,
      %shift_left3A_392 = arith.constant 16 : i32
      %shift_left3A_393 = vector.broadcast %shift_left3A_392 : i32 to vector<16xi32>
      %shift_left3A_394 = arith.shli %gather3A_391, %shift_left3A_393 : vector<16xi32>
      %bitcast3A_395 = vector.bitcast %shift_left3A_394 : vector<16xi32> to vector<16xf32>
      %and3A_396 = arith.andi %gather3A_391, %broadcast_in_dim3A_8 : vector<16xi32>
      %bitcast3A_397 = vector.bitcast %and3A_396 : vector<16xi32> to vector<16xf32>
      %add3A_398 = arith.addf %add3A_383, %bitcast3A_395 : vector<16xf32>
      %add3A_399 = arith.addf %add3A_384, %bitcast3A_397 : vector<16xf32>
      %mul3A_400 = arith.constant 16 : i32
      %mul3A_401 = arith.muli %scan3A_69, %mul3A_400 : i32
      %get3A_402 = arith.constant 22 : i32
      %get3A_403 = arith.index_cast %get3A_402 : i32 to index
      %get3A_404 = arith.index_cast %mul3A_401 : i32 to index
      %get3A_405 = tpu.vector_load %arg8[%get3A_403, %get3A_404] {strides = array<i32>} : memref<50x128xi32, #tpu.memory_space<vmem>>, vector<16xi32>,
      %gather3A_406 = tpu.vector_load_idx %arg6[%get3A_405] : memref<100352xi32, #tpu.memory_space<vmem>>[vector<16xi32>], vector<16xi32>,
      %shift_left3A_407 = arith.constant 16 : i32
      %shift_left3A_408 = vector.broadcast %shift_left3A_407 : i32 to vector<16xi32>
      %shift_left3A_409 = arith.shli %gather3A_406, %shift_left3A_408 : vector<16xi32>
      %bitcast3A_410 = vector.bitcast %shift_left3A_409 : vector<16xi32> to vector<16xf32>
      %and3A_411 = arith.andi %gather3A_406, %broadcast_in_dim3A_8 : vector<16xi32>
      %bitcast3A_412 = vector.bitcast %and3A_411 : vector<16xi32> to vector<16xf32>
      %add3A_413 = arith.addf %add3A_398, %bitcast3A_410 : vector<16xf32>
      %add3A_414 = arith.addf %add3A_399, %bitcast3A_412 : vector<16xf32>
      %mul3A_415 = arith.constant 16 : i32
      %mul3A_416 = arith.muli %scan3A_69, %mul3A_415 : i32
      %get3A_417 = arith.constant 23 : i32
      %get3A_418 = arith.index_cast %get3A_417 : i32 to index
      %get3A_419 = arith.index_cast %mul3A_416 : i32 to index
      %get3A_420 = tpu.vector_load %arg8[%get3A_418, %get3A_419] {strides = array<i32>} : memref<50x128xi32, #tpu.memory_space<vmem>>, vector<16xi32>,
      %gather3A_421 = tpu.vector_load_idx %arg6[%get3A_420] : memref<100352xi32, #tpu.memory_space<vmem>>[vector<16xi32>], vector<16xi32>,
      %shift_left3A_422 = arith.constant 16 : i32
      %shift_left3A_423 = vector.broadcast %shift_left3A_422 : i32 to vector<16xi32>
      %shift_left3A_424 = arith.shli %gather3A_421, %shift_left3A_423 : vector<16xi32>
      %bitcast3A_425 = vector.bitcast %shift_left3A_424 : vector<16xi32> to vector<16xf32>
      %and3A_426 = arith.andi %gather3A_421, %broadcast_in_dim3A_8 : vector<16xi32>
      %bitcast3A_427 = vector.bitcast %and3A_426 : vector<16xi32> to vector<16xf32>
      %add3A_428 = arith.addf %add3A_413, %bitcast3A_425 : vector<16xf32>
      %add3A_429 = arith.addf %add3A_414, %bitcast3A_427 : vector<16xf32>
      %mul3A_430 = arith.constant 16 : i32
      %mul3A_431 = arith.muli %scan3A_69, %mul3A_430 : i32
      %get3A_432 = arith.constant 24 : i32
      %get3A_433 = arith.index_cast %get3A_432 : i32 to index
      %get3A_434 = arith.index_cast %mul3A_431 : i32 to index
      %get3A_435 = tpu.vector_load %arg8[%get3A_433, %get3A_434] {strides = array<i32>} : memref<50x128xi32, #tpu.memory_space<vmem>>, vector<16xi32>,
      %gather3A_436 = tpu.vector_load_idx %arg6[%get3A_435] : memref<100352xi32, #tpu.memory_space<vmem>>[vector<16xi32>], vector<16xi32>,
      %shift_left3A_437 = arith.constant 16 : i32
      %shift_left3A_438 = vector.broadcast %shift_left3A_437 : i32 to vector<16xi32>
      %shift_left3A_439 = arith.shli %gather3A_436, %shift_left3A_438 : vector<16xi32>
      %bitcast3A_440 = vector.bitcast %shift_left3A_439 : vector<16xi32> to vector<16xf32>
      %and3A_441 = arith.andi %gather3A_436, %broadcast_in_dim3A_8 : vector<16xi32>
      %bitcast3A_442 = vector.bitcast %and3A_441 : vector<16xi32> to vector<16xf32>
      %add3A_443 = arith.addf %add3A_428, %bitcast3A_440 : vector<16xf32>
      %add3A_444 = arith.addf %add3A_429, %bitcast3A_442 : vector<16xf32>
      %mul3A_445 = arith.constant 16 : i32
      %mul3A_446 = arith.muli %scan3A_69, %mul3A_445 : i32
      %get3A_447 = arith.constant 25 : i32
      %get3A_448 = arith.index_cast %get3A_447 : i32 to index
      %get3A_449 = arith.index_cast %mul3A_446 : i32 to index
      %get3A_450 = tpu.vector_load %arg8[%get3A_448, %get3A_449] {strides = array<i32>} : memref<50x128xi32, #tpu.memory_space<vmem>>, vector<16xi32>,
      %gather3A_451 = tpu.vector_load_idx %arg6[%get3A_450] : memref<100352xi32, #tpu.memory_space<vmem>>[vector<16xi32>], vector<16xi32>,
      %shift_left3A_452 = arith.constant 16 : i32
      %shift_left3A_453 = vector.broadcast %shift_left3A_452 : i32 to vector<16xi32>
      %shift_left3A_454 = arith.shli %gather3A_451, %shift_left3A_453 : vector<16xi32>
      %bitcast3A_455 = vector.bitcast %shift_left3A_454 : vector<16xi32> to vector<16xf32>
      %and3A_456 = arith.andi %gather3A_451, %broadcast_in_dim3A_8 : vector<16xi32>
      %bitcast3A_457 = vector.bitcast %and3A_456 : vector<16xi32> to vector<16xf32>
      %add3A_458 = arith.addf %add3A_443, %bitcast3A_455 : vector<16xf32>
      %add3A_459 = arith.addf %add3A_444, %bitcast3A_457 : vector<16xf32>
      %mul3A_460 = arith.constant 16 : i32
      %mul3A_461 = arith.muli %scan3A_69, %mul3A_460 : i32
      %get3A_462 = arith.constant 26 : i32
      %get3A_463 = arith.index_cast %get3A_462 : i32 to index
      %get3A_464 = arith.index_cast %mul3A_461 : i32 to index
      %get3A_465 = tpu.vector_load %arg8[%get3A_463, %get3A_464] {strides = array<i32>} : memref<50x128xi32, #tpu.memory_space<vmem>>, vector<16xi32>,
      %gather3A_466 = tpu.vector_load_idx %arg6[%get3A_465] : memref<100352xi32, #tpu.memory_space<vmem>>[vector<16xi32>], vector<16xi32>,
      %shift_left3A_467 = arith.constant 16 : i32
      %shift_left3A_468 = vector.broadcast %shift_left3A_467 : i32 to vector<16xi32>
      %shift_left3A_469 = arith.shli %gather3A_466, %shift_left3A_468 : vector<16xi32>
      %bitcast3A_470 = vector.bitcast %shift_left3A_469 : vector<16xi32> to vector<16xf32>
      %and3A_471 = arith.andi %gather3A_466, %broadcast_in_dim3A_8 : vector<16xi32>
      %bitcast3A_472 = vector.bitcast %and3A_471 : vector<16xi32> to vector<16xf32>
      %add3A_473 = arith.addf %add3A_458, %bitcast3A_470 : vector<16xf32>
      %add3A_474 = arith.addf %add3A_459, %bitcast3A_472 : vector<16xf32>
      %mul3A_475 = arith.constant 16 : i32
      %mul3A_476 = arith.muli %scan3A_69, %mul3A_475 : i32
      %get3A_477 = arith.constant 27 : i32
      %get3A_478 = arith.index_cast %get3A_477 : i32 to index
      %get3A_479 = arith.index_cast %mul3A_476 : i32 to index
      %get3A_480 = tpu.vector_load %arg8[%get3A_478, %get3A_479] {strides = array<i32>} : memref<50x128xi32, #tpu.memory_space<vmem>>, vector<16xi32>,
      %gather3A_481 = tpu.vector_load_idx %arg6[%get3A_480] : memref<100352xi32, #tpu.memory_space<vmem>>[vector<16xi32>], vector<16xi32>,
      %shift_left3A_482 = arith.constant 16 : i32
      %shift_left3A_483 = vector.broadcast %shift_left3A_482 : i32 to vector<16xi32>
      %shift_left3A_484 = arith.shli %gather3A_481, %shift_left3A_483 : vector<16xi32>
      %bitcast3A_485 = vector.bitcast %shift_left3A_484 : vector<16xi32> to vector<16xf32>
      %and3A_486 = arith.andi %gather3A_481, %broadcast_in_dim3A_8 : vector<16xi32>
      %bitcast3A_487 = vector.bitcast %and3A_486 : vector<16xi32> to vector<16xf32>
      %add3A_488 = arith.addf %add3A_473, %bitcast3A_485 : vector<16xf32>
      %add3A_489 = arith.addf %add3A_474, %bitcast3A_487 : vector<16xf32>
      %mul3A_490 = arith.constant 16 : i32
      %mul3A_491 = arith.muli %scan3A_69, %mul3A_490 : i32
      %get3A_492 = arith.constant 28 : i32
      %get3A_493 = arith.index_cast %get3A_492 : i32 to index
      %get3A_494 = arith.index_cast %mul3A_491 : i32 to index
      %get3A_495 = tpu.vector_load %arg8[%get3A_493, %get3A_494] {strides = array<i32>} : memref<50x128xi32, #tpu.memory_space<vmem>>, vector<16xi32>,
      %gather3A_496 = tpu.vector_load_idx %arg6[%get3A_495] : memref<100352xi32, #tpu.memory_space<vmem>>[vector<16xi32>], vector<16xi32>,
      %shift_left3A_497 = arith.constant 16 : i32
      %shift_left3A_498 = vector.broadcast %shift_left3A_497 : i32 to vector<16xi32>
      %shift_left3A_499 = arith.shli %gather3A_496, %shift_left3A_498 : vector<16xi32>
      %bitcast3A_500 = vector.bitcast %shift_left3A_499 : vector<16xi32> to vector<16xf32>
      %and3A_501 = arith.andi %gather3A_496, %broadcast_in_dim3A_8 : vector<16xi32>
      %bitcast3A_502 = vector.bitcast %and3A_501 : vector<16xi32> to vector<16xf32>
      %add3A_503 = arith.addf %add3A_488, %bitcast3A_500 : vector<16xf32>
      %add3A_504 = arith.addf %add3A_489, %bitcast3A_502 : vector<16xf32>
      %mul3A_505 = arith.constant 16 : i32
      %mul3A_506 = arith.muli %scan3A_69, %mul3A_505 : i32
      %get3A_507 = arith.constant 29 : i32
      %get3A_508 = arith.index_cast %get3A_507 : i32 to index
      %get3A_509 = arith.index_cast %mul3A_506 : i32 to index
      %get3A_510 = tpu.vector_load %arg8[%get3A_508, %get3A_509] {strides = array<i32>} : memref<50x128xi32, #tpu.memory_space<vmem>>, vector<16xi32>,
      %gather3A_511 = tpu.vector_load_idx %arg6[%get3A_510] : memref<100352xi32, #tpu.memory_space<vmem>>[vector<16xi32>], vector<16xi32>,
      %shift_left3A_512 = arith.constant 16 : i32
      %shift_left3A_513 = vector.broadcast %shift_left3A_512 : i32 to vector<16xi32>
      %shift_left3A_514 = arith.shli %gather3A_511, %shift_left3A_513 : vector<16xi32>
      %bitcast3A_515 = vector.bitcast %shift_left3A_514 : vector<16xi32> to vector<16xf32>
      %and3A_516 = arith.andi %gather3A_511, %broadcast_in_dim3A_8 : vector<16xi32>
      %bitcast3A_517 = vector.bitcast %and3A_516 : vector<16xi32> to vector<16xf32>
      %add3A_518 = arith.addf %add3A_503, %bitcast3A_515 : vector<16xf32>
      %add3A_519 = arith.addf %add3A_504, %bitcast3A_517 : vector<16xf32>
      %mul3A_520 = arith.constant 16 : i32
      %mul3A_521 = arith.muli %scan3A_69, %mul3A_520 : i32
      %get3A_522 = arith.constant 30 : i32
      %get3A_523 = arith.index_cast %get3A_522 : i32 to index
      %get3A_524 = arith.index_cast %mul3A_521 : i32 to index
      %get3A_525 = tpu.vector_load %arg8[%get3A_523, %get3A_524] {strides = array<i32>} : memref<50x128xi32, #tpu.memory_space<vmem>>, vector<16xi32>,
      %gather3A_526 = tpu.vector_load_idx %arg6[%get3A_525] : memref<100352xi32, #tpu.memory_space<vmem>>[vector<16xi32>], vector<16xi32>,
      %shift_left3A_527 = arith.constant 16 : i32
      %shift_left3A_528 = vector.broadcast %shift_left3A_527 : i32 to vector<16xi32>
      %shift_left3A_529 = arith.shli %gather3A_526, %shift_left3A_528 : vector<16xi32>
      %bitcast3A_530 = vector.bitcast %shift_left3A_529 : vector<16xi32> to vector<16xf32>
      %and3A_531 = arith.andi %gather3A_526, %broadcast_in_dim3A_8 : vector<16xi32>
      %bitcast3A_532 = vector.bitcast %and3A_531 : vector<16xi32> to vector<16xf32>
      %add3A_533 = arith.addf %add3A_518, %bitcast3A_530 : vector<16xf32>
      %add3A_534 = arith.addf %add3A_519, %bitcast3A_532 : vector<16xf32>
      %mul3A_535 = arith.constant 16 : i32
      %mul3A_536 = arith.muli %scan3A_69, %mul3A_535 : i32
      %get3A_537 = arith.constant 31 : i32
      %get3A_538 = arith.index_cast %get3A_537 : i32 to index
      %get3A_539 = arith.index_cast %mul3A_536 : i32 to index
      %get3A_540 = tpu.vector_load %arg8[%get3A_538, %get3A_539] {strides = array<i32>} : memref<50x128xi32, #tpu.memory_space<vmem>>, vector<16xi32>,
      %gather3A_541 = tpu.vector_load_idx %arg6[%get3A_540] : memref<100352xi32, #tpu.memory_space<vmem>>[vector<16xi32>], vector<16xi32>,
      %shift_left3A_542 = arith.constant 16 : i32
      %shift_left3A_543 = vector.broadcast %shift_left3A_542 : i32 to vector<16xi32>
      %shift_left3A_544 = arith.shli %gather3A_541, %shift_left3A_543 : vector<16xi32>
      %bitcast3A_545 = vector.bitcast %shift_left3A_544 : vector<16xi32> to vector<16xf32>
      %and3A_546 = arith.andi %gather3A_541, %broadcast_in_dim3A_8 : vector<16xi32>
      %bitcast3A_547 = vector.bitcast %and3A_546 : vector<16xi32> to vector<16xf32>
      %add3A_548 = arith.addf %add3A_533, %bitcast3A_545 : vector<16xf32>
      %add3A_549 = arith.addf %add3A_534, %bitcast3A_547 : vector<16xf32>
      %mul3A_550 = arith.constant 16 : i32
      %mul3A_551 = arith.muli %scan3A_69, %mul3A_550 : i32
      %get3A_552 = arith.constant 32 : i32
      %get3A_553 = arith.index_cast %get3A_552 : i32 to index
      %get3A_554 = arith.index_cast %mul3A_551 : i32 to index
      %get3A_555 = tpu.vector_load %arg8[%get3A_553, %get3A_554] {strides = array<i32>} : memref<50x128xi32, #tpu.memory_space<vmem>>, vector<16xi32>,
      %gather3A_556 = tpu.vector_load_idx %arg6[%get3A_555] : memref<100352xi32, #tpu.memory_space<vmem>>[vector<16xi32>], vector<16xi32>,
      %shift_left3A_557 = arith.constant 16 : i32
      %shift_left3A_558 = vector.broadcast %shift_left3A_557 : i32 to vector<16xi32>
      %shift_left3A_559 = arith.shli %gather3A_556, %shift_left3A_558 : vector<16xi32>
      %bitcast3A_560 = vector.bitcast %shift_left3A_559 : vector<16xi32> to vector<16xf32>
      %and3A_561 = arith.andi %gather3A_556, %broadcast_in_dim3A_8 : vector<16xi32>
      %bitcast3A_562 = vector.bitcast %and3A_561 : vector<16xi32> to vector<16xf32>
      %add3A_563 = arith.addf %add3A_548, %bitcast3A_560 : vector<16xf32>
      %add3A_564 = arith.addf %add3A_549, %bitcast3A_562 : vector<16xf32>
      %mul3A_565 = arith.constant 16 : i32
      %mul3A_566 = arith.muli %scan3A_69, %mul3A_565 : i32
      %get3A_567 = arith.constant 33 : i32
      %get3A_568 = arith.index_cast %get3A_567 : i32 to index
      %get3A_569 = arith.index_cast %mul3A_566 : i32 to index
      %get3A_570 = tpu.vector_load %arg8[%get3A_568, %get3A_569] {strides = array<i32>} : memref<50x128xi32, #tpu.memory_space<vmem>>, vector<16xi32>,
      %gather3A_571 = tpu.vector_load_idx %arg6[%get3A_570] : memref<100352xi32, #tpu.memory_space<vmem>>[vector<16xi32>], vector<16xi32>,
      %shift_left3A_572 = arith.constant 16 : i32
      %shift_left3A_573 = vector.broadcast %shift_left3A_572 : i32 to vector<16xi32>
      %shift_left3A_574 = arith.shli %gather3A_571, %shift_left3A_573 : vector<16xi32>
      %bitcast3A_575 = vector.bitcast %shift_left3A_574 : vector<16xi32> to vector<16xf32>
      %and3A_576 = arith.andi %gather3A_571, %broadcast_in_dim3A_8 : vector<16xi32>
      %bitcast3A_577 = vector.bitcast %and3A_576 : vector<16xi32> to vector<16xf32>
      %add3A_578 = arith.addf %add3A_563, %bitcast3A_575 : vector<16xf32>
      %add3A_579 = arith.addf %add3A_564, %bitcast3A_577 : vector<16xf32>
      %mul3A_580 = arith.constant 16 : i32
      %mul3A_581 = arith.muli %scan3A_69, %mul3A_580 : i32
      %get3A_582 = arith.constant 34 : i32
      %get3A_583 = arith.index_cast %get3A_582 : i32 to index
      %get3A_584 = arith.index_cast %mul3A_581 : i32 to index
      %get3A_585 = tpu.vector_load %arg8[%get3A_583, %get3A_584] {strides = array<i32>} : memref<50x128xi32, #tpu.memory_space<vmem>>, vector<16xi32>,
      %gather3A_586 = tpu.vector_load_idx %arg6[%get3A_585] : memref<100352xi32, #tpu.memory_space<vmem>>[vector<16xi32>], vector<16xi32>,
      %shift_left3A_587 = arith.constant 16 : i32
      %shift_left3A_588 = vector.broadcast %shift_left3A_587 : i32 to vector<16xi32>
      %shift_left3A_589 = arith.shli %gather3A_586, %shift_left3A_588 : vector<16xi32>
      %bitcast3A_590 = vector.bitcast %shift_left3A_589 : vector<16xi32> to vector<16xf32>
      %and3A_591 = arith.andi %gather3A_586, %broadcast_in_dim3A_8 : vector<16xi32>
      %bitcast3A_592 = vector.bitcast %and3A_591 : vector<16xi32> to vector<16xf32>
      %add3A_593 = arith.addf %add3A_578, %bitcast3A_590 : vector<16xf32>
      %add3A_594 = arith.addf %add3A_579, %bitcast3A_592 : vector<16xf32>
      %mul3A_595 = arith.constant 16 : i32
      %mul3A_596 = arith.muli %scan3A_69, %mul3A_595 : i32
      %get3A_597 = arith.constant 35 : i32
      %get3A_598 = arith.index_cast %get3A_597 : i32 to index
      %get3A_599 = arith.index_cast %mul3A_596 : i32 to index
      %get3A_600 = tpu.vector_load %arg8[%get3A_598, %get3A_599] {strides = array<i32>} : memref<50x128xi32, #tpu.memory_space<vmem>>, vector<16xi32>,
      %gather3A_601 = tpu.vector_load_idx %arg6[%get3A_600] : memref<100352xi32, #tpu.memory_space<vmem>>[vector<16xi32>], vector<16xi32>,
      %shift_left3A_602 = arith.constant 16 : i32
      %shift_left3A_603 = vector.broadcast %shift_left3A_602 : i32 to vector<16xi32>
      %shift_left3A_604 = arith.shli %gather3A_601, %shift_left3A_603 : vector<16xi32>
      %bitcast3A_605 = vector.bitcast %shift_left3A_604 : vector<16xi32> to vector<16xf32>
      %and3A_606 = arith.andi %gather3A_601, %broadcast_in_dim3A_8 : vector<16xi32>
      %bitcast3A_607 = vector.bitcast %and3A_606 : vector<16xi32> to vector<16xf32>
      %add3A_608 = arith.addf %add3A_593, %bitcast3A_605 : vector<16xf32>
      %add3A_609 = arith.addf %add3A_594, %bitcast3A_607 : vector<16xf32>
      %mul3A_610 = arith.constant 16 : i32
      %mul3A_611 = arith.muli %scan3A_69, %mul3A_610 : i32
      %get3A_612 = arith.constant 36 : i32
      %get3A_613 = arith.index_cast %get3A_612 : i32 to index
      %get3A_614 = arith.index_cast %mul3A_611 : i32 to index
      %get3A_615 = tpu.vector_load %arg8[%get3A_613, %get3A_614] {strides = array<i32>} : memref<50x128xi32, #tpu.memory_space<vmem>>, vector<16xi32>,
      %gather3A_616 = tpu.vector_load_idx %arg6[%get3A_615] : memref<100352xi32, #tpu.memory_space<vmem>>[vector<16xi32>], vector<16xi32>,
      %shift_left3A_617 = arith.constant 16 : i32
      %shift_left3A_618 = vector.broadcast %shift_left3A_617 : i32 to vector<16xi32>
      %shift_left3A_619 = arith.shli %gather3A_616, %shift_left3A_618 : vector<16xi32>
      %bitcast3A_620 = vector.bitcast %shift_left3A_619 : vector<16xi32> to vector<16xf32>
      %and3A_621 = arith.andi %gather3A_616, %broadcast_in_dim3A_8 : vector<16xi32>
      %bitcast3A_622 = vector.bitcast %and3A_621 : vector<16xi32> to vector<16xf32>
      %add3A_623 = arith.addf %add3A_608, %bitcast3A_620 : vector<16xf32>
      %add3A_624 = arith.addf %add3A_609, %bitcast3A_622 : vector<16xf32>
      %mul3A_625 = arith.constant 16 : i32
      %mul3A_626 = arith.muli %scan3A_69, %mul3A_625 : i32
      %get3A_627 = arith.constant 37 : i32
      %get3A_628 = arith.index_cast %get3A_627 : i32 to index
      %get3A_629 = arith.index_cast %mul3A_626 : i32 to index
      %get3A_630 = tpu.vector_load %arg8[%get3A_628, %get3A_629] {strides = array<i32>} : memref<50x128xi32, #tpu.memory_space<vmem>>, vector<16xi32>,
      %gather3A_631 = tpu.vector_load_idx %arg6[%get3A_630] : memref<100352xi32, #tpu.memory_space<vmem>>[vector<16xi32>], vector<16xi32>,
      %shift_left3A_632 = arith.constant 16 : i32
      %shift_left3A_633 = vector.broadcast %shift_left3A_632 : i32 to vector<16xi32>
      %shift_left3A_634 = arith.shli %gather3A_631, %shift_left3A_633 : vector<16xi32>
      %bitcast3A_635 = vector.bitcast %shift_left3A_634 : vector<16xi32> to vector<16xf32>
      %and3A_636 = arith.andi %gather3A_631, %broadcast_in_dim3A_8 : vector<16xi32>
      %bitcast3A_637 = vector.bitcast %and3A_636 : vector<16xi32> to vector<16xf32>
      %add3A_638 = arith.addf %add3A_623, %bitcast3A_635 : vector<16xf32>
      %add3A_639 = arith.addf %add3A_624, %bitcast3A_637 : vector<16xf32>
      %mul3A_640 = arith.constant 16 : i32
      %mul3A_641 = arith.muli %scan3A_69, %mul3A_640 : i32
      %get3A_642 = arith.constant 38 : i32
      %get3A_643 = arith.index_cast %get3A_642 : i32 to index
      %get3A_644 = arith.index_cast %mul3A_641 : i32 to index
      %get3A_645 = tpu.vector_load %arg8[%get3A_643, %get3A_644] {strides = array<i32>} : memref<50x128xi32, #tpu.memory_space<vmem>>, vector<16xi32>,
      %gather3A_646 = tpu.vector_load_idx %arg6[%get3A_645] : memref<100352xi32, #tpu.memory_space<vmem>>[vector<16xi32>], vector<16xi32>,
      %shift_left3A_647 = arith.constant 16 : i32
      %shift_left3A_648 = vector.broadcast %shift_left3A_647 : i32 to vector<16xi32>
      %shift_left3A_649 = arith.shli %gather3A_646, %shift_left3A_648 : vector<16xi32>
      %bitcast3A_650 = vector.bitcast %shift_left3A_649 : vector<16xi32> to vector<16xf32>
      %and3A_651 = arith.andi %gather3A_646, %broadcast_in_dim3A_8 : vector<16xi32>
      %bitcast3A_652 = vector.bitcast %and3A_651 : vector<16xi32> to vector<16xf32>
      %add3A_653 = arith.addf %add3A_638, %bitcast3A_650 : vector<16xf32>
      %add3A_654 = arith.addf %add3A_639, %bitcast3A_652 : vector<16xf32>
      %mul3A_655 = arith.constant 16 : i32
      %mul3A_656 = arith.muli %scan3A_69, %mul3A_655 : i32
      %get3A_657 = arith.constant 39 : i32
      %get3A_658 = arith.index_cast %get3A_657 : i32 to index
      %get3A_659 = arith.index_cast %mul3A_656 : i32 to index
      %get3A_660 = tpu.vector_load %arg8[%get3A_658, %get3A_659] {strides = array<i32>} : memref<50x128xi32, #tpu.memory_space<vmem>>, vector<16xi32>,
      %gather3A_661 = tpu.vector_load_idx %arg6[%get3A_660] : memref<100352xi32, #tpu.memory_space<vmem>>[vector<16xi32>], vector<16xi32>,
      %shift_left3A_662 = arith.constant 16 : i32
      %shift_left3A_663 = vector.broadcast %shift_left3A_662 : i32 to vector<16xi32>
      %shift_left3A_664 = arith.shli %gather3A_661, %shift_left3A_663 : vector<16xi32>
      %bitcast3A_665 = vector.bitcast %shift_left3A_664 : vector<16xi32> to vector<16xf32>
      %and3A_666 = arith.andi %gather3A_661, %broadcast_in_dim3A_8 : vector<16xi32>
      %bitcast3A_667 = vector.bitcast %and3A_666 : vector<16xi32> to vector<16xf32>
      %add3A_668 = arith.addf %add3A_653, %bitcast3A_665 : vector<16xf32>
      %add3A_669 = arith.addf %add3A_654, %bitcast3A_667 : vector<16xf32>
      %mul3A_670 = arith.constant 16 : i32
      %mul3A_671 = arith.muli %scan3A_69, %mul3A_670 : i32
      %get3A_672 = arith.constant 40 : i32
      %get3A_673 = arith.index_cast %get3A_672 : i32 to index
      %get3A_674 = arith.index_cast %mul3A_671 : i32 to index
      %get3A_675 = tpu.vector_load %arg8[%get3A_673, %get3A_674] {strides = array<i32>} : memref<50x128xi32, #tpu.memory_space<vmem>>, vector<16xi32>,
      %gather3A_676 = tpu.vector_load_idx %arg6[%get3A_675] : memref<100352xi32, #tpu.memory_space<vmem>>[vector<16xi32>], vector<16xi32>,
      %shift_left3A_677 = arith.constant 16 : i32
      %shift_left3A_678 = vector.broadcast %shift_left3A_677 : i32 to vector<16xi32>
      %shift_left3A_679 = arith.shli %gather3A_676, %shift_left3A_678 : vector<16xi32>
      %bitcast3A_680 = vector.bitcast %shift_left3A_679 : vector<16xi32> to vector<16xf32>
      %and3A_681 = arith.andi %gather3A_676, %broadcast_in_dim3A_8 : vector<16xi32>
      %bitcast3A_682 = vector.bitcast %and3A_681 : vector<16xi32> to vector<16xf32>
      %add3A_683 = arith.addf %add3A_668, %bitcast3A_680 : vector<16xf32>
      %add3A_684 = arith.addf %add3A_669, %bitcast3A_682 : vector<16xf32>
      %mul3A_685 = arith.constant 16 : i32
      %mul3A_686 = arith.muli %scan3A_69, %mul3A_685 : i32
      %get3A_687 = arith.constant 41 : i32
      %get3A_688 = arith.index_cast %get3A_687 : i32 to index
      %get3A_689 = arith.index_cast %mul3A_686 : i32 to index
      %get3A_690 = tpu.vector_load %arg8[%get3A_688, %get3A_689] {strides = array<i32>} : memref<50x128xi32, #tpu.memory_space<vmem>>, vector<16xi32>,
      %gather3A_691 = tpu.vector_load_idx %arg6[%get3A_690] : memref<100352xi32, #tpu.memory_space<vmem>>[vector<16xi32>], vector<16xi32>,
      %shift_left3A_692 = arith.constant 16 : i32
      %shift_left3A_693 = vector.broadcast %shift_left3A_692 : i32 to vector<16xi32>
      %shift_left3A_694 = arith.shli %gather3A_691, %shift_left3A_693 : vector<16xi32>
      %bitcast3A_695 = vector.bitcast %shift_left3A_694 : vector<16xi32> to vector<16xf32>
      %and3A_696 = arith.andi %gather3A_691, %broadcast_in_dim3A_8 : vector<16xi32>
      %bitcast3A_697 = vector.bitcast %and3A_696 : vector<16xi32> to vector<16xf32>
      %add3A_698 = arith.addf %add3A_683, %bitcast3A_695 : vector<16xf32>
      %add3A_699 = arith.addf %add3A_684, %bitcast3A_697 : vector<16xf32>
      %mul3A_700 = arith.constant 16 : i32
      %mul3A_701 = arith.muli %scan3A_69, %mul3A_700 : i32
      %get3A_702 = arith.constant 42 : i32
      %get3A_703 = arith.index_cast %get3A_702 : i32 to index
      %get3A_704 = arith.index_cast %mul3A_701 : i32 to index
      %get3A_705 = tpu.vector_load %arg8[%get3A_703, %get3A_704] {strides = array<i32>} : memref<50x128xi32, #tpu.memory_space<vmem>>, vector<16xi32>,
      %gather3A_706 = tpu.vector_load_idx %arg6[%get3A_705] : memref<100352xi32, #tpu.memory_space<vmem>>[vector<16xi32>], vector<16xi32>,
      %shift_left3A_707 = arith.constant 16 : i32
      %shift_left3A_708 = vector.broadcast %shift_left3A_707 : i32 to vector<16xi32>
      %shift_left3A_709 = arith.shli %gather3A_706, %shift_left3A_708 : vector<16xi32>
      %bitcast3A_710 = vector.bitcast %shift_left3A_709 : vector<16xi32> to vector<16xf32>
      %and3A_711 = arith.andi %gather3A_706, %broadcast_in_dim3A_8 : vector<16xi32>
      %bitcast3A_712 = vector.bitcast %and3A_711 : vector<16xi32> to vector<16xf32>
      %add3A_713 = arith.addf %add3A_698, %bitcast3A_710 : vector<16xf32>
      %add3A_714 = arith.addf %add3A_699, %bitcast3A_712 : vector<16xf32>
      %mul3A_715 = arith.constant 16 : i32
      %mul3A_716 = arith.muli %scan3A_69, %mul3A_715 : i32
      %get3A_717 = arith.constant 43 : i32
      %get3A_718 = arith.index_cast %get3A_717 : i32 to index
      %get3A_719 = arith.index_cast %mul3A_716 : i32 to index
      %get3A_720 = tpu.vector_load %arg8[%get3A_718, %get3A_719] {strides = array<i32>} : memref<50x128xi32, #tpu.memory_space<vmem>>, vector<16xi32>,
      %gather3A_721 = tpu.vector_load_idx %arg6[%get3A_720] : memref<100352xi32, #tpu.memory_space<vmem>>[vector<16xi32>], vector<16xi32>,
      %shift_left3A_722 = arith.constant 16 : i32
      %shift_left3A_723 = vector.broadcast %shift_left3A_722 : i32 to vector<16xi32>
      %shift_left3A_724 = arith.shli %gather3A_721, %shift_left3A_723 : vector<16xi32>
      %bitcast3A_725 = vector.bitcast %shift_left3A_724 : vector<16xi32> to vector<16xf32>
      %and3A_726 = arith.andi %gather3A_721, %broadcast_in_dim3A_8 : vector<16xi32>
      %bitcast3A_727 = vector.bitcast %and3A_726 : vector<16xi32> to vector<16xf32>
      %add3A_728 = arith.addf %add3A_713, %bitcast3A_725 : vector<16xf32>
      %add3A_729 = arith.addf %add3A_714, %bitcast3A_727 : vector<16xf32>
      %mul3A_730 = arith.constant 16 : i32
      %mul3A_731 = arith.muli %scan3A_69, %mul3A_730 : i32
      %get3A_732 = arith.constant 44 : i32
      %get3A_733 = arith.index_cast %get3A_732 : i32 to index
      %get3A_734 = arith.index_cast %mul3A_731 : i32 to index
      %get3A_735 = tpu.vector_load %arg8[%get3A_733, %get3A_734] {strides = array<i32>} : memref<50x128xi32, #tpu.memory_space<vmem>>, vector<16xi32>,
      %gather3A_736 = tpu.vector_load_idx %arg6[%get3A_735] : memref<100352xi32, #tpu.memory_space<vmem>>[vector<16xi32>], vector<16xi32>,
      %shift_left3A_737 = arith.constant 16 : i32
      %shift_left3A_738 = vector.broadcast %shift_left3A_737 : i32 to vector<16xi32>
      %shift_left3A_739 = arith.shli %gather3A_736, %shift_left3A_738 : vector<16xi32>
      %bitcast3A_740 = vector.bitcast %shift_left3A_739 : vector<16xi32> to vector<16xf32>
      %and3A_741 = arith.andi %gather3A_736, %broadcast_in_dim3A_8 : vector<16xi32>
      %bitcast3A_742 = vector.bitcast %and3A_741 : vector<16xi32> to vector<16xf32>
      %add3A_743 = arith.addf %add3A_728, %bitcast3A_740 : vector<16xf32>
      %add3A_744 = arith.addf %add3A_729, %bitcast3A_742 : vector<16xf32>
      %mul3A_745 = arith.constant 16 : i32
      %mul3A_746 = arith.muli %scan3A_69, %mul3A_745 : i32
      %get3A_747 = arith.constant 45 : i32
      %get3A_748 = arith.index_cast %get3A_747 : i32 to index
      %get3A_749 = arith.index_cast %mul3A_746 : i32 to index
      %get3A_750 = tpu.vector_load %arg8[%get3A_748, %get3A_749] {strides = array<i32>} : memref<50x128xi32, #tpu.memory_space<vmem>>, vector<16xi32>,
      %gather3A_751 = tpu.vector_load_idx %arg6[%get3A_750] : memref<100352xi32, #tpu.memory_space<vmem>>[vector<16xi32>], vector<16xi32>,
      %shift_left3A_752 = arith.constant 16 : i32
      %shift_left3A_753 = vector.broadcast %shift_left3A_752 : i32 to vector<16xi32>
      %shift_left3A_754 = arith.shli %gather3A_751, %shift_left3A_753 : vector<16xi32>
      %bitcast3A_755 = vector.bitcast %shift_left3A_754 : vector<16xi32> to vector<16xf32>
      %and3A_756 = arith.andi %gather3A_751, %broadcast_in_dim3A_8 : vector<16xi32>
      %bitcast3A_757 = vector.bitcast %and3A_756 : vector<16xi32> to vector<16xf32>
      %add3A_758 = arith.addf %add3A_743, %bitcast3A_755 : vector<16xf32>
      %add3A_759 = arith.addf %add3A_744, %bitcast3A_757 : vector<16xf32>
      %mul3A_760 = arith.constant 16 : i32
      %mul3A_761 = arith.muli %scan3A_69, %mul3A_760 : i32
      %get3A_762 = arith.constant 46 : i32
      %get3A_763 = arith.index_cast %get3A_762 : i32 to index
      %get3A_764 = arith.index_cast %mul3A_761 : i32 to index
      %get3A_765 = tpu.vector_load %arg8[%get3A_763, %get3A_764] {strides = array<i32>} : memref<50x128xi32, #tpu.memory_space<vmem>>, vector<16xi32>,
      %gather3A_766 = tpu.vector_load_idx %arg6[%get3A_765] : memref<100352xi32, #tpu.memory_space<vmem>>[vector<16xi32>], vector<16xi32>,
      %shift_left3A_767 = arith.constant 16 : i32
      %shift_left3A_768 = vector.broadcast %shift_left3A_767 : i32 to vector<16xi32>
      %shift_left3A_769 = arith.shli %gather3A_766, %shift_left3A_768 : vector<16xi32>
      %bitcast3A_770 = vector.bitcast %shift_left3A_769 : vector<16xi32> to vector<16xf32>
      %and3A_771 = arith.andi %gather3A_766, %broadcast_in_dim3A_8 : vector<16xi32>
      %bitcast3A_772 = vector.bitcast %and3A_771 : vector<16xi32> to vector<16xf32>
      %add3A_773 = arith.addf %add3A_758, %bitcast3A_770 : vector<16xf32>
      %add3A_774 = arith.addf %add3A_759, %bitcast3A_772 : vector<16xf32>
      %mul3A_775 = arith.constant 16 : i32
      %mul3A_776 = arith.muli %scan3A_69, %mul3A_775 : i32
      %get3A_777 = arith.constant 47 : i32
      %get3A_778 = arith.index_cast %get3A_777 : i32 to index
      %get3A_779 = arith.index_cast %mul3A_776 : i32 to index
      %get3A_780 = tpu.vector_load %arg8[%get3A_778, %get3A_779] {strides = array<i32>} : memref<50x128xi32, #tpu.memory_space<vmem>>, vector<16xi32>,
      %gather3A_781 = tpu.vector_load_idx %arg6[%get3A_780] : memref<100352xi32, #tpu.memory_space<vmem>>[vector<16xi32>], vector<16xi32>,
      %shift_left3A_782 = arith.constant 16 : i32
      %shift_left3A_783 = vector.broadcast %shift_left3A_782 : i32 to vector<16xi32>
      %shift_left3A_784 = arith.shli %gather3A_781, %shift_left3A_783 : vector<16xi32>
      %bitcast3A_785 = vector.bitcast %shift_left3A_784 : vector<16xi32> to vector<16xf32>
      %and3A_786 = arith.andi %gather3A_781, %broadcast_in_dim3A_8 : vector<16xi32>
      %bitcast3A_787 = vector.bitcast %and3A_786 : vector<16xi32> to vector<16xf32>
      %add3A_788 = arith.addf %add3A_773, %bitcast3A_785 : vector<16xf32>
      %add3A_789 = arith.addf %add3A_774, %bitcast3A_787 : vector<16xf32>
      %mul3A_790 = arith.constant 16 : i32
      %mul3A_791 = arith.muli %scan3A_69, %mul3A_790 : i32
      %get3A_792 = arith.constant 48 : i32
      %get3A_793 = arith.index_cast %get3A_792 : i32 to index
      %get3A_794 = arith.index_cast %mul3A_791 : i32 to index
      %get3A_795 = tpu.vector_load %arg8[%get3A_793, %get3A_794] {strides = array<i32>} : memref<50x128xi32, #tpu.memory_space<vmem>>, vector<16xi32>,
      %gather3A_796 = tpu.vector_load_idx %arg6[%get3A_795] : memref<100352xi32, #tpu.memory_space<vmem>>[vector<16xi32>], vector<16xi32>,
      %shift_left3A_797 = arith.constant 16 : i32
      %shift_left3A_798 = vector.broadcast %shift_left3A_797 : i32 to vector<16xi32>
      %shift_left3A_799 = arith.shli %gather3A_796, %shift_left3A_798 : vector<16xi32>
      %bitcast3A_800 = vector.bitcast %shift_left3A_799 : vector<16xi32> to vector<16xf32>
      %and3A_801 = arith.andi %gather3A_796, %broadcast_in_dim3A_8 : vector<16xi32>
      %bitcast3A_802 = vector.bitcast %and3A_801 : vector<16xi32> to vector<16xf32>
      %add3A_803 = arith.addf %add3A_788, %bitcast3A_800 : vector<16xf32>
      %add3A_804 = arith.addf %add3A_789, %bitcast3A_802 : vector<16xf32>
      %mul3A_805 = arith.constant 16 : i32
      %mul3A_806 = arith.muli %scan3A_69, %mul3A_805 : i32
      %get3A_807 = arith.constant 49 : i32
      %get3A_808 = arith.index_cast %get3A_807 : i32 to index
      %get3A_809 = arith.index_cast %mul3A_806 : i32 to index
      %get3A_810 = tpu.vector_load %arg8[%get3A_808, %get3A_809] {strides = array<i32>} : memref<50x128xi32, #tpu.memory_space<vmem>>, vector<16xi32>,
      %gather3A_811 = tpu.vector_load_idx %arg6[%get3A_810] : memref<100352xi32, #tpu.memory_space<vmem>>[vector<16xi32>], vector<16xi32>,
      %shift_left3A_812 = arith.constant 16 : i32
      %shift_left3A_813 = vector.broadcast %shift_left3A_812 : i32 to vector<16xi32>
      %shift_left3A_814 = arith.shli %gather3A_811, %shift_left3A_813 : vector<16xi32>
      %bitcast3A_815 = vector.bitcast %shift_left3A_814 : vector<16xi32> to vector<16xf32>
      %and3A_816 = arith.andi %gather3A_811, %broadcast_in_dim3A_8 : vector<16xi32>
      %bitcast3A_817 = vector.bitcast %and3A_816 : vector<16xi32> to vector<16xf32>
      %add3A_818 = arith.addf %add3A_803, %bitcast3A_815 : vector<16xf32>
      %add3A_819 = arith.addf %add3A_804, %bitcast3A_817 : vector<16xf32>
      %add3A_820 = arith.constant 8 : i32
      %add3A_821 = arith.addi %add3A_820, %scan3A_69 : i32
      %swap3A = arith.constant 0 : i32
      %swap3A_822 = arith.index_cast %swap3A : i32 to index
      %swap3A_823 = arith.index_cast %add3A_821 : i32 to index
      %swap3A_824 = arith.constant 0 : index
      %swap3A_825 = tpu.vector_load %arg9[%swap3A_822, %swap3A_823, %swap3A_824] {strides = array<i32>} : memref<2x32x16xf32, #tpu.memory_space<vmem>>, vector<16xf32>,
      tpu.vector_store %arg9[%swap3A_822, %swap3A_823, %swap3A_824], %add3A_818 {strides = array<i32>} : memref<2x32x16xf32, #tpu.memory_space<vmem>>, vector<16xf32>,
      %add3A_826 = arith.constant 8 : i32
      %add3A_827 = arith.addi %add3A_826, %scan3A_69 : i32
      %swap3A_828 = arith.constant 1 : i32
      %swap3A_829 = arith.index_cast %swap3A_828 : i32 to index
      %swap3A_830 = arith.index_cast %add3A_827 : i32 to index
      %swap3A_831 = arith.constant 0 : index
      %swap3A_832 = tpu.vector_load %arg9[%swap3A_829, %swap3A_830, %swap3A_831] {strides = array<i32>} : memref<2x32x16xf32, #tpu.memory_space<vmem>>, vector<16xf32>,
      tpu.vector_store %arg9[%swap3A_829, %swap3A_830, %swap3A_831], %add3A_819 {strides = array<i32>} : memref<2x32x16xf32, #tpu.memory_space<vmem>>, vector<16xf32>,
      %scan3A_833 = arith.constant 0 : i32
      scf.yield %scan3A_833 : i32
    }
    %scan3A_40 = arith.constant 8 : i32
    %dma_wait3A_41 = arith.constant 0 : i32
    %dma_wait3A_42 = tpu.memref_slice %arg3[%dma_wait3A_41, %add3A_29] : memref<50x16384xi32, #tpu.memory_space<hbm>> -> memref<50x128xi32, #tpu.memory_space<hbm>>
    %dma_wait3A_43 = arith.constant 0 : i32
    %dma_wait3A_44 = tpu.memref_slice %arg3[%dma_wait3A_43, %add3A_29] : memref<50x16384xi32, #tpu.memory_space<hbm>> -> memref<50x128xi32, #tpu.memory_space<hbm>>
    tpu.wait_dma2 semaphore(%arg11 : memref<!tpu.dma_semaphore, #tpu.memory_space<semaphore_mem>>) src(%dma_wait3A_44 : memref<50x128xi32, #tpu.memory_space<hbm>>) dst(%arg7 : memref<50x128xi32, #tpu.memory_space<vmem>>)
    %add3A_45 = arith.constant 384 : i32
    %add3A_46 = arith.addi %mul3A_2, %add3A_45 : i32
    %dma_start3A_47 = arith.constant 0 : i32
    %dma_start3A_48 = tpu.memref_slice %arg3[%dma_start3A_47, %add3A_46] : memref<50x16384xi32, #tpu.memory_space<hbm>> -> memref<50x128xi32, #tpu.memory_space<hbm>>
    %dma_start3A_49 = arith.constant 0 : i32
    %dma_start3A_50 = tpu.memref_slice %arg3[%dma_start3A_49, %add3A_46] : memref<50x16384xi32, #tpu.memory_space<hbm>> -> memref<50x128xi32, #tpu.memory_space<hbm>>
    tpu.enqueue_dma source(%dma_start3A_50 : memref<50x128xi32, #tpu.memory_space<hbm>>) target(%arg8 : memref<50x128xi32, #tpu.memory_space<vmem>>) target_semaphore(%arg12 : memref<!tpu.dma_semaphore, #tpu.memory_space<semaphore_mem>>)
    %scan3A_51 = arith.constant 0 : i32
    %scan3A_52 = arith.constant 0 : i32
    %scan3A_53 = arith.constant 8 : i32
    %scan3A_54 = arith.addi %scan3A_52, %scan3A_53 : i32
    %scan3A_55 = arith.constant 1 : i32
    %scan3A_56 = scf.for %scan3A_69 = %scan3A_52 to %scan3A_54 step %scan3A_55 iter_args(%scan3A_70 = %scan3A_51) -> (i32)  : i32 {
      %broadcast_in_dim3A_71 = arith.constant 0.000000e+00 : f32
      %broadcast_in_dim3A_72 = vector.broadcast %broadcast_in_dim3A_71 : f32 to vector<16xf32>
      %broadcast_in_dim3A_73 = arith.constant 0.000000e+00 : f32
      %broadcast_in_dim3A_74 = vector.broadcast %broadcast_in_dim3A_73 : f32 to vector<16xf32>
      %mul3A_75 = arith.constant 16 : i32
      %mul3A_76 = arith.muli %scan3A_69, %mul3A_75 : i32
      %get3A = arith.constant 0 : i32
      %get3A_77 = arith.index_cast %get3A : i32 to index
      %get3A_78 = arith.index_cast %mul3A_76 : i32 to index
      %get3A_79 = tpu.vector_load %arg7[%get3A_77, %get3A_78] {strides = array<i32>} : memref<50x128xi32, #tpu.memory_space<vmem>>, vector<16xi32>,
      %gather3A = tpu.vector_load_idx %arg6[%get3A_79] : memref<100352xi32, #tpu.memory_space<vmem>>[vector<16xi32>], vector<16xi32>,
      %shift_left3A = arith.constant 16 : i32
      %shift_left3A_80 = vector.broadcast %shift_left3A : i32 to vector<16xi32>
      %shift_left3A_81 = arith.shli %gather3A, %shift_left3A_80 : vector<16xi32>
      %bitcast3A = vector.bitcast %shift_left3A_81 : vector<16xi32> to vector<16xf32>
      %and3A = arith.andi %gather3A, %broadcast_in_dim3A_8 : vector<16xi32>
      %bitcast3A_82 = vector.bitcast %and3A : vector<16xi32> to vector<16xf32>
      %add3A_83 = arith.addf %broadcast_in_dim3A_72, %bitcast3A : vector<16xf32>
      %add3A_84 = arith.addf %broadcast_in_dim3A_74, %bitcast3A_82 : vector<16xf32>
      %mul3A_85 = arith.constant 16 : i32
      %mul3A_86 = arith.muli %scan3A_69, %mul3A_85 : i32
      %get3A_87 = arith.constant 1 : i32
      %get3A_88 = arith.index_cast %get3A_87 : i32 to index
      %get3A_89 = arith.index_cast %mul3A_86 : i32 to index
      %get3A_90 = tpu.vector_load %arg7[%get3A_88, %get3A_89] {strides = array<i32>} : memref<50x128xi32, #tpu.memory_space<vmem>>, vector<16xi32>,
      %gather3A_91 = tpu.vector_load_idx %arg6[%get3A_90] : memref<100352xi32, #tpu.memory_space<vmem>>[vector<16xi32>], vector<16xi32>,
      %shift_left3A_92 = arith.constant 16 : i32
      %shift_left3A_93 = vector.broadcast %shift_left3A_92 : i32 to vector<16xi32>
      %shift_left3A_94 = arith.shli %gather3A_91, %shift_left3A_93 : vector<16xi32>
      %bitcast3A_95 = vector.bitcast %shift_left3A_94 : vector<16xi32> to vector<16xf32>
      %and3A_96 = arith.andi %gather3A_91, %broadcast_in_dim3A_8 : vector<16xi32>
      %bitcast3A_97 = vector.bitcast %and3A_96 : vector<16xi32> to vector<16xf32>
      %add3A_98 = arith.addf %add3A_83, %bitcast3A_95 : vector<16xf32>
      %add3A_99 = arith.addf %add3A_84, %bitcast3A_97 : vector<16xf32>
      %mul3A_100 = arith.constant 16 : i32
      %mul3A_101 = arith.muli %scan3A_69, %mul3A_100 : i32
      %get3A_102 = arith.constant 2 : i32
      %get3A_103 = arith.index_cast %get3A_102 : i32 to index
      %get3A_104 = arith.index_cast %mul3A_101 : i32 to index
      %get3A_105 = tpu.vector_load %arg7[%get3A_103, %get3A_104] {strides = array<i32>} : memref<50x128xi32, #tpu.memory_space<vmem>>, vector<16xi32>,
      %gather3A_106 = tpu.vector_load_idx %arg6[%get3A_105] : memref<100352xi32, #tpu.memory_space<vmem>>[vector<16xi32>], vector<16xi32>,
      %shift_left3A_107 = arith.constant 16 : i32
      %shift_left3A_108 = vector.broadcast %shift_left3A_107 : i32 to vector<16xi32>
      %shift_left3A_109 = arith.shli %gather3A_106, %shift_left3A_108 : vector<16xi32>
      %bitcast3A_110 = vector.bitcast %shift_left3A_109 : vector<16xi32> to vector<16xf32>
      %and3A_111 = arith.andi %gather3A_106, %broadcast_in_dim3A_8 : vector<16xi32>
      %bitcast3A_112 = vector.bitcast %and3A_111 : vector<16xi32> to vector<16xf32>
      %add3A_113 = arith.addf %add3A_98, %bitcast3A_110 : vector<16xf32>
      %add3A_114 = arith.addf %add3A_99, %bitcast3A_112 : vector<16xf32>
      %mul3A_115 = arith.constant 16 : i32
      %mul3A_116 = arith.muli %scan3A_69, %mul3A_115 : i32
      %get3A_117 = arith.constant 3 : i32
      %get3A_118 = arith.index_cast %get3A_117 : i32 to index
      %get3A_119 = arith.index_cast %mul3A_116 : i32 to index
      %get3A_120 = tpu.vector_load %arg7[%get3A_118, %get3A_119] {strides = array<i32>} : memref<50x128xi32, #tpu.memory_space<vmem>>, vector<16xi32>,
      %gather3A_121 = tpu.vector_load_idx %arg6[%get3A_120] : memref<100352xi32, #tpu.memory_space<vmem>>[vector<16xi32>], vector<16xi32>,
      %shift_left3A_122 = arith.constant 16 : i32
      %shift_left3A_123 = vector.broadcast %shift_left3A_122 : i32 to vector<16xi32>
      %shift_left3A_124 = arith.shli %gather3A_121, %shift_left3A_123 : vector<16xi32>
      %bitcast3A_125 = vector.bitcast %shift_left3A_124 : vector<16xi32> to vector<16xf32>
      %and3A_126 = arith.andi %gather3A_121, %broadcast_in_dim3A_8 : vector<16xi32>
      %bitcast3A_127 = vector.bitcast %and3A_126 : vector<16xi32> to vector<16xf32>
      %add3A_128 = arith.addf %add3A_113, %bitcast3A_125 : vector<16xf32>
      %add3A_129 = arith.addf %add3A_114, %bitcast3A_127 : vector<16xf32>
      %mul3A_130 = arith.constant 16 : i32
      %mul3A_131 = arith.muli %scan3A_69, %mul3A_130 : i32
      %get3A_132 = arith.constant 4 : i32
      %get3A_133 = arith.index_cast %get3A_132 : i32 to index
      %get3A_134 = arith.index_cast %mul3A_131 : i32 to index
      %get3A_135 = tpu.vector_load %arg7[%get3A_133, %get3A_134] {strides = array<i32>} : memref<50x128xi32, #tpu.memory_space<vmem>>, vector<16xi32>,
      %gather3A_136 = tpu.vector_load_idx %arg6[%get3A_135] : memref<100352xi32, #tpu.memory_space<vmem>>[vector<16xi32>], vector<16xi32>,
      %shift_left3A_137 = arith.constant 16 : i32
      %shift_left3A_138 = vector.broadcast %shift_left3A_137 : i32 to vector<16xi32>
      %shift_left3A_139 = arith.shli %gather3A_136, %shift_left3A_138 : vector<16xi32>
      %bitcast3A_140 = vector.bitcast %shift_left3A_139 : vector<16xi32> to vector<16xf32>
      %and3A_141 = arith.andi %gather3A_136, %broadcast_in_dim3A_8 : vector<16xi32>
      %bitcast3A_142 = vector.bitcast %and3A_141 : vector<16xi32> to vector<16xf32>
      %add3A_143 = arith.addf %add3A_128, %bitcast3A_140 : vector<16xf32>
      %add3A_144 = arith.addf %add3A_129, %bitcast3A_142 : vector<16xf32>
      %mul3A_145 = arith.constant 16 : i32
      %mul3A_146 = arith.muli %scan3A_69, %mul3A_145 : i32
      %get3A_147 = arith.constant 5 : i32
      %get3A_148 = arith.index_cast %get3A_147 : i32 to index
      %get3A_149 = arith.index_cast %mul3A_146 : i32 to index
      %get3A_150 = tpu.vector_load %arg7[%get3A_148, %get3A_149] {strides = array<i32>} : memref<50x128xi32, #tpu.memory_space<vmem>>, vector<16xi32>,
      %gather3A_151 = tpu.vector_load_idx %arg6[%get3A_150] : memref<100352xi32, #tpu.memory_space<vmem>>[vector<16xi32>], vector<16xi32>,
      %shift_left3A_152 = arith.constant 16 : i32
      %shift_left3A_153 = vector.broadcast %shift_left3A_152 : i32 to vector<16xi32>
      %shift_left3A_154 = arith.shli %gather3A_151, %shift_left3A_153 : vector<16xi32>
      %bitcast3A_155 = vector.bitcast %shift_left3A_154 : vector<16xi32> to vector<16xf32>
      %and3A_156 = arith.andi %gather3A_151, %broadcast_in_dim3A_8 : vector<16xi32>
      %bitcast3A_157 = vector.bitcast %and3A_156 : vector<16xi32> to vector<16xf32>
      %add3A_158 = arith.addf %add3A_143, %bitcast3A_155 : vector<16xf32>
      %add3A_159 = arith.addf %add3A_144, %bitcast3A_157 : vector<16xf32>
      %mul3A_160 = arith.constant 16 : i32
      %mul3A_161 = arith.muli %scan3A_69, %mul3A_160 : i32
      %get3A_162 = arith.constant 6 : i32
      %get3A_163 = arith.index_cast %get3A_162 : i32 to index
      %get3A_164 = arith.index_cast %mul3A_161 : i32 to index
      %get3A_165 = tpu.vector_load %arg7[%get3A_163, %get3A_164] {strides = array<i32>} : memref<50x128xi32, #tpu.memory_space<vmem>>, vector<16xi32>,
      %gather3A_166 = tpu.vector_load_idx %arg6[%get3A_165] : memref<100352xi32, #tpu.memory_space<vmem>>[vector<16xi32>], vector<16xi32>,
      %shift_left3A_167 = arith.constant 16 : i32
      %shift_left3A_168 = vector.broadcast %shift_left3A_167 : i32 to vector<16xi32>
      %shift_left3A_169 = arith.shli %gather3A_166, %shift_left3A_168 : vector<16xi32>
      %bitcast3A_170 = vector.bitcast %shift_left3A_169 : vector<16xi32> to vector<16xf32>
      %and3A_171 = arith.andi %gather3A_166, %broadcast_in_dim3A_8 : vector<16xi32>
      %bitcast3A_172 = vector.bitcast %and3A_171 : vector<16xi32> to vector<16xf32>
      %add3A_173 = arith.addf %add3A_158, %bitcast3A_170 : vector<16xf32>
      %add3A_174 = arith.addf %add3A_159, %bitcast3A_172 : vector<16xf32>
      %mul3A_175 = arith.constant 16 : i32
      %mul3A_176 = arith.muli %scan3A_69, %mul3A_175 : i32
      %get3A_177 = arith.constant 7 : i32
      %get3A_178 = arith.index_cast %get3A_177 : i32 to index
      %get3A_179 = arith.index_cast %mul3A_176 : i32 to index
      %get3A_180 = tpu.vector_load %arg7[%get3A_178, %get3A_179] {strides = array<i32>} : memref<50x128xi32, #tpu.memory_space<vmem>>, vector<16xi32>,
      %gather3A_181 = tpu.vector_load_idx %arg6[%get3A_180] : memref<100352xi32, #tpu.memory_space<vmem>>[vector<16xi32>], vector<16xi32>,
      %shift_left3A_182 = arith.constant 16 : i32
      %shift_left3A_183 = vector.broadcast %shift_left3A_182 : i32 to vector<16xi32>
      %shift_left3A_184 = arith.shli %gather3A_181, %shift_left3A_183 : vector<16xi32>
      %bitcast3A_185 = vector.bitcast %shift_left3A_184 : vector<16xi32> to vector<16xf32>
      %and3A_186 = arith.andi %gather3A_181, %broadcast_in_dim3A_8 : vector<16xi32>
      %bitcast3A_187 = vector.bitcast %and3A_186 : vector<16xi32> to vector<16xf32>
      %add3A_188 = arith.addf %add3A_173, %bitcast3A_185 : vector<16xf32>
      %add3A_189 = arith.addf %add3A_174, %bitcast3A_187 : vector<16xf32>
      %mul3A_190 = arith.constant 16 : i32
      %mul3A_191 = arith.muli %scan3A_69, %mul3A_190 : i32
      %get3A_192 = arith.constant 8 : i32
      %get3A_193 = arith.index_cast %get3A_192 : i32 to index
      %get3A_194 = arith.index_cast %mul3A_191 : i32 to index
      %get3A_195 = tpu.vector_load %arg7[%get3A_193, %get3A_194] {strides = array<i32>} : memref<50x128xi32, #tpu.memory_space<vmem>>, vector<16xi32>,
      %gather3A_196 = tpu.vector_load_idx %arg6[%get3A_195] : memref<100352xi32, #tpu.memory_space<vmem>>[vector<16xi32>], vector<16xi32>,
      %shift_left3A_197 = arith.constant 16 : i32
      %shift_left3A_198 = vector.broadcast %shift_left3A_197 : i32 to vector<16xi32>
      %shift_left3A_199 = arith.shli %gather3A_196, %shift_left3A_198 : vector<16xi32>
      %bitcast3A_200 = vector.bitcast %shift_left3A_199 : vector<16xi32> to vector<16xf32>
      %and3A_201 = arith.andi %gather3A_196, %broadcast_in_dim3A_8 : vector<16xi32>
      %bitcast3A_202 = vector.bitcast %and3A_201 : vector<16xi32> to vector<16xf32>
      %add3A_203 = arith.addf %add3A_188, %bitcast3A_200 : vector<16xf32>
      %add3A_204 = arith.addf %add3A_189, %bitcast3A_202 : vector<16xf32>
      %mul3A_205 = arith.constant 16 : i32
      %mul3A_206 = arith.muli %scan3A_69, %mul3A_205 : i32
      %get3A_207 = arith.constant 9 : i32
      %get3A_208 = arith.index_cast %get3A_207 : i32 to index
      %get3A_209 = arith.index_cast %mul3A_206 : i32 to index
      %get3A_210 = tpu.vector_load %arg7[%get3A_208, %get3A_209] {strides = array<i32>} : memref<50x128xi32, #tpu.memory_space<vmem>>, vector<16xi32>,
      %gather3A_211 = tpu.vector_load_idx %arg6[%get3A_210] : memref<100352xi32, #tpu.memory_space<vmem>>[vector<16xi32>], vector<16xi32>,
      %shift_left3A_212 = arith.constant 16 : i32
      %shift_left3A_213 = vector.broadcast %shift_left3A_212 : i32 to vector<16xi32>
      %shift_left3A_214 = arith.shli %gather3A_211, %shift_left3A_213 : vector<16xi32>
      %bitcast3A_215 = vector.bitcast %shift_left3A_214 : vector<16xi32> to vector<16xf32>
      %and3A_216 = arith.andi %gather3A_211, %broadcast_in_dim3A_8 : vector<16xi32>
      %bitcast3A_217 = vector.bitcast %and3A_216 : vector<16xi32> to vector<16xf32>
      %add3A_218 = arith.addf %add3A_203, %bitcast3A_215 : vector<16xf32>
      %add3A_219 = arith.addf %add3A_204, %bitcast3A_217 : vector<16xf32>
      %mul3A_220 = arith.constant 16 : i32
      %mul3A_221 = arith.muli %scan3A_69, %mul3A_220 : i32
      %get3A_222 = arith.constant 10 : i32
      %get3A_223 = arith.index_cast %get3A_222 : i32 to index
      %get3A_224 = arith.index_cast %mul3A_221 : i32 to index
      %get3A_225 = tpu.vector_load %arg7[%get3A_223, %get3A_224] {strides = array<i32>} : memref<50x128xi32, #tpu.memory_space<vmem>>, vector<16xi32>,
      %gather3A_226 = tpu.vector_load_idx %arg6[%get3A_225] : memref<100352xi32, #tpu.memory_space<vmem>>[vector<16xi32>], vector<16xi32>,
      %shift_left3A_227 = arith.constant 16 : i32
      %shift_left3A_228 = vector.broadcast %shift_left3A_227 : i32 to vector<16xi32>
      %shift_left3A_229 = arith.shli %gather3A_226, %shift_left3A_228 : vector<16xi32>
      %bitcast3A_230 = vector.bitcast %shift_left3A_229 : vector<16xi32> to vector<16xf32>
      %and3A_231 = arith.andi %gather3A_226, %broadcast_in_dim3A_8 : vector<16xi32>
      %bitcast3A_232 = vector.bitcast %and3A_231 : vector<16xi32> to vector<16xf32>
      %add3A_233 = arith.addf %add3A_218, %bitcast3A_230 : vector<16xf32>
      %add3A_234 = arith.addf %add3A_219, %bitcast3A_232 : vector<16xf32>
      %mul3A_235 = arith.constant 16 : i32
      %mul3A_236 = arith.muli %scan3A_69, %mul3A_235 : i32
      %get3A_237 = arith.constant 11 : i32
      %get3A_238 = arith.index_cast %get3A_237 : i32 to index
      %get3A_239 = arith.index_cast %mul3A_236 : i32 to index
      %get3A_240 = tpu.vector_load %arg7[%get3A_238, %get3A_239] {strides = array<i32>} : memref<50x128xi32, #tpu.memory_space<vmem>>, vector<16xi32>,
      %gather3A_241 = tpu.vector_load_idx %arg6[%get3A_240] : memref<100352xi32, #tpu.memory_space<vmem>>[vector<16xi32>], vector<16xi32>,
      %shift_left3A_242 = arith.constant 16 : i32
      %shift_left3A_243 = vector.broadcast %shift_left3A_242 : i32 to vector<16xi32>
      %shift_left3A_244 = arith.shli %gather3A_241, %shift_left3A_243 : vector<16xi32>
      %bitcast3A_245 = vector.bitcast %shift_left3A_244 : vector<16xi32> to vector<16xf32>
      %and3A_246 = arith.andi %gather3A_241, %broadcast_in_dim3A_8 : vector<16xi32>
      %bitcast3A_247 = vector.bitcast %and3A_246 : vector<16xi32> to vector<16xf32>
      %add3A_248 = arith.addf %add3A_233, %bitcast3A_245 : vector<16xf32>
      %add3A_249 = arith.addf %add3A_234, %bitcast3A_247 : vector<16xf32>
      %mul3A_250 = arith.constant 16 : i32
      %mul3A_251 = arith.muli %scan3A_69, %mul3A_250 : i32
      %get3A_252 = arith.constant 12 : i32
      %get3A_253 = arith.index_cast %get3A_252 : i32 to index
      %get3A_254 = arith.index_cast %mul3A_251 : i32 to index
      %get3A_255 = tpu.vector_load %arg7[%get3A_253, %get3A_254] {strides = array<i32>} : memref<50x128xi32, #tpu.memory_space<vmem>>, vector<16xi32>,
      %gather3A_256 = tpu.vector_load_idx %arg6[%get3A_255] : memref<100352xi32, #tpu.memory_space<vmem>>[vector<16xi32>], vector<16xi32>,
      %shift_left3A_257 = arith.constant 16 : i32
      %shift_left3A_258 = vector.broadcast %shift_left3A_257 : i32 to vector<16xi32>
      %shift_left3A_259 = arith.shli %gather3A_256, %shift_left3A_258 : vector<16xi32>
      %bitcast3A_260 = vector.bitcast %shift_left3A_259 : vector<16xi32> to vector<16xf32>
      %and3A_261 = arith.andi %gather3A_256, %broadcast_in_dim3A_8 : vector<16xi32>
      %bitcast3A_262 = vector.bitcast %and3A_261 : vector<16xi32> to vector<16xf32>
      %add3A_263 = arith.addf %add3A_248, %bitcast3A_260 : vector<16xf32>
      %add3A_264 = arith.addf %add3A_249, %bitcast3A_262 : vector<16xf32>
      %mul3A_265 = arith.constant 16 : i32
      %mul3A_266 = arith.muli %scan3A_69, %mul3A_265 : i32
      %get3A_267 = arith.constant 13 : i32
      %get3A_268 = arith.index_cast %get3A_267 : i32 to index
      %get3A_269 = arith.index_cast %mul3A_266 : i32 to index
      %get3A_270 = tpu.vector_load %arg7[%get3A_268, %get3A_269] {strides = array<i32>} : memref<50x128xi32, #tpu.memory_space<vmem>>, vector<16xi32>,
      %gather3A_271 = tpu.vector_load_idx %arg6[%get3A_270] : memref<100352xi32, #tpu.memory_space<vmem>>[vector<16xi32>], vector<16xi32>,
      %shift_left3A_272 = arith.constant 16 : i32
      %shift_left3A_273 = vector.broadcast %shift_left3A_272 : i32 to vector<16xi32>
      %shift_left3A_274 = arith.shli %gather3A_271, %shift_left3A_273 : vector<16xi32>
      %bitcast3A_275 = vector.bitcast %shift_left3A_274 : vector<16xi32> to vector<16xf32>
      %and3A_276 = arith.andi %gather3A_271, %broadcast_in_dim3A_8 : vector<16xi32>
      %bitcast3A_277 = vector.bitcast %and3A_276 : vector<16xi32> to vector<16xf32>
      %add3A_278 = arith.addf %add3A_263, %bitcast3A_275 : vector<16xf32>
      %add3A_279 = arith.addf %add3A_264, %bitcast3A_277 : vector<16xf32>
      %mul3A_280 = arith.constant 16 : i32
      %mul3A_281 = arith.muli %scan3A_69, %mul3A_280 : i32
      %get3A_282 = arith.constant 14 : i32
      %get3A_283 = arith.index_cast %get3A_282 : i32 to index
      %get3A_284 = arith.index_cast %mul3A_281 : i32 to index
      %get3A_285 = tpu.vector_load %arg7[%get3A_283, %get3A_284] {strides = array<i32>} : memref<50x128xi32, #tpu.memory_space<vmem>>, vector<16xi32>,
      %gather3A_286 = tpu.vector_load_idx %arg6[%get3A_285] : memref<100352xi32, #tpu.memory_space<vmem>>[vector<16xi32>], vector<16xi32>,
      %shift_left3A_287 = arith.constant 16 : i32
      %shift_left3A_288 = vector.broadcast %shift_left3A_287 : i32 to vector<16xi32>
      %shift_left3A_289 = arith.shli %gather3A_286, %shift_left3A_288 : vector<16xi32>
      %bitcast3A_290 = vector.bitcast %shift_left3A_289 : vector<16xi32> to vector<16xf32>
      %and3A_291 = arith.andi %gather3A_286, %broadcast_in_dim3A_8 : vector<16xi32>
      %bitcast3A_292 = vector.bitcast %and3A_291 : vector<16xi32> to vector<16xf32>
      %add3A_293 = arith.addf %add3A_278, %bitcast3A_290 : vector<16xf32>
      %add3A_294 = arith.addf %add3A_279, %bitcast3A_292 : vector<16xf32>
      %mul3A_295 = arith.constant 16 : i32
      %mul3A_296 = arith.muli %scan3A_69, %mul3A_295 : i32
      %get3A_297 = arith.constant 15 : i32
      %get3A_298 = arith.index_cast %get3A_297 : i32 to index
      %get3A_299 = arith.index_cast %mul3A_296 : i32 to index
      %get3A_300 = tpu.vector_load %arg7[%get3A_298, %get3A_299] {strides = array<i32>} : memref<50x128xi32, #tpu.memory_space<vmem>>, vector<16xi32>,
      %gather3A_301 = tpu.vector_load_idx %arg6[%get3A_300] : memref<100352xi32, #tpu.memory_space<vmem>>[vector<16xi32>], vector<16xi32>,
      %shift_left3A_302 = arith.constant 16 : i32
      %shift_left3A_303 = vector.broadcast %shift_left3A_302 : i32 to vector<16xi32>
      %shift_left3A_304 = arith.shli %gather3A_301, %shift_left3A_303 : vector<16xi32>
      %bitcast3A_305 = vector.bitcast %shift_left3A_304 : vector<16xi32> to vector<16xf32>
      %and3A_306 = arith.andi %gather3A_301, %broadcast_in_dim3A_8 : vector<16xi32>
      %bitcast3A_307 = vector.bitcast %and3A_306 : vector<16xi32> to vector<16xf32>
      %add3A_308 = arith.addf %add3A_293, %bitcast3A_305 : vector<16xf32>
      %add3A_309 = arith.addf %add3A_294, %bitcast3A_307 : vector<16xf32>
      %mul3A_310 = arith.constant 16 : i32
      %mul3A_311 = arith.muli %scan3A_69, %mul3A_310 : i32
      %get3A_312 = arith.constant 16 : i32
      %get3A_313 = arith.index_cast %get3A_312 : i32 to index
      %get3A_314 = arith.index_cast %mul3A_311 : i32 to index
      %get3A_315 = tpu.vector_load %arg7[%get3A_313, %get3A_314] {strides = array<i32>} : memref<50x128xi32, #tpu.memory_space<vmem>>, vector<16xi32>,
      %gather3A_316 = tpu.vector_load_idx %arg6[%get3A_315] : memref<100352xi32, #tpu.memory_space<vmem>>[vector<16xi32>], vector<16xi32>,
      %shift_left3A_317 = arith.constant 16 : i32
      %shift_left3A_318 = vector.broadcast %shift_left3A_317 : i32 to vector<16xi32>
      %shift_left3A_319 = arith.shli %gather3A_316, %shift_left3A_318 : vector<16xi32>
      %bitcast3A_320 = vector.bitcast %shift_left3A_319 : vector<16xi32> to vector<16xf32>
      %and3A_321 = arith.andi %gather3A_316, %broadcast_in_dim3A_8 : vector<16xi32>
      %bitcast3A_322 = vector.bitcast %and3A_321 : vector<16xi32> to vector<16xf32>
      %add3A_323 = arith.addf %add3A_308, %bitcast3A_320 : vector<16xf32>
      %add3A_324 = arith.addf %add3A_309, %bitcast3A_322 : vector<16xf32>
      %mul3A_325 = arith.constant 16 : i32
      %mul3A_326 = arith.muli %scan3A_69, %mul3A_325 : i32
      %get3A_327 = arith.constant 17 : i32
      %get3A_328 = arith.index_cast %get3A_327 : i32 to index
      %get3A_329 = arith.index_cast %mul3A_326 : i32 to index
      %get3A_330 = tpu.vector_load %arg7[%get3A_328, %get3A_329] {strides = array<i32>} : memref<50x128xi32, #tpu.memory_space<vmem>>, vector<16xi32>,
      %gather3A_331 = tpu.vector_load_idx %arg6[%get3A_330] : memref<100352xi32, #tpu.memory_space<vmem>>[vector<16xi32>], vector<16xi32>,
      %shift_left3A_332 = arith.constant 16 : i32
      %shift_left3A_333 = vector.broadcast %shift_left3A_332 : i32 to vector<16xi32>
      %shift_left3A_334 = arith.shli %gather3A_331, %shift_left3A_333 : vector<16xi32>
      %bitcast3A_335 = vector.bitcast %shift_left3A_334 : vector<16xi32> to vector<16xf32>
      %and3A_336 = arith.andi %gather3A_331, %broadcast_in_dim3A_8 : vector<16xi32>
      %bitcast3A_337 = vector.bitcast %and3A_336 : vector<16xi32> to vector<16xf32>
      %add3A_338 = arith.addf %add3A_323, %bitcast3A_335 : vector<16xf32>
      %add3A_339 = arith.addf %add3A_324, %bitcast3A_337 : vector<16xf32>
      %mul3A_340 = arith.constant 16 : i32
      %mul3A_341 = arith.muli %scan3A_69, %mul3A_340 : i32
      %get3A_342 = arith.constant 18 : i32
      %get3A_343 = arith.index_cast %get3A_342 : i32 to index
      %get3A_344 = arith.index_cast %mul3A_341 : i32 to index
      %get3A_345 = tpu.vector_load %arg7[%get3A_343, %get3A_344] {strides = array<i32>} : memref<50x128xi32, #tpu.memory_space<vmem>>, vector<16xi32>,
      %gather3A_346 = tpu.vector_load_idx %arg6[%get3A_345] : memref<100352xi32, #tpu.memory_space<vmem>>[vector<16xi32>], vector<16xi32>,
      %shift_left3A_347 = arith.constant 16 : i32
      %shift_left3A_348 = vector.broadcast %shift_left3A_347 : i32 to vector<16xi32>
      %shift_left3A_349 = arith.shli %gather3A_346, %shift_left3A_348 : vector<16xi32>
      %bitcast3A_350 = vector.bitcast %shift_left3A_349 : vector<16xi32> to vector<16xf32>
      %and3A_351 = arith.andi %gather3A_346, %broadcast_in_dim3A_8 : vector<16xi32>
      %bitcast3A_352 = vector.bitcast %and3A_351 : vector<16xi32> to vector<16xf32>
      %add3A_353 = arith.addf %add3A_338, %bitcast3A_350 : vector<16xf32>
      %add3A_354 = arith.addf %add3A_339, %bitcast3A_352 : vector<16xf32>
      %mul3A_355 = arith.constant 16 : i32
      %mul3A_356 = arith.muli %scan3A_69, %mul3A_355 : i32
      %get3A_357 = arith.constant 19 : i32
      %get3A_358 = arith.index_cast %get3A_357 : i32 to index
      %get3A_359 = arith.index_cast %mul3A_356 : i32 to index
      %get3A_360 = tpu.vector_load %arg7[%get3A_358, %get3A_359] {strides = array<i32>} : memref<50x128xi32, #tpu.memory_space<vmem>>, vector<16xi32>,
      %gather3A_361 = tpu.vector_load_idx %arg6[%get3A_360] : memref<100352xi32, #tpu.memory_space<vmem>>[vector<16xi32>], vector<16xi32>,
      %shift_left3A_362 = arith.constant 16 : i32
      %shift_left3A_363 = vector.broadcast %shift_left3A_362 : i32 to vector<16xi32>
      %shift_left3A_364 = arith.shli %gather3A_361, %shift_left3A_363 : vector<16xi32>
      %bitcast3A_365 = vector.bitcast %shift_left3A_364 : vector<16xi32> to vector<16xf32>
      %and3A_366 = arith.andi %gather3A_361, %broadcast_in_dim3A_8 : vector<16xi32>
      %bitcast3A_367 = vector.bitcast %and3A_366 : vector<16xi32> to vector<16xf32>
      %add3A_368 = arith.addf %add3A_353, %bitcast3A_365 : vector<16xf32>
      %add3A_369 = arith.addf %add3A_354, %bitcast3A_367 : vector<16xf32>
      %mul3A_370 = arith.constant 16 : i32
      %mul3A_371 = arith.muli %scan3A_69, %mul3A_370 : i32
      %get3A_372 = arith.constant 20 : i32
      %get3A_373 = arith.index_cast %get3A_372 : i32 to index
      %get3A_374 = arith.index_cast %mul3A_371 : i32 to index
      %get3A_375 = tpu.vector_load %arg7[%get3A_373, %get3A_374] {strides = array<i32>} : memref<50x128xi32, #tpu.memory_space<vmem>>, vector<16xi32>,
      %gather3A_376 = tpu.vector_load_idx %arg6[%get3A_375] : memref<100352xi32, #tpu.memory_space<vmem>>[vector<16xi32>], vector<16xi32>,
      %shift_left3A_377 = arith.constant 16 : i32
      %shift_left3A_378 = vector.broadcast %shift_left3A_377 : i32 to vector<16xi32>
      %shift_left3A_379 = arith.shli %gather3A_376, %shift_left3A_378 : vector<16xi32>
      %bitcast3A_380 = vector.bitcast %shift_left3A_379 : vector<16xi32> to vector<16xf32>
      %and3A_381 = arith.andi %gather3A_376, %broadcast_in_dim3A_8 : vector<16xi32>
      %bitcast3A_382 = vector.bitcast %and3A_381 : vector<16xi32> to vector<16xf32>
      %add3A_383 = arith.addf %add3A_368, %bitcast3A_380 : vector<16xf32>
      %add3A_384 = arith.addf %add3A_369, %bitcast3A_382 : vector<16xf32>
      %mul3A_385 = arith.constant 16 : i32
      %mul3A_386 = arith.muli %scan3A_69, %mul3A_385 : i32
      %get3A_387 = arith.constant 21 : i32
      %get3A_388 = arith.index_cast %get3A_387 : i32 to index
      %get3A_389 = arith.index_cast %mul3A_386 : i32 to index
      %get3A_390 = tpu.vector_load %arg7[%get3A_388, %get3A_389] {strides = array<i32>} : memref<50x128xi32, #tpu.memory_space<vmem>>, vector<16xi32>,
      %gather3A_391 = tpu.vector_load_idx %arg6[%get3A_390] : memref<100352xi32, #tpu.memory_space<vmem>>[vector<16xi32>], vector<16xi32>,
      %shift_left3A_392 = arith.constant 16 : i32
      %shift_left3A_393 = vector.broadcast %shift_left3A_392 : i32 to vector<16xi32>
      %shift_left3A_394 = arith.shli %gather3A_391, %shift_left3A_393 : vector<16xi32>
      %bitcast3A_395 = vector.bitcast %shift_left3A_394 : vector<16xi32> to vector<16xf32>
      %and3A_396 = arith.andi %gather3A_391, %broadcast_in_dim3A_8 : vector<16xi32>
      %bitcast3A_397 = vector.bitcast %and3A_396 : vector<16xi32> to vector<16xf32>
      %add3A_398 = arith.addf %add3A_383, %bitcast3A_395 : vector<16xf32>
      %add3A_399 = arith.addf %add3A_384, %bitcast3A_397 : vector<16xf32>
      %mul3A_400 = arith.constant 16 : i32
      %mul3A_401 = arith.muli %scan3A_69, %mul3A_400 : i32
      %get3A_402 = arith.constant 22 : i32
      %get3A_403 = arith.index_cast %get3A_402 : i32 to index
      %get3A_404 = arith.index_cast %mul3A_401 : i32 to index
      %get3A_405 = tpu.vector_load %arg7[%get3A_403, %get3A_404] {strides = array<i32>} : memref<50x128xi32, #tpu.memory_space<vmem>>, vector<16xi32>,
      %gather3A_406 = tpu.vector_load_idx %arg6[%get3A_405] : memref<100352xi32, #tpu.memory_space<vmem>>[vector<16xi32>], vector<16xi32>,
      %shift_left3A_407 = arith.constant 16 : i32
      %shift_left3A_408 = vector.broadcast %shift_left3A_407 : i32 to vector<16xi32>
      %shift_left3A_409 = arith.shli %gather3A_406, %shift_left3A_408 : vector<16xi32>
      %bitcast3A_410 = vector.bitcast %shift_left3A_409 : vector<16xi32> to vector<16xf32>
      %and3A_411 = arith.andi %gather3A_406, %broadcast_in_dim3A_8 : vector<16xi32>
      %bitcast3A_412 = vector.bitcast %and3A_411 : vector<16xi32> to vector<16xf32>
      %add3A_413 = arith.addf %add3A_398, %bitcast3A_410 : vector<16xf32>
      %add3A_414 = arith.addf %add3A_399, %bitcast3A_412 : vector<16xf32>
      %mul3A_415 = arith.constant 16 : i32
      %mul3A_416 = arith.muli %scan3A_69, %mul3A_415 : i32
      %get3A_417 = arith.constant 23 : i32
      %get3A_418 = arith.index_cast %get3A_417 : i32 to index
      %get3A_419 = arith.index_cast %mul3A_416 : i32 to index
      %get3A_420 = tpu.vector_load %arg7[%get3A_418, %get3A_419] {strides = array<i32>} : memref<50x128xi32, #tpu.memory_space<vmem>>, vector<16xi32>,
      %gather3A_421 = tpu.vector_load_idx %arg6[%get3A_420] : memref<100352xi32, #tpu.memory_space<vmem>>[vector<16xi32>], vector<16xi32>,
      %shift_left3A_422 = arith.constant 16 : i32
      %shift_left3A_423 = vector.broadcast %shift_left3A_422 : i32 to vector<16xi32>
      %shift_left3A_424 = arith.shli %gather3A_421, %shift_left3A_423 : vector<16xi32>
      %bitcast3A_425 = vector.bitcast %shift_left3A_424 : vector<16xi32> to vector<16xf32>
      %and3A_426 = arith.andi %gather3A_421, %broadcast_in_dim3A_8 : vector<16xi32>
      %bitcast3A_427 = vector.bitcast %and3A_426 : vector<16xi32> to vector<16xf32>
      %add3A_428 = arith.addf %add3A_413, %bitcast3A_425 : vector<16xf32>
      %add3A_429 = arith.addf %add3A_414, %bitcast3A_427 : vector<16xf32>
      %mul3A_430 = arith.constant 16 : i32
      %mul3A_431 = arith.muli %scan3A_69, %mul3A_430 : i32
      %get3A_432 = arith.constant 24 : i32
      %get3A_433 = arith.index_cast %get3A_432 : i32 to index
      %get3A_434 = arith.index_cast %mul3A_431 : i32 to index
      %get3A_435 = tpu.vector_load %arg7[%get3A_433, %get3A_434] {strides = array<i32>} : memref<50x128xi32, #tpu.memory_space<vmem>>, vector<16xi32>,
      %gather3A_436 = tpu.vector_load_idx %arg6[%get3A_435] : memref<100352xi32, #tpu.memory_space<vmem>>[vector<16xi32>], vector<16xi32>,
      %shift_left3A_437 = arith.constant 16 : i32
      %shift_left3A_438 = vector.broadcast %shift_left3A_437 : i32 to vector<16xi32>
      %shift_left3A_439 = arith.shli %gather3A_436, %shift_left3A_438 : vector<16xi32>
      %bitcast3A_440 = vector.bitcast %shift_left3A_439 : vector<16xi32> to vector<16xf32>
      %and3A_441 = arith.andi %gather3A_436, %broadcast_in_dim3A_8 : vector<16xi32>
      %bitcast3A_442 = vector.bitcast %and3A_441 : vector<16xi32> to vector<16xf32>
      %add3A_443 = arith.addf %add3A_428, %bitcast3A_440 : vector<16xf32>
      %add3A_444 = arith.addf %add3A_429, %bitcast3A_442 : vector<16xf32>
      %mul3A_445 = arith.constant 16 : i32
      %mul3A_446 = arith.muli %scan3A_69, %mul3A_445 : i32
      %get3A_447 = arith.constant 25 : i32
      %get3A_448 = arith.index_cast %get3A_447 : i32 to index
      %get3A_449 = arith.index_cast %mul3A_446 : i32 to index
      %get3A_450 = tpu.vector_load %arg7[%get3A_448, %get3A_449] {strides = array<i32>} : memref<50x128xi32, #tpu.memory_space<vmem>>, vector<16xi32>,
      %gather3A_451 = tpu.vector_load_idx %arg6[%get3A_450] : memref<100352xi32, #tpu.memory_space<vmem>>[vector<16xi32>], vector<16xi32>,
      %shift_left3A_452 = arith.constant 16 : i32
      %shift_left3A_453 = vector.broadcast %shift_left3A_452 : i32 to vector<16xi32>
      %shift_left3A_454 = arith.shli %gather3A_451, %shift_left3A_453 : vector<16xi32>
      %bitcast3A_455 = vector.bitcast %shift_left3A_454 : vector<16xi32> to vector<16xf32>
      %and3A_456 = arith.andi %gather3A_451, %broadcast_in_dim3A_8 : vector<16xi32>
      %bitcast3A_457 = vector.bitcast %and3A_456 : vector<16xi32> to vector<16xf32>
      %add3A_458 = arith.addf %add3A_443, %bitcast3A_455 : vector<16xf32>
      %add3A_459 = arith.addf %add3A_444, %bitcast3A_457 : vector<16xf32>
      %mul3A_460 = arith.constant 16 : i32
      %mul3A_461 = arith.muli %scan3A_69, %mul3A_460 : i32
      %get3A_462 = arith.constant 26 : i32
      %get3A_463 = arith.index_cast %get3A_462 : i32 to index
      %get3A_464 = arith.index_cast %mul3A_461 : i32 to index
      %get3A_465 = tpu.vector_load %arg7[%get3A_463, %get3A_464] {strides = array<i32>} : memref<50x128xi32, #tpu.memory_space<vmem>>, vector<16xi32>,
      %gather3A_466 = tpu.vector_load_idx %arg6[%get3A_465] : memref<100352xi32, #tpu.memory_space<vmem>>[vector<16xi32>], vector<16xi32>,
      %shift_left3A_467 = arith.constant 16 : i32
      %shift_left3A_468 = vector.broadcast %shift_left3A_467 : i32 to vector<16xi32>
      %shift_left3A_469 = arith.shli %gather3A_466, %shift_left3A_468 : vector<16xi32>
      %bitcast3A_470 = vector.bitcast %shift_left3A_469 : vector<16xi32> to vector<16xf32>
      %and3A_471 = arith.andi %gather3A_466, %broadcast_in_dim3A_8 : vector<16xi32>
      %bitcast3A_472 = vector.bitcast %and3A_471 : vector<16xi32> to vector<16xf32>
      %add3A_473 = arith.addf %add3A_458, %bitcast3A_470 : vector<16xf32>
      %add3A_474 = arith.addf %add3A_459, %bitcast3A_472 : vector<16xf32>
      %mul3A_475 = arith.constant 16 : i32
      %mul3A_476 = arith.muli %scan3A_69, %mul3A_475 : i32
      %get3A_477 = arith.constant 27 : i32
      %get3A_478 = arith.index_cast %get3A_477 : i32 to index
      %get3A_479 = arith.index_cast %mul3A_476 : i32 to index
      %get3A_480 = tpu.vector_load %arg7[%get3A_478, %get3A_479] {strides = array<i32>} : memref<50x128xi32, #tpu.memory_space<vmem>>, vector<16xi32>,
      %gather3A_481 = tpu.vector_load_idx %arg6[%get3A_480] : memref<100352xi32, #tpu.memory_space<vmem>>[vector<16xi32>], vector<16xi32>,
      %shift_left3A_482 = arith.constant 16 : i32
      %shift_left3A_483 = vector.broadcast %shift_left3A_482 : i32 to vector<16xi32>
      %shift_left3A_484 = arith.shli %gather3A_481, %shift_left3A_483 : vector<16xi32>
      %bitcast3A_485 = vector.bitcast %shift_left3A_484 : vector<16xi32> to vector<16xf32>
      %and3A_486 = arith.andi %gather3A_481, %broadcast_in_dim3A_8 : vector<16xi32>
      %bitcast3A_487 = vector.bitcast %and3A_486 : vector<16xi32> to vector<16xf32>
      %add3A_488 = arith.addf %add3A_473, %bitcast3A_485 : vector<16xf32>
      %add3A_489 = arith.addf %add3A_474, %bitcast3A_487 : vector<16xf32>
      %mul3A_490 = arith.constant 16 : i32
      %mul3A_491 = arith.muli %scan3A_69, %mul3A_490 : i32
      %get3A_492 = arith.constant 28 : i32
      %get3A_493 = arith.index_cast %get3A_492 : i32 to index
      %get3A_494 = arith.index_cast %mul3A_491 : i32 to index
      %get3A_495 = tpu.vector_load %arg7[%get3A_493, %get3A_494] {strides = array<i32>} : memref<50x128xi32, #tpu.memory_space<vmem>>, vector<16xi32>,
      %gather3A_496 = tpu.vector_load_idx %arg6[%get3A_495] : memref<100352xi32, #tpu.memory_space<vmem>>[vector<16xi32>], vector<16xi32>,
      %shift_left3A_497 = arith.constant 16 : i32
      %shift_left3A_498 = vector.broadcast %shift_left3A_497 : i32 to vector<16xi32>
      %shift_left3A_499 = arith.shli %gather3A_496, %shift_left3A_498 : vector<16xi32>
      %bitcast3A_500 = vector.bitcast %shift_left3A_499 : vector<16xi32> to vector<16xf32>
      %and3A_501 = arith.andi %gather3A_496, %broadcast_in_dim3A_8 : vector<16xi32>
      %bitcast3A_502 = vector.bitcast %and3A_501 : vector<16xi32> to vector<16xf32>
      %add3A_503 = arith.addf %add3A_488, %bitcast3A_500 : vector<16xf32>
      %add3A_504 = arith.addf %add3A_489, %bitcast3A_502 : vector<16xf32>
      %mul3A_505 = arith.constant 16 : i32
      %mul3A_506 = arith.muli %scan3A_69, %mul3A_505 : i32
      %get3A_507 = arith.constant 29 : i32
      %get3A_508 = arith.index_cast %get3A_507 : i32 to index
      %get3A_509 = arith.index_cast %mul3A_506 : i32 to index
      %get3A_510 = tpu.vector_load %arg7[%get3A_508, %get3A_509] {strides = array<i32>} : memref<50x128xi32, #tpu.memory_space<vmem>>, vector<16xi32>,
      %gather3A_511 = tpu.vector_load_idx %arg6[%get3A_510] : memref<100352xi32, #tpu.memory_space<vmem>>[vector<16xi32>], vector<16xi32>,
      %shift_left3A_512 = arith.constant 16 : i32
      %shift_left3A_513 = vector.broadcast %shift_left3A_512 : i32 to vector<16xi32>
      %shift_left3A_514 = arith.shli %gather3A_511, %shift_left3A_513 : vector<16xi32>
      %bitcast3A_515 = vector.bitcast %shift_left3A_514 : vector<16xi32> to vector<16xf32>
      %and3A_516 = arith.andi %gather3A_511, %broadcast_in_dim3A_8 : vector<16xi32>
      %bitcast3A_517 = vector.bitcast %and3A_516 : vector<16xi32> to vector<16xf32>
      %add3A_518 = arith.addf %add3A_503, %bitcast3A_515 : vector<16xf32>
      %add3A_519 = arith.addf %add3A_504, %bitcast3A_517 : vector<16xf32>
      %mul3A_520 = arith.constant 16 : i32
      %mul3A_521 = arith.muli %scan3A_69, %mul3A_520 : i32
      %get3A_522 = arith.constant 30 : i32
      %get3A_523 = arith.index_cast %get3A_522 : i32 to index
      %get3A_524 = arith.index_cast %mul3A_521 : i32 to index
      %get3A_525 = tpu.vector_load %arg7[%get3A_523, %get3A_524] {strides = array<i32>} : memref<50x128xi32, #tpu.memory_space<vmem>>, vector<16xi32>,
      %gather3A_526 = tpu.vector_load_idx %arg6[%get3A_525] : memref<100352xi32, #tpu.memory_space<vmem>>[vector<16xi32>], vector<16xi32>,
      %shift_left3A_527 = arith.constant 16 : i32
      %shift_left3A_528 = vector.broadcast %shift_left3A_527 : i32 to vector<16xi32>
      %shift_left3A_529 = arith.shli %gather3A_526, %shift_left3A_528 : vector<16xi32>
      %bitcast3A_530 = vector.bitcast %shift_left3A_529 : vector<16xi32> to vector<16xf32>
      %and3A_531 = arith.andi %gather3A_526, %broadcast_in_dim3A_8 : vector<16xi32>
      %bitcast3A_532 = vector.bitcast %and3A_531 : vector<16xi32> to vector<16xf32>
      %add3A_533 = arith.addf %add3A_518, %bitcast3A_530 : vector<16xf32>
      %add3A_534 = arith.addf %add3A_519, %bitcast3A_532 : vector<16xf32>
      %mul3A_535 = arith.constant 16 : i32
      %mul3A_536 = arith.muli %scan3A_69, %mul3A_535 : i32
      %get3A_537 = arith.constant 31 : i32
      %get3A_538 = arith.index_cast %get3A_537 : i32 to index
      %get3A_539 = arith.index_cast %mul3A_536 : i32 to index
      %get3A_540 = tpu.vector_load %arg7[%get3A_538, %get3A_539] {strides = array<i32>} : memref<50x128xi32, #tpu.memory_space<vmem>>, vector<16xi32>,
      %gather3A_541 = tpu.vector_load_idx %arg6[%get3A_540] : memref<100352xi32, #tpu.memory_space<vmem>>[vector<16xi32>], vector<16xi32>,
      %shift_left3A_542 = arith.constant 16 : i32
      %shift_left3A_543 = vector.broadcast %shift_left3A_542 : i32 to vector<16xi32>
      %shift_left3A_544 = arith.shli %gather3A_541, %shift_left3A_543 : vector<16xi32>
      %bitcast3A_545 = vector.bitcast %shift_left3A_544 : vector<16xi32> to vector<16xf32>
      %and3A_546 = arith.andi %gather3A_541, %broadcast_in_dim3A_8 : vector<16xi32>
      %bitcast3A_547 = vector.bitcast %and3A_546 : vector<16xi32> to vector<16xf32>
      %add3A_548 = arith.addf %add3A_533, %bitcast3A_545 : vector<16xf32>
      %add3A_549 = arith.addf %add3A_534, %bitcast3A_547 : vector<16xf32>
      %mul3A_550 = arith.constant 16 : i32
      %mul3A_551 = arith.muli %scan3A_69, %mul3A_550 : i32
      %get3A_552 = arith.constant 32 : i32
      %get3A_553 = arith.index_cast %get3A_552 : i32 to index
      %get3A_554 = arith.index_cast %mul3A_551 : i32 to index
      %get3A_555 = tpu.vector_load %arg7[%get3A_553, %get3A_554] {strides = array<i32>} : memref<50x128xi32, #tpu.memory_space<vmem>>, vector<16xi32>,
      %gather3A_556 = tpu.vector_load_idx %arg6[%get3A_555] : memref<100352xi32, #tpu.memory_space<vmem>>[vector<16xi32>], vector<16xi32>,
      %shift_left3A_557 = arith.constant 16 : i32
      %shift_left3A_558 = vector.broadcast %shift_left3A_557 : i32 to vector<16xi32>
      %shift_left3A_559 = arith.shli %gather3A_556, %shift_left3A_558 : vector<16xi32>
      %bitcast3A_560 = vector.bitcast %shift_left3A_559 : vector<16xi32> to vector<16xf32>
      %and3A_561 = arith.andi %gather3A_556, %broadcast_in_dim3A_8 : vector<16xi32>
      %bitcast3A_562 = vector.bitcast %and3A_561 : vector<16xi32> to vector<16xf32>
      %add3A_563 = arith.addf %add3A_548, %bitcast3A_560 : vector<16xf32>
      %add3A_564 = arith.addf %add3A_549, %bitcast3A_562 : vector<16xf32>
      %mul3A_565 = arith.constant 16 : i32
      %mul3A_566 = arith.muli %scan3A_69, %mul3A_565 : i32
      %get3A_567 = arith.constant 33 : i32
      %get3A_568 = arith.index_cast %get3A_567 : i32 to index
      %get3A_569 = arith.index_cast %mul3A_566 : i32 to index
      %get3A_570 = tpu.vector_load %arg7[%get3A_568, %get3A_569] {strides = array<i32>} : memref<50x128xi32, #tpu.memory_space<vmem>>, vector<16xi32>,
      %gather3A_571 = tpu.vector_load_idx %arg6[%get3A_570] : memref<100352xi32, #tpu.memory_space<vmem>>[vector<16xi32>], vector<16xi32>,
      %shift_left3A_572 = arith.constant 16 : i32
      %shift_left3A_573 = vector.broadcast %shift_left3A_572 : i32 to vector<16xi32>
      %shift_left3A_574 = arith.shli %gather3A_571, %shift_left3A_573 : vector<16xi32>
      %bitcast3A_575 = vector.bitcast %shift_left3A_574 : vector<16xi32> to vector<16xf32>
      %and3A_576 = arith.andi %gather3A_571, %broadcast_in_dim3A_8 : vector<16xi32>
      %bitcast3A_577 = vector.bitcast %and3A_576 : vector<16xi32> to vector<16xf32>
      %add3A_578 = arith.addf %add3A_563, %bitcast3A_575 : vector<16xf32>
      %add3A_579 = arith.addf %add3A_564, %bitcast3A_577 : vector<16xf32>
      %mul3A_580 = arith.constant 16 : i32
      %mul3A_581 = arith.muli %scan3A_69, %mul3A_580 : i32
      %get3A_582 = arith.constant 34 : i32
      %get3A_583 = arith.index_cast %get3A_582 : i32 to index
      %get3A_584 = arith.index_cast %mul3A_581 : i32 to index
      %get3A_585 = tpu.vector_load %arg7[%get3A_583, %get3A_584] {strides = array<i32>} : memref<50x128xi32, #tpu.memory_space<vmem>>, vector<16xi32>,
      %gather3A_586 = tpu.vector_load_idx %arg6[%get3A_585] : memref<100352xi32, #tpu.memory_space<vmem>>[vector<16xi32>], vector<16xi32>,
      %shift_left3A_587 = arith.constant 16 : i32
      %shift_left3A_588 = vector.broadcast %shift_left3A_587 : i32 to vector<16xi32>
      %shift_left3A_589 = arith.shli %gather3A_586, %shift_left3A_588 : vector<16xi32>
      %bitcast3A_590 = vector.bitcast %shift_left3A_589 : vector<16xi32> to vector<16xf32>
      %and3A_591 = arith.andi %gather3A_586, %broadcast_in_dim3A_8 : vector<16xi32>
      %bitcast3A_592 = vector.bitcast %and3A_591 : vector<16xi32> to vector<16xf32>
      %add3A_593 = arith.addf %add3A_578, %bitcast3A_590 : vector<16xf32>
      %add3A_594 = arith.addf %add3A_579, %bitcast3A_592 : vector<16xf32>
      %mul3A_595 = arith.constant 16 : i32
      %mul3A_596 = arith.muli %scan3A_69, %mul3A_595 : i32
      %get3A_597 = arith.constant 35 : i32
      %get3A_598 = arith.index_cast %get3A_597 : i32 to index
      %get3A_599 = arith.index_cast %mul3A_596 : i32 to index
      %get3A_600 = tpu.vector_load %arg7[%get3A_598, %get3A_599] {strides = array<i32>} : memref<50x128xi32, #tpu.memory_space<vmem>>, vector<16xi32>,
      %gather3A_601 = tpu.vector_load_idx %arg6[%get3A_600] : memref<100352xi32, #tpu.memory_space<vmem>>[vector<16xi32>], vector<16xi32>,
      %shift_left3A_602 = arith.constant 16 : i32
      %shift_left3A_603 = vector.broadcast %shift_left3A_602 : i32 to vector<16xi32>
      %shift_left3A_604 = arith.shli %gather3A_601, %shift_left3A_603 : vector<16xi32>
      %bitcast3A_605 = vector.bitcast %shift_left3A_604 : vector<16xi32> to vector<16xf32>
      %and3A_606 = arith.andi %gather3A_601, %broadcast_in_dim3A_8 : vector<16xi32>
      %bitcast3A_607 = vector.bitcast %and3A_606 : vector<16xi32> to vector<16xf32>
      %add3A_608 = arith.addf %add3A_593, %bitcast3A_605 : vector<16xf32>
      %add3A_609 = arith.addf %add3A_594, %bitcast3A_607 : vector<16xf32>
      %mul3A_610 = arith.constant 16 : i32
      %mul3A_611 = arith.muli %scan3A_69, %mul3A_610 : i32
      %get3A_612 = arith.constant 36 : i32
      %get3A_613 = arith.index_cast %get3A_612 : i32 to index
      %get3A_614 = arith.index_cast %mul3A_611 : i32 to index
      %get3A_615 = tpu.vector_load %arg7[%get3A_613, %get3A_614] {strides = array<i32>} : memref<50x128xi32, #tpu.memory_space<vmem>>, vector<16xi32>,
      %gather3A_616 = tpu.vector_load_idx %arg6[%get3A_615] : memref<100352xi32, #tpu.memory_space<vmem>>[vector<16xi32>], vector<16xi32>,
      %shift_left3A_617 = arith.constant 16 : i32
      %shift_left3A_618 = vector.broadcast %shift_left3A_617 : i32 to vector<16xi32>
      %shift_left3A_619 = arith.shli %gather3A_616, %shift_left3A_618 : vector<16xi32>
      %bitcast3A_620 = vector.bitcast %shift_left3A_619 : vector<16xi32> to vector<16xf32>
      %and3A_621 = arith.andi %gather3A_616, %broadcast_in_dim3A_8 : vector<16xi32>
      %bitcast3A_622 = vector.bitcast %and3A_621 : vector<16xi32> to vector<16xf32>
      %add3A_623 = arith.addf %add3A_608, %bitcast3A_620 : vector<16xf32>
      %add3A_624 = arith.addf %add3A_609, %bitcast3A_622 : vector<16xf32>
      %mul3A_625 = arith.constant 16 : i32
      %mul3A_626 = arith.muli %scan3A_69, %mul3A_625 : i32
      %get3A_627 = arith.constant 37 : i32
      %get3A_628 = arith.index_cast %get3A_627 : i32 to index
      %get3A_629 = arith.index_cast %mul3A_626 : i32 to index
      %get3A_630 = tpu.vector_load %arg7[%get3A_628, %get3A_629] {strides = array<i32>} : memref<50x128xi32, #tpu.memory_space<vmem>>, vector<16xi32>,
      %gather3A_631 = tpu.vector_load_idx %arg6[%get3A_630] : memref<100352xi32, #tpu.memory_space<vmem>>[vector<16xi32>], vector<16xi32>,
      %shift_left3A_632 = arith.constant 16 : i32
      %shift_left3A_633 = vector.broadcast %shift_left3A_632 : i32 to vector<16xi32>
      %shift_left3A_634 = arith.shli %gather3A_631, %shift_left3A_633 : vector<16xi32>
      %bitcast3A_635 = vector.bitcast %shift_left3A_634 : vector<16xi32> to vector<16xf32>
      %and3A_636 = arith.andi %gather3A_631, %broadcast_in_dim3A_8 : vector<16xi32>
      %bitcast3A_637 = vector.bitcast %and3A_636 : vector<16xi32> to vector<16xf32>
      %add3A_638 = arith.addf %add3A_623, %bitcast3A_635 : vector<16xf32>
      %add3A_639 = arith.addf %add3A_624, %bitcast3A_637 : vector<16xf32>
      %mul3A_640 = arith.constant 16 : i32
      %mul3A_641 = arith.muli %scan3A_69, %mul3A_640 : i32
      %get3A_642 = arith.constant 38 : i32
      %get3A_643 = arith.index_cast %get3A_642 : i32 to index
      %get3A_644 = arith.index_cast %mul3A_641 : i32 to index
      %get3A_645 = tpu.vector_load %arg7[%get3A_643, %get3A_644] {strides = array<i32>} : memref<50x128xi32, #tpu.memory_space<vmem>>, vector<16xi32>,
      %gather3A_646 = tpu.vector_load_idx %arg6[%get3A_645] : memref<100352xi32, #tpu.memory_space<vmem>>[vector<16xi32>], vector<16xi32>,
      %shift_left3A_647 = arith.constant 16 : i32
      %shift_left3A_648 = vector.broadcast %shift_left3A_647 : i32 to vector<16xi32>
      %shift_left3A_649 = arith.shli %gather3A_646, %shift_left3A_648 : vector<16xi32>
      %bitcast3A_650 = vector.bitcast %shift_left3A_649 : vector<16xi32> to vector<16xf32>
      %and3A_651 = arith.andi %gather3A_646, %broadcast_in_dim3A_8 : vector<16xi32>
      %bitcast3A_652 = vector.bitcast %and3A_651 : vector<16xi32> to vector<16xf32>
      %add3A_653 = arith.addf %add3A_638, %bitcast3A_650 : vector<16xf32>
      %add3A_654 = arith.addf %add3A_639, %bitcast3A_652 : vector<16xf32>
      %mul3A_655 = arith.constant 16 : i32
      %mul3A_656 = arith.muli %scan3A_69, %mul3A_655 : i32
      %get3A_657 = arith.constant 39 : i32
      %get3A_658 = arith.index_cast %get3A_657 : i32 to index
      %get3A_659 = arith.index_cast %mul3A_656 : i32 to index
      %get3A_660 = tpu.vector_load %arg7[%get3A_658, %get3A_659] {strides = array<i32>} : memref<50x128xi32, #tpu.memory_space<vmem>>, vector<16xi32>,
      %gather3A_661 = tpu.vector_load_idx %arg6[%get3A_660] : memref<100352xi32, #tpu.memory_space<vmem>>[vector<16xi32>], vector<16xi32>,
      %shift_left3A_662 = arith.constant 16 : i32
      %shift_left3A_663 = vector.broadcast %shift_left3A_662 : i32 to vector<16xi32>
      %shift_left3A_664 = arith.shli %gather3A_661, %shift_left3A_663 : vector<16xi32>
      %bitcast3A_665 = vector.bitcast %shift_left3A_664 : vector<16xi32> to vector<16xf32>
      %and3A_666 = arith.andi %gather3A_661, %broadcast_in_dim3A_8 : vector<16xi32>
      %bitcast3A_667 = vector.bitcast %and3A_666 : vector<16xi32> to vector<16xf32>
      %add3A_668 = arith.addf %add3A_653, %bitcast3A_665 : vector<16xf32>
      %add3A_669 = arith.addf %add3A_654, %bitcast3A_667 : vector<16xf32>
      %mul3A_670 = arith.constant 16 : i32
      %mul3A_671 = arith.muli %scan3A_69, %mul3A_670 : i32
      %get3A_672 = arith.constant 40 : i32
      %get3A_673 = arith.index_cast %get3A_672 : i32 to index
      %get3A_674 = arith.index_cast %mul3A_671 : i32 to index
      %get3A_675 = tpu.vector_load %arg7[%get3A_673, %get3A_674] {strides = array<i32>} : memref<50x128xi32, #tpu.memory_space<vmem>>, vector<16xi32>,
      %gather3A_676 = tpu.vector_load_idx %arg6[%get3A_675] : memref<100352xi32, #tpu.memory_space<vmem>>[vector<16xi32>], vector<16xi32>,
      %shift_left3A_677 = arith.constant 16 : i32
      %shift_left3A_678 = vector.broadcast %shift_left3A_677 : i32 to vector<16xi32>
      %shift_left3A_679 = arith.shli %gather3A_676, %shift_left3A_678 : vector<16xi32>
      %bitcast3A_680 = vector.bitcast %shift_left3A_679 : vector<16xi32> to vector<16xf32>
      %and3A_681 = arith.andi %gather3A_676, %broadcast_in_dim3A_8 : vector<16xi32>
      %bitcast3A_682 = vector.bitcast %and3A_681 : vector<16xi32> to vector<16xf32>
      %add3A_683 = arith.addf %add3A_668, %bitcast3A_680 : vector<16xf32>
      %add3A_684 = arith.addf %add3A_669, %bitcast3A_682 : vector<16xf32>
      %mul3A_685 = arith.constant 16 : i32
      %mul3A_686 = arith.muli %scan3A_69, %mul3A_685 : i32
      %get3A_687 = arith.constant 41 : i32
      %get3A_688 = arith.index_cast %get3A_687 : i32 to index
      %get3A_689 = arith.index_cast %mul3A_686 : i32 to index
      %get3A_690 = tpu.vector_load %arg7[%get3A_688, %get3A_689] {strides = array<i32>} : memref<50x128xi32, #tpu.memory_space<vmem>>, vector<16xi32>,
      %gather3A_691 = tpu.vector_load_idx %arg6[%get3A_690] : memref<100352xi32, #tpu.memory_space<vmem>>[vector<16xi32>], vector<16xi32>,
      %shift_left3A_692 = arith.constant 16 : i32
      %shift_left3A_693 = vector.broadcast %shift_left3A_692 : i32 to vector<16xi32>
      %shift_left3A_694 = arith.shli %gather3A_691, %shift_left3A_693 : vector<16xi32>
      %bitcast3A_695 = vector.bitcast %shift_left3A_694 : vector<16xi32> to vector<16xf32>
      %and3A_696 = arith.andi %gather3A_691, %broadcast_in_dim3A_8 : vector<16xi32>
      %bitcast3A_697 = vector.bitcast %and3A_696 : vector<16xi32> to vector<16xf32>
      %add3A_698 = arith.addf %add3A_683, %bitcast3A_695 : vector<16xf32>
      %add3A_699 = arith.addf %add3A_684, %bitcast3A_697 : vector<16xf32>
      %mul3A_700 = arith.constant 16 : i32
      %mul3A_701 = arith.muli %scan3A_69, %mul3A_700 : i32
      %get3A_702 = arith.constant 42 : i32
      %get3A_703 = arith.index_cast %get3A_702 : i32 to index
      %get3A_704 = arith.index_cast %mul3A_701 : i32 to index
      %get3A_705 = tpu.vector_load %arg7[%get3A_703, %get3A_704] {strides = array<i32>} : memref<50x128xi32, #tpu.memory_space<vmem>>, vector<16xi32>,
      %gather3A_706 = tpu.vector_load_idx %arg6[%get3A_705] : memref<100352xi32, #tpu.memory_space<vmem>>[vector<16xi32>], vector<16xi32>,
      %shift_left3A_707 = arith.constant 16 : i32
      %shift_left3A_708 = vector.broadcast %shift_left3A_707 : i32 to vector<16xi32>
      %shift_left3A_709 = arith.shli %gather3A_706, %shift_left3A_708 : vector<16xi32>
      %bitcast3A_710 = vector.bitcast %shift_left3A_709 : vector<16xi32> to vector<16xf32>
      %and3A_711 = arith.andi %gather3A_706, %broadcast_in_dim3A_8 : vector<16xi32>
      %bitcast3A_712 = vector.bitcast %and3A_711 : vector<16xi32> to vector<16xf32>
      %add3A_713 = arith.addf %add3A_698, %bitcast3A_710 : vector<16xf32>
      %add3A_714 = arith.addf %add3A_699, %bitcast3A_712 : vector<16xf32>
      %mul3A_715 = arith.constant 16 : i32
      %mul3A_716 = arith.muli %scan3A_69, %mul3A_715 : i32
      %get3A_717 = arith.constant 43 : i32
      %get3A_718 = arith.index_cast %get3A_717 : i32 to index
      %get3A_719 = arith.index_cast %mul3A_716 : i32 to index
      %get3A_720 = tpu.vector_load %arg7[%get3A_718, %get3A_719] {strides = array<i32>} : memref<50x128xi32, #tpu.memory_space<vmem>>, vector<16xi32>,
      %gather3A_721 = tpu.vector_load_idx %arg6[%get3A_720] : memref<100352xi32, #tpu.memory_space<vmem>>[vector<16xi32>], vector<16xi32>,
      %shift_left3A_722 = arith.constant 16 : i32
      %shift_left3A_723 = vector.broadcast %shift_left3A_722 : i32 to vector<16xi32>
      %shift_left3A_724 = arith.shli %gather3A_721, %shift_left3A_723 : vector<16xi32>
      %bitcast3A_725 = vector.bitcast %shift_left3A_724 : vector<16xi32> to vector<16xf32>
      %and3A_726 = arith.andi %gather3A_721, %broadcast_in_dim3A_8 : vector<16xi32>
      %bitcast3A_727 = vector.bitcast %and3A_726 : vector<16xi32> to vector<16xf32>
      %add3A_728 = arith.addf %add3A_713, %bitcast3A_725 : vector<16xf32>
      %add3A_729 = arith.addf %add3A_714, %bitcast3A_727 : vector<16xf32>
      %mul3A_730 = arith.constant 16 : i32
      %mul3A_731 = arith.muli %scan3A_69, %mul3A_730 : i32
      %get3A_732 = arith.constant 44 : i32
      %get3A_733 = arith.index_cast %get3A_732 : i32 to index
      %get3A_734 = arith.index_cast %mul3A_731 : i32 to index
      %get3A_735 = tpu.vector_load %arg7[%get3A_733, %get3A_734] {strides = array<i32>} : memref<50x128xi32, #tpu.memory_space<vmem>>, vector<16xi32>,
      %gather3A_736 = tpu.vector_load_idx %arg6[%get3A_735] : memref<100352xi32, #tpu.memory_space<vmem>>[vector<16xi32>], vector<16xi32>,
      %shift_left3A_737 = arith.constant 16 : i32
      %shift_left3A_738 = vector.broadcast %shift_left3A_737 : i32 to vector<16xi32>
      %shift_left3A_739 = arith.shli %gather3A_736, %shift_left3A_738 : vector<16xi32>
      %bitcast3A_740 = vector.bitcast %shift_left3A_739 : vector<16xi32> to vector<16xf32>
      %and3A_741 = arith.andi %gather3A_736, %broadcast_in_dim3A_8 : vector<16xi32>
      %bitcast3A_742 = vector.bitcast %and3A_741 : vector<16xi32> to vector<16xf32>
      %add3A_743 = arith.addf %add3A_728, %bitcast3A_740 : vector<16xf32>
      %add3A_744 = arith.addf %add3A_729, %bitcast3A_742 : vector<16xf32>
      %mul3A_745 = arith.constant 16 : i32
      %mul3A_746 = arith.muli %scan3A_69, %mul3A_745 : i32
      %get3A_747 = arith.constant 45 : i32
      %get3A_748 = arith.index_cast %get3A_747 : i32 to index
      %get3A_749 = arith.index_cast %mul3A_746 : i32 to index
      %get3A_750 = tpu.vector_load %arg7[%get3A_748, %get3A_749] {strides = array<i32>} : memref<50x128xi32, #tpu.memory_space<vmem>>, vector<16xi32>,
      %gather3A_751 = tpu.vector_load_idx %arg6[%get3A_750] : memref<100352xi32, #tpu.memory_space<vmem>>[vector<16xi32>], vector<16xi32>,
      %shift_left3A_752 = arith.constant 16 : i32
      %shift_left3A_753 = vector.broadcast %shift_left3A_752 : i32 to vector<16xi32>
      %shift_left3A_754 = arith.shli %gather3A_751, %shift_left3A_753 : vector<16xi32>
      %bitcast3A_755 = vector.bitcast %shift_left3A_754 : vector<16xi32> to vector<16xf32>
      %and3A_756 = arith.andi %gather3A_751, %broadcast_in_dim3A_8 : vector<16xi32>
      %bitcast3A_757 = vector.bitcast %and3A_756 : vector<16xi32> to vector<16xf32>
      %add3A_758 = arith.addf %add3A_743, %bitcast3A_755 : vector<16xf32>
      %add3A_759 = arith.addf %add3A_744, %bitcast3A_757 : vector<16xf32>
      %mul3A_760 = arith.constant 16 : i32
      %mul3A_761 = arith.muli %scan3A_69, %mul3A_760 : i32
      %get3A_762 = arith.constant 46 : i32
      %get3A_763 = arith.index_cast %get3A_762 : i32 to index
      %get3A_764 = arith.index_cast %mul3A_761 : i32 to index
      %get3A_765 = tpu.vector_load %arg7[%get3A_763, %get3A_764] {strides = array<i32>} : memref<50x128xi32, #tpu.memory_space<vmem>>, vector<16xi32>,
      %gather3A_766 = tpu.vector_load_idx %arg6[%get3A_765] : memref<100352xi32, #tpu.memory_space<vmem>>[vector<16xi32>], vector<16xi32>,
      %shift_left3A_767 = arith.constant 16 : i32
      %shift_left3A_768 = vector.broadcast %shift_left3A_767 : i32 to vector<16xi32>
      %shift_left3A_769 = arith.shli %gather3A_766, %shift_left3A_768 : vector<16xi32>
      %bitcast3A_770 = vector.bitcast %shift_left3A_769 : vector<16xi32> to vector<16xf32>
      %and3A_771 = arith.andi %gather3A_766, %broadcast_in_dim3A_8 : vector<16xi32>
      %bitcast3A_772 = vector.bitcast %and3A_771 : vector<16xi32> to vector<16xf32>
      %add3A_773 = arith.addf %add3A_758, %bitcast3A_770 : vector<16xf32>
      %add3A_774 = arith.addf %add3A_759, %bitcast3A_772 : vector<16xf32>
      %mul3A_775 = arith.constant 16 : i32
      %mul3A_776 = arith.muli %scan3A_69, %mul3A_775 : i32
      %get3A_777 = arith.constant 47 : i32
      %get3A_778 = arith.index_cast %get3A_777 : i32 to index
      %get3A_779 = arith.index_cast %mul3A_776 : i32 to index
      %get3A_780 = tpu.vector_load %arg7[%get3A_778, %get3A_779] {strides = array<i32>} : memref<50x128xi32, #tpu.memory_space<vmem>>, vector<16xi32>,
      %gather3A_781 = tpu.vector_load_idx %arg6[%get3A_780] : memref<100352xi32, #tpu.memory_space<vmem>>[vector<16xi32>], vector<16xi32>,
      %shift_left3A_782 = arith.constant 16 : i32
      %shift_left3A_783 = vector.broadcast %shift_left3A_782 : i32 to vector<16xi32>
      %shift_left3A_784 = arith.shli %gather3A_781, %shift_left3A_783 : vector<16xi32>
      %bitcast3A_785 = vector.bitcast %shift_left3A_784 : vector<16xi32> to vector<16xf32>
      %and3A_786 = arith.andi %gather3A_781, %broadcast_in_dim3A_8 : vector<16xi32>
      %bitcast3A_787 = vector.bitcast %and3A_786 : vector<16xi32> to vector<16xf32>
      %add3A_788 = arith.addf %add3A_773, %bitcast3A_785 : vector<16xf32>
      %add3A_789 = arith.addf %add3A_774, %bitcast3A_787 : vector<16xf32>
      %mul3A_790 = arith.constant 16 : i32
      %mul3A_791 = arith.muli %scan3A_69, %mul3A_790 : i32
      %get3A_792 = arith.constant 48 : i32
      %get3A_793 = arith.index_cast %get3A_792 : i32 to index
      %get3A_794 = arith.index_cast %mul3A_791 : i32 to index
      %get3A_795 = tpu.vector_load %arg7[%get3A_793, %get3A_794] {strides = array<i32>} : memref<50x128xi32, #tpu.memory_space<vmem>>, vector<16xi32>,
      %gather3A_796 = tpu.vector_load_idx %arg6[%get3A_795] : memref<100352xi32, #tpu.memory_space<vmem>>[vector<16xi32>], vector<16xi32>,
      %shift_left3A_797 = arith.constant 16 : i32
      %shift_left3A_798 = vector.broadcast %shift_left3A_797 : i32 to vector<16xi32>
      %shift_left3A_799 = arith.shli %gather3A_796, %shift_left3A_798 : vector<16xi32>
      %bitcast3A_800 = vector.bitcast %shift_left3A_799 : vector<16xi32> to vector<16xf32>
      %and3A_801 = arith.andi %gather3A_796, %broadcast_in_dim3A_8 : vector<16xi32>
      %bitcast3A_802 = vector.bitcast %and3A_801 : vector<16xi32> to vector<16xf32>
      %add3A_803 = arith.addf %add3A_788, %bitcast3A_800 : vector<16xf32>
      %add3A_804 = arith.addf %add3A_789, %bitcast3A_802 : vector<16xf32>
      %mul3A_805 = arith.constant 16 : i32
      %mul3A_806 = arith.muli %scan3A_69, %mul3A_805 : i32
      %get3A_807 = arith.constant 49 : i32
      %get3A_808 = arith.index_cast %get3A_807 : i32 to index
      %get3A_809 = arith.index_cast %mul3A_806 : i32 to index
      %get3A_810 = tpu.vector_load %arg7[%get3A_808, %get3A_809] {strides = array<i32>} : memref<50x128xi32, #tpu.memory_space<vmem>>, vector<16xi32>,
      %gather3A_811 = tpu.vector_load_idx %arg6[%get3A_810] : memref<100352xi32, #tpu.memory_space<vmem>>[vector<16xi32>], vector<16xi32>,
      %shift_left3A_812 = arith.constant 16 : i32
      %shift_left3A_813 = vector.broadcast %shift_left3A_812 : i32 to vector<16xi32>
      %shift_left3A_814 = arith.shli %gather3A_811, %shift_left3A_813 : vector<16xi32>
      %bitcast3A_815 = vector.bitcast %shift_left3A_814 : vector<16xi32> to vector<16xf32>
      %and3A_816 = arith.andi %gather3A_811, %broadcast_in_dim3A_8 : vector<16xi32>
      %bitcast3A_817 = vector.bitcast %and3A_816 : vector<16xi32> to vector<16xf32>
      %add3A_818 = arith.addf %add3A_803, %bitcast3A_815 : vector<16xf32>
      %add3A_819 = arith.addf %add3A_804, %bitcast3A_817 : vector<16xf32>
      %add3A_820 = arith.constant 16 : i32
      %add3A_821 = arith.addi %add3A_820, %scan3A_69 : i32
      %swap3A = arith.constant 0 : i32
      %swap3A_822 = arith.index_cast %swap3A : i32 to index
      %swap3A_823 = arith.index_cast %add3A_821 : i32 to index
      %swap3A_824 = arith.constant 0 : index
      %swap3A_825 = tpu.vector_load %arg9[%swap3A_822, %swap3A_823, %swap3A_824] {strides = array<i32>} : memref<2x32x16xf32, #tpu.memory_space<vmem>>, vector<16xf32>,
      tpu.vector_store %arg9[%swap3A_822, %swap3A_823, %swap3A_824], %add3A_818 {strides = array<i32>} : memref<2x32x16xf32, #tpu.memory_space<vmem>>, vector<16xf32>,
      %add3A_826 = arith.constant 16 : i32
      %add3A_827 = arith.addi %add3A_826, %scan3A_69 : i32
      %swap3A_828 = arith.constant 1 : i32
      %swap3A_829 = arith.index_cast %swap3A_828 : i32 to index
      %swap3A_830 = arith.index_cast %add3A_827 : i32 to index
      %swap3A_831 = arith.constant 0 : index
      %swap3A_832 = tpu.vector_load %arg9[%swap3A_829, %swap3A_830, %swap3A_831] {strides = array<i32>} : memref<2x32x16xf32, #tpu.memory_space<vmem>>, vector<16xf32>,
      tpu.vector_store %arg9[%swap3A_829, %swap3A_830, %swap3A_831], %add3A_819 {strides = array<i32>} : memref<2x32x16xf32, #tpu.memory_space<vmem>>, vector<16xf32>,
      %scan3A_833 = arith.constant 0 : i32
      scf.yield %scan3A_833 : i32
    }
    %scan3A_57 = arith.constant 8 : i32
    %dma_wait3A_58 = arith.constant 0 : i32
    %dma_wait3A_59 = tpu.memref_slice %arg3[%dma_wait3A_58, %add3A_46] : memref<50x16384xi32, #tpu.memory_space<hbm>> -> memref<50x128xi32, #tpu.memory_space<hbm>>
    %dma_wait3A_60 = arith.constant 0 : i32
    %dma_wait3A_61 = tpu.memref_slice %arg3[%dma_wait3A_60, %add3A_46] : memref<50x16384xi32, #tpu.memory_space<hbm>> -> memref<50x128xi32, #tpu.memory_space<hbm>>
    tpu.wait_dma2 semaphore(%arg12 : memref<!tpu.dma_semaphore, #tpu.memory_space<semaphore_mem>>) src(%dma_wait3A_61 : memref<50x128xi32, #tpu.memory_space<hbm>>) dst(%arg8 : memref<50x128xi32, #tpu.memory_space<vmem>>)
    %scan3A_62 = arith.constant 0 : i32
    %scan3A_63 = arith.constant 0 : i32
    %scan3A_64 = arith.constant 8 : i32
    %scan3A_65 = arith.addi %scan3A_63, %scan3A_64 : i32
    %scan3A_66 = arith.constant 1 : i32
    %scan3A_67 = scf.for %scan3A_69 = %scan3A_63 to %scan3A_65 step %scan3A_66 iter_args(%scan3A_70 = %scan3A_62) -> (i32)  : i32 {
      %broadcast_in_dim3A_71 = arith.constant 0.000000e+00 : f32
      %broadcast_in_dim3A_72 = vector.broadcast %broadcast_in_dim3A_71 : f32 to vector<16xf32>
      %broadcast_in_dim3A_73 = arith.constant 0.000000e+00 : f32
      %broadcast_in_dim3A_74 = vector.broadcast %broadcast_in_dim3A_73 : f32 to vector<16xf32>
      %mul3A_75 = arith.constant 16 : i32
      %mul3A_76 = arith.muli %scan3A_69, %mul3A_75 : i32
      %get3A = arith.constant 0 : i32
      %get3A_77 = arith.index_cast %get3A : i32 to index
      %get3A_78 = arith.index_cast %mul3A_76 : i32 to index
      %get3A_79 = tpu.vector_load %arg8[%get3A_77, %get3A_78] {strides = array<i32>} : memref<50x128xi32, #tpu.memory_space<vmem>>, vector<16xi32>,
      %gather3A = tpu.vector_load_idx %arg6[%get3A_79] : memref<100352xi32, #tpu.memory_space<vmem>>[vector<16xi32>], vector<16xi32>,
      %shift_left3A = arith.constant 16 : i32
      %shift_left3A_80 = vector.broadcast %shift_left3A : i32 to vector<16xi32>
      %shift_left3A_81 = arith.shli %gather3A, %shift_left3A_80 : vector<16xi32>
      %bitcast3A = vector.bitcast %shift_left3A_81 : vector<16xi32> to vector<16xf32>
      %and3A = arith.andi %gather3A, %broadcast_in_dim3A_8 : vector<16xi32>
      %bitcast3A_82 = vector.bitcast %and3A : vector<16xi32> to vector<16xf32>
      %add3A_83 = arith.addf %broadcast_in_dim3A_72, %bitcast3A : vector<16xf32>
      %add3A_84 = arith.addf %broadcast_in_dim3A_74, %bitcast3A_82 : vector<16xf32>
      %mul3A_85 = arith.constant 16 : i32
      %mul3A_86 = arith.muli %scan3A_69, %mul3A_85 : i32
      %get3A_87 = arith.constant 1 : i32
      %get3A_88 = arith.index_cast %get3A_87 : i32 to index
      %get3A_89 = arith.index_cast %mul3A_86 : i32 to index
      %get3A_90 = tpu.vector_load %arg8[%get3A_88, %get3A_89] {strides = array<i32>} : memref<50x128xi32, #tpu.memory_space<vmem>>, vector<16xi32>,
      %gather3A_91 = tpu.vector_load_idx %arg6[%get3A_90] : memref<100352xi32, #tpu.memory_space<vmem>>[vector<16xi32>], vector<16xi32>,
      %shift_left3A_92 = arith.constant 16 : i32
      %shift_left3A_93 = vector.broadcast %shift_left3A_92 : i32 to vector<16xi32>
      %shift_left3A_94 = arith.shli %gather3A_91, %shift_left3A_93 : vector<16xi32>
      %bitcast3A_95 = vector.bitcast %shift_left3A_94 : vector<16xi32> to vector<16xf32>
      %and3A_96 = arith.andi %gather3A_91, %broadcast_in_dim3A_8 : vector<16xi32>
      %bitcast3A_97 = vector.bitcast %and3A_96 : vector<16xi32> to vector<16xf32>
      %add3A_98 = arith.addf %add3A_83, %bitcast3A_95 : vector<16xf32>
      %add3A_99 = arith.addf %add3A_84, %bitcast3A_97 : vector<16xf32>
      %mul3A_100 = arith.constant 16 : i32
      %mul3A_101 = arith.muli %scan3A_69, %mul3A_100 : i32
      %get3A_102 = arith.constant 2 : i32
      %get3A_103 = arith.index_cast %get3A_102 : i32 to index
      %get3A_104 = arith.index_cast %mul3A_101 : i32 to index
      %get3A_105 = tpu.vector_load %arg8[%get3A_103, %get3A_104] {strides = array<i32>} : memref<50x128xi32, #tpu.memory_space<vmem>>, vector<16xi32>,
      %gather3A_106 = tpu.vector_load_idx %arg6[%get3A_105] : memref<100352xi32, #tpu.memory_space<vmem>>[vector<16xi32>], vector<16xi32>,
      %shift_left3A_107 = arith.constant 16 : i32
      %shift_left3A_108 = vector.broadcast %shift_left3A_107 : i32 to vector<16xi32>
      %shift_left3A_109 = arith.shli %gather3A_106, %shift_left3A_108 : vector<16xi32>
      %bitcast3A_110 = vector.bitcast %shift_left3A_109 : vector<16xi32> to vector<16xf32>
      %and3A_111 = arith.andi %gather3A_106, %broadcast_in_dim3A_8 : vector<16xi32>
      %bitcast3A_112 = vector.bitcast %and3A_111 : vector<16xi32> to vector<16xf32>
      %add3A_113 = arith.addf %add3A_98, %bitcast3A_110 : vector<16xf32>
      %add3A_114 = arith.addf %add3A_99, %bitcast3A_112 : vector<16xf32>
      %mul3A_115 = arith.constant 16 : i32
      %mul3A_116 = arith.muli %scan3A_69, %mul3A_115 : i32
      %get3A_117 = arith.constant 3 : i32
      %get3A_118 = arith.index_cast %get3A_117 : i32 to index
      %get3A_119 = arith.index_cast %mul3A_116 : i32 to index
      %get3A_120 = tpu.vector_load %arg8[%get3A_118, %get3A_119] {strides = array<i32>} : memref<50x128xi32, #tpu.memory_space<vmem>>, vector<16xi32>,
      %gather3A_121 = tpu.vector_load_idx %arg6[%get3A_120] : memref<100352xi32, #tpu.memory_space<vmem>>[vector<16xi32>], vector<16xi32>,
      %shift_left3A_122 = arith.constant 16 : i32
      %shift_left3A_123 = vector.broadcast %shift_left3A_122 : i32 to vector<16xi32>
      %shift_left3A_124 = arith.shli %gather3A_121, %shift_left3A_123 : vector<16xi32>
      %bitcast3A_125 = vector.bitcast %shift_left3A_124 : vector<16xi32> to vector<16xf32>
      %and3A_126 = arith.andi %gather3A_121, %broadcast_in_dim3A_8 : vector<16xi32>
      %bitcast3A_127 = vector.bitcast %and3A_126 : vector<16xi32> to vector<16xf32>
      %add3A_128 = arith.addf %add3A_113, %bitcast3A_125 : vector<16xf32>
      %add3A_129 = arith.addf %add3A_114, %bitcast3A_127 : vector<16xf32>
      %mul3A_130 = arith.constant 16 : i32
      %mul3A_131 = arith.muli %scan3A_69, %mul3A_130 : i32
      %get3A_132 = arith.constant 4 : i32
      %get3A_133 = arith.index_cast %get3A_132 : i32 to index
      %get3A_134 = arith.index_cast %mul3A_131 : i32 to index
      %get3A_135 = tpu.vector_load %arg8[%get3A_133, %get3A_134] {strides = array<i32>} : memref<50x128xi32, #tpu.memory_space<vmem>>, vector<16xi32>,
      %gather3A_136 = tpu.vector_load_idx %arg6[%get3A_135] : memref<100352xi32, #tpu.memory_space<vmem>>[vector<16xi32>], vector<16xi32>,
      %shift_left3A_137 = arith.constant 16 : i32
      %shift_left3A_138 = vector.broadcast %shift_left3A_137 : i32 to vector<16xi32>
      %shift_left3A_139 = arith.shli %gather3A_136, %shift_left3A_138 : vector<16xi32>
      %bitcast3A_140 = vector.bitcast %shift_left3A_139 : vector<16xi32> to vector<16xf32>
      %and3A_141 = arith.andi %gather3A_136, %broadcast_in_dim3A_8 : vector<16xi32>
      %bitcast3A_142 = vector.bitcast %and3A_141 : vector<16xi32> to vector<16xf32>
      %add3A_143 = arith.addf %add3A_128, %bitcast3A_140 : vector<16xf32>
      %add3A_144 = arith.addf %add3A_129, %bitcast3A_142 : vector<16xf32>
      %mul3A_145 = arith.constant 16 : i32
      %mul3A_146 = arith.muli %scan3A_69, %mul3A_145 : i32
      %get3A_147 = arith.constant 5 : i32
      %get3A_148 = arith.index_cast %get3A_147 : i32 to index
      %get3A_149 = arith.index_cast %mul3A_146 : i32 to index
      %get3A_150 = tpu.vector_load %arg8[%get3A_148, %get3A_149] {strides = array<i32>} : memref<50x128xi32, #tpu.memory_space<vmem>>, vector<16xi32>,
      %gather3A_151 = tpu.vector_load_idx %arg6[%get3A_150] : memref<100352xi32, #tpu.memory_space<vmem>>[vector<16xi32>], vector<16xi32>,
      %shift_left3A_152 = arith.constant 16 : i32
      %shift_left3A_153 = vector.broadcast %shift_left3A_152 : i32 to vector<16xi32>
      %shift_left3A_154 = arith.shli %gather3A_151, %shift_left3A_153 : vector<16xi32>
      %bitcast3A_155 = vector.bitcast %shift_left3A_154 : vector<16xi32> to vector<16xf32>
      %and3A_156 = arith.andi %gather3A_151, %broadcast_in_dim3A_8 : vector<16xi32>
      %bitcast3A_157 = vector.bitcast %and3A_156 : vector<16xi32> to vector<16xf32>
      %add3A_158 = arith.addf %add3A_143, %bitcast3A_155 : vector<16xf32>
      %add3A_159 = arith.addf %add3A_144, %bitcast3A_157 : vector<16xf32>
      %mul3A_160 = arith.constant 16 : i32
      %mul3A_161 = arith.muli %scan3A_69, %mul3A_160 : i32
      %get3A_162 = arith.constant 6 : i32
      %get3A_163 = arith.index_cast %get3A_162 : i32 to index
      %get3A_164 = arith.index_cast %mul3A_161 : i32 to index
      %get3A_165 = tpu.vector_load %arg8[%get3A_163, %get3A_164] {strides = array<i32>} : memref<50x128xi32, #tpu.memory_space<vmem>>, vector<16xi32>,
      %gather3A_166 = tpu.vector_load_idx %arg6[%get3A_165] : memref<100352xi32, #tpu.memory_space<vmem>>[vector<16xi32>], vector<16xi32>,
      %shift_left3A_167 = arith.constant 16 : i32
      %shift_left3A_168 = vector.broadcast %shift_left3A_167 : i32 to vector<16xi32>
      %shift_left3A_169 = arith.shli %gather3A_166, %shift_left3A_168 : vector<16xi32>
      %bitcast3A_170 = vector.bitcast %shift_left3A_169 : vector<16xi32> to vector<16xf32>
      %and3A_171 = arith.andi %gather3A_166, %broadcast_in_dim3A_8 : vector<16xi32>
      %bitcast3A_172 = vector.bitcast %and3A_171 : vector<16xi32> to vector<16xf32>
      %add3A_173 = arith.addf %add3A_158, %bitcast3A_170 : vector<16xf32>
      %add3A_174 = arith.addf %add3A_159, %bitcast3A_172 : vector<16xf32>
      %mul3A_175 = arith.constant 16 : i32
      %mul3A_176 = arith.muli %scan3A_69, %mul3A_175 : i32
      %get3A_177 = arith.constant 7 : i32
      %get3A_178 = arith.index_cast %get3A_177 : i32 to index
      %get3A_179 = arith.index_cast %mul3A_176 : i32 to index
      %get3A_180 = tpu.vector_load %arg8[%get3A_178, %get3A_179] {strides = array<i32>} : memref<50x128xi32, #tpu.memory_space<vmem>>, vector<16xi32>,
      %gather3A_181 = tpu.vector_load_idx %arg6[%get3A_180] : memref<100352xi32, #tpu.memory_space<vmem>>[vector<16xi32>], vector<16xi32>,
      %shift_left3A_182 = arith.constant 16 : i32
      %shift_left3A_183 = vector.broadcast %shift_left3A_182 : i32 to vector<16xi32>
      %shift_left3A_184 = arith.shli %gather3A_181, %shift_left3A_183 : vector<16xi32>
      %bitcast3A_185 = vector.bitcast %shift_left3A_184 : vector<16xi32> to vector<16xf32>
      %and3A_186 = arith.andi %gather3A_181, %broadcast_in_dim3A_8 : vector<16xi32>
      %bitcast3A_187 = vector.bitcast %and3A_186 : vector<16xi32> to vector<16xf32>
      %add3A_188 = arith.addf %add3A_173, %bitcast3A_185 : vector<16xf32>
      %add3A_189 = arith.addf %add3A_174, %bitcast3A_187 : vector<16xf32>
      %mul3A_190 = arith.constant 16 : i32
      %mul3A_191 = arith.muli %scan3A_69, %mul3A_190 : i32
      %get3A_192 = arith.constant 8 : i32
      %get3A_193 = arith.index_cast %get3A_192 : i32 to index
      %get3A_194 = arith.index_cast %mul3A_191 : i32 to index
      %get3A_195 = tpu.vector_load %arg8[%get3A_193, %get3A_194] {strides = array<i32>} : memref<50x128xi32, #tpu.memory_space<vmem>>, vector<16xi32>,
      %gather3A_196 = tpu.vector_load_idx %arg6[%get3A_195] : memref<100352xi32, #tpu.memory_space<vmem>>[vector<16xi32>], vector<16xi32>,
      %shift_left3A_197 = arith.constant 16 : i32
      %shift_left3A_198 = vector.broadcast %shift_left3A_197 : i32 to vector<16xi32>
      %shift_left3A_199 = arith.shli %gather3A_196, %shift_left3A_198 : vector<16xi32>
      %bitcast3A_200 = vector.bitcast %shift_left3A_199 : vector<16xi32> to vector<16xf32>
      %and3A_201 = arith.andi %gather3A_196, %broadcast_in_dim3A_8 : vector<16xi32>
      %bitcast3A_202 = vector.bitcast %and3A_201 : vector<16xi32> to vector<16xf32>
      %add3A_203 = arith.addf %add3A_188, %bitcast3A_200 : vector<16xf32>
      %add3A_204 = arith.addf %add3A_189, %bitcast3A_202 : vector<16xf32>
      %mul3A_205 = arith.constant 16 : i32
      %mul3A_206 = arith.muli %scan3A_69, %mul3A_205 : i32
      %get3A_207 = arith.constant 9 : i32
      %get3A_208 = arith.index_cast %get3A_207 : i32 to index
      %get3A_209 = arith.index_cast %mul3A_206 : i32 to index
      %get3A_210 = tpu.vector_load %arg8[%get3A_208, %get3A_209] {strides = array<i32>} : memref<50x128xi32, #tpu.memory_space<vmem>>, vector<16xi32>,
      %gather3A_211 = tpu.vector_load_idx %arg6[%get3A_210] : memref<100352xi32, #tpu.memory_space<vmem>>[vector<16xi32>], vector<16xi32>,
      %shift_left3A_212 = arith.constant 16 : i32
      %shift_left3A_213 = vector.broadcast %shift_left3A_212 : i32 to vector<16xi32>
      %shift_left3A_214 = arith.shli %gather3A_211, %shift_left3A_213 : vector<16xi32>
      %bitcast3A_215 = vector.bitcast %shift_left3A_214 : vector<16xi32> to vector<16xf32>
      %and3A_216 = arith.andi %gather3A_211, %broadcast_in_dim3A_8 : vector<16xi32>
      %bitcast3A_217 = vector.bitcast %and3A_216 : vector<16xi32> to vector<16xf32>
      %add3A_218 = arith.addf %add3A_203, %bitcast3A_215 : vector<16xf32>
      %add3A_219 = arith.addf %add3A_204, %bitcast3A_217 : vector<16xf32>
      %mul3A_220 = arith.constant 16 : i32
      %mul3A_221 = arith.muli %scan3A_69, %mul3A_220 : i32
      %get3A_222 = arith.constant 10 : i32
      %get3A_223 = arith.index_cast %get3A_222 : i32 to index
      %get3A_224 = arith.index_cast %mul3A_221 : i32 to index
      %get3A_225 = tpu.vector_load %arg8[%get3A_223, %get3A_224] {strides = array<i32>} : memref<50x128xi32, #tpu.memory_space<vmem>>, vector<16xi32>,
      %gather3A_226 = tpu.vector_load_idx %arg6[%get3A_225] : memref<100352xi32, #tpu.memory_space<vmem>>[vector<16xi32>], vector<16xi32>,
      %shift_left3A_227 = arith.constant 16 : i32
      %shift_left3A_228 = vector.broadcast %shift_left3A_227 : i32 to vector<16xi32>
      %shift_left3A_229 = arith.shli %gather3A_226, %shift_left3A_228 : vector<16xi32>
      %bitcast3A_230 = vector.bitcast %shift_left3A_229 : vector<16xi32> to vector<16xf32>
      %and3A_231 = arith.andi %gather3A_226, %broadcast_in_dim3A_8 : vector<16xi32>
      %bitcast3A_232 = vector.bitcast %and3A_231 : vector<16xi32> to vector<16xf32>
      %add3A_233 = arith.addf %add3A_218, %bitcast3A_230 : vector<16xf32>
      %add3A_234 = arith.addf %add3A_219, %bitcast3A_232 : vector<16xf32>
      %mul3A_235 = arith.constant 16 : i32
      %mul3A_236 = arith.muli %scan3A_69, %mul3A_235 : i32
      %get3A_237 = arith.constant 11 : i32
      %get3A_238 = arith.index_cast %get3A_237 : i32 to index
      %get3A_239 = arith.index_cast %mul3A_236 : i32 to index
      %get3A_240 = tpu.vector_load %arg8[%get3A_238, %get3A_239] {strides = array<i32>} : memref<50x128xi32, #tpu.memory_space<vmem>>, vector<16xi32>,
      %gather3A_241 = tpu.vector_load_idx %arg6[%get3A_240] : memref<100352xi32, #tpu.memory_space<vmem>>[vector<16xi32>], vector<16xi32>,
      %shift_left3A_242 = arith.constant 16 : i32
      %shift_left3A_243 = vector.broadcast %shift_left3A_242 : i32 to vector<16xi32>
      %shift_left3A_244 = arith.shli %gather3A_241, %shift_left3A_243 : vector<16xi32>
      %bitcast3A_245 = vector.bitcast %shift_left3A_244 : vector<16xi32> to vector<16xf32>
      %and3A_246 = arith.andi %gather3A_241, %broadcast_in_dim3A_8 : vector<16xi32>
      %bitcast3A_247 = vector.bitcast %and3A_246 : vector<16xi32> to vector<16xf32>
      %add3A_248 = arith.addf %add3A_233, %bitcast3A_245 : vector<16xf32>
      %add3A_249 = arith.addf %add3A_234, %bitcast3A_247 : vector<16xf32>
      %mul3A_250 = arith.constant 16 : i32
      %mul3A_251 = arith.muli %scan3A_69, %mul3A_250 : i32
      %get3A_252 = arith.constant 12 : i32
      %get3A_253 = arith.index_cast %get3A_252 : i32 to index
      %get3A_254 = arith.index_cast %mul3A_251 : i32 to index
      %get3A_255 = tpu.vector_load %arg8[%get3A_253, %get3A_254] {strides = array<i32>} : memref<50x128xi32, #tpu.memory_space<vmem>>, vector<16xi32>,
      %gather3A_256 = tpu.vector_load_idx %arg6[%get3A_255] : memref<100352xi32, #tpu.memory_space<vmem>>[vector<16xi32>], vector<16xi32>,
      %shift_left3A_257 = arith.constant 16 : i32
      %shift_left3A_258 = vector.broadcast %shift_left3A_257 : i32 to vector<16xi32>
      %shift_left3A_259 = arith.shli %gather3A_256, %shift_left3A_258 : vector<16xi32>
      %bitcast3A_260 = vector.bitcast %shift_left3A_259 : vector<16xi32> to vector<16xf32>
      %and3A_261 = arith.andi %gather3A_256, %broadcast_in_dim3A_8 : vector<16xi32>
      %bitcast3A_262 = vector.bitcast %and3A_261 : vector<16xi32> to vector<16xf32>
      %add3A_263 = arith.addf %add3A_248, %bitcast3A_260 : vector<16xf32>
      %add3A_264 = arith.addf %add3A_249, %bitcast3A_262 : vector<16xf32>
      %mul3A_265 = arith.constant 16 : i32
      %mul3A_266 = arith.muli %scan3A_69, %mul3A_265 : i32
      %get3A_267 = arith.constant 13 : i32
      %get3A_268 = arith.index_cast %get3A_267 : i32 to index
      %get3A_269 = arith.index_cast %mul3A_266 : i32 to index
      %get3A_270 = tpu.vector_load %arg8[%get3A_268, %get3A_269] {strides = array<i32>} : memref<50x128xi32, #tpu.memory_space<vmem>>, vector<16xi32>,
      %gather3A_271 = tpu.vector_load_idx %arg6[%get3A_270] : memref<100352xi32, #tpu.memory_space<vmem>>[vector<16xi32>], vector<16xi32>,
      %shift_left3A_272 = arith.constant 16 : i32
      %shift_left3A_273 = vector.broadcast %shift_left3A_272 : i32 to vector<16xi32>
      %shift_left3A_274 = arith.shli %gather3A_271, %shift_left3A_273 : vector<16xi32>
      %bitcast3A_275 = vector.bitcast %shift_left3A_274 : vector<16xi32> to vector<16xf32>
      %and3A_276 = arith.andi %gather3A_271, %broadcast_in_dim3A_8 : vector<16xi32>
      %bitcast3A_277 = vector.bitcast %and3A_276 : vector<16xi32> to vector<16xf32>
      %add3A_278 = arith.addf %add3A_263, %bitcast3A_275 : vector<16xf32>
      %add3A_279 = arith.addf %add3A_264, %bitcast3A_277 : vector<16xf32>
      %mul3A_280 = arith.constant 16 : i32
      %mul3A_281 = arith.muli %scan3A_69, %mul3A_280 : i32
      %get3A_282 = arith.constant 14 : i32
      %get3A_283 = arith.index_cast %get3A_282 : i32 to index
      %get3A_284 = arith.index_cast %mul3A_281 : i32 to index
      %get3A_285 = tpu.vector_load %arg8[%get3A_283, %get3A_284] {strides = array<i32>} : memref<50x128xi32, #tpu.memory_space<vmem>>, vector<16xi32>,
      %gather3A_286 = tpu.vector_load_idx %arg6[%get3A_285] : memref<100352xi32, #tpu.memory_space<vmem>>[vector<16xi32>], vector<16xi32>,
      %shift_left3A_287 = arith.constant 16 : i32
      %shift_left3A_288 = vector.broadcast %shift_left3A_287 : i32 to vector<16xi32>
      %shift_left3A_289 = arith.shli %gather3A_286, %shift_left3A_288 : vector<16xi32>
      %bitcast3A_290 = vector.bitcast %shift_left3A_289 : vector<16xi32> to vector<16xf32>
      %and3A_291 = arith.andi %gather3A_286, %broadcast_in_dim3A_8 : vector<16xi32>
      %bitcast3A_292 = vector.bitcast %and3A_291 : vector<16xi32> to vector<16xf32>
      %add3A_293 = arith.addf %add3A_278, %bitcast3A_290 : vector<16xf32>
      %add3A_294 = arith.addf %add3A_279, %bitcast3A_292 : vector<16xf32>
      %mul3A_295 = arith.constant 16 : i32
      %mul3A_296 = arith.muli %scan3A_69, %mul3A_295 : i32
      %get3A_297 = arith.constant 15 : i32
      %get3A_298 = arith.index_cast %get3A_297 : i32 to index
      %get3A_299 = arith.index_cast %mul3A_296 : i32 to index
      %get3A_300 = tpu.vector_load %arg8[%get3A_298, %get3A_299] {strides = array<i32>} : memref<50x128xi32, #tpu.memory_space<vmem>>, vector<16xi32>,
      %gather3A_301 = tpu.vector_load_idx %arg6[%get3A_300] : memref<100352xi32, #tpu.memory_space<vmem>>[vector<16xi32>], vector<16xi32>,
      %shift_left3A_302 = arith.constant 16 : i32
      %shift_left3A_303 = vector.broadcast %shift_left3A_302 : i32 to vector<16xi32>
      %shift_left3A_304 = arith.shli %gather3A_301, %shift_left3A_303 : vector<16xi32>
      %bitcast3A_305 = vector.bitcast %shift_left3A_304 : vector<16xi32> to vector<16xf32>
      %and3A_306 = arith.andi %gather3A_301, %broadcast_in_dim3A_8 : vector<16xi32>
      %bitcast3A_307 = vector.bitcast %and3A_306 : vector<16xi32> to vector<16xf32>
      %add3A_308 = arith.addf %add3A_293, %bitcast3A_305 : vector<16xf32>
      %add3A_309 = arith.addf %add3A_294, %bitcast3A_307 : vector<16xf32>
      %mul3A_310 = arith.constant 16 : i32
      %mul3A_311 = arith.muli %scan3A_69, %mul3A_310 : i32
      %get3A_312 = arith.constant 16 : i32
      %get3A_313 = arith.index_cast %get3A_312 : i32 to index
      %get3A_314 = arith.index_cast %mul3A_311 : i32 to index
      %get3A_315 = tpu.vector_load %arg8[%get3A_313, %get3A_314] {strides = array<i32>} : memref<50x128xi32, #tpu.memory_space<vmem>>, vector<16xi32>,
      %gather3A_316 = tpu.vector_load_idx %arg6[%get3A_315] : memref<100352xi32, #tpu.memory_space<vmem>>[vector<16xi32>], vector<16xi32>,
      %shift_left3A_317 = arith.constant 16 : i32
      %shift_left3A_318 = vector.broadcast %shift_left3A_317 : i32 to vector<16xi32>
      %shift_left3A_319 = arith.shli %gather3A_316, %shift_left3A_318 : vector<16xi32>
      %bitcast3A_320 = vector.bitcast %shift_left3A_319 : vector<16xi32> to vector<16xf32>
      %and3A_321 = arith.andi %gather3A_316, %broadcast_in_dim3A_8 : vector<16xi32>
      %bitcast3A_322 = vector.bitcast %and3A_321 : vector<16xi32> to vector<16xf32>
      %add3A_323 = arith.addf %add3A_308, %bitcast3A_320 : vector<16xf32>
      %add3A_324 = arith.addf %add3A_309, %bitcast3A_322 : vector<16xf32>
      %mul3A_325 = arith.constant 16 : i32
      %mul3A_326 = arith.muli %scan3A_69, %mul3A_325 : i32
      %get3A_327 = arith.constant 17 : i32
      %get3A_328 = arith.index_cast %get3A_327 : i32 to index
      %get3A_329 = arith.index_cast %mul3A_326 : i32 to index
      %get3A_330 = tpu.vector_load %arg8[%get3A_328, %get3A_329] {strides = array<i32>} : memref<50x128xi32, #tpu.memory_space<vmem>>, vector<16xi32>,
      %gather3A_331 = tpu.vector_load_idx %arg6[%get3A_330] : memref<100352xi32, #tpu.memory_space<vmem>>[vector<16xi32>], vector<16xi32>,
      %shift_left3A_332 = arith.constant 16 : i32
      %shift_left3A_333 = vector.broadcast %shift_left3A_332 : i32 to vector<16xi32>
      %shift_left3A_334 = arith.shli %gather3A_331, %shift_left3A_333 : vector<16xi32>
      %bitcast3A_335 = vector.bitcast %shift_left3A_334 : vector<16xi32> to vector<16xf32>
      %and3A_336 = arith.andi %gather3A_331, %broadcast_in_dim3A_8 : vector<16xi32>
      %bitcast3A_337 = vector.bitcast %and3A_336 : vector<16xi32> to vector<16xf32>
      %add3A_338 = arith.addf %add3A_323, %bitcast3A_335 : vector<16xf32>
      %add3A_339 = arith.addf %add3A_324, %bitcast3A_337 : vector<16xf32>
      %mul3A_340 = arith.constant 16 : i32
      %mul3A_341 = arith.muli %scan3A_69, %mul3A_340 : i32
      %get3A_342 = arith.constant 18 : i32
      %get3A_343 = arith.index_cast %get3A_342 : i32 to index
      %get3A_344 = arith.index_cast %mul3A_341 : i32 to index
      %get3A_345 = tpu.vector_load %arg8[%get3A_343, %get3A_344] {strides = array<i32>} : memref<50x128xi32, #tpu.memory_space<vmem>>, vector<16xi32>,
      %gather3A_346 = tpu.vector_load_idx %arg6[%get3A_345] : memref<100352xi32, #tpu.memory_space<vmem>>[vector<16xi32>], vector<16xi32>,
      %shift_left3A_347 = arith.constant 16 : i32
      %shift_left3A_348 = vector.broadcast %shift_left3A_347 : i32 to vector<16xi32>
      %shift_left3A_349 = arith.shli %gather3A_346, %shift_left3A_348 : vector<16xi32>
      %bitcast3A_350 = vector.bitcast %shift_left3A_349 : vector<16xi32> to vector<16xf32>
      %and3A_351 = arith.andi %gather3A_346, %broadcast_in_dim3A_8 : vector<16xi32>
      %bitcast3A_352 = vector.bitcast %and3A_351 : vector<16xi32> to vector<16xf32>
      %add3A_353 = arith.addf %add3A_338, %bitcast3A_350 : vector<16xf32>
      %add3A_354 = arith.addf %add3A_339, %bitcast3A_352 : vector<16xf32>
      %mul3A_355 = arith.constant 16 : i32
      %mul3A_356 = arith.muli %scan3A_69, %mul3A_355 : i32
      %get3A_357 = arith.constant 19 : i32
      %get3A_358 = arith.index_cast %get3A_357 : i32 to index
      %get3A_359 = arith.index_cast %mul3A_356 : i32 to index
      %get3A_360 = tpu.vector_load %arg8[%get3A_358, %get3A_359] {strides = array<i32>} : memref<50x128xi32, #tpu.memory_space<vmem>>, vector<16xi32>,
      %gather3A_361 = tpu.vector_load_idx %arg6[%get3A_360] : memref<100352xi32, #tpu.memory_space<vmem>>[vector<16xi32>], vector<16xi32>,
      %shift_left3A_362 = arith.constant 16 : i32
      %shift_left3A_363 = vector.broadcast %shift_left3A_362 : i32 to vector<16xi32>
      %shift_left3A_364 = arith.shli %gather3A_361, %shift_left3A_363 : vector<16xi32>
      %bitcast3A_365 = vector.bitcast %shift_left3A_364 : vector<16xi32> to vector<16xf32>
      %and3A_366 = arith.andi %gather3A_361, %broadcast_in_dim3A_8 : vector<16xi32>
      %bitcast3A_367 = vector.bitcast %and3A_366 : vector<16xi32> to vector<16xf32>
      %add3A_368 = arith.addf %add3A_353, %bitcast3A_365 : vector<16xf32>
      %add3A_369 = arith.addf %add3A_354, %bitcast3A_367 : vector<16xf32>
      %mul3A_370 = arith.constant 16 : i32
      %mul3A_371 = arith.muli %scan3A_69, %mul3A_370 : i32
      %get3A_372 = arith.constant 20 : i32
      %get3A_373 = arith.index_cast %get3A_372 : i32 to index
      %get3A_374 = arith.index_cast %mul3A_371 : i32 to index
      %get3A_375 = tpu.vector_load %arg8[%get3A_373, %get3A_374] {strides = array<i32>} : memref<50x128xi32, #tpu.memory_space<vmem>>, vector<16xi32>,
      %gather3A_376 = tpu.vector_load_idx %arg6[%get3A_375] : memref<100352xi32, #tpu.memory_space<vmem>>[vector<16xi32>], vector<16xi32>,
      %shift_left3A_377 = arith.constant 16 : i32
      %shift_left3A_378 = vector.broadcast %shift_left3A_377 : i32 to vector<16xi32>
      %shift_left3A_379 = arith.shli %gather3A_376, %shift_left3A_378 : vector<16xi32>
      %bitcast3A_380 = vector.bitcast %shift_left3A_379 : vector<16xi32> to vector<16xf32>
      %and3A_381 = arith.andi %gather3A_376, %broadcast_in_dim3A_8 : vector<16xi32>
      %bitcast3A_382 = vector.bitcast %and3A_381 : vector<16xi32> to vector<16xf32>
      %add3A_383 = arith.addf %add3A_368, %bitcast3A_380 : vector<16xf32>
      %add3A_384 = arith.addf %add3A_369, %bitcast3A_382 : vector<16xf32>
      %mul3A_385 = arith.constant 16 : i32
      %mul3A_386 = arith.muli %scan3A_69, %mul3A_385 : i32
      %get3A_387 = arith.constant 21 : i32
      %get3A_388 = arith.index_cast %get3A_387 : i32 to index
      %get3A_389 = arith.index_cast %mul3A_386 : i32 to index
      %get3A_390 = tpu.vector_load %arg8[%get3A_388, %get3A_389] {strides = array<i32>} : memref<50x128xi32, #tpu.memory_space<vmem>>, vector<16xi32>,
      %gather3A_391 = tpu.vector_load_idx %arg6[%get3A_390] : memref<100352xi32, #tpu.memory_space<vmem>>[vector<16xi32>], vector<16xi32>,
      %shift_left3A_392 = arith.constant 16 : i32
      %shift_left3A_393 = vector.broadcast %shift_left3A_392 : i32 to vector<16xi32>
      %shift_left3A_394 = arith.shli %gather3A_391, %shift_left3A_393 : vector<16xi32>
      %bitcast3A_395 = vector.bitcast %shift_left3A_394 : vector<16xi32> to vector<16xf32>
      %and3A_396 = arith.andi %gather3A_391, %broadcast_in_dim3A_8 : vector<16xi32>
      %bitcast3A_397 = vector.bitcast %and3A_396 : vector<16xi32> to vector<16xf32>
      %add3A_398 = arith.addf %add3A_383, %bitcast3A_395 : vector<16xf32>
      %add3A_399 = arith.addf %add3A_384, %bitcast3A_397 : vector<16xf32>
      %mul3A_400 = arith.constant 16 : i32
      %mul3A_401 = arith.muli %scan3A_69, %mul3A_400 : i32
      %get3A_402 = arith.constant 22 : i32
      %get3A_403 = arith.index_cast %get3A_402 : i32 to index
      %get3A_404 = arith.index_cast %mul3A_401 : i32 to index
      %get3A_405 = tpu.vector_load %arg8[%get3A_403, %get3A_404] {strides = array<i32>} : memref<50x128xi32, #tpu.memory_space<vmem>>, vector<16xi32>,
      %gather3A_406 = tpu.vector_load_idx %arg6[%get3A_405] : memref<100352xi32, #tpu.memory_space<vmem>>[vector<16xi32>], vector<16xi32>,
      %shift_left3A_407 = arith.constant 16 : i32
      %shift_left3A_408 = vector.broadcast %shift_left3A_407 : i32 to vector<16xi32>
      %shift_left3A_409 = arith.shli %gather3A_406, %shift_left3A_408 : vector<16xi32>
      %bitcast3A_410 = vector.bitcast %shift_left3A_409 : vector<16xi32> to vector<16xf32>
      %and3A_411 = arith.andi %gather3A_406, %broadcast_in_dim3A_8 : vector<16xi32>
      %bitcast3A_412 = vector.bitcast %and3A_411 : vector<16xi32> to vector<16xf32>
      %add3A_413 = arith.addf %add3A_398, %bitcast3A_410 : vector<16xf32>
      %add3A_414 = arith.addf %add3A_399, %bitcast3A_412 : vector<16xf32>
      %mul3A_415 = arith.constant 16 : i32
      %mul3A_416 = arith.muli %scan3A_69, %mul3A_415 : i32
      %get3A_417 = arith.constant 23 : i32
      %get3A_418 = arith.index_cast %get3A_417 : i32 to index
      %get3A_419 = arith.index_cast %mul3A_416 : i32 to index
      %get3A_420 = tpu.vector_load %arg8[%get3A_418, %get3A_419] {strides = array<i32>} : memref<50x128xi32, #tpu.memory_space<vmem>>, vector<16xi32>,
      %gather3A_421 = tpu.vector_load_idx %arg6[%get3A_420] : memref<100352xi32, #tpu.memory_space<vmem>>[vector<16xi32>], vector<16xi32>,
      %shift_left3A_422 = arith.constant 16 : i32
      %shift_left3A_423 = vector.broadcast %shift_left3A_422 : i32 to vector<16xi32>
      %shift_left3A_424 = arith.shli %gather3A_421, %shift_left3A_423 : vector<16xi32>
      %bitcast3A_425 = vector.bitcast %shift_left3A_424 : vector<16xi32> to vector<16xf32>
      %and3A_426 = arith.andi %gather3A_421, %broadcast_in_dim3A_8 : vector<16xi32>
      %bitcast3A_427 = vector.bitcast %and3A_426 : vector<16xi32> to vector<16xf32>
      %add3A_428 = arith.addf %add3A_413, %bitcast3A_425 : vector<16xf32>
      %add3A_429 = arith.addf %add3A_414, %bitcast3A_427 : vector<16xf32>
      %mul3A_430 = arith.constant 16 : i32
      %mul3A_431 = arith.muli %scan3A_69, %mul3A_430 : i32
      %get3A_432 = arith.constant 24 : i32
      %get3A_433 = arith.index_cast %get3A_432 : i32 to index
      %get3A_434 = arith.index_cast %mul3A_431 : i32 to index
      %get3A_435 = tpu.vector_load %arg8[%get3A_433, %get3A_434] {strides = array<i32>} : memref<50x128xi32, #tpu.memory_space<vmem>>, vector<16xi32>,
      %gather3A_436 = tpu.vector_load_idx %arg6[%get3A_435] : memref<100352xi32, #tpu.memory_space<vmem>>[vector<16xi32>], vector<16xi32>,
      %shift_left3A_437 = arith.constant 16 : i32
      %shift_left3A_438 = vector.broadcast %shift_left3A_437 : i32 to vector<16xi32>
      %shift_left3A_439 = arith.shli %gather3A_436, %shift_left3A_438 : vector<16xi32>
      %bitcast3A_440 = vector.bitcast %shift_left3A_439 : vector<16xi32> to vector<16xf32>
      %and3A_441 = arith.andi %gather3A_436, %broadcast_in_dim3A_8 : vector<16xi32>
      %bitcast3A_442 = vector.bitcast %and3A_441 : vector<16xi32> to vector<16xf32>
      %add3A_443 = arith.addf %add3A_428, %bitcast3A_440 : vector<16xf32>
      %add3A_444 = arith.addf %add3A_429, %bitcast3A_442 : vector<16xf32>
      %mul3A_445 = arith.constant 16 : i32
      %mul3A_446 = arith.muli %scan3A_69, %mul3A_445 : i32
      %get3A_447 = arith.constant 25 : i32
      %get3A_448 = arith.index_cast %get3A_447 : i32 to index
      %get3A_449 = arith.index_cast %mul3A_446 : i32 to index
      %get3A_450 = tpu.vector_load %arg8[%get3A_448, %get3A_449] {strides = array<i32>} : memref<50x128xi32, #tpu.memory_space<vmem>>, vector<16xi32>,
      %gather3A_451 = tpu.vector_load_idx %arg6[%get3A_450] : memref<100352xi32, #tpu.memory_space<vmem>>[vector<16xi32>], vector<16xi32>,
      %shift_left3A_452 = arith.constant 16 : i32
      %shift_left3A_453 = vector.broadcast %shift_left3A_452 : i32 to vector<16xi32>
      %shift_left3A_454 = arith.shli %gather3A_451, %shift_left3A_453 : vector<16xi32>
      %bitcast3A_455 = vector.bitcast %shift_left3A_454 : vector<16xi32> to vector<16xf32>
      %and3A_456 = arith.andi %gather3A_451, %broadcast_in_dim3A_8 : vector<16xi32>
      %bitcast3A_457 = vector.bitcast %and3A_456 : vector<16xi32> to vector<16xf32>
      %add3A_458 = arith.addf %add3A_443, %bitcast3A_455 : vector<16xf32>
      %add3A_459 = arith.addf %add3A_444, %bitcast3A_457 : vector<16xf32>
      %mul3A_460 = arith.constant 16 : i32
      %mul3A_461 = arith.muli %scan3A_69, %mul3A_460 : i32
      %get3A_462 = arith.constant 26 : i32
      %get3A_463 = arith.index_cast %get3A_462 : i32 to index
      %get3A_464 = arith.index_cast %mul3A_461 : i32 to index
      %get3A_465 = tpu.vector_load %arg8[%get3A_463, %get3A_464] {strides = array<i32>} : memref<50x128xi32, #tpu.memory_space<vmem>>, vector<16xi32>,
      %gather3A_466 = tpu.vector_load_idx %arg6[%get3A_465] : memref<100352xi32, #tpu.memory_space<vmem>>[vector<16xi32>], vector<16xi32>,
      %shift_left3A_467 = arith.constant 16 : i32
      %shift_left3A_468 = vector.broadcast %shift_left3A_467 : i32 to vector<16xi32>
      %shift_left3A_469 = arith.shli %gather3A_466, %shift_left3A_468 : vector<16xi32>
      %bitcast3A_470 = vector.bitcast %shift_left3A_469 : vector<16xi32> to vector<16xf32>
      %and3A_471 = arith.andi %gather3A_466, %broadcast_in_dim3A_8 : vector<16xi32>
      %bitcast3A_472 = vector.bitcast %and3A_471 : vector<16xi32> to vector<16xf32>
      %add3A_473 = arith.addf %add3A_458, %bitcast3A_470 : vector<16xf32>
      %add3A_474 = arith.addf %add3A_459, %bitcast3A_472 : vector<16xf32>
      %mul3A_475 = arith.constant 16 : i32
      %mul3A_476 = arith.muli %scan3A_69, %mul3A_475 : i32
      %get3A_477 = arith.constant 27 : i32
      %get3A_478 = arith.index_cast %get3A_477 : i32 to index
      %get3A_479 = arith.index_cast %mul3A_476 : i32 to index
      %get3A_480 = tpu.vector_load %arg8[%get3A_478, %get3A_479] {strides = array<i32>} : memref<50x128xi32, #tpu.memory_space<vmem>>, vector<16xi32>,
      %gather3A_481 = tpu.vector_load_idx %arg6[%get3A_480] : memref<100352xi32, #tpu.memory_space<vmem>>[vector<16xi32>], vector<16xi32>,
      %shift_left3A_482 = arith.constant 16 : i32
      %shift_left3A_483 = vector.broadcast %shift_left3A_482 : i32 to vector<16xi32>
      %shift_left3A_484 = arith.shli %gather3A_481, %shift_left3A_483 : vector<16xi32>
      %bitcast3A_485 = vector.bitcast %shift_left3A_484 : vector<16xi32> to vector<16xf32>
      %and3A_486 = arith.andi %gather3A_481, %broadcast_in_dim3A_8 : vector<16xi32>
      %bitcast3A_487 = vector.bitcast %and3A_486 : vector<16xi32> to vector<16xf32>
      %add3A_488 = arith.addf %add3A_473, %bitcast3A_485 : vector<16xf32>
      %add3A_489 = arith.addf %add3A_474, %bitcast3A_487 : vector<16xf32>
      %mul3A_490 = arith.constant 16 : i32
      %mul3A_491 = arith.muli %scan3A_69, %mul3A_490 : i32
      %get3A_492 = arith.constant 28 : i32
      %get3A_493 = arith.index_cast %get3A_492 : i32 to index
      %get3A_494 = arith.index_cast %mul3A_491 : i32 to index
      %get3A_495 = tpu.vector_load %arg8[%get3A_493, %get3A_494] {strides = array<i32>} : memref<50x128xi32, #tpu.memory_space<vmem>>, vector<16xi32>,
      %gather3A_496 = tpu.vector_load_idx %arg6[%get3A_495] : memref<100352xi32, #tpu.memory_space<vmem>>[vector<16xi32>], vector<16xi32>,
      %shift_left3A_497 = arith.constant 16 : i32
      %shift_left3A_498 = vector.broadcast %shift_left3A_497 : i32 to vector<16xi32>
      %shift_left3A_499 = arith.shli %gather3A_496, %shift_left3A_498 : vector<16xi32>
      %bitcast3A_500 = vector.bitcast %shift_left3A_499 : vector<16xi32> to vector<16xf32>
      %and3A_501 = arith.andi %gather3A_496, %broadcast_in_dim3A_8 : vector<16xi32>
      %bitcast3A_502 = vector.bitcast %and3A_501 : vector<16xi32> to vector<16xf32>
      %add3A_503 = arith.addf %add3A_488, %bitcast3A_500 : vector<16xf32>
      %add3A_504 = arith.addf %add3A_489, %bitcast3A_502 : vector<16xf32>
      %mul3A_505 = arith.constant 16 : i32
      %mul3A_506 = arith.muli %scan3A_69, %mul3A_505 : i32
      %get3A_507 = arith.constant 29 : i32
      %get3A_508 = arith.index_cast %get3A_507 : i32 to index
      %get3A_509 = arith.index_cast %mul3A_506 : i32 to index
      %get3A_510 = tpu.vector_load %arg8[%get3A_508, %get3A_509] {strides = array<i32>} : memref<50x128xi32, #tpu.memory_space<vmem>>, vector<16xi32>,
      %gather3A_511 = tpu.vector_load_idx %arg6[%get3A_510] : memref<100352xi32, #tpu.memory_space<vmem>>[vector<16xi32>], vector<16xi32>,
      %shift_left3A_512 = arith.constant 16 : i32
      %shift_left3A_513 = vector.broadcast %shift_left3A_512 : i32 to vector<16xi32>
      %shift_left3A_514 = arith.shli %gather3A_511, %shift_left3A_513 : vector<16xi32>
      %bitcast3A_515 = vector.bitcast %shift_left3A_514 : vector<16xi32> to vector<16xf32>
      %and3A_516 = arith.andi %gather3A_511, %broadcast_in_dim3A_8 : vector<16xi32>
      %bitcast3A_517 = vector.bitcast %and3A_516 : vector<16xi32> to vector<16xf32>
      %add3A_518 = arith.addf %add3A_503, %bitcast3A_515 : vector<16xf32>
      %add3A_519 = arith.addf %add3A_504, %bitcast3A_517 : vector<16xf32>
      %mul3A_520 = arith.constant 16 : i32
      %mul3A_521 = arith.muli %scan3A_69, %mul3A_520 : i32
      %get3A_522 = arith.constant 30 : i32
      %get3A_523 = arith.index_cast %get3A_522 : i32 to index
      %get3A_524 = arith.index_cast %mul3A_521 : i32 to index
      %get3A_525 = tpu.vector_load %arg8[%get3A_523, %get3A_524] {strides = array<i32>} : memref<50x128xi32, #tpu.memory_space<vmem>>, vector<16xi32>,
      %gather3A_526 = tpu.vector_load_idx %arg6[%get3A_525] : memref<100352xi32, #tpu.memory_space<vmem>>[vector<16xi32>], vector<16xi32>,
      %shift_left3A_527 = arith.constant 16 : i32
      %shift_left3A_528 = vector.broadcast %shift_left3A_527 : i32 to vector<16xi32>
      %shift_left3A_529 = arith.shli %gather3A_526, %shift_left3A_528 : vector<16xi32>
      %bitcast3A_530 = vector.bitcast %shift_left3A_529 : vector<16xi32> to vector<16xf32>
      %and3A_531 = arith.andi %gather3A_526, %broadcast_in_dim3A_8 : vector<16xi32>
      %bitcast3A_532 = vector.bitcast %and3A_531 : vector<16xi32> to vector<16xf32>
      %add3A_533 = arith.addf %add3A_518, %bitcast3A_530 : vector<16xf32>
      %add3A_534 = arith.addf %add3A_519, %bitcast3A_532 : vector<16xf32>
      %mul3A_535 = arith.constant 16 : i32
      %mul3A_536 = arith.muli %scan3A_69, %mul3A_535 : i32
      %get3A_537 = arith.constant 31 : i32
      %get3A_538 = arith.index_cast %get3A_537 : i32 to index
      %get3A_539 = arith.index_cast %mul3A_536 : i32 to index
      %get3A_540 = tpu.vector_load %arg8[%get3A_538, %get3A_539] {strides = array<i32>} : memref<50x128xi32, #tpu.memory_space<vmem>>, vector<16xi32>,
      %gather3A_541 = tpu.vector_load_idx %arg6[%get3A_540] : memref<100352xi32, #tpu.memory_space<vmem>>[vector<16xi32>], vector<16xi32>,
      %shift_left3A_542 = arith.constant 16 : i32
      %shift_left3A_543 = vector.broadcast %shift_left3A_542 : i32 to vector<16xi32>
      %shift_left3A_544 = arith.shli %gather3A_541, %shift_left3A_543 : vector<16xi32>
      %bitcast3A_545 = vector.bitcast %shift_left3A_544 : vector<16xi32> to vector<16xf32>
      %and3A_546 = arith.andi %gather3A_541, %broadcast_in_dim3A_8 : vector<16xi32>
      %bitcast3A_547 = vector.bitcast %and3A_546 : vector<16xi32> to vector<16xf32>
      %add3A_548 = arith.addf %add3A_533, %bitcast3A_545 : vector<16xf32>
      %add3A_549 = arith.addf %add3A_534, %bitcast3A_547 : vector<16xf32>
      %mul3A_550 = arith.constant 16 : i32
      %mul3A_551 = arith.muli %scan3A_69, %mul3A_550 : i32
      %get3A_552 = arith.constant 32 : i32
      %get3A_553 = arith.index_cast %get3A_552 : i32 to index
      %get3A_554 = arith.index_cast %mul3A_551 : i32 to index
      %get3A_555 = tpu.vector_load %arg8[%get3A_553, %get3A_554] {strides = array<i32>} : memref<50x128xi32, #tpu.memory_space<vmem>>, vector<16xi32>,
      %gather3A_556 = tpu.vector_load_idx %arg6[%get3A_555] : memref<100352xi32, #tpu.memory_space<vmem>>[vector<16xi32>], vector<16xi32>,
      %shift_left3A_557 = arith.constant 16 : i32
      %shift_left3A_558 = vector.broadcast %shift_left3A_557 : i32 to vector<16xi32>
      %shift_left3A_559 = arith.shli %gather3A_556, %shift_left3A_558 : vector<16xi32>
      %bitcast3A_560 = vector.bitcast %shift_left3A_559 : vector<16xi32> to vector<16xf32>
      %and3A_561 = arith.andi %gather3A_556, %broadcast_in_dim3A_8 : vector<16xi32>
      %bitcast3A_562 = vector.bitcast %and3A_561 : vector<16xi32> to vector<16xf32>
      %add3A_563 = arith.addf %add3A_548, %bitcast3A_560 : vector<16xf32>
      %add3A_564 = arith.addf %add3A_549, %bitcast3A_562 : vector<16xf32>
      %mul3A_565 = arith.constant 16 : i32
      %mul3A_566 = arith.muli %scan3A_69, %mul3A_565 : i32
      %get3A_567 = arith.constant 33 : i32
      %get3A_568 = arith.index_cast %get3A_567 : i32 to index
      %get3A_569 = arith.index_cast %mul3A_566 : i32 to index
      %get3A_570 = tpu.vector_load %arg8[%get3A_568, %get3A_569] {strides = array<i32>} : memref<50x128xi32, #tpu.memory_space<vmem>>, vector<16xi32>,
      %gather3A_571 = tpu.vector_load_idx %arg6[%get3A_570] : memref<100352xi32, #tpu.memory_space<vmem>>[vector<16xi32>], vector<16xi32>,
      %shift_left3A_572 = arith.constant 16 : i32
      %shift_left3A_573 = vector.broadcast %shift_left3A_572 : i32 to vector<16xi32>
      %shift_left3A_574 = arith.shli %gather3A_571, %shift_left3A_573 : vector<16xi32>
      %bitcast3A_575 = vector.bitcast %shift_left3A_574 : vector<16xi32> to vector<16xf32>
      %and3A_576 = arith.andi %gather3A_571, %broadcast_in_dim3A_8 : vector<16xi32>
      %bitcast3A_577 = vector.bitcast %and3A_576 : vector<16xi32> to vector<16xf32>
      %add3A_578 = arith.addf %add3A_563, %bitcast3A_575 : vector<16xf32>
      %add3A_579 = arith.addf %add3A_564, %bitcast3A_577 : vector<16xf32>
      %mul3A_580 = arith.constant 16 : i32
      %mul3A_581 = arith.muli %scan3A_69, %mul3A_580 : i32
      %get3A_582 = arith.constant 34 : i32
      %get3A_583 = arith.index_cast %get3A_582 : i32 to index
      %get3A_584 = arith.index_cast %mul3A_581 : i32 to index
      %get3A_585 = tpu.vector_load %arg8[%get3A_583, %get3A_584] {strides = array<i32>} : memref<50x128xi32, #tpu.memory_space<vmem>>, vector<16xi32>,
      %gather3A_586 = tpu.vector_load_idx %arg6[%get3A_585] : memref<100352xi32, #tpu.memory_space<vmem>>[vector<16xi32>], vector<16xi32>,
      %shift_left3A_587 = arith.constant 16 : i32
      %shift_left3A_588 = vector.broadcast %shift_left3A_587 : i32 to vector<16xi32>
      %shift_left3A_589 = arith.shli %gather3A_586, %shift_left3A_588 : vector<16xi32>
      %bitcast3A_590 = vector.bitcast %shift_left3A_589 : vector<16xi32> to vector<16xf32>
      %and3A_591 = arith.andi %gather3A_586, %broadcast_in_dim3A_8 : vector<16xi32>
      %bitcast3A_592 = vector.bitcast %and3A_591 : vector<16xi32> to vector<16xf32>
      %add3A_593 = arith.addf %add3A_578, %bitcast3A_590 : vector<16xf32>
      %add3A_594 = arith.addf %add3A_579, %bitcast3A_592 : vector<16xf32>
      %mul3A_595 = arith.constant 16 : i32
      %mul3A_596 = arith.muli %scan3A_69, %mul3A_595 : i32
      %get3A_597 = arith.constant 35 : i32
      %get3A_598 = arith.index_cast %get3A_597 : i32 to index
      %get3A_599 = arith.index_cast %mul3A_596 : i32 to index
      %get3A_600 = tpu.vector_load %arg8[%get3A_598, %get3A_599] {strides = array<i32>} : memref<50x128xi32, #tpu.memory_space<vmem>>, vector<16xi32>,
      %gather3A_601 = tpu.vector_load_idx %arg6[%get3A_600] : memref<100352xi32, #tpu.memory_space<vmem>>[vector<16xi32>], vector<16xi32>,
      %shift_left3A_602 = arith.constant 16 : i32
      %shift_left3A_603 = vector.broadcast %shift_left3A_602 : i32 to vector<16xi32>
      %shift_left3A_604 = arith.shli %gather3A_601, %shift_left3A_603 : vector<16xi32>
      %bitcast3A_605 = vector.bitcast %shift_left3A_604 : vector<16xi32> to vector<16xf32>
      %and3A_606 = arith.andi %gather3A_601, %broadcast_in_dim3A_8 : vector<16xi32>
      %bitcast3A_607 = vector.bitcast %and3A_606 : vector<16xi32> to vector<16xf32>
      %add3A_608 = arith.addf %add3A_593, %bitcast3A_605 : vector<16xf32>
      %add3A_609 = arith.addf %add3A_594, %bitcast3A_607 : vector<16xf32>
      %mul3A_610 = arith.constant 16 : i32
      %mul3A_611 = arith.muli %scan3A_69, %mul3A_610 : i32
      %get3A_612 = arith.constant 36 : i32
      %get3A_613 = arith.index_cast %get3A_612 : i32 to index
      %get3A_614 = arith.index_cast %mul3A_611 : i32 to index
      %get3A_615 = tpu.vector_load %arg8[%get3A_613, %get3A_614] {strides = array<i32>} : memref<50x128xi32, #tpu.memory_space<vmem>>, vector<16xi32>,
      %gather3A_616 = tpu.vector_load_idx %arg6[%get3A_615] : memref<100352xi32, #tpu.memory_space<vmem>>[vector<16xi32>], vector<16xi32>,
      %shift_left3A_617 = arith.constant 16 : i32
      %shift_left3A_618 = vector.broadcast %shift_left3A_617 : i32 to vector<16xi32>
      %shift_left3A_619 = arith.shli %gather3A_616, %shift_left3A_618 : vector<16xi32>
      %bitcast3A_620 = vector.bitcast %shift_left3A_619 : vector<16xi32> to vector<16xf32>
      %and3A_621 = arith.andi %gather3A_616, %broadcast_in_dim3A_8 : vector<16xi32>
      %bitcast3A_622 = vector.bitcast %and3A_621 : vector<16xi32> to vector<16xf32>
      %add3A_623 = arith.addf %add3A_608, %bitcast3A_620 : vector<16xf32>
      %add3A_624 = arith.addf %add3A_609, %bitcast3A_622 : vector<16xf32>
      %mul3A_625 = arith.constant 16 : i32
      %mul3A_626 = arith.muli %scan3A_69, %mul3A_625 : i32
      %get3A_627 = arith.constant 37 : i32
      %get3A_628 = arith.index_cast %get3A_627 : i32 to index
      %get3A_629 = arith.index_cast %mul3A_626 : i32 to index
      %get3A_630 = tpu.vector_load %arg8[%get3A_628, %get3A_629] {strides = array<i32>} : memref<50x128xi32, #tpu.memory_space<vmem>>, vector<16xi32>,
      %gather3A_631 = tpu.vector_load_idx %arg6[%get3A_630] : memref<100352xi32, #tpu.memory_space<vmem>>[vector<16xi32>], vector<16xi32>,
      %shift_left3A_632 = arith.constant 16 : i32
      %shift_left3A_633 = vector.broadcast %shift_left3A_632 : i32 to vector<16xi32>
      %shift_left3A_634 = arith.shli %gather3A_631, %shift_left3A_633 : vector<16xi32>
      %bitcast3A_635 = vector.bitcast %shift_left3A_634 : vector<16xi32> to vector<16xf32>
      %and3A_636 = arith.andi %gather3A_631, %broadcast_in_dim3A_8 : vector<16xi32>
      %bitcast3A_637 = vector.bitcast %and3A_636 : vector<16xi32> to vector<16xf32>
      %add3A_638 = arith.addf %add3A_623, %bitcast3A_635 : vector<16xf32>
      %add3A_639 = arith.addf %add3A_624, %bitcast3A_637 : vector<16xf32>
      %mul3A_640 = arith.constant 16 : i32
      %mul3A_641 = arith.muli %scan3A_69, %mul3A_640 : i32
      %get3A_642 = arith.constant 38 : i32
      %get3A_643 = arith.index_cast %get3A_642 : i32 to index
      %get3A_644 = arith.index_cast %mul3A_641 : i32 to index
      %get3A_645 = tpu.vector_load %arg8[%get3A_643, %get3A_644] {strides = array<i32>} : memref<50x128xi32, #tpu.memory_space<vmem>>, vector<16xi32>,
      %gather3A_646 = tpu.vector_load_idx %arg6[%get3A_645] : memref<100352xi32, #tpu.memory_space<vmem>>[vector<16xi32>], vector<16xi32>,
      %shift_left3A_647 = arith.constant 16 : i32
      %shift_left3A_648 = vector.broadcast %shift_left3A_647 : i32 to vector<16xi32>
      %shift_left3A_649 = arith.shli %gather3A_646, %shift_left3A_648 : vector<16xi32>
      %bitcast3A_650 = vector.bitcast %shift_left3A_649 : vector<16xi32> to vector<16xf32>
      %and3A_651 = arith.andi %gather3A_646, %broadcast_in_dim3A_8 : vector<16xi32>
      %bitcast3A_652 = vector.bitcast %and3A_651 : vector<16xi32> to vector<16xf32>
      %add3A_653 = arith.addf %add3A_638, %bitcast3A_650 : vector<16xf32>
      %add3A_654 = arith.addf %add3A_639, %bitcast3A_652 : vector<16xf32>
      %mul3A_655 = arith.constant 16 : i32
      %mul3A_656 = arith.muli %scan3A_69, %mul3A_655 : i32
      %get3A_657 = arith.constant 39 : i32
      %get3A_658 = arith.index_cast %get3A_657 : i32 to index
      %get3A_659 = arith.index_cast %mul3A_656 : i32 to index
      %get3A_660 = tpu.vector_load %arg8[%get3A_658, %get3A_659] {strides = array<i32>} : memref<50x128xi32, #tpu.memory_space<vmem>>, vector<16xi32>,
      %gather3A_661 = tpu.vector_load_idx %arg6[%get3A_660] : memref<100352xi32, #tpu.memory_space<vmem>>[vector<16xi32>], vector<16xi32>,
      %shift_left3A_662 = arith.constant 16 : i32
      %shift_left3A_663 = vector.broadcast %shift_left3A_662 : i32 to vector<16xi32>
      %shift_left3A_664 = arith.shli %gather3A_661, %shift_left3A_663 : vector<16xi32>
      %bitcast3A_665 = vector.bitcast %shift_left3A_664 : vector<16xi32> to vector<16xf32>
      %and3A_666 = arith.andi %gather3A_661, %broadcast_in_dim3A_8 : vector<16xi32>
      %bitcast3A_667 = vector.bitcast %and3A_666 : vector<16xi32> to vector<16xf32>
      %add3A_668 = arith.addf %add3A_653, %bitcast3A_665 : vector<16xf32>
      %add3A_669 = arith.addf %add3A_654, %bitcast3A_667 : vector<16xf32>
      %mul3A_670 = arith.constant 16 : i32
      %mul3A_671 = arith.muli %scan3A_69, %mul3A_670 : i32
      %get3A_672 = arith.constant 40 : i32
      %get3A_673 = arith.index_cast %get3A_672 : i32 to index
      %get3A_674 = arith.index_cast %mul3A_671 : i32 to index
      %get3A_675 = tpu.vector_load %arg8[%get3A_673, %get3A_674] {strides = array<i32>} : memref<50x128xi32, #tpu.memory_space<vmem>>, vector<16xi32>,
      %gather3A_676 = tpu.vector_load_idx %arg6[%get3A_675] : memref<100352xi32, #tpu.memory_space<vmem>>[vector<16xi32>], vector<16xi32>,
      %shift_left3A_677 = arith.constant 16 : i32
      %shift_left3A_678 = vector.broadcast %shift_left3A_677 : i32 to vector<16xi32>
      %shift_left3A_679 = arith.shli %gather3A_676, %shift_left3A_678 : vector<16xi32>
      %bitcast3A_680 = vector.bitcast %shift_left3A_679 : vector<16xi32> to vector<16xf32>
      %and3A_681 = arith.andi %gather3A_676, %broadcast_in_dim3A_8 : vector<16xi32>
      %bitcast3A_682 = vector.bitcast %and3A_681 : vector<16xi32> to vector<16xf32>
      %add3A_683 = arith.addf %add3A_668, %bitcast3A_680 : vector<16xf32>
      %add3A_684 = arith.addf %add3A_669, %bitcast3A_682 : vector<16xf32>
      %mul3A_685 = arith.constant 16 : i32
      %mul3A_686 = arith.muli %scan3A_69, %mul3A_685 : i32
      %get3A_687 = arith.constant 41 : i32
      %get3A_688 = arith.index_cast %get3A_687 : i32 to index
      %get3A_689 = arith.index_cast %mul3A_686 : i32 to index
      %get3A_690 = tpu.vector_load %arg8[%get3A_688, %get3A_689] {strides = array<i32>} : memref<50x128xi32, #tpu.memory_space<vmem>>, vector<16xi32>,
      %gather3A_691 = tpu.vector_load_idx %arg6[%get3A_690] : memref<100352xi32, #tpu.memory_space<vmem>>[vector<16xi32>], vector<16xi32>,
      %shift_left3A_692 = arith.constant 16 : i32
      %shift_left3A_693 = vector.broadcast %shift_left3A_692 : i32 to vector<16xi32>
      %shift_left3A_694 = arith.shli %gather3A_691, %shift_left3A_693 : vector<16xi32>
      %bitcast3A_695 = vector.bitcast %shift_left3A_694 : vector<16xi32> to vector<16xf32>
      %and3A_696 = arith.andi %gather3A_691, %broadcast_in_dim3A_8 : vector<16xi32>
      %bitcast3A_697 = vector.bitcast %and3A_696 : vector<16xi32> to vector<16xf32>
      %add3A_698 = arith.addf %add3A_683, %bitcast3A_695 : vector<16xf32>
      %add3A_699 = arith.addf %add3A_684, %bitcast3A_697 : vector<16xf32>
      %mul3A_700 = arith.constant 16 : i32
      %mul3A_701 = arith.muli %scan3A_69, %mul3A_700 : i32
      %get3A_702 = arith.constant 42 : i32
      %get3A_703 = arith.index_cast %get3A_702 : i32 to index
      %get3A_704 = arith.index_cast %mul3A_701 : i32 to index
      %get3A_705 = tpu.vector_load %arg8[%get3A_703, %get3A_704] {strides = array<i32>} : memref<50x128xi32, #tpu.memory_space<vmem>>, vector<16xi32>,
      %gather3A_706 = tpu.vector_load_idx %arg6[%get3A_705] : memref<100352xi32, #tpu.memory_space<vmem>>[vector<16xi32>], vector<16xi32>,
      %shift_left3A_707 = arith.constant 16 : i32
      %shift_left3A_708 = vector.broadcast %shift_left3A_707 : i32 to vector<16xi32>
      %shift_left3A_709 = arith.shli %gather3A_706, %shift_left3A_708 : vector<16xi32>
      %bitcast3A_710 = vector.bitcast %shift_left3A_709 : vector<16xi32> to vector<16xf32>
      %and3A_711 = arith.andi %gather3A_706, %broadcast_in_dim3A_8 : vector<16xi32>
      %bitcast3A_712 = vector.bitcast %and3A_711 : vector<16xi32> to vector<16xf32>
      %add3A_713 = arith.addf %add3A_698, %bitcast3A_710 : vector<16xf32>
      %add3A_714 = arith.addf %add3A_699, %bitcast3A_712 : vector<16xf32>
      %mul3A_715 = arith.constant 16 : i32
      %mul3A_716 = arith.muli %scan3A_69, %mul3A_715 : i32
      %get3A_717 = arith.constant 43 : i32
      %get3A_718 = arith.index_cast %get3A_717 : i32 to index
      %get3A_719 = arith.index_cast %mul3A_716 : i32 to index
      %get3A_720 = tpu.vector_load %arg8[%get3A_718, %get3A_719] {strides = array<i32>} : memref<50x128xi32, #tpu.memory_space<vmem>>, vector<16xi32>,
      %gather3A_721 = tpu.vector_load_idx %arg6[%get3A_720] : memref<100352xi32, #tpu.memory_space<vmem>>[vector<16xi32>], vector<16xi32>,
      %shift_left3A_722 = arith.constant 16 : i32
      %shift_left3A_723 = vector.broadcast %shift_left3A_722 : i32 to vector<16xi32>
      %shift_left3A_724 = arith.shli %gather3A_721, %shift_left3A_723 : vector<16xi32>
      %bitcast3A_725 = vector.bitcast %shift_left3A_724 : vector<16xi32> to vector<16xf32>
      %and3A_726 = arith.andi %gather3A_721, %broadcast_in_dim3A_8 : vector<16xi32>
      %bitcast3A_727 = vector.bitcast %and3A_726 : vector<16xi32> to vector<16xf32>
      %add3A_728 = arith.addf %add3A_713, %bitcast3A_725 : vector<16xf32>
      %add3A_729 = arith.addf %add3A_714, %bitcast3A_727 : vector<16xf32>
      %mul3A_730 = arith.constant 16 : i32
      %mul3A_731 = arith.muli %scan3A_69, %mul3A_730 : i32
      %get3A_732 = arith.constant 44 : i32
      %get3A_733 = arith.index_cast %get3A_732 : i32 to index
      %get3A_734 = arith.index_cast %mul3A_731 : i32 to index
      %get3A_735 = tpu.vector_load %arg8[%get3A_733, %get3A_734] {strides = array<i32>} : memref<50x128xi32, #tpu.memory_space<vmem>>, vector<16xi32>,
      %gather3A_736 = tpu.vector_load_idx %arg6[%get3A_735] : memref<100352xi32, #tpu.memory_space<vmem>>[vector<16xi32>], vector<16xi32>,
      %shift_left3A_737 = arith.constant 16 : i32
      %shift_left3A_738 = vector.broadcast %shift_left3A_737 : i32 to vector<16xi32>
      %shift_left3A_739 = arith.shli %gather3A_736, %shift_left3A_738 : vector<16xi32>
      %bitcast3A_740 = vector.bitcast %shift_left3A_739 : vector<16xi32> to vector<16xf32>
      %and3A_741 = arith.andi %gather3A_736, %broadcast_in_dim3A_8 : vector<16xi32>
      %bitcast3A_742 = vector.bitcast %and3A_741 : vector<16xi32> to vector<16xf32>
      %add3A_743 = arith.addf %add3A_728, %bitcast3A_740 : vector<16xf32>
      %add3A_744 = arith.addf %add3A_729, %bitcast3A_742 : vector<16xf32>
      %mul3A_745 = arith.constant 16 : i32
      %mul3A_746 = arith.muli %scan3A_69, %mul3A_745 : i32
      %get3A_747 = arith.constant 45 : i32
      %get3A_748 = arith.index_cast %get3A_747 : i32 to index
      %get3A_749 = arith.index_cast %mul3A_746 : i32 to index
      %get3A_750 = tpu.vector_load %arg8[%get3A_748, %get3A_749] {strides = array<i32>} : memref<50x128xi32, #tpu.memory_space<vmem>>, vector<16xi32>,
      %gather3A_751 = tpu.vector_load_idx %arg6[%get3A_750] : memref<100352xi32, #tpu.memory_space<vmem>>[vector<16xi32>], vector<16xi32>,
      %shift_left3A_752 = arith.constant 16 : i32
      %shift_left3A_753 = vector.broadcast %shift_left3A_752 : i32 to vector<16xi32>
      %shift_left3A_754 = arith.shli %gather3A_751, %shift_left3A_753 : vector<16xi32>
      %bitcast3A_755 = vector.bitcast %shift_left3A_754 : vector<16xi32> to vector<16xf32>
      %and3A_756 = arith.andi %gather3A_751, %broadcast_in_dim3A_8 : vector<16xi32>
      %bitcast3A_757 = vector.bitcast %and3A_756 : vector<16xi32> to vector<16xf32>
      %add3A_758 = arith.addf %add3A_743, %bitcast3A_755 : vector<16xf32>
      %add3A_759 = arith.addf %add3A_744, %bitcast3A_757 : vector<16xf32>
      %mul3A_760 = arith.constant 16 : i32
      %mul3A_761 = arith.muli %scan3A_69, %mul3A_760 : i32
      %get3A_762 = arith.constant 46 : i32
      %get3A_763 = arith.index_cast %get3A_762 : i32 to index
      %get3A_764 = arith.index_cast %mul3A_761 : i32 to index
      %get3A_765 = tpu.vector_load %arg8[%get3A_763, %get3A_764] {strides = array<i32>} : memref<50x128xi32, #tpu.memory_space<vmem>>, vector<16xi32>,
      %gather3A_766 = tpu.vector_load_idx %arg6[%get3A_765] : memref<100352xi32, #tpu.memory_space<vmem>>[vector<16xi32>], vector<16xi32>,
      %shift_left3A_767 = arith.constant 16 : i32
      %shift_left3A_768 = vector.broadcast %shift_left3A_767 : i32 to vector<16xi32>
      %shift_left3A_769 = arith.shli %gather3A_766, %shift_left3A_768 : vector<16xi32>
      %bitcast3A_770 = vector.bitcast %shift_left3A_769 : vector<16xi32> to vector<16xf32>
      %and3A_771 = arith.andi %gather3A_766, %broadcast_in_dim3A_8 : vector<16xi32>
      %bitcast3A_772 = vector.bitcast %and3A_771 : vector<16xi32> to vector<16xf32>
      %add3A_773 = arith.addf %add3A_758, %bitcast3A_770 : vector<16xf32>
      %add3A_774 = arith.addf %add3A_759, %bitcast3A_772 : vector<16xf32>
      %mul3A_775 = arith.constant 16 : i32
      %mul3A_776 = arith.muli %scan3A_69, %mul3A_775 : i32
      %get3A_777 = arith.constant 47 : i32
      %get3A_778 = arith.index_cast %get3A_777 : i32 to index
      %get3A_779 = arith.index_cast %mul3A_776 : i32 to index
      %get3A_780 = tpu.vector_load %arg8[%get3A_778, %get3A_779] {strides = array<i32>} : memref<50x128xi32, #tpu.memory_space<vmem>>, vector<16xi32>,
      %gather3A_781 = tpu.vector_load_idx %arg6[%get3A_780] : memref<100352xi32, #tpu.memory_space<vmem>>[vector<16xi32>], vector<16xi32>,
      %shift_left3A_782 = arith.constant 16 : i32
      %shift_left3A_783 = vector.broadcast %shift_left3A_782 : i32 to vector<16xi32>
      %shift_left3A_784 = arith.shli %gather3A_781, %shift_left3A_783 : vector<16xi32>
      %bitcast3A_785 = vector.bitcast %shift_left3A_784 : vector<16xi32> to vector<16xf32>
      %and3A_786 = arith.andi %gather3A_781, %broadcast_in_dim3A_8 : vector<16xi32>
      %bitcast3A_787 = vector.bitcast %and3A_786 : vector<16xi32> to vector<16xf32>
      %add3A_788 = arith.addf %add3A_773, %bitcast3A_785 : vector<16xf32>
      %add3A_789 = arith.addf %add3A_774, %bitcast3A_787 : vector<16xf32>
      %mul3A_790 = arith.constant 16 : i32
      %mul3A_791 = arith.muli %scan3A_69, %mul3A_790 : i32
      %get3A_792 = arith.constant 48 : i32
      %get3A_793 = arith.index_cast %get3A_792 : i32 to index
      %get3A_794 = arith.index_cast %mul3A_791 : i32 to index
      %get3A_795 = tpu.vector_load %arg8[%get3A_793, %get3A_794] {strides = array<i32>} : memref<50x128xi32, #tpu.memory_space<vmem>>, vector<16xi32>,
      %gather3A_796 = tpu.vector_load_idx %arg6[%get3A_795] : memref<100352xi32, #tpu.memory_space<vmem>>[vector<16xi32>], vector<16xi32>,
      %shift_left3A_797 = arith.constant 16 : i32
      %shift_left3A_798 = vector.broadcast %shift_left3A_797 : i32 to vector<16xi32>
      %shift_left3A_799 = arith.shli %gather3A_796, %shift_left3A_798 : vector<16xi32>
      %bitcast3A_800 = vector.bitcast %shift_left3A_799 : vector<16xi32> to vector<16xf32>
      %and3A_801 = arith.andi %gather3A_796, %broadcast_in_dim3A_8 : vector<16xi32>
      %bitcast3A_802 = vector.bitcast %and3A_801 : vector<16xi32> to vector<16xf32>
      %add3A_803 = arith.addf %add3A_788, %bitcast3A_800 : vector<16xf32>
      %add3A_804 = arith.addf %add3A_789, %bitcast3A_802 : vector<16xf32>
      %mul3A_805 = arith.constant 16 : i32
      %mul3A_806 = arith.muli %scan3A_69, %mul3A_805 : i32
      %get3A_807 = arith.constant 49 : i32
      %get3A_808 = arith.index_cast %get3A_807 : i32 to index
      %get3A_809 = arith.index_cast %mul3A_806 : i32 to index
      %get3A_810 = tpu.vector_load %arg8[%get3A_808, %get3A_809] {strides = array<i32>} : memref<50x128xi32, #tpu.memory_space<vmem>>, vector<16xi32>,
      %gather3A_811 = tpu.vector_load_idx %arg6[%get3A_810] : memref<100352xi32, #tpu.memory_space<vmem>>[vector<16xi32>], vector<16xi32>,
      %shift_left3A_812 = arith.constant 16 : i32
      %shift_left3A_813 = vector.broadcast %shift_left3A_812 : i32 to vector<16xi32>
      %shift_left3A_814 = arith.shli %gather3A_811, %shift_left3A_813 : vector<16xi32>
      %bitcast3A_815 = vector.bitcast %shift_left3A_814 : vector<16xi32> to vector<16xf32>
      %and3A_816 = arith.andi %gather3A_811, %broadcast_in_dim3A_8 : vector<16xi32>
      %bitcast3A_817 = vector.bitcast %and3A_816 : vector<16xi32> to vector<16xf32>
      %add3A_818 = arith.addf %add3A_803, %bitcast3A_815 : vector<16xf32>
      %add3A_819 = arith.addf %add3A_804, %bitcast3A_817 : vector<16xf32>
      %add3A_820 = arith.constant 24 : i32
      %add3A_821 = arith.addi %add3A_820, %scan3A_69 : i32
      %swap3A = arith.constant 0 : i32
      %swap3A_822 = arith.index_cast %swap3A : i32 to index
      %swap3A_823 = arith.index_cast %add3A_821 : i32 to index
      %swap3A_824 = arith.constant 0 : index
      %swap3A_825 = tpu.vector_load %arg9[%swap3A_822, %swap3A_823, %swap3A_824] {strides = array<i32>} : memref<2x32x16xf32, #tpu.memory_space<vmem>>, vector<16xf32>,
      tpu.vector_store %arg9[%swap3A_822, %swap3A_823, %swap3A_824], %add3A_818 {strides = array<i32>} : memref<2x32x16xf32, #tpu.memory_space<vmem>>, vector<16xf32>,
      %add3A_826 = arith.constant 24 : i32
      %add3A_827 = arith.addi %add3A_826, %scan3A_69 : i32
      %swap3A_828 = arith.constant 1 : i32
      %swap3A_829 = arith.index_cast %swap3A_828 : i32 to index
      %swap3A_830 = arith.index_cast %add3A_827 : i32 to index
      %swap3A_831 = arith.constant 0 : index
      %swap3A_832 = tpu.vector_load %arg9[%swap3A_829, %swap3A_830, %swap3A_831] {strides = array<i32>} : memref<2x32x16xf32, #tpu.memory_space<vmem>>, vector<16xf32>,
      tpu.vector_store %arg9[%swap3A_829, %swap3A_830, %swap3A_831], %add3A_819 {strides = array<i32>} : memref<2x32x16xf32, #tpu.memory_space<vmem>>, vector<16xf32>,
      %scan3A_833 = arith.constant 0 : i32
      scf.yield %scan3A_833 : i32
    }
    %scan3A_68 = arith.constant 8 : i32
    "tpu.region"() ({
      %run_scoped3A = tpu.sem_alloc : memref<!tpu.dma_semaphore, #tpu.memory_space<semaphore_mem>>
      %dma_start3A_69 = arith.constant 0 : i32
      %dma_start3A_70 = arith.constant 0 : i32
      %dma_start3A_71 = arith.constant 0 : i32
      %dma_start3A_72 = tpu.memref_slice %arg4[%add3A, %dma_start3A_69, %dma_start3A_70, %dma_start3A_71] : memref<32x2x32x16xf32, #tpu.memory_space<hbm>> -> memref<1x2x32x16xf32, #tpu.memory_space<hbm>>
      %dma_start3A_73 = tpu.memref_squeeze %dma_start3A_72 : memref<1x2x32x16xf32, #tpu.memory_space<hbm>> -> memref<2x32x16xf32, #tpu.memory_space<hbm>>
      %dma_start3A_74 = arith.constant 0 : i32
      %dma_start3A_75 = arith.constant 0 : i32
      %dma_start3A_76 = arith.constant 0 : i32
      %dma_start3A_77 = tpu.memref_slice %arg4[%add3A, %dma_start3A_74, %dma_start3A_75, %dma_start3A_76] : memref<32x2x32x16xf32, #tpu.memory_space<hbm>> -> memref<1x2x32x16xf32, #tpu.memory_space<hbm>>
      %dma_start3A_78 = tpu.memref_squeeze %dma_start3A_77 : memref<1x2x32x16xf32, #tpu.memory_space<hbm>> -> memref<2x32x16xf32, #tpu.memory_space<hbm>>
      tpu.enqueue_dma source(%arg9 : memref<2x32x16xf32, #tpu.memory_space<vmem>>) target(%dma_start3A_78 : memref<2x32x16xf32, #tpu.memory_space<hbm>>) target_semaphore(%run_scoped3A : memref<!tpu.dma_semaphore, #tpu.memory_space<semaphore_mem>>)
      %dma_wait3A_79 = arith.constant 0 : i32
      %dma_wait3A_80 = arith.constant 0 : i32
      %dma_wait3A_81 = arith.constant 0 : i32
      %dma_wait3A_82 = tpu.memref_slice %arg4[%add3A, %dma_wait3A_79, %dma_wait3A_80, %dma_wait3A_81] : memref<32x2x32x16xf32, #tpu.memory_space<hbm>> -> memref<1x2x32x16xf32, #tpu.memory_space<hbm>>
      %dma_wait3A_83 = tpu.memref_squeeze %dma_wait3A_82 : memref<1x2x32x16xf32, #tpu.memory_space<hbm>> -> memref<2x32x16xf32, #tpu.memory_space<hbm>>
      %dma_wait3A_84 = arith.constant 0 : i32
      %dma_wait3A_85 = arith.constant 0 : i32
      %dma_wait3A_86 = arith.constant 0 : i32
      %dma_wait3A_87 = tpu.memref_slice %arg4[%add3A, %dma_wait3A_84, %dma_wait3A_85, %dma_wait3A_86] : memref<32x2x32x16xf32, #tpu.memory_space<hbm>> -> memref<1x2x32x16xf32, #tpu.memory_space<hbm>>
      %dma_wait3A_88 = tpu.memref_squeeze %dma_wait3A_87 : memref<1x2x32x16xf32, #tpu.memory_space<hbm>> -> memref<2x32x16xf32, #tpu.memory_space<hbm>>
      tpu.wait_dma2 semaphore(%run_scoped3A : memref<!tpu.dma_semaphore, #tpu.memory_space<semaphore_mem>>) src(%arg9 : memref<2x32x16xf32, #tpu.memory_space<vmem>>) dst(%dma_wait3A_88 : memref<2x32x16xf32, #tpu.memory_space<hbm>>)
      tpu.yield
    }) : () -> ()
    return
  }
}

module attributes {stable_mosaic.version = 14 : i64} {
  func.func @_proj_body(%arg0: i32, %arg1: memref<2x128xf32, #tpu.memory_space<vmem>>, %arg2: memref<2x1xf32, #tpu.memory_space<vmem>>, %arg3: memref<2048x128xf32, #tpu.memory_space<vmem>>, %arg4: memref<2048xi32, #tpu.memory_space<vmem>>) attributes {dimension_semantics = [#tpu.dimension_semantics<arbitrary>], iteration_bounds = array<i64: 49>, scalar_prefetch = 0 : i64, scratch_operands = 0 : i64, tpu.core_type = #tpu.core_type<tc>, window_params = [{pipeline_mode = #tpu.pipeline_mode<synchronous>, transform_indices = @transform_0, window_bounds = array<i64: 2, 128>}, {pipeline_mode = #tpu.pipeline_mode<synchronous>, transform_indices = @transform_1, window_bounds = array<i64: 2, 1>}, {transform_indices = @transform_2, window_bounds = array<i64: 2048, 128>}, {transform_indices = @transform_3, window_bounds = array<i64: 2048>}]} {
    %get3A = arith.constant 0 : index
    %get3A_0 = arith.constant 0 : index
    %get3A_1 = vector.load %arg1[%get3A, %get3A_0] : memref<2x128xf32, #tpu.memory_space<vmem>>, vector<2x128xf32>
    %get3A_2 = arith.constant 0 : index
    %get3A_3 = arith.constant 0 : index
    %get3A_4 = vector.load %arg3[%get3A_2, %get3A_3] : memref<2048x128xf32, #tpu.memory_space<vmem>>, vector<2048x128xf32>
    %dot_general3A = arith.constant dense<0.000000e+00> : vector<2x2048xf32>
    %dot_general3A_5 = tpu.matmul %get3A_1, %get3A_4, %dot_general3A {dimension_numbers = #tpu.dot_dimension_numbers<[1], [1], [0], [0], [0, 0, 1, 0], [], []>, transpose_lhs_hint = false} : vector<2x128xf32>, vector<2048x128xf32>, vector<2x2048xf32> -> vector<2x2048xf32>
    %get3A_6 = arith.constant 0 : index
    %get3A_7 = arith.constant 0 : index
    %get3A_8 = vector.load %arg2[%get3A_6, %get3A_7] : memref<2x1xf32, #tpu.memory_space<vmem>>, vector<2x1xf32>
    %add3A = vector.broadcast %get3A_8 : vector<2x1xf32> to vector<2x2048xf32>
    %add3A_9 = arith.addf %dot_general3A_5, %add3A : vector<2x2048xf32>
    %bitcast_convert_type3A = tpu.bitcast %add3A_9 : vector<2x2048xf32> -> vector<2x2048xi32>
    %add3A_10 = arith.constant 32767 : i32
    %add3A_11 = vector.broadcast %add3A_10 : i32 to vector<2x2048xi32>
    %add3A_12 = arith.addi %bitcast_convert_type3A, %add3A_11 : vector<2x2048xi32>
    %shift_right_logical3A = arith.constant 16 : i32
    %shift_right_logical3A_13 = vector.broadcast %shift_right_logical3A : i32 to vector<2x2048xi32>
    %shift_right_logical3A_14 = arith.shrui %bitcast_convert_type3A, %shift_right_logical3A_13 : vector<2x2048xi32>
    %and3A = arith.constant 1 : i32
    %and3A_15 = vector.broadcast %and3A : i32 to vector<2x2048xi32>
    %and3A_16 = arith.andi %shift_right_logical3A_14, %and3A_15 : vector<2x2048xi32>
    %add3A_17 = arith.addi %add3A_12, %and3A_16 : vector<2x2048xi32>
    %shift_right_logical3A_18 = arith.constant 16 : i32
    %shift_right_logical3A_19 = vector.broadcast %shift_right_logical3A_18 : i32 to vector<2x2048xi32>
    %shift_right_logical3A_20 = arith.shrui %add3A_17, %shift_right_logical3A_19 : vector<2x2048xi32>
    %slice3A = vector.extract_strided_slice %shift_right_logical3A_20 {offsets = [0, 0], sizes = [1, 2048], strides = [1, 1]} : vector<2x2048xi32> to vector<1x2048xi32>
    %slice3A_21 = vector.extract_strided_slice %shift_right_logical3A_20 {offsets = [1, 0], sizes = [1, 2048], strides = [1, 1]} : vector<2x2048xi32> to vector<1x2048xi32>
    %shift_left3A = arith.constant 16 : i32
    %shift_left3A_22 = vector.broadcast %shift_left3A : i32 to vector<1x2048xi32>
    %shift_left3A_23 = arith.shli %slice3A_21, %shift_left3A_22 : vector<1x2048xi32>
    %or3A = arith.ori %slice3A, %shift_left3A_23 : vector<1x2048xi32>
    %reshape3A = vector.shape_cast %or3A : vector<1x2048xi32> to vector<2048xi32>
    %bitcast_convert_type3A_24 = tpu.bitcast %reshape3A : vector<2048xi32> -> vector<2048xi32>
    %swap3A = arith.constant 0 : index
    %swap3A_25 = vector.load %arg4[%swap3A] : memref<2048xi32, #tpu.memory_space<vmem>>, vector<2048xi32>
    tpu.vector_store %arg4[%swap3A], %bitcast_convert_type3A_24 {strides = array<i32>} : memref<2048xi32, #tpu.memory_space<vmem>>, vector<2048xi32>,
    return
  }
  func.func @transform_0(%arg0: i32) -> (i32, i32) {
    %c0_i32 = arith.constant 0 : i32
    %c0_i32_0 = arith.constant 0 : i32
    %c0_i32_1 = arith.constant 0 : i32
    return %c0_i32, %c0_i32_0 : i32, i32
  }
  func.func @transform_1(%arg0: i32) -> (i32, i32) {
    %c0_i32 = arith.constant 0 : i32
    %c0_i32_0 = arith.constant 0 : i32
    %c0_i32_1 = arith.constant 0 : i32
    return %c0_i32, %c0_i32_0 : i32, i32
  }
  func.func @transform_2(%arg0: i32) -> (i32, i32) {
    %c0_i32 = arith.constant 0 : i32
    %c0_i32_0 = arith.constant 0 : i32
    return %arg0, %c0_i32 : i32, i32
  }
  func.func @transform_3(%arg0: i32) -> i32 {
    %c0_i32 = arith.constant 0 : i32
    return %arg0 : i32
  }
}

</mosaic_0001>

<sc_bundles>
// kernel: kernel.4.cloned.1.call-start
scs
__scs_entry_jumppad:
0x0: {  	(pc) =	sbr.rel $0x88, $3  }
0x1: {  	(tag) =	ssettag $0x0;
	lr =	simm.s32 $0x1  }
0x2: {  	[smem:$0x3F9D] =	sst lr;
	_ =	strace $0xD0000000  }
0x3: {  	_ = 	snop  }
0x4: {  	_ = 	snop  }
0x5: {  	_ = 	snop  }
0x6: {  	_ = 	snop  }
0x7: {  	_ = 	snop  }
__scs_overlays_trampoline_lowered:
0x8: {  	[smem:$0x3FAC] =	sst s0  }
0x9: {  	[smem:$0x3FAD] =	sst s1  }
0xa: {  	[smem:$0x3FAE] =	sst s2  }
0xb: {  	[smem:$0x3FAF] =	sst s3  }
0xc: {  	[smem:$0x3FB0] =	sst s4  }
0xd: {  	[smem:$0x3FB1] =	sst s5  }
0xe: {  	[smem:$0x3FB2] =	sst s6  }
0xf: {  	[smem:$0x3FB3] =	sst s7  }
0x10: {  	[smem:$0x3FB4] =	sst s8  }
0x11: {  	[smem:$0x3FB5] =	sst s9;
	s0 =	simm.s32 @!p0 $0x0  }
0x12: {  	s1 =	sld [smem:$0x3F9B];
	s0 =	simm.s32 @p0 $0x1  }
0x13: {  	[smem:$0x3FB6] =	sst s0;
	s0 =	simm.s32 @!p1 $0x0  }
0x14: {  	s2 =	sld [smem:$0x3F9A];
	s0 =	simm.s32 @p1 $0x1  }
0x15: {  	[smem:$0x3FB7] =	sst s0;
	s0 =	simm.s32 @!p2 $0x0  }
0x16: {  	s3 =	sld [smem:$0x3FDB];
	s0 =	simm.s32 @p2 $0x1  }
0x17: {  	s4 =	simm.s32 $0x1BF5;
	[smem:$0x3FB9] =	sst s0  }
0x18: {  	s0 =	sld [smem:$0x3F9C];
	_ =	swait.ge [sflag:s4], $0x0  }
0x19: {  	s7 =	sld [smem:$0x3F9D]  }
0x1a: {  	s8 =	sadd.s32 $0xFFFFE003, lr  }
0x1b: {  	s9 =	sadd.s32 $0xFFFFFEF7, lr;
	s5 =	simm.s32 $0xFFFFFFFF;
	p2 =	slt.u32 s8, $0xFFFFF086  }
0x1c: {  	p1 =	slt.u32 s9, $0xF7A;
	s5 =	simm.s32 @!p2 $0x0  }
0x1d: {  	s5 =	simm.s32 @p1 $0x1;
	p0 =	seq.s32 s7, s2  }
0x1e: {  	s7 =	smul.u32 @!p0 $0xF7A, s2;
	p2 =	seq.s32 @!p0 s5, $0x0  }
0x1f: {  	s9 =	smul.u32 $0xF7A, s1;
	s8 =	simm.s32 @!p0 $0x1BF5;
	p2 =	por !p2, p0  }
0x20: {  	[sflag:s8] =	ssyncset.s32 @!p0 $0xFFFFF086;
	s6 =	sadd.s32 @!p0 s3, s7;
	s7 =	simm.s32 @!p0 $0x108  }
0x21: {  	s3 =	sadd.s32 s3, s9;
	s6 =	sadd.s32 @!p0 $0x88, s6;
	s7 =	simm.s32 @p2 $0x1082  }
0x22: {  	[simem:s7], [sflag:s8] =	dma.local @!p0 [hbm:s6], $0xF7A  }
0x23: {  	s9 =	sor.u32 $0xD0000000, s2;
	s6 =	simm.s32 $0x108;
	_ =	swait.ge @!p0 [sflag:s8], $0x0  }
0x24: {  	s3 =	sadd.s32 $0x88, s3;
	s6 =	simm.s32 @!p1 $0x1082;
	[sflag:s4] =	ssyncset.s32 $0xFFFFF086  }
0x25: {  	[simem:s6], [sflag:s4] =	dma.local [hbm:s3], $0xF7A  }
0x26: {  	[smem:$0x3F9D] =	sst s1;
	(tag) =	ssettag s2;
	_ =	strace s9  }
0x27: {  	s1 =	sld [smem:$0x3FAD]  }
0x28: {  	s2 =	sld [smem:$0x3FAE]  }
0x29: {  	s4 =	sld [smem:$0x3FB0]  }
0x2a: {  	p0 =	seq.s32 s5, $0x0;
	s5 =	sld [smem:$0x3FB1]  }
0x2b: {  	s6 =	sld [smem:$0x3FB2]  }
0x2c: {  	s7 =	sld [smem:$0x3FB3]  }
0x2d: {  	s3 =	simm.s32 $0x108;
	s8 =	sld [smem:$0x3FB4]  }
0x2e: {  	s3 =	simm.s32 @!p0 $0x1082;
	s9 =	sld [smem:$0x3FB5]  }
0x2f: {  	lr =	sadd.s32 s0, s3;
	s0 =	sld [smem:$0x3FAC]  }
0x30: {  	s3 =	sld [smem:$0x3FAF]  }
0x31: {  	[smem:$0x3FB8] =	sst s10  }
0x32: {  	s10 =	sld [smem:$0x3FB6];
	_ =	sdelay $0x3  }
0x33: {  	p0 =	seq.s32 s10, $0x1;
	s10 =	sld [smem:$0x3FB8];
	_ =	sdelay $0x3  }
0x34: {  	[smem:$0x3FB8] =	sst s10  }
0x35: {  	s10 =	sld [smem:$0x3FB7];
	_ =	sdelay $0x3  }
0x36: {  	p1 =	seq.s32 s10, $0x1;
	s10 =	sld [smem:$0x3FB8];
	_ =	sdelay $0x3  }
0x37: {  	[smem:$0x3FB8] =	sst s10  }
0x38: {  	s10 =	sld [smem:$0x3FB9]  }
0x39: {  	_ = 	snop;
	(pc) =	sbr.ind lr, $3  }
0x3a: {  	_ = 	snop  }
0x3b: {  	_ = 	snop  }
0x3c: {  	p2 =	seq.s32 s10, $0x1;
	s10 =	sld [smem:$0x3FB8]  }
0x3d: {  	_ =	shalt  }
0x3e: {  	_ =	shalt  }
0x3f: {  	_ =	shalt  }
0x40: {  	_ =	shalt  }
0x41: {  	_ =	shalt  }
0x42: {  	_ =	shalt  }
0x43: {  	_ =	shalt  }
0x44: {  	_ =	shalt  }
0x45: {  	_ =	shalt  }
0x46: {  	_ =	shalt  }
0x47: {  	_ =	shalt  }
0x48: {  	_ =	shalt  }
0x49: {  	_ =	shalt  }
0x4a: {  	_ =	shalt  }
0x4b: {  	_ =	shalt  }
0x4c: {  	_ =	shalt  }
0x4d: {  	_ =	shalt  }
0x4e: {  	_ =	shalt  }
0x4f: {  	_ =	shalt  }
0x50: {  	_ =	shalt  }
0x51: {  	_ =	shalt  }
0x52: {  	_ =	shalt  }
0x53: {  	_ =	shalt  }
0x54: {  	_ =	shalt  }
0x55: {  	_ =	shalt  }
0x56: {  	_ =	shalt  }
0x57: {  	_ =	shalt  }
0x58: {  	_ =	shalt  }
0x59: {  	_ =	shalt  }
0x5a: {  	_ =	shalt  }
0x5b: {  	_ =	shalt  }
0x5c: {  	_ =	shalt  }
0x5d: {  	_ =	shalt  }
0x5e: {  	_ =	shalt  }
0x5f: {  	_ =	shalt  }
0x60: {  	_ =	shalt  }
0x61: {  	_ =	shalt  }
0x62: {  	_ =	shalt  }
0x63: {  	_ =	shalt  }
0x64: {  	_ =	shalt  }
0x65: {  	_ =	shalt  }
0x66: {  	_ =	shalt  }
0x67: {  	_ =	shalt  }
0x68: {  	_ =	shalt  }
0x69: {  	_ =	shalt  }
0x6a: {  	_ =	shalt  }
0x6b: {  	_ =	shalt  }
0x6c: {  	_ =	shalt  }
0x6d: {  	_ =	shalt  }
0x6e: {  	_ =	shalt  }
0x6f: {  	_ =	shalt  }
0x70: {  	_ =	shalt  }
0x71: {  	_ =	shalt  }
0x72: {  	_ =	shalt  }
0x73: {  	_ =	shalt  }
0x74: {  	_ =	shalt  }
0x75: {  	_ =	shalt  }
0x76: {  	_ =	shalt  }
0x77: {  	_ =	shalt  }
0x78: {  	_ =	shalt  }
0x79: {  	_ =	shalt  }
0x7a: {  	_ =	shalt  }
0x7b: {  	_ =	shalt  }
0x7c: {  	_ =	shalt  }
0x7d: {  	_ =	shalt  }
0x7e: {  	_ =	shalt  }
0x7f: {  	_ =	shalt  }
0x80: {  	_ =	shalt  }
0x81: {  	_ =	shalt  }
0x82: {  	_ =	shalt  }
0x83: {  	_ =	shalt  }
0x84: {  	_ =	shalt  }
0x85: {  	_ =	shalt  }
0x86: {  	_ =	shalt  }
0x87: {  	_ =	shalt  }
.Lfunc_end0:
.L_simem_size_0:
called_computation_lowered:
.L_overlay_start_0:
0x88: {  	s2 =	sld [smem:$0x3FD9]  }
0x89: {  	s3 =	sld [smem:$0x3FFE];
	_ =	sdelay $0x1  }
0x8a: {  	s1 =	srdreg.scid  }
0x8b: {  	s0 =	sand.u32 $0x1, s1  }
0x8c: {  	s17 =	sshll.u32 s0, $0xA;
	s2 =	sadd.s32 s3, s2  }
0x8d: {  	s2 =	sadd.s32 s2, s17  }
0x8e: {  	[smem:$0x3FC4] =	sst s2  }
0x8f: {  	_ = 	snop  }
0x90: {  	s2 =	sld [smem:$0x3FC9];
	(tm) =	ssettm $0x1  }
0x91: {  	s18 =	sld [smem:$0x3FFB];
	_ =	sdelay $0x3  }
0x92: {  	_ =	strace s18  }
0x93: {  	s3 =	sld [smem:$0x3FFC];
	_ =	sdelay $0x3  }
0x94: {  	_ =	strace s3  }
0x95: {  	s3 =	sld [smem:$0x3FFD];
	_ =	sdelay $0x3  }
0x96: {  	_ =	strace s3  }
0x97: {  	_ =	strace $0x8FFFFFFF  }
0x98: {  	s19 =	sld [smem:$0x3FDB];
	_ =	sdelay $0x1  }
0x99: {  	s4 =	simm.s32 $_scs_section_size  }
0x9a: {  	s5 =	simm.s32 $_size__tile_overlayer_lowered;
	s6 =	simm.s32 $_tile_overlayer_lowered  }
0x9b: {  	s22 =	simm.s32 $0x1BFF;
	s21 =	sshll.u32 s6, $0x1;
	s3 =	sadd.s32 s4, s19  }
0x9c: {  	s7 =	simm.s32 $0x0;
	s20 =	sshll.u32 s5, $0x1;
	s5 =	sadd.s32 s21, s3  }
0x9d: {  	[timem:s7], [sflag:s22] =	dma.local [hbm:s5], s20  }
0x9e: {  	_ =	swait.ge [sflag:s22], s20  }
0x9f: {  	s4 =	ssub.s32 $0x0, s20;
	[sflag:s22] =	ssyncset.done $0x0  }
0xa0: {  	[sflag:s22] =	ssyncadd.s32 s4;
	_ =	sdelay $0x1  }
0xa1: {  	s23 =	simm.s32 $0x1B8B  }
0xa2: {  	_ =	swait.ge [sflag:s23], $0x1  }
0xa3: {  	[sflag:s23] =	ssyncset.done $0x0  }
0xa4: {  	s25 =	simm.s32 $0x1B8E;
	s24 =	sld [smem:$0x3FFE];
	[sflag:s23] =	ssyncadd.s32 $0xFFFFFFFF  }
0xa5: {  	s26 =	simm.s32 $execute0_lowered;
	[smem:$0x3FD2] =	sst s25  }
0xa6: {  	s5 =	sshll.u32 s26, $0x1;
	_ =	strace $0x80000046;
	[dreg:$0x1] =	wrdreg $0xFFFFFFFF  }
0xa7: {  	s28 =	simm.s32 $_size_execute0_lowered;
	s3 =	sadd.s32 s3, s5;
	[dreg:$0x0] =	wrdreg $0x0  }
0xa8: {  	s5 =	sshll.u32 s28, $0x1;
	[dreg:$0x2] =	wrdreg s3  }
0xa9: {  	[dreg:$0x3] =	wrdreg s5  }
0xaa: {  	[dreg:$0x4] =	wrdreg $0xC0  }
0xab: {  	_ =	task [dreg:s7], $0x5FFFF  }
0xac: {  	[dreg:$0x1] =	wrdreg $0xFFFFFFFF  }
0xad: {  	[dreg:$0x0] =	wrdreg $0x60  }
0xae: {  	[dreg:$0x2] =	wrdreg s24  }
0xaf: {  	[dreg:$0x3] =	wrdreg s2  }
0xb0: {  	[dreg:$0x4] =	wrdreg $0x0  }
0xb1: {  	[dreg:$0x5] =	wrdreg $0x9  }
0xb2: {  	_ =	task.clear_ibuf [dreg:s7], $0x6FFFF;
	_ =	strace $0x90000046  }
0xb3: {  	s29 =	simm.s32 $0x9;
	_ =	strace $0x80000048  }
0xb4: {  	_ =	swait.ge [sflag:s29], $0x1  }
0xb5: {  	[sflag:s29] =	ssyncadd.s32 $0xFFFFFFFF  }
0xb6: {  	_ =	strace $0x90000048  }
0xb7: {  	_ =	sfence  }
0xb8: {  	s30 =	sld [smem:$0x0];
	_ =	sdelay $0x2  }
0xb9: {  	s31 =	sshll.u32 s1, $0xD;
	s1 =	sshrl.u32 s1, $0x2  }
0xba: {  	s3 =	sand.u32 $0x4000, s31;
	s1 =	sadd.s32 s1, s30  }
0xbb: {  	s0 =	sor.u32 s3, s0;
	s1 =	sshll.u32 s1, $0x11  }
0xbc: {  	s0 =	sor.u32 s1, s0  }
0xbd: {  	s0 =	sadd.s32 $0x8F2B, s0  }
0xbe: {  	[sflag:s0] =	ssyncadd.remote.s32 $0x1  }
0xbf: {  	_ =	sfence.sel $0xFFFF  }
0xc0: {  	[dreg:$0x0] =	wrdreg $0xFFFFFFFF;
	(pc) =	sbr.abs _section_cstart, $3  }
0xc1: {  	[dreg:$0x1] =	wrdreg $0xFFFFFFFF  }
0xc2: {  	_ =	task.clear_ibuf [dreg:s7], $0x2FFFF;
	_ =	strace $0x9FFFFFFF  }
0xc3: {  	(tm) =	ssettm $0x7FFFFFFF  }
tec
execute0_lowered:
.L_overlay_start_1:
0x0: {  	(tag) =	ssettag $0x1  }
0x1: {  	s5 =	rddreg [dreg:$0x0]  }
0x2: {  	s4 =	rddreg [dreg:$0x1]  }
0x3: {  	s1 =	rddreg [dreg:$0x2]  }
0x4: {  	s0 =	rddreg [dreg:$0x3];
	s2 =	simm.s32 $0x0;
	s3 =	srdreg.scid  }
0x5: {  	s11 =	stileid.u32;
	s13 =	simm.s32 $0x1A080;
	s14 =	simm.s32 $0x1B880  }
0x6: {  	s16 =	simm.s32 $0x1880;
	s17 =	simm.s32 $0x3;
	s18 =	simm.s32 $0x1  }
0x7: {  	s19 =	simm.s32 $0x1BC80;
	s21 =	simm.s32 $0x1D480;
	s22 =	simm.s32 $0x2  }
0x8: {  	s24 =	simm.s32 $0x1D880;
	s25 =	simm.s32 $0x0;
	[smem:$0x7FF] =	sst s2  }
0x9: {  	s6 =	sand.u32 $0x1, s3;
	s31 =	sshll.u32 s11, $0x1;
	s3 =	sadd.s32 $0x800, s5  }
0xa: {  	p0 =	sne.s32 s11, $0x0;
	s11 =	simm.s32 $0x400;
	_ =	strace $0x80000047  }
0xb: {  	s7 =	sor.u32 s6, s31;
	s6 =	ssub.s32 $0x2, s6;
	s15 =	sshrl.u32 @!p0 s1, $0x3  }
0xc: {  	s8 =	sshll.u32 s7, $0x9;
	s7 =	sshll.u32 s7, $0xA;
	s9 =	sshrl.u32 s6, $0x1  }
0xd: {  	s4 =	sadd.s32 s4, s8;
	s10 =	sadd.s32 s7, s5;
	s12 =	ssub.s32 s6, s9  }
0xe: {  	s5 =	sadd.s32 $0x18000, s4;
	s6 =	sadd.s32 $0x80, s4;
	s7 =	sadd.s32 $0x100, s4  }
0xf: {  	s8 =	sadd.s32 $0x180, s4;
	s9 =	sadd.s32 $0x3A00, s10;
	s10 =	smax.u32 s12, $0x1  }
0x10: {  	s12 =	simm.s32 $0x20000;
	s20 =	sadd.s32 $0x18000, s6;
	s23 =	sadd.s32 $0x18000, s7  }
.LBB2_1:
0x11: {  	[tilespmem:s13], [sflag:$0x1] =	stream.strided.gather [hbm4b:s4+s11], $0x1800, s12, s11, $0x38;
	[tilespmem:$0x1F880] =	vst v63  }
0x12: {  	s26 =	simm.s32 @!p0 $0x1C03  }
0x13: {  	[tilespmem:s14], [sflag:$0x1] =	stream.linear.gather [hbm4b:s5+s2], $0x100, $0x38;
	[tilespmem:$0x1F880] =	vst v63  }
0x14: {  	[spmem:s15], [sflag:s26] =	dma.local @!p0 [hbm:s3], $0x3100  }
0x15: {  	s26 =	simm.s32 @!p0 $0x3  }
0x16: {  	_ =	swait.ge @!p0 [sflag:s26], $0x3100  }
0x17: {  	[sflag:s26] =	ssyncset.done @!p0 $0x0  }
0x18: {  	[sflag:s26] =	ssyncadd.s32 @!p0 $0xFFFFCF00  }
0x19: {  	[bflag:$0x0] =	sbarrier.arrive $0xFFFF  }
0x1a: {  	[tilespmem:s16], [sflag:$0x3] =	stream.linear.gather [spmem:s1], $0x18800, $0x38;
	[tilespmem:$0x1F880] =	vst v63  }
0x1b: {  	_ =	swait.ge [sflag:s17], $0x18800  }
0x1c: {  	[sflag:s17] =	ssyncset.done $0x0  }
0x1d: {  	[sflag:s17] =	ssyncadd.s32 $0xFFFE7800  }
0x1e: {  	_ =	swait.ge [sflag:s18], $0x1900  }
0x1f: {  	[sflag:s18] =	ssyncset.done $0x0  }
0x20: {  	[sflag:s18] =	ssyncadd.s32 $0xFFFFE700  }
0x21: {  	[tilespmem:s19], [sflag:$0x2] =	stream.strided.gather [hbm4b:s6+s11], $0x1800, s12, s11, $0x38;
	[tilespmem:$0x1F880] =	vst v63  }
0x22: {  	s28 =	simm.s32 $0x1AD00  }
0x23: {  	[tilespmem:s21], [sflag:$0x2] =	stream.linear.gather [hbm4b:s20+s2], $0x100, $0x38;
	[tilespmem:$0x1F880] =	vst v63  }
0x24: {  	s29 =	simm.s32 $0x200;
	s26 =	simm.s32 $0x0;
	v0 =	vld [tilespmem:s28+$0xFFFFF380]  }
.LBB2_2:
0x25: {  	p1 =	sne.s32 s29, $0xE00;
	v1 =	vld [tilespmem:s28+$0xFFFFF480]  }
0x26: {  	v2 =	vld [tilespmem:s28+$0xFFFFF400]  }
0x27: {  	v3 =	vld [tilespmem:s28+$0xFFFFF500]  }
0x28: {  	v4 =	vld [tilespmem:s28+$0xFFFFF580]  }
0x29: {  	v5 =	vld [tilespmem:s28+$0xFFFFF600]  }
0x2a: {  	v6 =	vld [tilespmem:s28+$0xFFFFF680]  }
0x2b: {  	v7 =	vld [tilespmem:s28+$0xFFFFF700]  }
0x2c: {  	v0 =	vld.idx.msk [tilespmem:v0+s16+$0x0], $0xffff  }
0x2d: {  	v8 =	vld [tilespmem:s28+$0xFFFFF780]  }
0x2e: {  	v2 =	vld.idx.msk [tilespmem:v2+s16+$0x0], $0xffff  }
0x2f: {  	v9 =	vld [tilespmem:s28+$0xFFFFF800]  }
0x30: {  	v1 =	vld.idx.msk [tilespmem:v1+s16+$0x0], $0xffff  }
0x31: {  	v10 =	vld [tilespmem:s28+$0xFFFFF880]  }
0x32: {  	v11 =	vshll.u32 v0, $0x10;
	v0 =	vand.u32 $0xFFFF0000, v0;
	v3 =	vld.idx.msk [tilespmem:v3+s16+$0x0], $0xffff  }
0x33: {  	v11 =	vadd.f32 $0.0e+00, v11;
	v0 =	vadd.f32 $0.0e+00, v0;
	v12 =	vld [tilespmem:s28+$0xFFFFF900]  }
0x34: {  	v13 =	vshll.u32 v2, $0x10;
	v2 =	vand.u32 $0xFFFF0000, v2;
	v4 =	vld.idx.msk [tilespmem:v4+s16+$0x0], $0xffff  }
0x35: {  	v11 =	vadd.f32 v13, v11;
	v0 =	vadd.f32 v2, v0;
	v2 =	vld [tilespmem:s28+$0xFFFFF980]  }
0x36: {  	v13 =	vshll.u32 v1, $0x10;
	v1 =	vand.u32 $0xFFFF0000, v1;
	v5 =	vld.idx.msk [tilespmem:v5+s16+$0x0], $0xffff  }
0x37: {  	v11 =	vadd.f32 v13, v11;
	v0 =	vadd.f32 v1, v0;
	v1 =	vld [tilespmem:s28+$0xFFFFFA00]  }
0x38: {  	v13 =	vshll.u32 v3, $0x10;
	v3 =	vand.u32 $0xFFFF0000, v3;
	v6 =	vld.idx.msk [tilespmem:v6+s16+$0x0], $0xffff  }
0x39: {  	v11 =	vadd.f32 v13, v11;
	v0 =	vadd.f32 v3, v0;
	v3 =	vld [tilespmem:s28+$0xFFFFFA80]  }
0x3a: {  	v13 =	vshll.u32 v4, $0x10;
	v4 =	vand.u32 $0xFFFF0000, v4;
	v7 =	vld.idx.msk [tilespmem:v7+s16+$0x0], $0xffff  }
0x3b: {  	v11 =	vadd.f32 v13, v11;
	v0 =	vadd.f32 v4, v0;
	v4 =	vld [tilespmem:s28+$0xFFFFFB00]  }
0x3c: {  	v13 =	vshll.u32 v5, $0x10;
	v5 =	vand.u32 $0xFFFF0000, v5;
	v8 =	vld.idx.msk [tilespmem:v8+s16+$0x0], $0xffff  }
0x3d: {  	v11 =	vadd.f32 v13, v11;
	v0 =	vadd.f32 v5, v0;
	v5 =	vld [tilespmem:s28+$0xFFFFFB80]  }
0x3e: {  	v13 =	vshll.u32 v6, $0x10;
	v6 =	vand.u32 $0xFFFF0000, v6;
	v9 =	vld.idx.msk [tilespmem:v9+s16+$0x0], $0xffff  }
0x3f: {  	v11 =	vadd.f32 v13, v11;
	v0 =	vadd.f32 v6, v0;
	v6 =	vld [tilespmem:s28+$0xFFFFFC00]  }
0x40: {  	v13 =	vshll.u32 v7, $0x10;
	v7 =	vand.u32 $0xFFFF0000, v7;
	v10 =	vld.idx.msk [tilespmem:v10+s16+$0x0], $0xffff  }
0x41: {  	v11 =	vadd.f32 v13, v11;
	v0 =	vadd.f32 v7, v0;
	v7 =	vld [tilespmem:s28+$0xFFFFFC80]  }
0x42: {  	v13 =	vshll.u32 v8, $0x10;
	v8 =	vand.u32 $0xFFFF0000, v8;
	v12 =	vld.idx.msk [tilespmem:v12+s16+$0x0], $0xffff  }
0x43: {  	v11 =	vadd.f32 v13, v11;
	v0 =	vadd.f32 v8, v0;
	v8 =	vld [tilespmem:s28+$0xFFFFFD00]  }
0x44: {  	v13 =	vshll.u32 v9, $0x10;
	v9 =	vand.u32 $0xFFFF0000, v9;
	v2 =	vld.idx.msk [tilespmem:v2+s16+$0x0], $0xffff  }
0x45: {  	v11 =	vadd.f32 v13, v11;
	v0 =	vadd.f32 v9, v0;
	v9 =	vld [tilespmem:s28+$0xFFFFFD80]  }
0x46: {  	v13 =	vshll.u32 v10, $0x10;
	v10 =	vand.u32 $0xFFFF0000, v10;
	v1 =	vld.idx.msk [tilespmem:v1+s16+$0x0], $0xffff  }
0x47: {  	v11 =	vadd.f32 v13, v11;
	v0 =	vadd.f32 v10, v0;
	v10 =	vld [tilespmem:s28+$0xFFFFFE00]  }
0x48: {  	v13 =	vshll.u32 v12, $0x10;
	v12 =	vand.u32 $0xFFFF0000, v12;
	v3 =	vld.idx.msk [tilespmem:v3+s16+$0x0], $0xffff  }
0x49: {  	v11 =	vadd.f32 v13, v11;
	v0 =	vadd.f32 v12, v0;
	v12 =	vld [tilespmem:s28+$0xFFFFFE80]  }
0x4a: {  	v13 =	vshll.u32 v2, $0x10;
	v2 =	vand.u32 $0xFFFF0000, v2;
	v4 =	vld.idx.msk [tilespmem:v4+s16+$0x0], $0xffff  }
0x4b: {  	v11 =	vadd.f32 v13, v11;
	v0 =	vadd.f32 v2, v0;
	v2 =	vld [tilespmem:s28+$0xFFFFFF00]  }
0x4c: {  	v13 =	vshll.u32 v1, $0x10;
	v1 =	vand.u32 $0xFFFF0000, v1;
	v5 =	vld.idx.msk [tilespmem:v5+s16+$0x0], $0xffff  }
0x4d: {  	v11 =	vadd.f32 v13, v11;
	v0 =	vadd.f32 v1, v0;
	v1 =	vld [tilespmem:s28+$0xFFFFFF80]  }
0x4e: {  	v13 =	vshll.u32 v3, $0x10;
	v3 =	vand.u32 $0xFFFF0000, v3;
	v6 =	vld.idx.msk [tilespmem:v6+s16+$0x0], $0xffff  }
0x4f: {  	v11 =	vadd.f32 v13, v11;
	v0 =	vadd.f32 v3, v0;
	v3 =	vld [tilespmem:s28+$0x0]  }
0x50: {  	v13 =	vshll.u32 v4, $0x10;
	v4 =	vand.u32 $0xFFFF0000, v4;
	v7 =	vld.idx.msk [tilespmem:v7+s16+$0x0], $0xffff  }
0x51: {  	v11 =	vadd.f32 v13, v11;
	v0 =	vadd.f32 v4, v0;
	v4 =	vld [tilespmem:s28+$0x80]  }
0x52: {  	v13 =	vshll.u32 v5, $0x10;
	v5 =	vand.u32 $0xFFFF0000, v5;
	v8 =	vld.idx.msk [tilespmem:v8+s16+$0x0], $0xffff  }
0x53: {  	v11 =	vadd.f32 v13, v11;
	v0 =	vadd.f32 v5, v0;
	v5 =	vld [tilespmem:s28+$0x100]  }
0x54: {  	v13 =	vshll.u32 v6, $0x10;
	v6 =	vand.u32 $0xFFFF0000, v6;
	v9 =	vld.idx.msk [tilespmem:v9+s16+$0x0], $0xffff  }
0x55: {  	v11 =	vadd.f32 v13, v11;
	v0 =	vadd.f32 v6, v0;
	v6 =	vld [tilespmem:s28+$0x180]  }
0x56: {  	v13 =	vshll.u32 v7, $0x10;
	v7 =	vand.u32 $0xFFFF0000, v7;
	v10 =	vld.idx.msk [tilespmem:v10+s16+$0x0], $0xffff  }
0x57: {  	v11 =	vadd.f32 v13, v11;
	v0 =	vadd.f32 v7, v0;
	v7 =	vld [tilespmem:s28+$0x200]  }
0x58: {  	v13 =	vshll.u32 v8, $0x10;
	v8 =	vand.u32 $0xFFFF0000, v8;
	v12 =	vld.idx.msk [tilespmem:v12+s16+$0x0], $0xffff  }
0x59: {  	v11 =	vadd.f32 v13, v11;
	v0 =	vadd.f32 v8, v0;
	v8 =	vld [tilespmem:s28+$0x280]  }
0x5a: {  	v13 =	vshll.u32 v9, $0x10;
	v9 =	vand.u32 $0xFFFF0000, v9;
	v2 =	vld.idx.msk [tilespmem:v2+s16+$0x0], $0xffff  }
0x5b: {  	v11 =	vadd.f32 v13, v11;
	v0 =	vadd.f32 v9, v0;
	v9 =	vld [tilespmem:s28+$0x300]  }
0x5c: {  	v13 =	vshll.u32 v10, $0x10;
	v10 =	vand.u32 $0xFFFF0000, v10;
	v1 =	vld.idx.msk [tilespmem:v1+s16+$0x0], $0xffff  }
0x5d: {  	v11 =	vadd.f32 v13, v11;
	v0 =	vadd.f32 v10, v0;
	v10 =	vld [tilespmem:s28+$0x380]  }
0x5e: {  	v13 =	vshll.u32 v12, $0x10;
	v12 =	vand.u32 $0xFFFF0000, v12;
	v3 =	vld.idx.msk [tilespmem:v3+s16+$0x0], $0xffff  }
0x5f: {  	v11 =	vadd.f32 v13, v11;
	v0 =	vadd.f32 v12, v0;
	v12 =	vld [tilespmem:s28+$0x400]  }
0x60: {  	v13 =	vshll.u32 v2, $0x10;
	v2 =	vand.u32 $0xFFFF0000, v2;
	v4 =	vld.idx.msk [tilespmem:v4+s16+$0x0], $0xffff  }
0x61: {  	v11 =	vadd.f32 v13, v11;
	v0 =	vadd.f32 v2, v0;
	v2 =	vld [tilespmem:s28+$0x480]  }
0x62: {  	v13 =	vshll.u32 v1, $0x10;
	v1 =	vand.u32 $0xFFFF0000, v1;
	v5 =	vld.idx.msk [tilespmem:v5+s16+$0x0], $0xffff  }
0x63: {  	v11 =	vadd.f32 v13, v11;
	v0 =	vadd.f32 v1, v0;
	v1 =	vld [tilespmem:s28+$0x500]  }
0x64: {  	v13 =	vshll.u32 v3, $0x10;
	v3 =	vand.u32 $0xFFFF0000, v3;
	v6 =	vld.idx.msk [tilespmem:v6+s16+$0x0], $0xffff  }
0x65: {  	v11 =	vadd.f32 v13, v11;
	v0 =	vadd.f32 v3, v0;
	v3 =	vld [tilespmem:s28+$0x580]  }
0x66: {  	v13 =	vshll.u32 v4, $0x10;
	v4 =	vand.u32 $0xFFFF0000, v4;
	v7 =	vld.idx.msk [tilespmem:v7+s16+$0x0], $0xffff  }
0x67: {  	v11 =	vadd.f32 v13, v11;
	v0 =	vadd.f32 v4, v0;
	v4 =	vld [tilespmem:s28+$0x600]  }
0x68: {  	v13 =	vshll.u32 v5, $0x10;
	v5 =	vand.u32 $0xFFFF0000, v5;
	v8 =	vld.idx.msk [tilespmem:v8+s16+$0x0], $0xffff  }
0x69: {  	v11 =	vadd.f32 v13, v11;
	v0 =	vadd.f32 v5, v0;
	v5 =	vld [tilespmem:s28+$0x680]  }
0x6a: {  	v13 =	vshll.u32 v6, $0x10;
	v6 =	vand.u32 $0xFFFF0000, v6;
	v9 =	vld.idx.msk [tilespmem:v9+s16+$0x0], $0xffff  }
0x6b: {  	v11 =	vadd.f32 v13, v11;
	v0 =	vadd.f32 v6, v0;
	v6 =	vld [tilespmem:s28+$0x700]  }
0x6c: {  	v13 =	vshll.u32 v7, $0x10;
	v7 =	vand.u32 $0xFFFF0000, v7;
	v10 =	vld.idx.msk [tilespmem:v10+s16+$0x0], $0xffff  }
0x6d: {  	v11 =	vadd.f32 v13, v11;
	v0 =	vadd.f32 v7, v0;
	v7 =	vld [tilespmem:s28+$0x780]  }
0x6e: {  	v13 =	vshll.u32 v8, $0x10;
	v8 =	vand.u32 $0xFFFF0000, v8;
	v12 =	vld.idx.msk [tilespmem:v12+s16+$0x0], $0xffff  }
0x6f: {  	v11 =	vadd.f32 v13, v11;
	v0 =	vadd.f32 v8, v0;
	v8 =	vld [tilespmem:s28+$0x800]  }
0x70: {  	v13 =	vshll.u32 v9, $0x10;
	v9 =	vand.u32 $0xFFFF0000, v9;
	v2 =	vld.idx.msk [tilespmem:v2+s16+$0x0], $0xffff  }
0x71: {  	v11 =	vadd.f32 v13, v11;
	v0 =	vadd.f32 v9, v0;
	v9 =	vld [tilespmem:s28+$0x880]  }
0x72: {  	v13 =	vshll.u32 v10, $0x10;
	v10 =	vand.u32 $0xFFFF0000, v10;
	v1 =	vld.idx.msk [tilespmem:v1+s16+$0x0], $0xffff  }
0x73: {  	v11 =	vadd.f32 v13, v11;
	v0 =	vadd.f32 v10, v0;
	v10 =	vld [tilespmem:s28+$0x900]  }
0x74: {  	v13 =	vshll.u32 v12, $0x10;
	v12 =	vand.u32 $0xFFFF0000, v12;
	v3 =	vld.idx.msk [tilespmem:v3+s16+$0x0], $0xffff  }
0x75: {  	v11 =	vadd.f32 v13, v11;
	v0 =	vadd.f32 v12, v0;
	v12 =	vld [tilespmem:s28+$0x980]  }
0x76: {  	v13 =	vshll.u32 v2, $0x10;
	v2 =	vand.u32 $0xFFFF0000, v2;
	v4 =	vld.idx.msk [tilespmem:v4+s16+$0x0], $0xffff  }
0x77: {  	v11 =	vadd.f32 v13, v11;
	v0 =	vadd.f32 v2, v0;
	v2 =	vld [tilespmem:s28+$0xA00]  }
0x78: {  	v13 =	vshll.u32 v1, $0x10;
	v1 =	vand.u32 $0xFFFF0000, v1;
	v5 =	vld.idx.msk [tilespmem:v5+s16+$0x0], $0xffff  }
0x79: {  	v11 =	vadd.f32 v13, v11;
	v0 =	vadd.f32 v1, v0;
	v1 =	vld [tilespmem:s28+$0xA80]  }
0x7a: {  	v13 =	vshll.u32 v3, $0x10;
	v3 =	vand.u32 $0xFFFF0000, v3;
	v6 =	vld.idx.msk [tilespmem:v6+s16+$0x0], $0xffff  }
0x7b: {  	v11 =	vadd.f32 v13, v11;
	v0 =	vadd.f32 v3, v0;
	v3 =	vld [tilespmem:s28+$0xB00]  }
0x7c: {  	v13 =	vshll.u32 v4, $0x10;
	v4 =	vand.u32 $0xFFFF0000, v4;
	v7 =	vld.idx.msk [tilespmem:v7+s16+$0x0], $0xffff  }
0x7d: {  	v11 =	vadd.f32 v13, v11;
	v0 =	vadd.f32 v4, v0;
	v4 =	vld [tilespmem:s28+$0xB80]  }
0x7e: {  	v13 =	vshll.u32 v5, $0x10;
	v5 =	vand.u32 $0xFFFF0000, v5;
	v8 =	vld.idx.msk [tilespmem:v8+s16+$0x0], $0xffff  }
0x7f: {  	v11 =	vadd.f32 v13, v11;
	v0 =	vadd.f32 v5, v0;
	v5 =	vld [tilespmem:s28+$0xC00]  }
0x80: {  	v13 =	vshll.u32 v6, $0x10;
	v6 =	vand.u32 $0xFFFF0000, v6;
	v9 =	vld.idx.msk [tilespmem:v9+s16+$0x0], $0xffff  }
0x81: {  	v11 =	vadd.f32 v13, v11;
	v0 =	vadd.f32 v6, v0  }
0x82: {  	v6 =	vshll.u32 v7, $0x10;
	v7 =	vand.u32 $0xFFFF0000, v7;
	v10 =	vld.idx.msk [tilespmem:v10+s16+$0x0], $0xffff  }
0x83: {  	v6 =	vadd.f32 v6, v11;
	v0 =	vadd.f32 v7, v0  }
0x84: {  	v7 =	vshll.u32 v8, $0x10;
	v8 =	vand.u32 $0xFFFF0000, v8;
	v11 =	vld.idx.msk [tilespmem:v12+s16+$0x0], $0xffff  }
0x85: {  	v6 =	vadd.f32 v7, v6;
	v0 =	vadd.f32 v8, v0  }
0x86: {  	v7 =	vshll.u32 v9, $0x10;
	v8 =	vand.u32 $0xFFFF0000, v9;
	v2 =	vld.idx.msk [tilespmem:v2+s16+$0x0], $0xffff  }
0x87: {  	v6 =	vadd.f32 v7, v6;
	v0 =	vadd.f32 v8, v0  }
0x88: {  	v7 =	vshll.u32 v10, $0x10;
	v8 =	vand.u32 $0xFFFF0000, v10;
	v1 =	vld.idx.msk [tilespmem:v1+s16+$0x0], $0xffff  }
0x89: {  	v6 =	vadd.f32 v7, v6;
	v0 =	vadd.f32 v8, v0  }
0x8a: {  	v7 =	vshll.u32 v11, $0x10;
	v8 =	vand.u32 $0xFFFF0000, v11;
	v3 =	vld.idx.msk [tilespmem:v3+s16+$0x0], $0xffff  }
0x8b: {  	v6 =	vadd.f32 v7, v6;
	v0 =	vadd.f32 v8, v0  }
0x8c: {  	v7 =	vshll.u32 v2, $0x10;
	v2 =	vand.u32 $0xFFFF0000, v2;
	v4 =	vld.idx.msk [tilespmem:v4+s16+$0x0], $0xffff  }
0x8d: {  	v6 =	vadd.f32 v7, v6;
	v0 =	vadd.f32 v2, v0  }
0x8e: {  	v2 =	vshll.u32 v1, $0x10;
	v1 =	vand.u32 $0xFFFF0000, v1;
	v5 =	vld.idx.msk [tilespmem:v5+s16+$0x0], $0xffff  }
0x8f: {  	v2 =	vadd.f32 v2, v6;
	v0 =	vadd.f32 v1, v0  }
0x90: {  	v1 =	vshll.u32 v3, $0x10;
	v3 =	vand.u32 $0xFFFF0000, v3  }
0x91: {  	v1 =	vadd.f32 v1, v2;
	v0 =	vadd.f32 v3, v0  }
0x92: {  	v2 =	vshll.u32 v4, $0x10;
	v3 =	vand.u32 $0xFFFF0000, v4  }
0x93: {  	v1 =	vadd.f32 v2, v1;
	v0 =	vadd.f32 v3, v0  }
0x94: {  	v2 =	vshll.u32 v5, $0x10;
	v3 =	vand.u32 $0xFFFF0000, v5  }
.Ltmp0:
0x95: {  	v1 =	vadd.f32 v2, v1;
	v0 =	vadd.f32 v3, v0;
	(pc) =	sbr.rel @p1 .LBB2_2-.Ltmp0, $4  }
0x96: {  	s30 =	sshra.s32 s26, $0x2;
	s26 =	smov.u32 s29  }
0x97: {  	[tilespmem:s30+$0x1E880] =	vst v0  }
0x98: {  	s28 =	sadd.s32 $0x10, s28;
	[tilespmem:s30+$0x1D880] =	vst v1  }
0x99: {  	s29 =	sadd.s32 $0x200, s29;
	v0 =	vld [tilespmem:s28+$0xFFFFF380]  }
0x9a: {  	_ =	sdelay $0x1  }
0x9b: {  	v1 =	vld [tilespmem:s28+$0xFFFFF400];
	_ =	sdelay $0x1  }
0x9c: {  	v2 =	vld [tilespmem:s28+$0xFFFFF480];
	_ =	sdelay $0x1  }
0x9d: {  	v3 =	vld [tilespmem:s28+$0xFFFFF500]  }
0x9e: {  	v4 =	vld [tilespmem:s28+$0xFFFFF580]  }
0x9f: {  	v0 =	vld.idx.msk [tilespmem:v0+s16+$0x0], $0xffff  }
0xa0: {  	v5 =	vld [tilespmem:s28+$0xFFFFF600]  }
0xa1: {  	v1 =	vld.idx.msk [tilespmem:v1+s16+$0x0], $0xffff  }
0xa2: {  	v6 =	vld [tilespmem:s28+$0xFFFFF680]  }
0xa3: {  	v2 =	vld.idx.msk [tilespmem:v2+s16+$0x0], $0xffff  }
0xa4: {  	v7 =	vld [tilespmem:s28+$0xFFFFF700];
	v8 =	vand.u32 $0xFFFF0000, v0  }
0xa5: {  	v3 =	vld.idx.msk [tilespmem:v3+s16+$0x0], $0xffff;
	v0 =	vshll.u32 v0, $0x10;
	v8 =	vadd.f32 $0.0e+00, v8  }
0xa6: {  	v9 =	vld [tilespmem:s28+$0xFFFFF780];
	v0 =	vadd.f32 $0.0e+00, v0;
	v10 =	vand.u32 $0xFFFF0000, v1  }
0xa7: {  	v4 =	vld.idx.msk [tilespmem:v4+s16+$0x0], $0xffff;
	v1 =	vshll.u32 v1, $0x10;
	v8 =	vadd.f32 v10, v8  }
0xa8: {  	v45 =	vld [tilespmem:s28+$0xFFFFF800];
	v0 =	vadd.f32 v1, v0;
	v1 =	vand.u32 $0xFFFF0000, v2  }
0xa9: {  	v5 =	vld.idx.msk [tilespmem:v5+s16+$0x0], $0xffff;
	v2 =	vshll.u32 v2, $0x10;
	v1 =	vadd.f32 v1, v8  }
0xaa: {  	v46 =	vld [tilespmem:s28+$0xFFFFF880];
	v0 =	vadd.f32 v2, v0;
	v2 =	vand.u32 $0xFFFF0000, v3  }
0xab: {  	v6 =	vld.idx.msk [tilespmem:v6+s16+$0x0], $0xffff;
	v3 =	vshll.u32 v3, $0x10;
	v1 =	vadd.f32 v2, v1  }
0xac: {  	v7 =	vld.idx.msk [tilespmem:v7+s16+$0x0], $0xffff;
	v0 =	vadd.f32 v3, v0;
	v3 =	vand.u32 $0xFFFF0000, v4  }
0xad: {  	v2 =	vld [tilespmem:s28+$0xFFFFF900];
	v4 =	vshll.u32 v4, $0x10;
	v1 =	vadd.f32 v3, v1  }
0xae: {  	v9 =	vld.idx.msk [tilespmem:v9+s16+$0x0], $0xffff;
	v47 =	vand.u32 $0xFFFF0000, v5;
	v0 =	vadd.f32 v4, v0  }
0xaf: {  	v5 =	vshll.u32 v5, $0x10;
	v3 =	vld [tilespmem:s28+$0xFFFFF980];
	v1 =	vadd.f32 v47, v1  }
0xb0: {  	v48 =	vld [tilespmem:s28+$0xFFFFFA00];
	v49 =	vand.u32 $0xFFFF0000, v6;
	v0 =	vadd.f32 v5, v0  }
0xb1: {  	v6 =	vshll.u32 v6, $0x10;
	v10 =	vld.idx.msk [tilespmem:v45+s16+$0x0], $0xffff;
	v1 =	vadd.f32 v49, v1  }
0xb2: {  	v50 =	vld [tilespmem:s28+$0xFFFFFA80];
	v51 =	vand.u32 $0xFFFF0000, v7;
	v0 =	vadd.f32 v6, v0  }
0xb3: {  	v7 =	vshll.u32 v7, $0x10;
	v8 =	vld.idx.msk [tilespmem:v46+s16+$0x0], $0xffff;
	v1 =	vadd.f32 v51, v1  }
0xb4: {  	v52 =	vld [tilespmem:s28+$0xFFFFFB00];
	v53 =	vand.u32 $0xFFFF0000, v9;
	v0 =	vadd.f32 v7, v0  }
0xb5: {  	v9 =	vshll.u32 v9, $0x10;
	v2 =	vld.idx.msk [tilespmem:v2+s16+$0x0], $0xffff;
	v1 =	vadd.f32 v53, v1  }
0xb6: {  	v54 =	vld [tilespmem:s28+$0xFFFFFB80];
	v55 =	vand.u32 $0xFFFF0000, v10;
	v0 =	vadd.f32 v9, v0  }
0xb7: {  	v10 =	vshll.u32 v10, $0x10;
	v3 =	vld.idx.msk [tilespmem:v3+s16+$0x0], $0xffff;
	v1 =	vadd.f32 v55, v1  }
0xb8: {  	v56 =	vld [tilespmem:s28+$0xFFFFFC00];
	v57 =	vand.u32 $0xFFFF0000, v8;
	v0 =	vadd.f32 v10, v0  }
0xb9: {  	v4 =	vld.idx.msk [tilespmem:v48+s16+$0x0], $0xffff;
	v8 =	vshll.u32 v8, $0x10;
	v1 =	vadd.f32 v57, v1  }
0xba: {  	v58 =	vld [tilespmem:s28+$0xFFFFFC80];
	v59 =	vand.u32 $0xFFFF0000, v2;
	v0 =	vadd.f32 v8, v0  }
0xbb: {  	v5 =	vld.idx.msk [tilespmem:v50+s16+$0x0], $0xffff;
	v2 =	vshll.u32 v2, $0x10;
	v1 =	vadd.f32 v59, v1  }
0xbc: {  	v60 =	vld [tilespmem:s28+$0xFFFFFD00];
	v0 =	vadd.f32 v2, v0;
	v2 =	vand.u32 $0xFFFF0000, v3  }
0xbd: {  	v6 =	vld.idx.msk [tilespmem:v52+s16+$0x0], $0xffff;
	v3 =	vshll.u32 v3, $0x10;
	v1 =	vadd.f32 v2, v1  }
0xbe: {  	v7 =	vld.idx.msk [tilespmem:v54+s16+$0x0], $0xffff;
	v0 =	vadd.f32 v3, v0;
	v3 =	vand.u32 $0xFFFF0000, v4  }
0xbf: {  	v2 =	vld [tilespmem:s28+$0xFFFFFD80];
	v4 =	vshll.u32 v4, $0x10;
	v1 =	vadd.f32 v3, v1  }
0xc0: {  	v61 =	vand.u32 $0xFFFF0000, v5;
	v9 =	vld.idx.msk [tilespmem:v56+s16+$0x0], $0xffff;
	v0 =	vadd.f32 v4, v0  }
0xc1: {  	v5 =	vshll.u32 v5, $0x10;
	v3 =	vld [tilespmem:s28+$0xFFFFFE00];
	v1 =	vadd.f32 v61, v1  }
0xc2: {  	v62 =	vld [tilespmem:s28+$0xFFFFFE80];
	v63 =	vand.u32 $0xFFFF0000, v6;
	v0 =	vadd.f32 v5, v0  }
0xc3: {  	v6 =	vshll.u32 v6, $0x10;
	v10 =	vld.idx.msk [tilespmem:v58+s16+$0x0], $0xffff;
	v1 =	vadd.f32 v63, v1  }
0xc4: {  	v12 =	vld [tilespmem:s28+$0xFFFFFF00];
	v13 =	vand.u32 $0xFFFF0000, v7;
	v0 =	vadd.f32 v6, v0  }
0xc5: {  	v7 =	vshll.u32 v7, $0x10;
	v8 =	vld.idx.msk [tilespmem:v60+s16+$0x0], $0xffff;
	v1 =	vadd.f32 v13, v1  }
0xc6: {  	v14 =	vld [tilespmem:s28+$0xFFFFFF80];
	v15 =	vand.u32 $0xFFFF0000, v9;
	v0 =	vadd.f32 v7, v0  }
0xc7: {  	v9 =	vshll.u32 v9, $0x10;
	v2 =	vld.idx.msk [tilespmem:v2+s16+$0x0], $0xffff;
	v1 =	vadd.f32 v15, v1  }
0xc8: {  	v16 =	vld [tilespmem:s28+$0x0];
	v17 =	vand.u32 $0xFFFF0000, v10;
	v0 =	vadd.f32 v9, v0  }
0xc9: {  	v10 =	vshll.u32 v10, $0x10;
	v3 =	vld.idx.msk [tilespmem:v3+s16+$0x0], $0xffff;
	v1 =	vadd.f32 v17, v1  }
0xca: {  	v18 =	vld [tilespmem:s28+$0x80];
	v19 =	vand.u32 $0xFFFF0000, v8;
	v0 =	vadd.f32 v10, v0  }
0xcb: {  	v8 =	vshll.u32 v8, $0x10;
	v4 =	vld.idx.msk [tilespmem:v62+s16+$0x0], $0xffff;
	v1 =	vadd.f32 v19, v1  }
0xcc: {  	v20 =	vld [tilespmem:s28+$0x100];
	v21 =	vand.u32 $0xFFFF0000, v2;
	v0 =	vadd.f32 v8, v0  }
0xcd: {  	v5 =	vld.idx.msk [tilespmem:v12+s16+$0x0], $0xffff;
	v2 =	vshll.u32 v2, $0x10;
	v1 =	vadd.f32 v21, v1  }
0xce: {  	v22 =	vld [tilespmem:s28+$0x180];
	v0 =	vadd.f32 v2, v0;
	v2 =	vand.u32 $0xFFFF0000, v3  }
0xcf: {  	v6 =	vld.idx.msk [tilespmem:v14+s16+$0x0], $0xffff;
	v3 =	vshll.u32 v3, $0x10;
	v1 =	vadd.f32 v2, v1  }
0xd0: {  	v7 =	vld.idx.msk [tilespmem:v16+s16+$0x0], $0xffff;
	v0 =	vadd.f32 v3, v0;
	v3 =	vand.u32 $0xFFFF0000, v4  }
0xd1: {  	v2 =	vld [tilespmem:s28+$0x200];
	v4 =	vshll.u32 v4, $0x10;
	v1 =	vadd.f32 v3, v1  }
0xd2: {  	v23 =	vand.u32 $0xFFFF0000, v5;
	v9 =	vld.idx.msk [tilespmem:v18+s16+$0x0], $0xffff;
	v0 =	vadd.f32 v4, v0  }
0xd3: {  	v5 =	vshll.u32 v5, $0x10;
	v3 =	vld [tilespmem:s28+$0x280];
	v1 =	vadd.f32 v23, v1  }
0xd4: {  	v24 =	vld [tilespmem:s28+$0x300];
	v25 =	vand.u32 $0xFFFF0000, v6;
	v0 =	vadd.f32 v5, v0  }
0xd5: {  	v6 =	vshll.u32 v6, $0x10;
	v10 =	vld.idx.msk [tilespmem:v20+s16+$0x0], $0xffff;
	v1 =	vadd.f32 v25, v1  }
0xd6: {  	v26 =	vld [tilespmem:s28+$0x380];
	v27 =	vand.u32 $0xFFFF0000, v7;
	v0 =	vadd.f32 v6, v0  }
0xd7: {  	v7 =	vshll.u32 v7, $0x10;
	v8 =	vld.idx.msk [tilespmem:v22+s16+$0x0], $0xffff;
	v1 =	vadd.f32 v27, v1  }
0xd8: {  	v28 =	vld [tilespmem:s28+$0x400];
	v29 =	vand.u32 $0xFFFF0000, v9;
	v0 =	vadd.f32 v7, v0  }
0xd9: {  	v9 =	vshll.u32 v9, $0x10;
	v2 =	vld.idx.msk [tilespmem:v2+s16+$0x0], $0xffff;
	v1 =	vadd.f32 v29, v1  }
0xda: {  	v30 =	vld [tilespmem:s28+$0x480];
	v31 =	vand.u32 $0xFFFF0000, v10;
	v0 =	vadd.f32 v9, v0  }
0xdb: {  	v10 =	vshll.u32 v10, $0x10;
	v3 =	vld.idx.msk [tilespmem:v3+s16+$0x0], $0xffff;
	v1 =	vadd.f32 v31, v1  }
0xdc: {  	v32 =	vld [tilespmem:s28+$0x500];
	v33 =	vand.u32 $0xFFFF0000, v8;
	v0 =	vadd.f32 v10, v0  }
0xdd: {  	v8 =	vshll.u32 v8, $0x10;
	v4 =	vld.idx.msk [tilespmem:v24+s16+$0x0], $0xffff;
	v1 =	vadd.f32 v33, v1  }
0xde: {  	v34 =	vld [tilespmem:s28+$0x580];
	v35 =	vand.u32 $0xFFFF0000, v2;
	v0 =	vadd.f32 v8, v0  }
0xdf: {  	v5 =	vld.idx.msk [tilespmem:v26+s16+$0x0], $0xffff;
	v2 =	vshll.u32 v2, $0x10;
	v1 =	vadd.f32 v35, v1  }
0xe0: {  	v36 =	vld [tilespmem:s28+$0x600];
	v0 =	vadd.f32 v2, v0;
	v2 =	vand.u32 $0xFFFF0000, v3  }
0xe1: {  	v6 =	vld.idx.msk [tilespmem:v28+s16+$0x0], $0xffff;
	v3 =	vshll.u32 v3, $0x10;
	v1 =	vadd.f32 v2, v1  }
0xe2: {  	v7 =	vld.idx.msk [tilespmem:v30+s16+$0x0], $0xffff;
	v0 =	vadd.f32 v3, v0;
	v3 =	vand.u32 $0xFFFF0000, v4  }
0xe3: {  	v2 =	vld [tilespmem:s28+$0x680];
	v4 =	vshll.u32 v4, $0x10;
	v1 =	vadd.f32 v3, v1  }
0xe4: {  	v37 =	vand.u32 $0xFFFF0000, v5;
	v9 =	vld.idx.msk [tilespmem:v32+s16+$0x0], $0xffff;
	v0 =	vadd.f32 v4, v0  }
0xe5: {  	v5 =	vshll.u32 v5, $0x10;
	v3 =	vld [tilespmem:s28+$0x700];
	v1 =	vadd.f32 v37, v1  }
0xe6: {  	v38 =	vld [tilespmem:s28+$0x780];
	v39 =	vand.u32 $0xFFFF0000, v6;
	v0 =	vadd.f32 v5, v0  }
0xe7: {  	v6 =	vshll.u32 v6, $0x10;
	v10 =	vld.idx.msk [tilespmem:v34+s16+$0x0], $0xffff;
	v1 =	vadd.f32 v39, v1  }
0xe8: {  	v40 =	vld [tilespmem:s28+$0x800];
	v41 =	vand.u32 $0xFFFF0000, v7;
	v0 =	vadd.f32 v6, v0  }
0xe9: {  	v7 =	vshll.u32 v7, $0x10;
	v8 =	vld.idx.msk [tilespmem:v36+s16+$0x0], $0xffff;
	v1 =	vadd.f32 v41, v1  }
0xea: {  	v42 =	vld [tilespmem:s28+$0x880];
	v43 =	vand.u32 $0xFFFF0000, v9;
	v0 =	vadd.f32 v7, v0  }
0xeb: {  	v9 =	vshll.u32 v9, $0x10;
	v2 =	vld.idx.msk [tilespmem:v2+s16+$0x0], $0xffff;
	v1 =	vadd.f32 v43, v1  }
0xec: {  	v44 =	vld [tilespmem:s28+$0x900];
	v45 =	vand.u32 $0xFFFF0000, v10;
	v0 =	vadd.f32 v9, v0  }
0xed: {  	v10 =	vshll.u32 v10, $0x10;
	v3 =	vld.idx.msk [tilespmem:v3+s16+$0x0], $0xffff;
	v1 =	vadd.f32 v45, v1  }
0xee: {  	v46 =	vld [tilespmem:s28+$0x980];
	v47 =	vand.u32 $0xFFFF0000, v8;
	v0 =	vadd.f32 v10, v0  }
0xef: {  	v8 =	vshll.u32 v8, $0x10;
	v4 =	vld.idx.msk [tilespmem:v38+s16+$0x0], $0xffff;
	v1 =	vadd.f32 v47, v1  }
0xf0: {  	v48 =	vld [tilespmem:s28+$0xA00];
	v49 =	vand.u32 $0xFFFF0000, v2;
	v0 =	vadd.f32 v8, v0  }
0xf1: {  	v5 =	vld.idx.msk [tilespmem:v40+s16+$0x0], $0xffff;
	v2 =	vshll.u32 v2, $0x10;
	v1 =	vadd.f32 v49, v1  }
0xf2: {  	v50 =	vld [tilespmem:s28+$0xA80];
	v0 =	vadd.f32 v2, v0;
	v2 =	vand.u32 $0xFFFF0000, v3  }
0xf3: {  	v6 =	vld.idx.msk [tilespmem:v42+s16+$0x0], $0xffff;
	v3 =	vshll.u32 v3, $0x10;
	v1 =	vadd.f32 v2, v1  }
0xf4: {  	v7 =	vld.idx.msk [tilespmem:v44+s16+$0x0], $0xffff;
	v0 =	vadd.f32 v3, v0;
	v3 =	vand.u32 $0xFFFF0000, v4  }
0xf5: {  	v2 =	vld [tilespmem:s28+$0xB00];
	v4 =	vshll.u32 v4, $0x10;
	v1 =	vadd.f32 v3, v1  }
0xf6: {  	v51 =	vand.u32 $0xFFFF0000, v5;
	v9 =	vld.idx.msk [tilespmem:v46+s16+$0x0], $0xffff;
	v0 =	vadd.f32 v4, v0  }
0xf7: {  	v5 =	vshll.u32 v5, $0x10;
	v3 =	vld [tilespmem:s28+$0xB80];
	v1 =	vadd.f32 v51, v1  }
0xf8: {  	v52 =	vld [tilespmem:s28+$0xC00];
	v53 =	vand.u32 $0xFFFF0000, v6;
	v0 =	vadd.f32 v5, v0  }
0xf9: {  	v6 =	vshll.u32 v6, $0x10;
	v10 =	vld.idx.msk [tilespmem:v48+s16+$0x0], $0xffff;
	v1 =	vadd.f32 v53, v1  }
0xfa: {  	v54 =	vand.u32 $0xFFFF0000, v7;
	v0 =	vadd.f32 v6, v0  }
0xfb: {  	v56 =	vld.idx.msk [tilespmem:v50+s16+$0x0], $0xffff;
	v55 =	vshll.u32 v7, $0x10;
	v1 =	vadd.f32 v54, v1  }
0xfc: {  	v57 =	vand.u32 $0xFFFF0000, v9;
	v0 =	vadd.f32 v55, v0  }
0xfd: {  	v58 =	vshll.u32 v9, $0x10;
	v2 =	vld.idx.msk [tilespmem:v2+s16+$0x0], $0xffff;
	v1 =	vadd.f32 v57, v1  }
0xfe: {  	v59 =	vand.u32 $0xFFFF0000, v10;
	v0 =	vadd.f32 v58, v0  }
0xff: {  	v60 =	vshll.u32 v10, $0x10;
	v3 =	vld.idx.msk [tilespmem:v3+s16+$0x0], $0xffff;
	v1 =	vadd.f32 v59, v1  }
0x100: {  	v61 =	vand.u32 $0xFFFF0000, v56;
	v0 =	vadd.f32 v60, v0  }
0x101: {  	v62 =	vshll.u32 v56, $0x10;
	v4 =	vld.idx.msk [tilespmem:v52+s16+$0x0], $0xffff;
	v1 =	vadd.f32 v61, v1  }
0x102: {  	v63 =	vand.u32 $0xFFFF0000, v2;
	v0 =	vadd.f32 v62, v0  }
0x103: {  	v2 =	vshll.u32 v2, $0x10;
	v1 =	vadd.f32 v63, v1  }
0x104: {  	v0 =	vadd.f32 v2, v0;
	v2 =	vand.u32 $0xFFFF0000, v3  }
0x105: {  	v3 =	vshll.u32 v3, $0x10;
	v1 =	vadd.f32 v2, v1  }
0x106: {  	v0 =	vadd.f32 v3, v0;
	v2 =	vand.u32 $0xFFFF0000, v4  }
0x107: {  	v3 =	vshll.u32 v4, $0x10;
	v1 =	vadd.f32 v2, v1  }
0x108: {  	s26 =	sshra.s32 s26, $0x2;
	v0 =	vadd.f32 v3, v0  }
0x109: {  	[tilespmem:s26+$0x1E880] =	vst v1  }
0x10a: {  	[tilespmem:s26+$0x1D880] =	vst v0  }
0x10b: {  	_ =	swait.ge [sflag:s22], $0x1900  }
0x10c: {  	[sflag:s22] =	ssyncset.done $0x0  }
0x10d: {  	[sflag:s22] =	ssyncadd.s32 $0xFFFFE700  }
0x10e: {  	[tilespmem:s13], [sflag:$0x1] =	stream.strided.gather [hbm4b:s7+s11], $0x1800, s12, s11, $0x38;
	[tilespmem:$0x1F880] =	vst v63  }
0x10f: {  	s28 =	simm.s32 $0x1C900;
	s26 =	simm.s32 $0x0  }
0x110: {  	[tilespmem:s14], [sflag:$0x1] =	stream.linear.gather [hbm4b:s23+s26], $0x100, $0x38;
	[tilespmem:$0x1F880] =	vst v63  }
0x111: {  	s29 =	simm.s32 $0x200;
	v0 =	vld [tilespmem:s28+$0xFFFFF380]  }
.LBB2_4:
0x112: {  	p1 =	sne.s32 s29, $0xE00;
	v1 =	vld [tilespmem:s28+$0xFFFFF480]  }
0x113: {  	v2 =	vld [tilespmem:s28+$0xFFFFF400]  }
0x114: {  	v3 =	vld [tilespmem:s28+$0xFFFFF500]  }
0x115: {  	v4 =	vld [tilespmem:s28+$0xFFFFF580]  }
0x116: {  	v5 =	vld [tilespmem:s28+$0xFFFFF600]  }
0x117: {  	v6 =	vld [tilespmem:s28+$0xFFFFF680]  }
0x118: {  	v7 =	vld [tilespmem:s28+$0xFFFFF700]  }
0x119: {  	v0 =	vld.idx.msk [tilespmem:v0+s16+$0x0], $0xffff  }
0x11a: {  	v8 =	vld [tilespmem:s28+$0xFFFFF780]  }
0x11b: {  	v2 =	vld.idx.msk [tilespmem:v2+s16+$0x0], $0xffff  }
0x11c: {  	v9 =	vld [tilespmem:s28+$0xFFFFF800]  }
0x11d: {  	v1 =	vld.idx.msk [tilespmem:v1+s16+$0x0], $0xffff  }
0x11e: {  	v10 =	vld [tilespmem:s28+$0xFFFFF880]  }
0x11f: {  	v11 =	vshll.u32 v0, $0x10;
	v0 =	vand.u32 $0xFFFF0000, v0;
	v3 =	vld.idx.msk [tilespmem:v3+s16+$0x0], $0xffff  }
0x120: {  	v11 =	vadd.f32 $0.0e+00, v11;
	v0 =	vadd.f32 $0.0e+00, v0;
	v12 =	vld [tilespmem:s28+$0xFFFFF900]  }
0x121: {  	v13 =	vshll.u32 v2, $0x10;
	v2 =	vand.u32 $0xFFFF0000, v2;
	v4 =	vld.idx.msk [tilespmem:v4+s16+$0x0], $0xffff  }
0x122: {  	v11 =	vadd.f32 v13, v11;
	v0 =	vadd.f32 v2, v0;
	v2 =	vld [tilespmem:s28+$0xFFFFF980]  }
0x123: {  	v13 =	vshll.u32 v1, $0x10;
	v1 =	vand.u32 $0xFFFF0000, v1;
	v5 =	vld.idx.msk [tilespmem:v5+s16+$0x0], $0xffff  }
0x124: {  	v11 =	vadd.f32 v13, v11;
	v0 =	vadd.f32 v1, v0;
	v1 =	vld [tilespmem:s28+$0xFFFFFA00]  }
0x125: {  	v13 =	vshll.u32 v3, $0x10;
	v3 =	vand.u32 $0xFFFF0000, v3;
	v6 =	vld.idx.msk [tilespmem:v6+s16+$0x0], $0xffff  }
0x126: {  	v11 =	vadd.f32 v13, v11;
	v0 =	vadd.f32 v3, v0;
	v3 =	vld [tilespmem:s28+$0xFFFFFA80]  }
0x127: {  	v13 =	vshll.u32 v4, $0x10;
	v4 =	vand.u32 $0xFFFF0000, v4;
	v7 =	vld.idx.msk [tilespmem:v7+s16+$0x0], $0xffff  }
0x128: {  	v11 =	vadd.f32 v13, v11;
	v0 =	vadd.f32 v4, v0;
	v4 =	vld [tilespmem:s28+$0xFFFFFB00]  }
0x129: {  	v13 =	vshll.u32 v5, $0x10;
	v5 =	vand.u32 $0xFFFF0000, v5;
	v8 =	vld.idx.msk [tilespmem:v8+s16+$0x0], $0xffff  }
0x12a: {  	v11 =	vadd.f32 v13, v11;
	v0 =	vadd.f32 v5, v0;
	v5 =	vld [tilespmem:s28+$0xFFFFFB80]  }
0x12b: {  	v13 =	vshll.u32 v6, $0x10;
	v6 =	vand.u32 $0xFFFF0000, v6;
	v9 =	vld.idx.msk [tilespmem:v9+s16+$0x0], $0xffff  }
0x12c: {  	v11 =	vadd.f32 v13, v11;
	v0 =	vadd.f32 v6, v0;
	v6 =	vld [tilespmem:s28+$0xFFFFFC00]  }
0x12d: {  	v13 =	vshll.u32 v7, $0x10;
	v7 =	vand.u32 $0xFFFF0000, v7;
	v10 =	vld.idx.msk [tilespmem:v10+s16+$0x0], $0xffff  }
0x12e: {  	v11 =	vadd.f32 v13, v11;
	v0 =	vadd.f32 v7, v0;
	v7 =	vld [tilespmem:s28+$0xFFFFFC80]  }
0x12f: {  	v13 =	vshll.u32 v8, $0x10;
	v8 =	vand.u32 $0xFFFF0000, v8;
	v12 =	vld.idx.msk [tilespmem:v12+s16+$0x0], $0xffff  }
0x130: {  	v11 =	vadd.f32 v13, v11;
	v0 =	vadd.f32 v8, v0;
	v8 =	vld [tilespmem:s28+$0xFFFFFD00]  }
0x131: {  	v13 =	vshll.u32 v9, $0x10;
	v9 =	vand.u32 $0xFFFF0000, v9;
	v2 =	vld.idx.msk [tilespmem:v2+s16+$0x0], $0xffff  }
0x132: {  	v11 =	vadd.f32 v13, v11;
	v0 =	vadd.f32 v9, v0;
	v9 =	vld [tilespmem:s28+$0xFFFFFD80]  }
0x133: {  	v13 =	vshll.u32 v10, $0x10;
	v10 =	vand.u32 $0xFFFF0000, v10;
	v1 =	vld.idx.msk [tilespmem:v1+s16+$0x0], $0xffff  }
0x134: {  	v11 =	vadd.f32 v13, v11;
	v0 =	vadd.f32 v10, v0;
	v10 =	vld [tilespmem:s28+$0xFFFFFE00]  }
0x135: {  	v13 =	vshll.u32 v12, $0x10;
	v12 =	vand.u32 $0xFFFF0000, v12;
	v3 =	vld.idx.msk [tilespmem:v3+s16+$0x0], $0xffff  }
0x136: {  	v11 =	vadd.f32 v13, v11;
	v0 =	vadd.f32 v12, v0;
	v12 =	vld [tilespmem:s28+$0xFFFFFE80]  }
0x137: {  	v13 =	vshll.u32 v2, $0x10;
	v2 =	vand.u32 $0xFFFF0000, v2;
	v4 =	vld.idx.msk [tilespmem:v4+s16+$0x0], $0xffff  }
0x138: {  	v11 =	vadd.f32 v13, v11;
	v0 =	vadd.f32 v2, v0;
	v2 =	vld [tilespmem:s28+$0xFFFFFF00]  }
0x139: {  	v13 =	vshll.u32 v1, $0x10;
	v1 =	vand.u32 $0xFFFF0000, v1;
	v5 =	vld.idx.msk [tilespmem:v5+s16+$0x0], $0xffff  }
0x13a: {  	v11 =	vadd.f32 v13, v11;
	v0 =	vadd.f32 v1, v0;
	v1 =	vld [tilespmem:s28+$0xFFFFFF80]  }
0x13b: {  	v13 =	vshll.u32 v3, $0x10;
	v3 =	vand.u32 $0xFFFF0000, v3;
	v6 =	vld.idx.msk [tilespmem:v6+s16+$0x0], $0xffff  }
0x13c: {  	v11 =	vadd.f32 v13, v11;
	v0 =	vadd.f32 v3, v0;
	v3 =	vld [tilespmem:s28+$0x0]  }
0x13d: {  	v13 =	vshll.u32 v4, $0x10;
	v4 =	vand.u32 $0xFFFF0000, v4;
	v7 =	vld.idx.msk [tilespmem:v7+s16+$0x0], $0xffff  }
0x13e: {  	v11 =	vadd.f32 v13, v11;
	v0 =	vadd.f32 v4, v0;
	v4 =	vld [tilespmem:s28+$0x80]  }
0x13f: {  	v13 =	vshll.u32 v5, $0x10;
	v5 =	vand.u32 $0xFFFF0000, v5;
	v8 =	vld.idx.msk [tilespmem:v8+s16+$0x0], $0xffff  }
0x140: {  	v11 =	vadd.f32 v13, v11;
	v0 =	vadd.f32 v5, v0;
	v5 =	vld [tilespmem:s28+$0x100]  }
0x141: {  	v13 =	vshll.u32 v6, $0x10;
	v6 =	vand.u32 $0xFFFF0000, v6;
	v9 =	vld.idx.msk [tilespmem:v9+s16+$0x0], $0xffff  }
0x142: {  	v11 =	vadd.f32 v13, v11;
	v0 =	vadd.f32 v6, v0;
	v6 =	vld [tilespmem:s28+$0x180]  }
0x143: {  	v13 =	vshll.u32 v7, $0x10;
	v7 =	vand.u32 $0xFFFF0000, v7;
	v10 =	vld.idx.msk [tilespmem:v10+s16+$0x0], $0xffff  }
0x144: {  	v11 =	vadd.f32 v13, v11;
	v0 =	vadd.f32 v7, v0;
	v7 =	vld [tilespmem:s28+$0x200]  }
0x145: {  	v13 =	vshll.u32 v8, $0x10;
	v8 =	vand.u32 $0xFFFF0000, v8;
	v12 =	vld.idx.msk [tilespmem:v12+s16+$0x0], $0xffff  }
0x146: {  	v11 =	vadd.f32 v13, v11;
	v0 =	vadd.f32 v8, v0;
	v8 =	vld [tilespmem:s28+$0x280]  }
0x147: {  	v13 =	vshll.u32 v9, $0x10;
	v9 =	vand.u32 $0xFFFF0000, v9;
	v2 =	vld.idx.msk [tilespmem:v2+s16+$0x0], $0xffff  }
0x148: {  	v11 =	vadd.f32 v13, v11;
	v0 =	vadd.f32 v9, v0;
	v9 =	vld [tilespmem:s28+$0x300]  }
0x149: {  	v13 =	vshll.u32 v10, $0x10;
	v10 =	vand.u32 $0xFFFF0000, v10;
	v1 =	vld.idx.msk [tilespmem:v1+s16+$0x0], $0xffff  }
0x14a: {  	v11 =	vadd.f32 v13, v11;
	v0 =	vadd.f32 v10, v0;
	v10 =	vld [tilespmem:s28+$0x380]  }
0x14b: {  	v13 =	vshll.u32 v12, $0x10;
	v12 =	vand.u32 $0xFFFF0000, v12;
	v3 =	vld.idx.msk [tilespmem:v3+s16+$0x0], $0xffff  }
0x14c: {  	v11 =	vadd.f32 v13, v11;
	v0 =	vadd.f32 v12, v0;
	v12 =	vld [tilespmem:s28+$0x400]  }
0x14d: {  	v13 =	vshll.u32 v2, $0x10;
	v2 =	vand.u32 $0xFFFF0000, v2;
	v4 =	vld.idx.msk [tilespmem:v4+s16+$0x0], $0xffff  }
0x14e: {  	v11 =	vadd.f32 v13, v11;
	v0 =	vadd.f32 v2, v0;
	v2 =	vld [tilespmem:s28+$0x480]  }
0x14f: {  	v13 =	vshll.u32 v1, $0x10;
	v1 =	vand.u32 $0xFFFF0000, v1;
	v5 =	vld.idx.msk [tilespmem:v5+s16+$0x0], $0xffff  }
0x150: {  	v11 =	vadd.f32 v13, v11;
	v0 =	vadd.f32 v1, v0;
	v1 =	vld [tilespmem:s28+$0x500]  }
0x151: {  	v13 =	vshll.u32 v3, $0x10;
	v3 =	vand.u32 $0xFFFF0000, v3;
	v6 =	vld.idx.msk [tilespmem:v6+s16+$0x0], $0xffff  }
0x152: {  	v11 =	vadd.f32 v13, v11;
	v0 =	vadd.f32 v3, v0;
	v3 =	vld [tilespmem:s28+$0x580]  }
0x153: {  	v13 =	vshll.u32 v4, $0x10;
	v4 =	vand.u32 $0xFFFF0000, v4;
	v7 =	vld.idx.msk [tilespmem:v7+s16+$0x0], $0xffff  }
0x154: {  	v11 =	vadd.f32 v13, v11;
	v0 =	vadd.f32 v4, v0;
	v4 =	vld [tilespmem:s28+$0x600]  }
0x155: {  	v13 =	vshll.u32 v5, $0x10;
	v5 =	vand.u32 $0xFFFF0000, v5;
	v8 =	vld.idx.msk [tilespmem:v8+s16+$0x0], $0xffff  }
0x156: {  	v11 =	vadd.f32 v13, v11;
	v0 =	vadd.f32 v5, v0;
	v5 =	vld [tilespmem:s28+$0x680]  }
0x157: {  	v13 =	vshll.u32 v6, $0x10;
	v6 =	vand.u32 $0xFFFF0000, v6;
	v9 =	vld.idx.msk [tilespmem:v9+s16+$0x0], $0xffff  }
0x158: {  	v11 =	vadd.f32 v13, v11;
	v0 =	vadd.f32 v6, v0;
	v6 =	vld [tilespmem:s28+$0x700]  }
0x159: {  	v13 =	vshll.u32 v7, $0x10;
	v7 =	vand.u32 $0xFFFF0000, v7;
	v10 =	vld.idx.msk [tilespmem:v10+s16+$0x0], $0xffff  }
0x15a: {  	v11 =	vadd.f32 v13, v11;
	v0 =	vadd.f32 v7, v0;
	v7 =	vld [tilespmem:s28+$0x780]  }
0x15b: {  	v13 =	vshll.u32 v8, $0x10;
	v8 =	vand.u32 $0xFFFF0000, v8;
	v12 =	vld.idx.msk [tilespmem:v12+s16+$0x0], $0xffff  }
0x15c: {  	v11 =	vadd.f32 v13, v11;
	v0 =	vadd.f32 v8, v0;
	v8 =	vld [tilespmem:s28+$0x800]  }
0x15d: {  	v13 =	vshll.u32 v9, $0x10;
	v9 =	vand.u32 $0xFFFF0000, v9;
	v2 =	vld.idx.msk [tilespmem:v2+s16+$0x0], $0xffff  }
0x15e: {  	v11 =	vadd.f32 v13, v11;
	v0 =	vadd.f32 v9, v0;
	v9 =	vld [tilespmem:s28+$0x880]  }
0x15f: {  	v13 =	vshll.u32 v10, $0x10;
	v10 =	vand.u32 $0xFFFF0000, v10;
	v1 =	vld.idx.msk [tilespmem:v1+s16+$0x0], $0xffff  }
0x160: {  	v11 =	vadd.f32 v13, v11;
	v0 =	vadd.f32 v10, v0;
	v10 =	vld [tilespmem:s28+$0x900]  }
0x161: {  	v13 =	vshll.u32 v12, $0x10;
	v12 =	vand.u32 $0xFFFF0000, v12;
	v3 =	vld.idx.msk [tilespmem:v3+s16+$0x0], $0xffff  }
0x162: {  	v11 =	vadd.f32 v13, v11;
	v0 =	vadd.f32 v12, v0;
	v12 =	vld [tilespmem:s28+$0x980]  }
0x163: {  	v13 =	vshll.u32 v2, $0x10;
	v2 =	vand.u32 $0xFFFF0000, v2;
	v4 =	vld.idx.msk [tilespmem:v4+s16+$0x0], $0xffff  }
0x164: {  	v11 =	vadd.f32 v13, v11;
	v0 =	vadd.f32 v2, v0;
	v2 =	vld [tilespmem:s28+$0xA00]  }
0x165: {  	v13 =	vshll.u32 v1, $0x10;
	v1 =	vand.u32 $0xFFFF0000, v1;
	v5 =	vld.idx.msk [tilespmem:v5+s16+$0x0], $0xffff  }
0x166: {  	v11 =	vadd.f32 v13, v11;
	v0 =	vadd.f32 v1, v0;
	v1 =	vld [tilespmem:s28+$0xA80]  }
0x167: {  	v13 =	vshll.u32 v3, $0x10;
	v3 =	vand.u32 $0xFFFF0000, v3;
	v6 =	vld.idx.msk [tilespmem:v6+s16+$0x0], $0xffff  }
0x168: {  	v11 =	vadd.f32 v13, v11;
	v0 =	vadd.f32 v3, v0;
	v3 =	vld [tilespmem:s28+$0xB00]  }
0x169: {  	v13 =	vshll.u32 v4, $0x10;
	v4 =	vand.u32 $0xFFFF0000, v4;
	v7 =	vld.idx.msk [tilespmem:v7+s16+$0x0], $0xffff  }
0x16a: {  	v11 =	vadd.f32 v13, v11;
	v0 =	vadd.f32 v4, v0;
	v4 =	vld [tilespmem:s28+$0xB80]  }
0x16b: {  	v13 =	vshll.u32 v5, $0x10;
	v5 =	vand.u32 $0xFFFF0000, v5;
	v8 =	vld.idx.msk [tilespmem:v8+s16+$0x0], $0xffff  }
0x16c: {  	v11 =	vadd.f32 v13, v11;
	v0 =	vadd.f32 v5, v0;
	v5 =	vld [tilespmem:s28+$0xC00]  }
0x16d: {  	v13 =	vshll.u32 v6, $0x10;
	v6 =	vand.u32 $0xFFFF0000, v6;
	v9 =	vld.idx.msk [tilespmem:v9+s16+$0x0], $0xffff  }
0x16e: {  	v11 =	vadd.f32 v13, v11;
	v0 =	vadd.f32 v6, v0  }
0x16f: {  	v6 =	vshll.u32 v7, $0x10;
	v7 =	vand.u32 $0xFFFF0000, v7;
	v10 =	vld.idx.msk [tilespmem:v10+s16+$0x0], $0xffff  }
0x170: {  	v6 =	vadd.f32 v6, v11;
	v0 =	vadd.f32 v7, v0  }
0x171: {  	v7 =	vshll.u32 v8, $0x10;
	v8 =	vand.u32 $0xFFFF0000, v8;
	v11 =	vld.idx.msk [tilespmem:v12+s16+$0x0], $0xffff  }
0x172: {  	v6 =	vadd.f32 v7, v6;
	v0 =	vadd.f32 v8, v0  }
0x173: {  	v7 =	vshll.u32 v9, $0x10;
	v8 =	vand.u32 $0xFFFF0000, v9;
	v2 =	vld.idx.msk [tilespmem:v2+s16+$0x0], $0xffff  }
0x174: {  	v6 =	vadd.f32 v7, v6;
	v0 =	vadd.f32 v8, v0  }
0x175: {  	v7 =	vshll.u32 v10, $0x10;
	v8 =	vand.u32 $0xFFFF0000, v10;
	v1 =	vld.idx.msk [tilespmem:v1+s16+$0x0], $0xffff  }
0x176: {  	v6 =	vadd.f32 v7, v6;
	v0 =	vadd.f32 v8, v0  }
0x177: {  	v7 =	vshll.u32 v11, $0x10;
	v8 =	vand.u32 $0xFFFF0000, v11;
	v3 =	vld.idx.msk [tilespmem:v3+s16+$0x0], $0xffff  }
0x178: {  	v6 =	vadd.f32 v7, v6;
	v0 =	vadd.f32 v8, v0  }
0x179: {  	v7 =	vshll.u32 v2, $0x10;
	v2 =	vand.u32 $0xFFFF0000, v2;
	v4 =	vld.idx.msk [tilespmem:v4+s16+$0x0], $0xffff  }
0x17a: {  	v6 =	vadd.f32 v7, v6;
	v0 =	vadd.f32 v2, v0  }
0x17b: {  	v2 =	vshll.u32 v1, $0x10;
	v1 =	vand.u32 $0xFFFF0000, v1;
	v5 =	vld.idx.msk [tilespmem:v5+s16+$0x0], $0xffff  }
0x17c: {  	v2 =	vadd.f32 v2, v6;
	v0 =	vadd.f32 v1, v0  }
0x17d: {  	v1 =	vshll.u32 v3, $0x10;
	v3 =	vand.u32 $0xFFFF0000, v3  }
0x17e: {  	v1 =	vadd.f32 v1, v2;
	v0 =	vadd.f32 v3, v0  }
0x17f: {  	v2 =	vshll.u32 v4, $0x10;
	v3 =	vand.u32 $0xFFFF0000, v4  }
0x180: {  	v1 =	vadd.f32 v2, v1;
	v0 =	vadd.f32 v3, v0  }
0x181: {  	v2 =	vshll.u32 v5, $0x10;
	v3 =	vand.u32 $0xFFFF0000, v5  }
.Ltmp1:
0x182: {  	v1 =	vadd.f32 v2, v1;
	v0 =	vadd.f32 v3, v0;
	(pc) =	sbr.rel @p1 .LBB2_4-.Ltmp1, $4  }
0x183: {  	s30 =	sshra.s32 s26, $0x2;
	s26 =	smov.u32 s29  }
0x184: {  	[tilespmem:s30+$0x1EC80] =	vst v0  }
0x185: {  	s28 =	sadd.s32 $0x10, s28;
	[tilespmem:s30+$0x1DC80] =	vst v1  }
0x186: {  	s29 =	sadd.s32 $0x200, s29;
	v0 =	vld [tilespmem:s28+$0xFFFFF380]  }
0x187: {  	_ =	sdelay $0x1  }
0x188: {  	v1 =	vld [tilespmem:s28+$0xFFFFF400];
	_ =	sdelay $0x1  }
0x189: {  	v2 =	vld [tilespmem:s28+$0xFFFFF480];
	_ =	sdelay $0x1  }
0x18a: {  	v3 =	vld [tilespmem:s28+$0xFFFFF500]  }
0x18b: {  	v4 =	vld [tilespmem:s28+$0xFFFFF580]  }
0x18c: {  	v0 =	vld.idx.msk [tilespmem:v0+s16+$0x0], $0xffff  }
0x18d: {  	v5 =	vld [tilespmem:s28+$0xFFFFF600]  }
0x18e: {  	v1 =	vld.idx.msk [tilespmem:v1+s16+$0x0], $0xffff  }
0x18f: {  	v6 =	vld [tilespmem:s28+$0xFFFFF680]  }
0x190: {  	v2 =	vld.idx.msk [tilespmem:v2+s16+$0x0], $0xffff  }
0x191: {  	v7 =	vld [tilespmem:s28+$0xFFFFF700];
	v8 =	vand.u32 $0xFFFF0000, v0  }
0x192: {  	v3 =	vld.idx.msk [tilespmem:v3+s16+$0x0], $0xffff;
	v0 =	vshll.u32 v0, $0x10;
	v8 =	vadd.f32 $0.0e+00, v8  }
0x193: {  	v9 =	vld [tilespmem:s28+$0xFFFFF780];
	v0 =	vadd.f32 $0.0e+00, v0;
	v10 =	vand.u32 $0xFFFF0000, v1  }
0x194: {  	v4 =	vld.idx.msk [tilespmem:v4+s16+$0x0], $0xffff;
	v1 =	vshll.u32 v1, $0x10;
	v8 =	vadd.f32 v10, v8  }
0x195: {  	v45 =	vld [tilespmem:s28+$0xFFFFF800];
	v0 =	vadd.f32 v1, v0;
	v1 =	vand.u32 $0xFFFF0000, v2  }
0x196: {  	v5 =	vld.idx.msk [tilespmem:v5+s16+$0x0], $0xffff;
	v2 =	vshll.u32 v2, $0x10;
	v1 =	vadd.f32 v1, v8  }
0x197: {  	v46 =	vld [tilespmem:s28+$0xFFFFF880];
	v0 =	vadd.f32 v2, v0;
	v2 =	vand.u32 $0xFFFF0000, v3  }
0x198: {  	v6 =	vld.idx.msk [tilespmem:v6+s16+$0x0], $0xffff;
	v3 =	vshll.u32 v3, $0x10;
	v1 =	vadd.f32 v2, v1  }
0x199: {  	v7 =	vld.idx.msk [tilespmem:v7+s16+$0x0], $0xffff;
	v0 =	vadd.f32 v3, v0;
	v3 =	vand.u32 $0xFFFF0000, v4  }
0x19a: {  	v2 =	vld [tilespmem:s28+$0xFFFFF900];
	v4 =	vshll.u32 v4, $0x10;
	v1 =	vadd.f32 v3, v1  }
0x19b: {  	v9 =	vld.idx.msk [tilespmem:v9+s16+$0x0], $0xffff;
	v47 =	vand.u32 $0xFFFF0000, v5;
	v0 =	vadd.f32 v4, v0  }
0x19c: {  	v5 =	vshll.u32 v5, $0x10;
	v3 =	vld [tilespmem:s28+$0xFFFFF980];
	v1 =	vadd.f32 v47, v1  }
0x19d: {  	v48 =	vld [tilespmem:s28+$0xFFFFFA00];
	v49 =	vand.u32 $0xFFFF0000, v6;
	v0 =	vadd.f32 v5, v0  }
0x19e: {  	v6 =	vshll.u32 v6, $0x10;
	v10 =	vld.idx.msk [tilespmem:v45+s16+$0x0], $0xffff;
	v1 =	vadd.f32 v49, v1  }
0x19f: {  	v50 =	vld [tilespmem:s28+$0xFFFFFA80];
	v51 =	vand.u32 $0xFFFF0000, v7;
	v0 =	vadd.f32 v6, v0  }
0x1a0: {  	v7 =	vshll.u32 v7, $0x10;
	v8 =	vld.idx.msk [tilespmem:v46+s16+$0x0], $0xffff;
	v1 =	vadd.f32 v51, v1  }
0x1a1: {  	v52 =	vld [tilespmem:s28+$0xFFFFFB00];
	v53 =	vand.u32 $0xFFFF0000, v9;
	v0 =	vadd.f32 v7, v0  }
0x1a2: {  	v9 =	vshll.u32 v9, $0x10;
	v2 =	vld.idx.msk [tilespmem:v2+s16+$0x0], $0xffff;
	v1 =	vadd.f32 v53, v1  }
0x1a3: {  	v54 =	vld [tilespmem:s28+$0xFFFFFB80];
	v55 =	vand.u32 $0xFFFF0000, v10;
	v0 =	vadd.f32 v9, v0  }
0x1a4: {  	v10 =	vshll.u32 v10, $0x10;
	v3 =	vld.idx.msk [tilespmem:v3+s16+$0x0], $0xffff;
	v1 =	vadd.f32 v55, v1  }
0x1a5: {  	v56 =	vld [tilespmem:s28+$0xFFFFFC00];
	v57 =	vand.u32 $0xFFFF0000, v8;
	v0 =	vadd.f32 v10, v0  }
0x1a6: {  	v4 =	vld.idx.msk [tilespmem:v48+s16+$0x0], $0xffff;
	v8 =	vshll.u32 v8, $0x10;
	v1 =	vadd.f32 v57, v1  }
0x1a7: {  	v58 =	vld [tilespmem:s28+$0xFFFFFC80];
	v59 =	vand.u32 $0xFFFF0000, v2;
	v0 =	vadd.f32 v8, v0  }
0x1a8: {  	v5 =	vld.idx.msk [tilespmem:v50+s16+$0x0], $0xffff;
	v2 =	vshll.u32 v2, $0x10;
	v1 =	vadd.f32 v59, v1  }
0x1a9: {  	v60 =	vld [tilespmem:s28+$0xFFFFFD00];
	v0 =	vadd.f32 v2, v0;
	v2 =	vand.u32 $0xFFFF0000, v3  }
0x1aa: {  	v6 =	vld.idx.msk [tilespmem:v52+s16+$0x0], $0xffff;
	v3 =	vshll.u32 v3, $0x10;
	v1 =	vadd.f32 v2, v1  }
0x1ab: {  	v7 =	vld.idx.msk [tilespmem:v54+s16+$0x0], $0xffff;
	v0 =	vadd.f32 v3, v0;
	v3 =	vand.u32 $0xFFFF0000, v4  }
0x1ac: {  	v2 =	vld [tilespmem:s28+$0xFFFFFD80];
	v4 =	vshll.u32 v4, $0x10;
	v1 =	vadd.f32 v3, v1  }
0x1ad: {  	v61 =	vand.u32 $0xFFFF0000, v5;
	v9 =	vld.idx.msk [tilespmem:v56+s16+$0x0], $0xffff;
	v0 =	vadd.f32 v4, v0  }
0x1ae: {  	v5 =	vshll.u32 v5, $0x10;
	v3 =	vld [tilespmem:s28+$0xFFFFFE00];
	v1 =	vadd.f32 v61, v1  }
0x1af: {  	v62 =	vld [tilespmem:s28+$0xFFFFFE80];
	v63 =	vand.u32 $0xFFFF0000, v6;
	v0 =	vadd.f32 v5, v0  }
0x1b0: {  	v6 =	vshll.u32 v6, $0x10;
	v10 =	vld.idx.msk [tilespmem:v58+s16+$0x0], $0xffff;
	v1 =	vadd.f32 v63, v1  }
0x1b1: {  	v12 =	vld [tilespmem:s28+$0xFFFFFF00];
	v13 =	vand.u32 $0xFFFF0000, v7;
	v0 =	vadd.f32 v6, v0  }
0x1b2: {  	v7 =	vshll.u32 v7, $0x10;
	v8 =	vld.idx.msk [tilespmem:v60+s16+$0x0], $0xffff;
	v1 =	vadd.f32 v13, v1  }
0x1b3: {  	v14 =	vld [tilespmem:s28+$0xFFFFFF80];
	v15 =	vand.u32 $0xFFFF0000, v9;
	v0 =	vadd.f32 v7, v0  }
0x1b4: {  	v9 =	vshll.u32 v9, $0x10;
	v2 =	vld.idx.msk [tilespmem:v2+s16+$0x0], $0xffff;
	v1 =	vadd.f32 v15, v1  }
0x1b5: {  	v16 =	vld [tilespmem:s28+$0x0];
	v17 =	vand.u32 $0xFFFF0000, v10;
	v0 =	vadd.f32 v9, v0  }
0x1b6: {  	v10 =	vshll.u32 v10, $0x10;
	v3 =	vld.idx.msk [tilespmem:v3+s16+$0x0], $0xffff;
	v1 =	vadd.f32 v17, v1  }
0x1b7: {  	v18 =	vld [tilespmem:s28+$0x80];
	v19 =	vand.u32 $0xFFFF0000, v8;
	v0 =	vadd.f32 v10, v0  }
0x1b8: {  	v8 =	vshll.u32 v8, $0x10;
	v4 =	vld.idx.msk [tilespmem:v62+s16+$0x0], $0xffff;
	v1 =	vadd.f32 v19, v1  }
0x1b9: {  	v20 =	vld [tilespmem:s28+$0x100];
	v21 =	vand.u32 $0xFFFF0000, v2;
	v0 =	vadd.f32 v8, v0  }
0x1ba: {  	v5 =	vld.idx.msk [tilespmem:v12+s16+$0x0], $0xffff;
	v2 =	vshll.u32 v2, $0x10;
	v1 =	vadd.f32 v21, v1  }
0x1bb: {  	v22 =	vld [tilespmem:s28+$0x180];
	v0 =	vadd.f32 v2, v0;
	v2 =	vand.u32 $0xFFFF0000, v3  }
0x1bc: {  	v6 =	vld.idx.msk [tilespmem:v14+s16+$0x0], $0xffff;
	v3 =	vshll.u32 v3, $0x10;
	v1 =	vadd.f32 v2, v1  }
0x1bd: {  	v7 =	vld.idx.msk [tilespmem:v16+s16+$0x0], $0xffff;
	v0 =	vadd.f32 v3, v0;
	v3 =	vand.u32 $0xFFFF0000, v4  }
0x1be: {  	v2 =	vld [tilespmem:s28+$0x200];
	v4 =	vshll.u32 v4, $0x10;
	v1 =	vadd.f32 v3, v1  }
0x1bf: {  	v23 =	vand.u32 $0xFFFF0000, v5;
	v9 =	vld.idx.msk [tilespmem:v18+s16+$0x0], $0xffff;
	v0 =	vadd.f32 v4, v0  }
0x1c0: {  	v5 =	vshll.u32 v5, $0x10;
	v3 =	vld [tilespmem:s28+$0x280];
	v1 =	vadd.f32 v23, v1  }
0x1c1: {  	v24 =	vld [tilespmem:s28+$0x300];
	v25 =	vand.u32 $0xFFFF0000, v6;
	v0 =	vadd.f32 v5, v0  }
0x1c2: {  	v6 =	vshll.u32 v6, $0x10;
	v10 =	vld.idx.msk [tilespmem:v20+s16+$0x0], $0xffff;
	v1 =	vadd.f32 v25, v1  }
0x1c3: {  	v26 =	vld [tilespmem:s28+$0x380];
	v27 =	vand.u32 $0xFFFF0000, v7;
	v0 =	vadd.f32 v6, v0  }
0x1c4: {  	v7 =	vshll.u32 v7, $0x10;
	v8 =	vld.idx.msk [tilespmem:v22+s16+$0x0], $0xffff;
	v1 =	vadd.f32 v27, v1  }
0x1c5: {  	v28 =	vld [tilespmem:s28+$0x400];
	v29 =	vand.u32 $0xFFFF0000, v9;
	v0 =	vadd.f32 v7, v0  }
0x1c6: {  	v9 =	vshll.u32 v9, $0x10;
	v2 =	vld.idx.msk [tilespmem:v2+s16+$0x0], $0xffff;
	v1 =	vadd.f32 v29, v1  }
0x1c7: {  	v30 =	vld [tilespmem:s28+$0x480];
	v31 =	vand.u32 $0xFFFF0000, v10;
	v0 =	vadd.f32 v9, v0  }
0x1c8: {  	v10 =	vshll.u32 v10, $0x10;
	v3 =	vld.idx.msk [tilespmem:v3+s16+$0x0], $0xffff;
	v1 =	vadd.f32 v31, v1  }
0x1c9: {  	v32 =	vld [tilespmem:s28+$0x500];
	v33 =	vand.u32 $0xFFFF0000, v8;
	v0 =	vadd.f32 v10, v0  }
0x1ca: {  	v8 =	vshll.u32 v8, $0x10;
	v4 =	vld.idx.msk [tilespmem:v24+s16+$0x0], $0xffff;
	v1 =	vadd.f32 v33, v1  }
0x1cb: {  	v34 =	vld [tilespmem:s28+$0x580];
	v35 =	vand.u32 $0xFFFF0000, v2;
	v0 =	vadd.f32 v8, v0  }
0x1cc: {  	v5 =	vld.idx.msk [tilespmem:v26+s16+$0x0], $0xffff;
	v2 =	vshll.u32 v2, $0x10;
	v1 =	vadd.f32 v35, v1  }
0x1cd: {  	v36 =	vld [tilespmem:s28+$0x600];
	v0 =	vadd.f32 v2, v0;
	v2 =	vand.u32 $0xFFFF0000, v3  }
0x1ce: {  	v6 =	vld.idx.msk [tilespmem:v28+s16+$0x0], $0xffff;
	v3 =	vshll.u32 v3, $0x10;
	v1 =	vadd.f32 v2, v1  }
0x1cf: {  	v7 =	vld.idx.msk [tilespmem:v30+s16+$0x0], $0xffff;
	v0 =	vadd.f32 v3, v0;
	v3 =	vand.u32 $0xFFFF0000, v4  }
0x1d0: {  	v2 =	vld [tilespmem:s28+$0x680];
	v4 =	vshll.u32 v4, $0x10;
	v1 =	vadd.f32 v3, v1  }
0x1d1: {  	v37 =	vand.u32 $0xFFFF0000, v5;
	v9 =	vld.idx.msk [tilespmem:v32+s16+$0x0], $0xffff;
	v0 =	vadd.f32 v4, v0  }
0x1d2: {  	v5 =	vshll.u32 v5, $0x10;
	v3 =	vld [tilespmem:s28+$0x700];
	v1 =	vadd.f32 v37, v1  }
0x1d3: {  	v38 =	vld [tilespmem:s28+$0x780];
	v39 =	vand.u32 $0xFFFF0000, v6;
	v0 =	vadd.f32 v5, v0  }
0x1d4: {  	v6 =	vshll.u32 v6, $0x10;
	v10 =	vld.idx.msk [tilespmem:v34+s16+$0x0], $0xffff;
	v1 =	vadd.f32 v39, v1  }
0x1d5: {  	v40 =	vld [tilespmem:s28+$0x800];
	v41 =	vand.u32 $0xFFFF0000, v7;
	v0 =	vadd.f32 v6, v0  }
0x1d6: {  	v7 =	vshll.u32 v7, $0x10;
	v8 =	vld.idx.msk [tilespmem:v36+s16+$0x0], $0xffff;
	v1 =	vadd.f32 v41, v1  }
0x1d7: {  	v42 =	vld [tilespmem:s28+$0x880];
	v43 =	vand.u32 $0xFFFF0000, v9;
	v0 =	vadd.f32 v7, v0  }
0x1d8: {  	v9 =	vshll.u32 v9, $0x10;
	v2 =	vld.idx.msk [tilespmem:v2+s16+$0x0], $0xffff;
	v1 =	vadd.f32 v43, v1  }
0x1d9: {  	v44 =	vld [tilespmem:s28+$0x900];
	v45 =	vand.u32 $0xFFFF0000, v10;
	v0 =	vadd.f32 v9, v0  }
0x1da: {  	v10 =	vshll.u32 v10, $0x10;
	v3 =	vld.idx.msk [tilespmem:v3+s16+$0x0], $0xffff;
	v1 =	vadd.f32 v45, v1  }
0x1db: {  	v46 =	vld [tilespmem:s28+$0x980];
	v47 =	vand.u32 $0xFFFF0000, v8;
	v0 =	vadd.f32 v10, v0  }
0x1dc: {  	v8 =	vshll.u32 v8, $0x10;
	v4 =	vld.idx.msk [tilespmem:v38+s16+$0x0], $0xffff;
	v1 =	vadd.f32 v47, v1  }
0x1dd: {  	v48 =	vld [tilespmem:s28+$0xA00];
	v49 =	vand.u32 $0xFFFF0000, v2;
	v0 =	vadd.f32 v8, v0  }
0x1de: {  	v5 =	vld.idx.msk [tilespmem:v40+s16+$0x0], $0xffff;
	v2 =	vshll.u32 v2, $0x10;
	v1 =	vadd.f32 v49, v1  }
0x1df: {  	v50 =	vld [tilespmem:s28+$0xA80];
	v0 =	vadd.f32 v2, v0;
	v2 =	vand.u32 $0xFFFF0000, v3  }
0x1e0: {  	v6 =	vld.idx.msk [tilespmem:v42+s16+$0x0], $0xffff;
	v3 =	vshll.u32 v3, $0x10;
	v1 =	vadd.f32 v2, v1  }
0x1e1: {  	v7 =	vld.idx.msk [tilespmem:v44+s16+$0x0], $0xffff;
	v0 =	vadd.f32 v3, v0;
	v3 =	vand.u32 $0xFFFF0000, v4  }
0x1e2: {  	v2 =	vld [tilespmem:s28+$0xB00];
	v4 =	vshll.u32 v4, $0x10;
	v1 =	vadd.f32 v3, v1  }
0x1e3: {  	v51 =	vand.u32 $0xFFFF0000, v5;
	v9 =	vld.idx.msk [tilespmem:v46+s16+$0x0], $0xffff;
	v0 =	vadd.f32 v4, v0  }
0x1e4: {  	v5 =	vshll.u32 v5, $0x10;
	v3 =	vld [tilespmem:s28+$0xB80];
	v1 =	vadd.f32 v51, v1  }
0x1e5: {  	v52 =	vld [tilespmem:s28+$0xC00];
	v53 =	vand.u32 $0xFFFF0000, v6;
	v0 =	vadd.f32 v5, v0  }
0x1e6: {  	v6 =	vshll.u32 v6, $0x10;
	v10 =	vld.idx.msk [tilespmem:v48+s16+$0x0], $0xffff;
	v1 =	vadd.f32 v53, v1  }
0x1e7: {  	v54 =	vand.u32 $0xFFFF0000, v7;
	v0 =	vadd.f32 v6, v0  }
0x1e8: {  	v56 =	vld.idx.msk [tilespmem:v50+s16+$0x0], $0xffff;
	v55 =	vshll.u32 v7, $0x10;
	v1 =	vadd.f32 v54, v1  }
0x1e9: {  	v57 =	vand.u32 $0xFFFF0000, v9;
	v0 =	vadd.f32 v55, v0  }
0x1ea: {  	v58 =	vshll.u32 v9, $0x10;
	v2 =	vld.idx.msk [tilespmem:v2+s16+$0x0], $0xffff;
	v1 =	vadd.f32 v57, v1  }
0x1eb: {  	v59 =	vand.u32 $0xFFFF0000, v10;
	v0 =	vadd.f32 v58, v0  }
0x1ec: {  	v60 =	vshll.u32 v10, $0x10;
	v3 =	vld.idx.msk [tilespmem:v3+s16+$0x0], $0xffff;
	v1 =	vadd.f32 v59, v1  }
0x1ed: {  	v61 =	vand.u32 $0xFFFF0000, v56;
	v0 =	vadd.f32 v60, v0  }
0x1ee: {  	v62 =	vshll.u32 v56, $0x10;
	v4 =	vld.idx.msk [tilespmem:v52+s16+$0x0], $0xffff;
	v1 =	vadd.f32 v61, v1  }
0x1ef: {  	v63 =	vand.u32 $0xFFFF0000, v2;
	v0 =	vadd.f32 v62, v0  }
0x1f0: {  	v2 =	vshll.u32 v2, $0x10;
	v1 =	vadd.f32 v63, v1  }
0x1f1: {  	v0 =	vadd.f32 v2, v0;
	v2 =	vand.u32 $0xFFFF0000, v3  }
0x1f2: {  	v3 =	vshll.u32 v3, $0x10;
	v1 =	vadd.f32 v2, v1  }
0x1f3: {  	v0 =	vadd.f32 v3, v0;
	v2 =	vand.u32 $0xFFFF0000, v4  }
0x1f4: {  	v3 =	vshll.u32 v4, $0x10;
	v1 =	vadd.f32 v2, v1  }
0x1f5: {  	s26 =	sshra.s32 s26, $0x2;
	v0 =	vadd.f32 v3, v0  }
0x1f6: {  	[tilespmem:s26+$0x1EC80] =	vst v1  }
0x1f7: {  	[tilespmem:s26+$0x1DC80] =	vst v0  }
0x1f8: {  	_ =	swait.ge [sflag:s18], $0x1900  }
0x1f9: {  	[sflag:s18] =	ssyncset.done $0x0  }
0x1fa: {  	[sflag:s18] =	ssyncadd.s32 $0xFFFFE700  }
0x1fb: {  	[tilespmem:s19], [sflag:$0x2] =	stream.strided.gather [hbm4b:s8+s11], $0x1800, s12, s11, $0x38;
	[tilespmem:$0x1F880] =	vst v63  }
0x1fc: {  	s28 =	sadd.s32 $0x18000, s8;
	s26 =	simm.s32 $0x0  }
0x1fd: {  	[tilespmem:s21], [sflag:$0x2] =	stream.linear.gather [hbm4b:s28+s26], $0x100, $0x38;
	[tilespmem:$0x1F880] =	vst v63  }
0x1fe: {  	s28 =	simm.s32 $0x1AD00  }
0x1ff: {  	s29 =	simm.s32 $0x200;
	v0 =	vld [tilespmem:s28+$0xFFFFF380]  }
.LBB2_6:
0x200: {  	p1 =	sne.s32 s29, $0xE00;
	v1 =	vld [tilespmem:s28+$0xFFFFF480]  }
0x201: {  	v2 =	vld [tilespmem:s28+$0xFFFFF400]  }
0x202: {  	v3 =	vld [tilespmem:s28+$0xFFFFF500]  }
0x203: {  	v4 =	vld [tilespmem:s28+$0xFFFFF580]  }
0x204: {  	v5 =	vld [tilespmem:s28+$0xFFFFF600]  }
0x205: {  	v6 =	vld [tilespmem:s28+$0xFFFFF680]  }
0x206: {  	v7 =	vld [tilespmem:s28+$0xFFFFF700]  }
0x207: {  	v0 =	vld.idx.msk [tilespmem:v0+s16+$0x0], $0xffff  }
0x208: {  	v8 =	vld [tilespmem:s28+$0xFFFFF780]  }
0x209: {  	v2 =	vld.idx.msk [tilespmem:v2+s16+$0x0], $0xffff  }
0x20a: {  	v9 =	vld [tilespmem:s28+$0xFFFFF800]  }
0x20b: {  	v1 =	vld.idx.msk [tilespmem:v1+s16+$0x0], $0xffff  }
0x20c: {  	v10 =	vld [tilespmem:s28+$0xFFFFF880]  }
0x20d: {  	v11 =	vshll.u32 v0, $0x10;
	v0 =	vand.u32 $0xFFFF0000, v0;
	v3 =	vld.idx.msk [tilespmem:v3+s16+$0x0], $0xffff  }
0x20e: {  	v11 =	vadd.f32 $0.0e+00, v11;
	v0 =	vadd.f32 $0.0e+00, v0;
	v12 =	vld [tilespmem:s28+$0xFFFFF900]  }
0x20f: {  	v13 =	vshll.u32 v2, $0x10;
	v2 =	vand.u32 $0xFFFF0000, v2;
	v4 =	vld.idx.msk [tilespmem:v4+s16+$0x0], $0xffff  }
0x210: {  	v11 =	vadd.f32 v13, v11;
	v0 =	vadd.f32 v2, v0;
	v2 =	vld [tilespmem:s28+$0xFFFFF980]  }
0x211: {  	v13 =	vshll.u32 v1, $0x10;
	v1 =	vand.u32 $0xFFFF0000, v1;
	v5 =	vld.idx.msk [tilespmem:v5+s16+$0x0], $0xffff  }
0x212: {  	v11 =	vadd.f32 v13, v11;
	v0 =	vadd.f32 v1, v0;
	v1 =	vld [tilespmem:s28+$0xFFFFFA00]  }
0x213: {  	v13 =	vshll.u32 v3, $0x10;
	v3 =	vand.u32 $0xFFFF0000, v3;
	v6 =	vld.idx.msk [tilespmem:v6+s16+$0x0], $0xffff  }
0x214: {  	v11 =	vadd.f32 v13, v11;
	v0 =	vadd.f32 v3, v0;
	v3 =	vld [tilespmem:s28+$0xFFFFFA80]  }
0x215: {  	v13 =	vshll.u32 v4, $0x10;
	v4 =	vand.u32 $0xFFFF0000, v4;
	v7 =	vld.idx.msk [tilespmem:v7+s16+$0x0], $0xffff  }
0x216: {  	v11 =	vadd.f32 v13, v11;
	v0 =	vadd.f32 v4, v0;
	v4 =	vld [tilespmem:s28+$0xFFFFFB00]  }
0x217: {  	v13 =	vshll.u32 v5, $0x10;
	v5 =	vand.u32 $0xFFFF0000, v5;
	v8 =	vld.idx.msk [tilespmem:v8+s16+$0x0], $0xffff  }
0x218: {  	v11 =	vadd.f32 v13, v11;
	v0 =	vadd.f32 v5, v0;
	v5 =	vld [tilespmem:s28+$0xFFFFFB80]  }
0x219: {  	v13 =	vshll.u32 v6, $0x10;
	v6 =	vand.u32 $0xFFFF0000, v6;
	v9 =	vld.idx.msk [tilespmem:v9+s16+$0x0], $0xffff  }
0x21a: {  	v11 =	vadd.f32 v13, v11;
	v0 =	vadd.f32 v6, v0;
	v6 =	vld [tilespmem:s28+$0xFFFFFC00]  }
0x21b: {  	v13 =	vshll.u32 v7, $0x10;
	v7 =	vand.u32 $0xFFFF0000, v7;
	v10 =	vld.idx.msk [tilespmem:v10+s16+$0x0], $0xffff  }
0x21c: {  	v11 =	vadd.f32 v13, v11;
	v0 =	vadd.f32 v7, v0;
	v7 =	vld [tilespmem:s28+$0xFFFFFC80]  }
0x21d: {  	v13 =	vshll.u32 v8, $0x10;
	v8 =	vand.u32 $0xFFFF0000, v8;
	v12 =	vld.idx.msk [tilespmem:v12+s16+$0x0], $0xffff  }
0x21e: {  	v11 =	vadd.f32 v13, v11;
	v0 =	vadd.f32 v8, v0;
	v8 =	vld [tilespmem:s28+$0xFFFFFD00]  }
0x21f: {  	v13 =	vshll.u32 v9, $0x10;
	v9 =	vand.u32 $0xFFFF0000, v9;
	v2 =	vld.idx.msk [tilespmem:v2+s16+$0x0], $0xffff  }
0x220: {  	v11 =	vadd.f32 v13, v11;
	v0 =	vadd.f32 v9, v0;
	v9 =	vld [tilespmem:s28+$0xFFFFFD80]  }
0x221: {  	v13 =	vshll.u32 v10, $0x10;
	v10 =	vand.u32 $0xFFFF0000, v10;
	v1 =	vld.idx.msk [tilespmem:v1+s16+$0x0], $0xffff  }
0x222: {  	v11 =	vadd.f32 v13, v11;
	v0 =	vadd.f32 v10, v0;
	v10 =	vld [tilespmem:s28+$0xFFFFFE00]  }
0x223: {  	v13 =	vshll.u32 v12, $0x10;
	v12 =	vand.u32 $0xFFFF0000, v12;
	v3 =	vld.idx.msk [tilespmem:v3+s16+$0x0], $0xffff  }
0x224: {  	v11 =	vadd.f32 v13, v11;
	v0 =	vadd.f32 v12, v0;
	v12 =	vld [tilespmem:s28+$0xFFFFFE80]  }
0x225: {  	v13 =	vshll.u32 v2, $0x10;
	v2 =	vand.u32 $0xFFFF0000, v2;
	v4 =	vld.idx.msk [tilespmem:v4+s16+$0x0], $0xffff  }
0x226: {  	v11 =	vadd.f32 v13, v11;
	v0 =	vadd.f32 v2, v0;
	v2 =	vld [tilespmem:s28+$0xFFFFFF00]  }
0x227: {  	v13 =	vshll.u32 v1, $0x10;
	v1 =	vand.u32 $0xFFFF0000, v1;
	v5 =	vld.idx.msk [tilespmem:v5+s16+$0x0], $0xffff  }
0x228: {  	v11 =	vadd.f32 v13, v11;
	v0 =	vadd.f32 v1, v0;
	v1 =	vld [tilespmem:s28+$0xFFFFFF80]  }
0x229: {  	v13 =	vshll.u32 v3, $0x10;
	v3 =	vand.u32 $0xFFFF0000, v3;
	v6 =	vld.idx.msk [tilespmem:v6+s16+$0x0], $0xffff  }
0x22a: {  	v11 =	vadd.f32 v13, v11;
	v0 =	vadd.f32 v3, v0;
	v3 =	vld [tilespmem:s28+$0x0]  }
0x22b: {  	v13 =	vshll.u32 v4, $0x10;
	v4 =	vand.u32 $0xFFFF0000, v4;
	v7 =	vld.idx.msk [tilespmem:v7+s16+$0x0], $0xffff  }
0x22c: {  	v11 =	vadd.f32 v13, v11;
	v0 =	vadd.f32 v4, v0;
	v4 =	vld [tilespmem:s28+$0x80]  }
0x22d: {  	v13 =	vshll.u32 v5, $0x10;
	v5 =	vand.u32 $0xFFFF0000, v5;
	v8 =	vld.idx.msk [tilespmem:v8+s16+$0x0], $0xffff  }
0x22e: {  	v11 =	vadd.f32 v13, v11;
	v0 =	vadd.f32 v5, v0;
	v5 =	vld [tilespmem:s28+$0x100]  }
0x22f: {  	v13 =	vshll.u32 v6, $0x10;
	v6 =	vand.u32 $0xFFFF0000, v6;
	v9 =	vld.idx.msk [tilespmem:v9+s16+$0x0], $0xffff  }
0x230: {  	v11 =	vadd.f32 v13, v11;
	v0 =	vadd.f32 v6, v0;
	v6 =	vld [tilespmem:s28+$0x180]  }
0x231: {  	v13 =	vshll.u32 v7, $0x10;
	v7 =	vand.u32 $0xFFFF0000, v7;
	v10 =	vld.idx.msk [tilespmem:v10+s16+$0x0], $0xffff  }
0x232: {  	v11 =	vadd.f32 v13, v11;
	v0 =	vadd.f32 v7, v0;
	v7 =	vld [tilespmem:s28+$0x200]  }
0x233: {  	v13 =	vshll.u32 v8, $0x10;
	v8 =	vand.u32 $0xFFFF0000, v8;
	v12 =	vld.idx.msk [tilespmem:v12+s16+$0x0], $0xffff  }
0x234: {  	v11 =	vadd.f32 v13, v11;
	v0 =	vadd.f32 v8, v0;
	v8 =	vld [tilespmem:s28+$0x280]  }
0x235: {  	v13 =	vshll.u32 v9, $0x10;
	v9 =	vand.u32 $0xFFFF0000, v9;
	v2 =	vld.idx.msk [tilespmem:v2+s16+$0x0], $0xffff  }
0x236: {  	v11 =	vadd.f32 v13, v11;
	v0 =	vadd.f32 v9, v0;
	v9 =	vld [tilespmem:s28+$0x300]  }
0x237: {  	v13 =	vshll.u32 v10, $0x10;
	v10 =	vand.u32 $0xFFFF0000, v10;
	v1 =	vld.idx.msk [tilespmem:v1+s16+$0x0], $0xffff  }
0x238: {  	v11 =	vadd.f32 v13, v11;
	v0 =	vadd.f32 v10, v0;
	v10 =	vld [tilespmem:s28+$0x380]  }
0x239: {  	v13 =	vshll.u32 v12, $0x10;
	v12 =	vand.u32 $0xFFFF0000, v12;
	v3 =	vld.idx.msk [tilespmem:v3+s16+$0x0], $0xffff  }
0x23a: {  	v11 =	vadd.f32 v13, v11;
	v0 =	vadd.f32 v12, v0;
	v12 =	vld [tilespmem:s28+$0x400]  }
0x23b: {  	v13 =	vshll.u32 v2, $0x10;
	v2 =	vand.u32 $0xFFFF0000, v2;
	v4 =	vld.idx.msk [tilespmem:v4+s16+$0x0], $0xffff  }
0x23c: {  	v11 =	vadd.f32 v13, v11;
	v0 =	vadd.f32 v2, v0;
	v2 =	vld [tilespmem:s28+$0x480]  }
0x23d: {  	v13 =	vshll.u32 v1, $0x10;
	v1 =	vand.u32 $0xFFFF0000, v1;
	v5 =	vld.idx.msk [tilespmem:v5+s16+$0x0], $0xffff  }
0x23e: {  	v11 =	vadd.f32 v13, v11;
	v0 =	vadd.f32 v1, v0;
	v1 =	vld [tilespmem:s28+$0x500]  }
0x23f: {  	v13 =	vshll.u32 v3, $0x10;
	v3 =	vand.u32 $0xFFFF0000, v3;
	v6 =	vld.idx.msk [tilespmem:v6+s16+$0x0], $0xffff  }
0x240: {  	v11 =	vadd.f32 v13, v11;
	v0 =	vadd.f32 v3, v0;
	v3 =	vld [tilespmem:s28+$0x580]  }
0x241: {  	v13 =	vshll.u32 v4, $0x10;
	v4 =	vand.u32 $0xFFFF0000, v4;
	v7 =	vld.idx.msk [tilespmem:v7+s16+$0x0], $0xffff  }
0x242: {  	v11 =	vadd.f32 v13, v11;
	v0 =	vadd.f32 v4, v0;
	v4 =	vld [tilespmem:s28+$0x600]  }
0x243: {  	v13 =	vshll.u32 v5, $0x10;
	v5 =	vand.u32 $0xFFFF0000, v5;
	v8 =	vld.idx.msk [tilespmem:v8+s16+$0x0], $0xffff  }
0x244: {  	v11 =	vadd.f32 v13, v11;
	v0 =	vadd.f32 v5, v0;
	v5 =	vld [tilespmem:s28+$0x680]  }
0x245: {  	v13 =	vshll.u32 v6, $0x10;
	v6 =	vand.u32 $0xFFFF0000, v6;
	v9 =	vld.idx.msk [tilespmem:v9+s16+$0x0], $0xffff  }
0x246: {  	v11 =	vadd.f32 v13, v11;
	v0 =	vadd.f32 v6, v0;
	v6 =	vld [tilespmem:s28+$0x700]  }
0x247: {  	v13 =	vshll.u32 v7, $0x10;
	v7 =	vand.u32 $0xFFFF0000, v7;
	v10 =	vld.idx.msk [tilespmem:v10+s16+$0x0], $0xffff  }
0x248: {  	v11 =	vadd.f32 v13, v11;
	v0 =	vadd.f32 v7, v0;
	v7 =	vld [tilespmem:s28+$0x780]  }
0x249: {  	v13 =	vshll.u32 v8, $0x10;
	v8 =	vand.u32 $0xFFFF0000, v8;
	v12 =	vld.idx.msk [tilespmem:v12+s16+$0x0], $0xffff  }
0x24a: {  	v11 =	vadd.f32 v13, v11;
	v0 =	vadd.f32 v8, v0;
	v8 =	vld [tilespmem:s28+$0x800]  }
0x24b: {  	v13 =	vshll.u32 v9, $0x10;
	v9 =	vand.u32 $0xFFFF0000, v9;
	v2 =	vld.idx.msk [tilespmem:v2+s16+$0x0], $0xffff  }
0x24c: {  	v11 =	vadd.f32 v13, v11;
	v0 =	vadd.f32 v9, v0;
	v9 =	vld [tilespmem:s28+$0x880]  }
0x24d: {  	v13 =	vshll.u32 v10, $0x10;
	v10 =	vand.u32 $0xFFFF0000, v10;
	v1 =	vld.idx.msk [tilespmem:v1+s16+$0x0], $0xffff  }
0x24e: {  	v11 =	vadd.f32 v13, v11;
	v0 =	vadd.f32 v10, v0;
	v10 =	vld [tilespmem:s28+$0x900]  }
0x24f: {  	v13 =	vshll.u32 v12, $0x10;
	v12 =	vand.u32 $0xFFFF0000, v12;
	v3 =	vld.idx.msk [tilespmem:v3+s16+$0x0], $0xffff  }
0x250: {  	v11 =	vadd.f32 v13, v11;
	v0 =	vadd.f32 v12, v0;
	v12 =	vld [tilespmem:s28+$0x980]  }
0x251: {  	v13 =	vshll.u32 v2, $0x10;
	v2 =	vand.u32 $0xFFFF0000, v2;
	v4 =	vld.idx.msk [tilespmem:v4+s16+$0x0], $0xffff  }
0x252: {  	v11 =	vadd.f32 v13, v11;
	v0 =	vadd.f32 v2, v0;
	v2 =	vld [tilespmem:s28+$0xA00]  }
0x253: {  	v13 =	vshll.u32 v1, $0x10;
	v1 =	vand.u32 $0xFFFF0000, v1;
	v5 =	vld.idx.msk [tilespmem:v5+s16+$0x0], $0xffff  }
0x254: {  	v11 =	vadd.f32 v13, v11;
	v0 =	vadd.f32 v1, v0;
	v1 =	vld [tilespmem:s28+$0xA80]  }
0x255: {  	v13 =	vshll.u32 v3, $0x10;
	v3 =	vand.u32 $0xFFFF0000, v3;
	v6 =	vld.idx.msk [tilespmem:v6+s16+$0x0], $0xffff  }
0x256: {  	v11 =	vadd.f32 v13, v11;
	v0 =	vadd.f32 v3, v0;
	v3 =	vld [tilespmem:s28+$0xB00]  }
0x257: {  	v13 =	vshll.u32 v4, $0x10;
	v4 =	vand.u32 $0xFFFF0000, v4;
	v7 =	vld.idx.msk [tilespmem:v7+s16+$0x0], $0xffff  }
0x258: {  	v11 =	vadd.f32 v13, v11;
	v0 =	vadd.f32 v4, v0;
	v4 =	vld [tilespmem:s28+$0xB80]  }
0x259: {  	v13 =	vshll.u32 v5, $0x10;
	v5 =	vand.u32 $0xFFFF0000, v5;
	v8 =	vld.idx.msk [tilespmem:v8+s16+$0x0], $0xffff  }
0x25a: {  	v11 =	vadd.f32 v13, v11;
	v0 =	vadd.f32 v5, v0;
	v5 =	vld [tilespmem:s28+$0xC00]  }
0x25b: {  	v13 =	vshll.u32 v6, $0x10;
	v6 =	vand.u32 $0xFFFF0000, v6;
	v9 =	vld.idx.msk [tilespmem:v9+s16+$0x0], $0xffff  }
0x25c: {  	v11 =	vadd.f32 v13, v11;
	v0 =	vadd.f32 v6, v0  }
0x25d: {  	v6 =	vshll.u32 v7, $0x10;
	v7 =	vand.u32 $0xFFFF0000, v7;
	v10 =	vld.idx.msk [tilespmem:v10+s16+$0x0], $0xffff  }
0x25e: {  	v6 =	vadd.f32 v6, v11;
	v0 =	vadd.f32 v7, v0  }
0x25f: {  	v7 =	vshll.u32 v8, $0x10;
	v8 =	vand.u32 $0xFFFF0000, v8;
	v11 =	vld.idx.msk [tilespmem:v12+s16+$0x0], $0xffff  }
0x260: {  	v6 =	vadd.f32 v7, v6;
	v0 =	vadd.f32 v8, v0  }
0x261: {  	v7 =	vshll.u32 v9, $0x10;
	v8 =	vand.u32 $0xFFFF0000, v9;
	v2 =	vld.idx.msk [tilespmem:v2+s16+$0x0], $0xffff  }
0x262: {  	v6 =	vadd.f32 v7, v6;
	v0 =	vadd.f32 v8, v0  }
0x263: {  	v7 =	vshll.u32 v10, $0x10;
	v8 =	vand.u32 $0xFFFF0000, v10;
	v1 =	vld.idx.msk [tilespmem:v1+s16+$0x0], $0xffff  }
0x264: {  	v6 =	vadd.f32 v7, v6;
	v0 =	vadd.f32 v8, v0  }
0x265: {  	v7 =	vshll.u32 v11, $0x10;
	v8 =	vand.u32 $0xFFFF0000, v11;
	v3 =	vld.idx.msk [tilespmem:v3+s16+$0x0], $0xffff  }
0x266: {  	v6 =	vadd.f32 v7, v6;
	v0 =	vadd.f32 v8, v0  }
0x267: {  	v7 =	vshll.u32 v2, $0x10;
	v2 =	vand.u32 $0xFFFF0000, v2;
	v4 =	vld.idx.msk [tilespmem:v4+s16+$0x0], $0xffff  }
0x268: {  	v6 =	vadd.f32 v7, v6;
	v0 =	vadd.f32 v2, v0  }
0x269: {  	v2 =	vshll.u32 v1, $0x10;
	v1 =	vand.u32 $0xFFFF0000, v1;
	v5 =	vld.idx.msk [tilespmem:v5+s16+$0x0], $0xffff  }
0x26a: {  	v2 =	vadd.f32 v2, v6;
	v0 =	vadd.f32 v1, v0  }
0x26b: {  	v1 =	vshll.u32 v3, $0x10;
	v3 =	vand.u32 $0xFFFF0000, v3  }
0x26c: {  	v1 =	vadd.f32 v1, v2;
	v0 =	vadd.f32 v3, v0  }
0x26d: {  	v2 =	vshll.u32 v4, $0x10;
	v3 =	vand.u32 $0xFFFF0000, v4  }
0x26e: {  	v1 =	vadd.f32 v2, v1;
	v0 =	vadd.f32 v3, v0  }
0x26f: {  	v2 =	vshll.u32 v5, $0x10;
	v3 =	vand.u32 $0xFFFF0000, v5  }
.Ltmp2:
0x270: {  	v1 =	vadd.f32 v2, v1;
	v0 =	vadd.f32 v3, v0;
	(pc) =	sbr.rel @p1 .LBB2_6-.Ltmp2, $4  }
0x271: {  	s30 =	sshra.s32 s26, $0x2;
	s26 =	smov.u32 s29  }
0x272: {  	[tilespmem:s30+$0x1F080] =	vst v0  }
0x273: {  	s28 =	sadd.s32 $0x10, s28;
	[tilespmem:s30+$0x1E080] =	vst v1  }
0x274: {  	s29 =	sadd.s32 $0x200, s29;
	v0 =	vld [tilespmem:s28+$0xFFFFF380]  }
0x275: {  	_ =	sdelay $0x1  }
0x276: {  	v1 =	vld [tilespmem:s28+$0xFFFFF400];
	_ =	sdelay $0x1  }
0x277: {  	v2 =	vld [tilespmem:s28+$0xFFFFF480];
	_ =	sdelay $0x1  }
0x278: {  	v3 =	vld [tilespmem:s28+$0xFFFFF500]  }
0x279: {  	v4 =	vld [tilespmem:s28+$0xFFFFF580]  }
0x27a: {  	v0 =	vld.idx.msk [tilespmem:v0+s16+$0x0], $0xffff  }
0x27b: {  	v5 =	vld [tilespmem:s28+$0xFFFFF600]  }
0x27c: {  	v1 =	vld.idx.msk [tilespmem:v1+s16+$0x0], $0xffff  }
0x27d: {  	v6 =	vld [tilespmem:s28+$0xFFFFF680]  }
0x27e: {  	v2 =	vld.idx.msk [tilespmem:v2+s16+$0x0], $0xffff  }
0x27f: {  	v7 =	vld [tilespmem:s28+$0xFFFFF700];
	v8 =	vand.u32 $0xFFFF0000, v0  }
0x280: {  	v3 =	vld.idx.msk [tilespmem:v3+s16+$0x0], $0xffff;
	v0 =	vshll.u32 v0, $0x10;
	v8 =	vadd.f32 $0.0e+00, v8  }
0x281: {  	v9 =	vld [tilespmem:s28+$0xFFFFF780];
	v0 =	vadd.f32 $0.0e+00, v0;
	v10 =	vand.u32 $0xFFFF0000, v1  }
0x282: {  	v4 =	vld.idx.msk [tilespmem:v4+s16+$0x0], $0xffff;
	v1 =	vshll.u32 v1, $0x10;
	v8 =	vadd.f32 v10, v8  }
0x283: {  	v45 =	vld [tilespmem:s28+$0xFFFFF800];
	v0 =	vadd.f32 v1, v0;
	v1 =	vand.u32 $0xFFFF0000, v2  }
0x284: {  	v5 =	vld.idx.msk [tilespmem:v5+s16+$0x0], $0xffff;
	v2 =	vshll.u32 v2, $0x10;
	v1 =	vadd.f32 v1, v8  }
0x285: {  	v46 =	vld [tilespmem:s28+$0xFFFFF880];
	v0 =	vadd.f32 v2, v0;
	v2 =	vand.u32 $0xFFFF0000, v3  }
0x286: {  	v6 =	vld.idx.msk [tilespmem:v6+s16+$0x0], $0xffff;
	v3 =	vshll.u32 v3, $0x10;
	v1 =	vadd.f32 v2, v1  }
0x287: {  	v7 =	vld.idx.msk [tilespmem:v7+s16+$0x0], $0xffff;
	v0 =	vadd.f32 v3, v0;
	v3 =	vand.u32 $0xFFFF0000, v4  }
0x288: {  	v2 =	vld [tilespmem:s28+$0xFFFFF900];
	v4 =	vshll.u32 v4, $0x10;
	v1 =	vadd.f32 v3, v1  }
0x289: {  	v9 =	vld.idx.msk [tilespmem:v9+s16+$0x0], $0xffff;
	v47 =	vand.u32 $0xFFFF0000, v5;
	v0 =	vadd.f32 v4, v0  }
0x28a: {  	v5 =	vshll.u32 v5, $0x10;
	v3 =	vld [tilespmem:s28+$0xFFFFF980];
	v1 =	vadd.f32 v47, v1  }
0x28b: {  	v48 =	vld [tilespmem:s28+$0xFFFFFA00];
	v49 =	vand.u32 $0xFFFF0000, v6;
	v0 =	vadd.f32 v5, v0  }
0x28c: {  	v6 =	vshll.u32 v6, $0x10;
	v10 =	vld.idx.msk [tilespmem:v45+s16+$0x0], $0xffff;
	v1 =	vadd.f32 v49, v1  }
0x28d: {  	v50 =	vld [tilespmem:s28+$0xFFFFFA80];
	v51 =	vand.u32 $0xFFFF0000, v7;
	v0 =	vadd.f32 v6, v0  }
0x28e: {  	v7 =	vshll.u32 v7, $0x10;
	v8 =	vld.idx.msk [tilespmem:v46+s16+$0x0], $0xffff;
	v1 =	vadd.f32 v51, v1  }
0x28f: {  	v52 =	vld [tilespmem:s28+$0xFFFFFB00];
	v53 =	vand.u32 $0xFFFF0000, v9;
	v0 =	vadd.f32 v7, v0  }
0x290: {  	v9 =	vshll.u32 v9, $0x10;
	v2 =	vld.idx.msk [tilespmem:v2+s16+$0x0], $0xffff;
	v1 =	vadd.f32 v53, v1  }
0x291: {  	v54 =	vld [tilespmem:s28+$0xFFFFFB80];
	v55 =	vand.u32 $0xFFFF0000, v10;
	v0 =	vadd.f32 v9, v0  }
0x292: {  	v10 =	vshll.u32 v10, $0x10;
	v3 =	vld.idx.msk [tilespmem:v3+s16+$0x0], $0xffff;
	v1 =	vadd.f32 v55, v1  }
0x293: {  	v56 =	vld [tilespmem:s28+$0xFFFFFC00];
	v57 =	vand.u32 $0xFFFF0000, v8;
	v0 =	vadd.f32 v10, v0  }
0x294: {  	v4 =	vld.idx.msk [tilespmem:v48+s16+$0x0], $0xffff;
	v8 =	vshll.u32 v8, $0x10;
	v1 =	vadd.f32 v57, v1  }
0x295: {  	v58 =	vld [tilespmem:s28+$0xFFFFFC80];
	v59 =	vand.u32 $0xFFFF0000, v2;
	v0 =	vadd.f32 v8, v0  }
0x296: {  	v5 =	vld.idx.msk [tilespmem:v50+s16+$0x0], $0xffff;
	v2 =	vshll.u32 v2, $0x10;
	v1 =	vadd.f32 v59, v1  }
0x297: {  	v60 =	vld [tilespmem:s28+$0xFFFFFD00];
	v0 =	vadd.f32 v2, v0;
	v2 =	vand.u32 $0xFFFF0000, v3  }
0x298: {  	v6 =	vld.idx.msk [tilespmem:v52+s16+$0x0], $0xffff;
	v3 =	vshll.u32 v3, $0x10;
	v1 =	vadd.f32 v2, v1  }
0x299: {  	v7 =	vld.idx.msk [tilespmem:v54+s16+$0x0], $0xffff;
	v0 =	vadd.f32 v3, v0;
	v3 =	vand.u32 $0xFFFF0000, v4  }
0x29a: {  	v2 =	vld [tilespmem:s28+$0xFFFFFD80];
	v4 =	vshll.u32 v4, $0x10;
	v1 =	vadd.f32 v3, v1  }
0x29b: {  	v61 =	vand.u32 $0xFFFF0000, v5;
	v9 =	vld.idx.msk [tilespmem:v56+s16+$0x0], $0xffff;
	v0 =	vadd.f32 v4, v0  }
0x29c: {  	v5 =	vshll.u32 v5, $0x10;
	v3 =	vld [tilespmem:s28+$0xFFFFFE00];
	v1 =	vadd.f32 v61, v1  }
0x29d: {  	v62 =	vld [tilespmem:s28+$0xFFFFFE80];
	v63 =	vand.u32 $0xFFFF0000, v6;
	v0 =	vadd.f32 v5, v0  }
0x29e: {  	v6 =	vshll.u32 v6, $0x10;
	v10 =	vld.idx.msk [tilespmem:v58+s16+$0x0], $0xffff;
	v1 =	vadd.f32 v63, v1  }
0x29f: {  	v12 =	vld [tilespmem:s28+$0xFFFFFF00];
	v13 =	vand.u32 $0xFFFF0000, v7;
	v0 =	vadd.f32 v6, v0  }
0x2a0: {  	v7 =	vshll.u32 v7, $0x10;
	v8 =	vld.idx.msk [tilespmem:v60+s16+$0x0], $0xffff;
	v1 =	vadd.f32 v13, v1  }
0x2a1: {  	v14 =	vld [tilespmem:s28+$0xFFFFFF80];
	v15 =	vand.u32 $0xFFFF0000, v9;
	v0 =	vadd.f32 v7, v0  }
0x2a2: {  	v9 =	vshll.u32 v9, $0x10;
	v2 =	vld.idx.msk [tilespmem:v2+s16+$0x0], $0xffff;
	v1 =	vadd.f32 v15, v1  }
0x2a3: {  	v16 =	vld [tilespmem:s28+$0x0];
	v17 =	vand.u32 $0xFFFF0000, v10;
	v0 =	vadd.f32 v9, v0  }
0x2a4: {  	v10 =	vshll.u32 v10, $0x10;
	v3 =	vld.idx.msk [tilespmem:v3+s16+$0x0], $0xffff;
	v1 =	vadd.f32 v17, v1  }
0x2a5: {  	v18 =	vld [tilespmem:s28+$0x80];
	v19 =	vand.u32 $0xFFFF0000, v8;
	v0 =	vadd.f32 v10, v0  }
0x2a6: {  	v8 =	vshll.u32 v8, $0x10;
	v4 =	vld.idx.msk [tilespmem:v62+s16+$0x0], $0xffff;
	v1 =	vadd.f32 v19, v1  }
0x2a7: {  	v20 =	vld [tilespmem:s28+$0x100];
	v21 =	vand.u32 $0xFFFF0000, v2;
	v0 =	vadd.f32 v8, v0  }
0x2a8: {  	v5 =	vld.idx.msk [tilespmem:v12+s16+$0x0], $0xffff;
	v2 =	vshll.u32 v2, $0x10;
	v1 =	vadd.f32 v21, v1  }
0x2a9: {  	v22 =	vld [tilespmem:s28+$0x180];
	v0 =	vadd.f32 v2, v0;
	v2 =	vand.u32 $0xFFFF0000, v3  }
0x2aa: {  	v6 =	vld.idx.msk [tilespmem:v14+s16+$0x0], $0xffff;
	v3 =	vshll.u32 v3, $0x10;
	v1 =	vadd.f32 v2, v1  }
0x2ab: {  	v7 =	vld.idx.msk [tilespmem:v16+s16+$0x0], $0xffff;
	v0 =	vadd.f32 v3, v0;
	v3 =	vand.u32 $0xFFFF0000, v4  }
0x2ac: {  	v2 =	vld [tilespmem:s28+$0x200];
	v4 =	vshll.u32 v4, $0x10;
	v1 =	vadd.f32 v3, v1  }
0x2ad: {  	v23 =	vand.u32 $0xFFFF0000, v5;
	v9 =	vld.idx.msk [tilespmem:v18+s16+$0x0], $0xffff;
	v0 =	vadd.f32 v4, v0  }
0x2ae: {  	v5 =	vshll.u32 v5, $0x10;
	v3 =	vld [tilespmem:s28+$0x280];
	v1 =	vadd.f32 v23, v1  }
0x2af: {  	v24 =	vld [tilespmem:s28+$0x300];
	v25 =	vand.u32 $0xFFFF0000, v6;
	v0 =	vadd.f32 v5, v0  }
0x2b0: {  	v6 =	vshll.u32 v6, $0x10;
	v10 =	vld.idx.msk [tilespmem:v20+s16+$0x0], $0xffff;
	v1 =	vadd.f32 v25, v1  }
0x2b1: {  	v26 =	vld [tilespmem:s28+$0x380];
	v27 =	vand.u32 $0xFFFF0000, v7;
	v0 =	vadd.f32 v6, v0  }
0x2b2: {  	v7 =	vshll.u32 v7, $0x10;
	v8 =	vld.idx.msk [tilespmem:v22+s16+$0x0], $0xffff;
	v1 =	vadd.f32 v27, v1  }
0x2b3: {  	v28 =	vld [tilespmem:s28+$0x400];
	v29 =	vand.u32 $0xFFFF0000, v9;
	v0 =	vadd.f32 v7, v0  }
0x2b4: {  	v9 =	vshll.u32 v9, $0x10;
	v2 =	vld.idx.msk [tilespmem:v2+s16+$0x0], $0xffff;
	v1 =	vadd.f32 v29, v1  }
0x2b5: {  	v30 =	vld [tilespmem:s28+$0x480];
	v31 =	vand.u32 $0xFFFF0000, v10;
	v0 =	vadd.f32 v9, v0  }
0x2b6: {  	v10 =	vshll.u32 v10, $0x10;
	v3 =	vld.idx.msk [tilespmem:v3+s16+$0x0], $0xffff;
	v1 =	vadd.f32 v31, v1  }
0x2b7: {  	v32 =	vld [tilespmem:s28+$0x500];
	v33 =	vand.u32 $0xFFFF0000, v8;
	v0 =	vadd.f32 v10, v0  }
0x2b8: {  	v8 =	vshll.u32 v8, $0x10;
	v4 =	vld.idx.msk [tilespmem:v24+s16+$0x0], $0xffff;
	v1 =	vadd.f32 v33, v1  }
0x2b9: {  	v34 =	vld [tilespmem:s28+$0x580];
	v35 =	vand.u32 $0xFFFF0000, v2;
	v0 =	vadd.f32 v8, v0  }
0x2ba: {  	v5 =	vld.idx.msk [tilespmem:v26+s16+$0x0], $0xffff;
	v2 =	vshll.u32 v2, $0x10;
	v1 =	vadd.f32 v35, v1  }
0x2bb: {  	v36 =	vld [tilespmem:s28+$0x600];
	v0 =	vadd.f32 v2, v0;
	v2 =	vand.u32 $0xFFFF0000, v3  }
0x2bc: {  	v6 =	vld.idx.msk [tilespmem:v28+s16+$0x0], $0xffff;
	v3 =	vshll.u32 v3, $0x10;
	v1 =	vadd.f32 v2, v1  }
0x2bd: {  	v7 =	vld.idx.msk [tilespmem:v30+s16+$0x0], $0xffff;
	v0 =	vadd.f32 v3, v0;
	v3 =	vand.u32 $0xFFFF0000, v4  }
0x2be: {  	v2 =	vld [tilespmem:s28+$0x680];
	v4 =	vshll.u32 v4, $0x10;
	v1 =	vadd.f32 v3, v1  }
0x2bf: {  	v37 =	vand.u32 $0xFFFF0000, v5;
	v9 =	vld.idx.msk [tilespmem:v32+s16+$0x0], $0xffff;
	v0 =	vadd.f32 v4, v0  }
0x2c0: {  	v5 =	vshll.u32 v5, $0x10;
	v3 =	vld [tilespmem:s28+$0x700];
	v1 =	vadd.f32 v37, v1  }
0x2c1: {  	v38 =	vld [tilespmem:s28+$0x780];
	v39 =	vand.u32 $0xFFFF0000, v6;
	v0 =	vadd.f32 v5, v0  }
0x2c2: {  	v6 =	vshll.u32 v6, $0x10;
	v10 =	vld.idx.msk [tilespmem:v34+s16+$0x0], $0xffff;
	v1 =	vadd.f32 v39, v1  }
0x2c3: {  	v40 =	vld [tilespmem:s28+$0x800];
	v41 =	vand.u32 $0xFFFF0000, v7;
	v0 =	vadd.f32 v6, v0  }
0x2c4: {  	v7 =	vshll.u32 v7, $0x10;
	v8 =	vld.idx.msk [tilespmem:v36+s16+$0x0], $0xffff;
	v1 =	vadd.f32 v41, v1  }
0x2c5: {  	v42 =	vld [tilespmem:s28+$0x880];
	v43 =	vand.u32 $0xFFFF0000, v9;
	v0 =	vadd.f32 v7, v0  }
0x2c6: {  	v9 =	vshll.u32 v9, $0x10;
	v2 =	vld.idx.msk [tilespmem:v2+s16+$0x0], $0xffff;
	v1 =	vadd.f32 v43, v1  }
0x2c7: {  	v44 =	vld [tilespmem:s28+$0x900];
	v45 =	vand.u32 $0xFFFF0000, v10;
	v0 =	vadd.f32 v9, v0  }
0x2c8: {  	v10 =	vshll.u32 v10, $0x10;
	v3 =	vld.idx.msk [tilespmem:v3+s16+$0x0], $0xffff;
	v1 =	vadd.f32 v45, v1  }
0x2c9: {  	v46 =	vld [tilespmem:s28+$0x980];
	v47 =	vand.u32 $0xFFFF0000, v8;
	v0 =	vadd.f32 v10, v0  }
0x2ca: {  	v8 =	vshll.u32 v8, $0x10;
	v4 =	vld.idx.msk [tilespmem:v38+s16+$0x0], $0xffff;
	v1 =	vadd.f32 v47, v1  }
0x2cb: {  	v48 =	vld [tilespmem:s28+$0xA00];
	v49 =	vand.u32 $0xFFFF0000, v2;
	v0 =	vadd.f32 v8, v0  }
0x2cc: {  	v5 =	vld.idx.msk [tilespmem:v40+s16+$0x0], $0xffff;
	v2 =	vshll.u32 v2, $0x10;
	v1 =	vadd.f32 v49, v1  }
0x2cd: {  	v50 =	vld [tilespmem:s28+$0xA80];
	v0 =	vadd.f32 v2, v0;
	v2 =	vand.u32 $0xFFFF0000, v3  }
0x2ce: {  	v6 =	vld.idx.msk [tilespmem:v42+s16+$0x0], $0xffff;
	v3 =	vshll.u32 v3, $0x10;
	v1 =	vadd.f32 v2, v1  }
0x2cf: {  	v7 =	vld.idx.msk [tilespmem:v44+s16+$0x0], $0xffff;
	v0 =	vadd.f32 v3, v0;
	v3 =	vand.u32 $0xFFFF0000, v4  }
0x2d0: {  	v2 =	vld [tilespmem:s28+$0xB00];
	v4 =	vshll.u32 v4, $0x10;
	v1 =	vadd.f32 v3, v1  }
0x2d1: {  	v51 =	vand.u32 $0xFFFF0000, v5;
	v9 =	vld.idx.msk [tilespmem:v46+s16+$0x0], $0xffff;
	v0 =	vadd.f32 v4, v0  }
0x2d2: {  	v5 =	vshll.u32 v5, $0x10;
	v3 =	vld [tilespmem:s28+$0xB80];
	v1 =	vadd.f32 v51, v1  }
0x2d3: {  	v52 =	vld [tilespmem:s28+$0xC00];
	v53 =	vand.u32 $0xFFFF0000, v6;
	v0 =	vadd.f32 v5, v0  }
0x2d4: {  	v6 =	vshll.u32 v6, $0x10;
	v10 =	vld.idx.msk [tilespmem:v48+s16+$0x0], $0xffff;
	v1 =	vadd.f32 v53, v1  }
0x2d5: {  	v54 =	vand.u32 $0xFFFF0000, v7;
	v0 =	vadd.f32 v6, v0  }
0x2d6: {  	v56 =	vld.idx.msk [tilespmem:v50+s16+$0x0], $0xffff;
	v55 =	vshll.u32 v7, $0x10;
	v1 =	vadd.f32 v54, v1  }
0x2d7: {  	v57 =	vand.u32 $0xFFFF0000, v9;
	v0 =	vadd.f32 v55, v0  }
0x2d8: {  	v58 =	vshll.u32 v9, $0x10;
	v2 =	vld.idx.msk [tilespmem:v2+s16+$0x0], $0xffff;
	v1 =	vadd.f32 v57, v1  }
0x2d9: {  	v59 =	vand.u32 $0xFFFF0000, v10;
	v0 =	vadd.f32 v58, v0  }
0x2da: {  	v60 =	vshll.u32 v10, $0x10;
	v3 =	vld.idx.msk [tilespmem:v3+s16+$0x0], $0xffff;
	v1 =	vadd.f32 v59, v1  }
0x2db: {  	v61 =	vand.u32 $0xFFFF0000, v56;
	v0 =	vadd.f32 v60, v0  }
0x2dc: {  	v62 =	vshll.u32 v56, $0x10;
	v4 =	vld.idx.msk [tilespmem:v52+s16+$0x0], $0xffff;
	v1 =	vadd.f32 v61, v1  }
0x2dd: {  	v63 =	vand.u32 $0xFFFF0000, v2;
	v0 =	vadd.f32 v62, v0  }
0x2de: {  	v2 =	vshll.u32 v2, $0x10;
	v1 =	vadd.f32 v63, v1  }
0x2df: {  	v0 =	vadd.f32 v2, v0;
	v2 =	vand.u32 $0xFFFF0000, v3  }
0x2e0: {  	v3 =	vshll.u32 v3, $0x10;
	v1 =	vadd.f32 v2, v1  }
0x2e1: {  	v0 =	vadd.f32 v3, v0;
	v2 =	vand.u32 $0xFFFF0000, v4  }
0x2e2: {  	v3 =	vshll.u32 v4, $0x10;
	v1 =	vadd.f32 v2, v1  }
0x2e3: {  	s26 =	sshra.s32 s26, $0x2;
	v0 =	vadd.f32 v3, v0  }
0x2e4: {  	[tilespmem:s26+$0x1F080] =	vst v1  }
0x2e5: {  	[tilespmem:s26+$0x1E080] =	vst v0  }
0x2e6: {  	_ =	swait.ge [sflag:s22], $0x1900  }
0x2e7: {  	[sflag:s22] =	ssyncset.done $0x0  }
0x2e8: {  	s28 =	simm.s32 $0x1C900;
	[sflag:s22] =	ssyncadd.s32 $0xFFFFE700  }
0x2e9: {  	s29 =	simm.s32 $0x200;
	s26 =	simm.s32 $0x0;
	v0 =	vld [tilespmem:s28+$0xFFFFF380]  }
.LBB2_8:
0x2ea: {  	p1 =	sne.s32 s29, $0xE00;
	v1 =	vld [tilespmem:s28+$0xFFFFF480]  }
0x2eb: {  	v2 =	vld [tilespmem:s28+$0xFFFFF400]  }
0x2ec: {  	v3 =	vld [tilespmem:s28+$0xFFFFF500]  }
0x2ed: {  	v4 =	vld [tilespmem:s28+$0xFFFFF580]  }
0x2ee: {  	v5 =	vld [tilespmem:s28+$0xFFFFF600]  }
0x2ef: {  	v6 =	vld [tilespmem:s28+$0xFFFFF680]  }
0x2f0: {  	v7 =	vld [tilespmem:s28+$0xFFFFF700]  }
0x2f1: {  	v0 =	vld.idx.msk [tilespmem:v0+s16+$0x0], $0xffff  }
0x2f2: {  	v8 =	vld [tilespmem:s28+$0xFFFFF780]  }
0x2f3: {  	v2 =	vld.idx.msk [tilespmem:v2+s16+$0x0], $0xffff  }
0x2f4: {  	v9 =	vld [tilespmem:s28+$0xFFFFF800]  }
0x2f5: {  	v1 =	vld.idx.msk [tilespmem:v1+s16+$0x0], $0xffff  }
0x2f6: {  	v10 =	vld [tilespmem:s28+$0xFFFFF880]  }
0x2f7: {  	v11 =	vshll.u32 v0, $0x10;
	v0 =	vand.u32 $0xFFFF0000, v0;
	v3 =	vld.idx.msk [tilespmem:v3+s16+$0x0], $0xffff  }
0x2f8: {  	v11 =	vadd.f32 $0.0e+00, v11;
	v0 =	vadd.f32 $0.0e+00, v0;
	v12 =	vld [tilespmem:s28+$0xFFFFF900]  }
0x2f9: {  	v13 =	vshll.u32 v2, $0x10;
	v2 =	vand.u32 $0xFFFF0000, v2;
	v4 =	vld.idx.msk [tilespmem:v4+s16+$0x0], $0xffff  }
0x2fa: {  	v11 =	vadd.f32 v13, v11;
	v0 =	vadd.f32 v2, v0;
	v2 =	vld [tilespmem:s28+$0xFFFFF980]  }
0x2fb: {  	v13 =	vshll.u32 v1, $0x10;
	v1 =	vand.u32 $0xFFFF0000, v1;
	v5 =	vld.idx.msk [tilespmem:v5+s16+$0x0], $0xffff  }
0x2fc: {  	v11 =	vadd.f32 v13, v11;
	v0 =	vadd.f32 v1, v0;
	v1 =	vld [tilespmem:s28+$0xFFFFFA00]  }
0x2fd: {  	v13 =	vshll.u32 v3, $0x10;
	v3 =	vand.u32 $0xFFFF0000, v3;
	v6 =	vld.idx.msk [tilespmem:v6+s16+$0x0], $0xffff  }
0x2fe: {  	v11 =	vadd.f32 v13, v11;
	v0 =	vadd.f32 v3, v0;
	v3 =	vld [tilespmem:s28+$0xFFFFFA80]  }
0x2ff: {  	v13 =	vshll.u32 v4, $0x10;
	v4 =	vand.u32 $0xFFFF0000, v4;
	v7 =	vld.idx.msk [tilespmem:v7+s16+$0x0], $0xffff  }
0x300: {  	v11 =	vadd.f32 v13, v11;
	v0 =	vadd.f32 v4, v0;
	v4 =	vld [tilespmem:s28+$0xFFFFFB00]  }
0x301: {  	v13 =	vshll.u32 v5, $0x10;
	v5 =	vand.u32 $0xFFFF0000, v5;
	v8 =	vld.idx.msk [tilespmem:v8+s16+$0x0], $0xffff  }
0x302: {  	v11 =	vadd.f32 v13, v11;
	v0 =	vadd.f32 v5, v0;
	v5 =	vld [tilespmem:s28+$0xFFFFFB80]  }
0x303: {  	v13 =	vshll.u32 v6, $0x10;
	v6 =	vand.u32 $0xFFFF0000, v6;
	v9 =	vld.idx.msk [tilespmem:v9+s16+$0x0], $0xffff  }
0x304: {  	v11 =	vadd.f32 v13, v11;
	v0 =	vadd.f32 v6, v0;
	v6 =	vld [tilespmem:s28+$0xFFFFFC00]  }
0x305: {  	v13 =	vshll.u32 v7, $0x10;
	v7 =	vand.u32 $0xFFFF0000, v7;
	v10 =	vld.idx.msk [tilespmem:v10+s16+$0x0], $0xffff  }
0x306: {  	v11 =	vadd.f32 v13, v11;
	v0 =	vadd.f32 v7, v0;
	v7 =	vld [tilespmem:s28+$0xFFFFFC80]  }
0x307: {  	v13 =	vshll.u32 v8, $0x10;
	v8 =	vand.u32 $0xFFFF0000, v8;
	v12 =	vld.idx.msk [tilespmem:v12+s16+$0x0], $0xffff  }
0x308: {  	v11 =	vadd.f32 v13, v11;
	v0 =	vadd.f32 v8, v0;
	v8 =	vld [tilespmem:s28+$0xFFFFFD00]  }
0x309: {  	v13 =	vshll.u32 v9, $0x10;
	v9 =	vand.u32 $0xFFFF0000, v9;
	v2 =	vld.idx.msk [tilespmem:v2+s16+$0x0], $0xffff  }
0x30a: {  	v11 =	vadd.f32 v13, v11;
	v0 =	vadd.f32 v9, v0;
	v9 =	vld [tilespmem:s28+$0xFFFFFD80]  }
0x30b: {  	v13 =	vshll.u32 v10, $0x10;
	v10 =	vand.u32 $0xFFFF0000, v10;
	v1 =	vld.idx.msk [tilespmem:v1+s16+$0x0], $0xffff  }
0x30c: {  	v11 =	vadd.f32 v13, v11;
	v0 =	vadd.f32 v10, v0;
	v10 =	vld [tilespmem:s28+$0xFFFFFE00]  }
0x30d: {  	v13 =	vshll.u32 v12, $0x10;
	v12 =	vand.u32 $0xFFFF0000, v12;
	v3 =	vld.idx.msk [tilespmem:v3+s16+$0x0], $0xffff  }
0x30e: {  	v11 =	vadd.f32 v13, v11;
	v0 =	vadd.f32 v12, v0;
	v12 =	vld [tilespmem:s28+$0xFFFFFE80]  }
0x30f: {  	v13 =	vshll.u32 v2, $0x10;
	v2 =	vand.u32 $0xFFFF0000, v2;
	v4 =	vld.idx.msk [tilespmem:v4+s16+$0x0], $0xffff  }
0x310: {  	v11 =	vadd.f32 v13, v11;
	v0 =	vadd.f32 v2, v0;
	v2 =	vld [tilespmem:s28+$0xFFFFFF00]  }
0x311: {  	v13 =	vshll.u32 v1, $0x10;
	v1 =	vand.u32 $0xFFFF0000, v1;
	v5 =	vld.idx.msk [tilespmem:v5+s16+$0x0], $0xffff  }
0x312: {  	v11 =	vadd.f32 v13, v11;
	v0 =	vadd.f32 v1, v0;
	v1 =	vld [tilespmem:s28+$0xFFFFFF80]  }
0x313: {  	v13 =	vshll.u32 v3, $0x10;
	v3 =	vand.u32 $0xFFFF0000, v3;
	v6 =	vld.idx.msk [tilespmem:v6+s16+$0x0], $0xffff  }
0x314: {  	v11 =	vadd.f32 v13, v11;
	v0 =	vadd.f32 v3, v0;
	v3 =	vld [tilespmem:s28+$0x0]  }
0x315: {  	v13 =	vshll.u32 v4, $0x10;
	v4 =	vand.u32 $0xFFFF0000, v4;
	v7 =	vld.idx.msk [tilespmem:v7+s16+$0x0], $0xffff  }
0x316: {  	v11 =	vadd.f32 v13, v11;
	v0 =	vadd.f32 v4, v0;
	v4 =	vld [tilespmem:s28+$0x80]  }
0x317: {  	v13 =	vshll.u32 v5, $0x10;
	v5 =	vand.u32 $0xFFFF0000, v5;
	v8 =	vld.idx.msk [tilespmem:v8+s16+$0x0], $0xffff  }
0x318: {  	v11 =	vadd.f32 v13, v11;
	v0 =	vadd.f32 v5, v0;
	v5 =	vld [tilespmem:s28+$0x100]  }
0x319: {  	v13 =	vshll.u32 v6, $0x10;
	v6 =	vand.u32 $0xFFFF0000, v6;
	v9 =	vld.idx.msk [tilespmem:v9+s16+$0x0], $0xffff  }
0x31a: {  	v11 =	vadd.f32 v13, v11;
	v0 =	vadd.f32 v6, v0;
	v6 =	vld [tilespmem:s28+$0x180]  }
0x31b: {  	v13 =	vshll.u32 v7, $0x10;
	v7 =	vand.u32 $0xFFFF0000, v7;
	v10 =	vld.idx.msk [tilespmem:v10+s16+$0x0], $0xffff  }
0x31c: {  	v11 =	vadd.f32 v13, v11;
	v0 =	vadd.f32 v7, v0;
	v7 =	vld [tilespmem:s28+$0x200]  }
0x31d: {  	v13 =	vshll.u32 v8, $0x10;
	v8 =	vand.u32 $0xFFFF0000, v8;
	v12 =	vld.idx.msk [tilespmem:v12+s16+$0x0], $0xffff  }
0x31e: {  	v11 =	vadd.f32 v13, v11;
	v0 =	vadd.f32 v8, v0;
	v8 =	vld [tilespmem:s28+$0x280]  }
0x31f: {  	v13 =	vshll.u32 v9, $0x10;
	v9 =	vand.u32 $0xFFFF0000, v9;
	v2 =	vld.idx.msk [tilespmem:v2+s16+$0x0], $0xffff  }
0x320: {  	v11 =	vadd.f32 v13, v11;
	v0 =	vadd.f32 v9, v0;
	v9 =	vld [tilespmem:s28+$0x300]  }
0x321: {  	v13 =	vshll.u32 v10, $0x10;
	v10 =	vand.u32 $0xFFFF0000, v10;
	v1 =	vld.idx.msk [tilespmem:v1+s16+$0x0], $0xffff  }
0x322: {  	v11 =	vadd.f32 v13, v11;
	v0 =	vadd.f32 v10, v0;
	v10 =	vld [tilespmem:s28+$0x380]  }
0x323: {  	v13 =	vshll.u32 v12, $0x10;
	v12 =	vand.u32 $0xFFFF0000, v12;
	v3 =	vld.idx.msk [tilespmem:v3+s16+$0x0], $0xffff  }
0x324: {  	v11 =	vadd.f32 v13, v11;
	v0 =	vadd.f32 v12, v0;
	v12 =	vld [tilespmem:s28+$0x400]  }
0x325: {  	v13 =	vshll.u32 v2, $0x10;
	v2 =	vand.u32 $0xFFFF0000, v2;
	v4 =	vld.idx.msk [tilespmem:v4+s16+$0x0], $0xffff  }
0x326: {  	v11 =	vadd.f32 v13, v11;
	v0 =	vadd.f32 v2, v0;
	v2 =	vld [tilespmem:s28+$0x480]  }
0x327: {  	v13 =	vshll.u32 v1, $0x10;
	v1 =	vand.u32 $0xFFFF0000, v1;
	v5 =	vld.idx.msk [tilespmem:v5+s16+$0x0], $0xffff  }
0x328: {  	v11 =	vadd.f32 v13, v11;
	v0 =	vadd.f32 v1, v0;
	v1 =	vld [tilespmem:s28+$0x500]  }
0x329: {  	v13 =	vshll.u32 v3, $0x10;
	v3 =	vand.u32 $0xFFFF0000, v3;
	v6 =	vld.idx.msk [tilespmem:v6+s16+$0x0], $0xffff  }
0x32a: {  	v11 =	vadd.f32 v13, v11;
	v0 =	vadd.f32 v3, v0;
	v3 =	vld [tilespmem:s28+$0x580]  }
0x32b: {  	v13 =	vshll.u32 v4, $0x10;
	v4 =	vand.u32 $0xFFFF0000, v4;
	v7 =	vld.idx.msk [tilespmem:v7+s16+$0x0], $0xffff  }
0x32c: {  	v11 =	vadd.f32 v13, v11;
	v0 =	vadd.f32 v4, v0;
	v4 =	vld [tilespmem:s28+$0x600]  }
0x32d: {  	v13 =	vshll.u32 v5, $0x10;
	v5 =	vand.u32 $0xFFFF0000, v5;
	v8 =	vld.idx.msk [tilespmem:v8+s16+$0x0], $0xffff  }
0x32e: {  	v11 =	vadd.f32 v13, v11;
	v0 =	vadd.f32 v5, v0;
	v5 =	vld [tilespmem:s28+$0x680]  }
0x32f: {  	v13 =	vshll.u32 v6, $0x10;
	v6 =	vand.u32 $0xFFFF0000, v6;
	v9 =	vld.idx.msk [tilespmem:v9+s16+$0x0], $0xffff  }
0x330: {  	v11 =	vadd.f32 v13, v11;
	v0 =	vadd.f32 v6, v0;
	v6 =	vld [tilespmem:s28+$0x700]  }
0x331: {  	v13 =	vshll.u32 v7, $0x10;
	v7 =	vand.u32 $0xFFFF0000, v7;
	v10 =	vld.idx.msk [tilespmem:v10+s16+$0x0], $0xffff  }
0x332: {  	v11 =	vadd.f32 v13, v11;
	v0 =	vadd.f32 v7, v0;
	v7 =	vld [tilespmem:s28+$0x780]  }
0x333: {  	v13 =	vshll.u32 v8, $0x10;
	v8 =	vand.u32 $0xFFFF0000, v8;
	v12 =	vld.idx.msk [tilespmem:v12+s16+$0x0], $0xffff  }
0x334: {  	v11 =	vadd.f32 v13, v11;
	v0 =	vadd.f32 v8, v0;
	v8 =	vld [tilespmem:s28+$0x800]  }
0x335: {  	v13 =	vshll.u32 v9, $0x10;
	v9 =	vand.u32 $0xFFFF0000, v9;
	v2 =	vld.idx.msk [tilespmem:v2+s16+$0x0], $0xffff  }
0x336: {  	v11 =	vadd.f32 v13, v11;
	v0 =	vadd.f32 v9, v0;
	v9 =	vld [tilespmem:s28+$0x880]  }
0x337: {  	v13 =	vshll.u32 v10, $0x10;
	v10 =	vand.u32 $0xFFFF0000, v10;
	v1 =	vld.idx.msk [tilespmem:v1+s16+$0x0], $0xffff  }
0x338: {  	v11 =	vadd.f32 v13, v11;
	v0 =	vadd.f32 v10, v0;
	v10 =	vld [tilespmem:s28+$0x900]  }
0x339: {  	v13 =	vshll.u32 v12, $0x10;
	v12 =	vand.u32 $0xFFFF0000, v12;
	v3 =	vld.idx.msk [tilespmem:v3+s16+$0x0], $0xffff  }
0x33a: {  	v11 =	vadd.f32 v13, v11;
	v0 =	vadd.f32 v12, v0;
	v12 =	vld [tilespmem:s28+$0x980]  }
0x33b: {  	v13 =	vshll.u32 v2, $0x10;
	v2 =	vand.u32 $0xFFFF0000, v2;
	v4 =	vld.idx.msk [tilespmem:v4+s16+$0x0], $0xffff  }
0x33c: {  	v11 =	vadd.f32 v13, v11;
	v0 =	vadd.f32 v2, v0;
	v2 =	vld [tilespmem:s28+$0xA00]  }
0x33d: {  	v13 =	vshll.u32 v1, $0x10;
	v1 =	vand.u32 $0xFFFF0000, v1;
	v5 =	vld.idx.msk [tilespmem:v5+s16+$0x0], $0xffff  }
0x33e: {  	v11 =	vadd.f32 v13, v11;
	v0 =	vadd.f32 v1, v0;
	v1 =	vld [tilespmem:s28+$0xA80]  }
0x33f: {  	v13 =	vshll.u32 v3, $0x10;
	v3 =	vand.u32 $0xFFFF0000, v3;
	v6 =	vld.idx.msk [tilespmem:v6+s16+$0x0], $0xffff  }
0x340: {  	v11 =	vadd.f32 v13, v11;
	v0 =	vadd.f32 v3, v0;
	v3 =	vld [tilespmem:s28+$0xB00]  }
0x341: {  	v13 =	vshll.u32 v4, $0x10;
	v4 =	vand.u32 $0xFFFF0000, v4;
	v7 =	vld.idx.msk [tilespmem:v7+s16+$0x0], $0xffff  }
0x342: {  	v11 =	vadd.f32 v13, v11;
	v0 =	vadd.f32 v4, v0;
	v4 =	vld [tilespmem:s28+$0xB80]  }
0x343: {  	v13 =	vshll.u32 v5, $0x10;
	v5 =	vand.u32 $0xFFFF0000, v5;
	v8 =	vld.idx.msk [tilespmem:v8+s16+$0x0], $0xffff  }
0x344: {  	v11 =	vadd.f32 v13, v11;
	v0 =	vadd.f32 v5, v0;
	v5 =	vld [tilespmem:s28+$0xC00]  }
0x345: {  	v13 =	vshll.u32 v6, $0x10;
	v6 =	vand.u32 $0xFFFF0000, v6;
	v9 =	vld.idx.msk [tilespmem:v9+s16+$0x0], $0xffff  }
0x346: {  	v11 =	vadd.f32 v13, v11;
	v0 =	vadd.f32 v6, v0  }
0x347: {  	v6 =	vshll.u32 v7, $0x10;
	v7 =	vand.u32 $0xFFFF0000, v7;
	v10 =	vld.idx.msk [tilespmem:v10+s16+$0x0], $0xffff  }
0x348: {  	v6 =	vadd.f32 v6, v11;
	v0 =	vadd.f32 v7, v0  }
0x349: {  	v7 =	vshll.u32 v8, $0x10;
	v8 =	vand.u32 $0xFFFF0000, v8;
	v11 =	vld.idx.msk [tilespmem:v12+s16+$0x0], $0xffff  }
0x34a: {  	v6 =	vadd.f32 v7, v6;
	v0 =	vadd.f32 v8, v0  }
0x34b: {  	v7 =	vshll.u32 v9, $0x10;
	v8 =	vand.u32 $0xFFFF0000, v9;
	v2 =	vld.idx.msk [tilespmem:v2+s16+$0x0], $0xffff  }
0x34c: {  	v6 =	vadd.f32 v7, v6;
	v0 =	vadd.f32 v8, v0  }
0x34d: {  	v7 =	vshll.u32 v10, $0x10;
	v8 =	vand.u32 $0xFFFF0000, v10;
	v1 =	vld.idx.msk [tilespmem:v1+s16+$0x0], $0xffff  }
0x34e: {  	v6 =	vadd.f32 v7, v6;
	v0 =	vadd.f32 v8, v0  }
0x34f: {  	v7 =	vshll.u32 v11, $0x10;
	v8 =	vand.u32 $0xFFFF0000, v11;
	v3 =	vld.idx.msk [tilespmem:v3+s16+$0x0], $0xffff  }
0x350: {  	v6 =	vadd.f32 v7, v6;
	v0 =	vadd.f32 v8, v0  }
0x351: {  	v7 =	vshll.u32 v2, $0x10;
	v2 =	vand.u32 $0xFFFF0000, v2;
	v4 =	vld.idx.msk [tilespmem:v4+s16+$0x0], $0xffff  }
0x352: {  	v6 =	vadd.f32 v7, v6;
	v0 =	vadd.f32 v2, v0  }
0x353: {  	v2 =	vshll.u32 v1, $0x10;
	v1 =	vand.u32 $0xFFFF0000, v1;
	v5 =	vld.idx.msk [tilespmem:v5+s16+$0x0], $0xffff  }
0x354: {  	v2 =	vadd.f32 v2, v6;
	v0 =	vadd.f32 v1, v0  }
0x355: {  	v1 =	vshll.u32 v3, $0x10;
	v3 =	vand.u32 $0xFFFF0000, v3  }
0x356: {  	v1 =	vadd.f32 v1, v2;
	v0 =	vadd.f32 v3, v0  }
0x357: {  	v2 =	vshll.u32 v4, $0x10;
	v3 =	vand.u32 $0xFFFF0000, v4  }
0x358: {  	v1 =	vadd.f32 v2, v1;
	v0 =	vadd.f32 v3, v0  }
0x359: {  	v2 =	vshll.u32 v5, $0x10;
	v3 =	vand.u32 $0xFFFF0000, v5  }
.Ltmp3:
0x35a: {  	v1 =	vadd.f32 v2, v1;
	v0 =	vadd.f32 v3, v0;
	(pc) =	sbr.rel @p1 .LBB2_8-.Ltmp3, $4  }
0x35b: {  	s30 =	sshra.s32 s26, $0x2;
	s26 =	smov.u32 s29  }
0x35c: {  	[tilespmem:s30+$0x1F480] =	vst v0  }
0x35d: {  	s28 =	sadd.s32 $0x10, s28;
	[tilespmem:s30+$0x1E480] =	vst v1  }
0x35e: {  	s29 =	sadd.s32 $0x200, s29;
	v0 =	vld [tilespmem:s28+$0xFFFFF380]  }
0x35f: {  	_ =	sdelay $0x1  }
0x360: {  	v1 =	vld [tilespmem:s28+$0xFFFFF400];
	_ =	sdelay $0x1  }
0x361: {  	v2 =	vld [tilespmem:s28+$0xFFFFF480];
	_ =	sdelay $0x1  }
0x362: {  	v3 =	vld [tilespmem:s28+$0xFFFFF500]  }
0x363: {  	v4 =	vld [tilespmem:s28+$0xFFFFF580]  }
0x364: {  	v0 =	vld.idx.msk [tilespmem:v0+s16+$0x0], $0xffff  }
0x365: {  	v5 =	vld [tilespmem:s28+$0xFFFFF600]  }
0x366: {  	v1 =	vld.idx.msk [tilespmem:v1+s16+$0x0], $0xffff  }
0x367: {  	v6 =	vld [tilespmem:s28+$0xFFFFF680]  }
0x368: {  	v2 =	vld.idx.msk [tilespmem:v2+s16+$0x0], $0xffff  }
0x369: {  	v7 =	vld [tilespmem:s28+$0xFFFFF700];
	v8 =	vand.u32 $0xFFFF0000, v0  }
0x36a: {  	v3 =	vld.idx.msk [tilespmem:v3+s16+$0x0], $0xffff;
	v0 =	vshll.u32 v0, $0x10;
	v8 =	vadd.f32 $0.0e+00, v8  }
0x36b: {  	v9 =	vld [tilespmem:s28+$0xFFFFF780];
	v0 =	vadd.f32 $0.0e+00, v0;
	v10 =	vand.u32 $0xFFFF0000, v1  }
0x36c: {  	v4 =	vld.idx.msk [tilespmem:v4+s16+$0x0], $0xffff;
	v1 =	vshll.u32 v1, $0x10;
	v8 =	vadd.f32 v10, v8  }
0x36d: {  	v21 =	vld [tilespmem:s28+$0xFFFFF800];
	v22 =	vand.u32 $0xFFFF0000, v2;
	v0 =	vadd.f32 v1, v0  }
0x36e: {  	v5 =	vld.idx.msk [tilespmem:v5+s16+$0x0], $0xffff;
	v2 =	vshll.u32 v2, $0x10;
	v1 =	vadd.f32 v22, v8  }
0x36f: {  	v23 =	vld [tilespmem:s28+$0xFFFFF880];
	v24 =	vand.u32 $0xFFFF0000, v3;
	v0 =	vadd.f32 v2, v0  }
0x370: {  	v6 =	vld.idx.msk [tilespmem:v6+s16+$0x0], $0xffff;
	v3 =	vshll.u32 v3, $0x10;
	v1 =	vadd.f32 v24, v1  }
0x371: {  	v25 =	vld [tilespmem:s28+$0xFFFFF900];
	v26 =	vand.u32 $0xFFFF0000, v4;
	v0 =	vadd.f32 v3, v0  }
0x372: {  	v7 =	vld.idx.msk [tilespmem:v7+s16+$0x0], $0xffff;
	v4 =	vshll.u32 v4, $0x10;
	v1 =	vadd.f32 v26, v1  }
0x373: {  	v27 =	vld [tilespmem:s28+$0xFFFFF980];
	v28 =	vand.u32 $0xFFFF0000, v5;
	v0 =	vadd.f32 v4, v0  }
0x374: {  	v9 =	vld.idx.msk [tilespmem:v9+s16+$0x0], $0xffff;
	v5 =	vshll.u32 v5, $0x10;
	v1 =	vadd.f32 v28, v1  }
0x375: {  	v29 =	vld [tilespmem:s28+$0xFFFFFA00];
	v30 =	vand.u32 $0xFFFF0000, v6;
	v0 =	vadd.f32 v5, v0  }
0x376: {  	v6 =	vshll.u32 v6, $0x10;
	v10 =	vld.idx.msk [tilespmem:v21+s16+$0x0], $0xffff;
	v1 =	vadd.f32 v30, v1  }
0x377: {  	v31 =	vld [tilespmem:s28+$0xFFFFFA80];
	v32 =	vand.u32 $0xFFFF0000, v7;
	v0 =	vadd.f32 v6, v0  }
0x378: {  	v7 =	vshll.u32 v7, $0x10;
	v8 =	vld.idx.msk [tilespmem:v23+s16+$0x0], $0xffff;
	v1 =	vadd.f32 v32, v1  }
0x379: {  	v33 =	vld [tilespmem:s28+$0xFFFFFB00];
	v34 =	vand.u32 $0xFFFF0000, v9;
	v0 =	vadd.f32 v7, v0  }
0x37a: {  	v9 =	vshll.u32 v9, $0x10;
	v2 =	vld.idx.msk [tilespmem:v25+s16+$0x0], $0xffff;
	v1 =	vadd.f32 v34, v1  }
0x37b: {  	v35 =	vld [tilespmem:s28+$0xFFFFFB80];
	v36 =	vand.u32 $0xFFFF0000, v10;
	v0 =	vadd.f32 v9, v0  }
0x37c: {  	v3 =	vld.idx.msk [tilespmem:v27+s16+$0x0], $0xffff;
	v10 =	vshll.u32 v10, $0x10;
	v1 =	vadd.f32 v36, v1  }
0x37d: {  	v37 =	vld [tilespmem:s28+$0xFFFFFC00];
	v38 =	vand.u32 $0xFFFF0000, v8;
	v0 =	vadd.f32 v10, v0  }
0x37e: {  	v4 =	vld.idx.msk [tilespmem:v29+s16+$0x0], $0xffff;
	v8 =	vshll.u32 v8, $0x10;
	v1 =	vadd.f32 v38, v1  }
0x37f: {  	v39 =	vld [tilespmem:s28+$0xFFFFFC80];
	v40 =	vand.u32 $0xFFFF0000, v2;
	v0 =	vadd.f32 v8, v0  }
0x380: {  	v2 =	vshll.u32 v2, $0x10;
	v5 =	vld.idx.msk [tilespmem:v31+s16+$0x0], $0xffff;
	v1 =	vadd.f32 v40, v1  }
0x381: {  	v41 =	vld [tilespmem:s28+$0xFFFFFD00];
	v42 =	vand.u32 $0xFFFF0000, v3;
	v0 =	vadd.f32 v2, v0  }
0x382: {  	v3 =	vshll.u32 v3, $0x10;
	v6 =	vld.idx.msk [tilespmem:v33+s16+$0x0], $0xffff;
	v1 =	vadd.f32 v42, v1  }
0x383: {  	v43 =	vld [tilespmem:s28+$0xFFFFFD80];
	v44 =	vand.u32 $0xFFFF0000, v4;
	v0 =	vadd.f32 v3, v0  }
0x384: {  	v4 =	vshll.u32 v4, $0x10;
	v7 =	vld.idx.msk [tilespmem:v35+s16+$0x0], $0xffff;
	v1 =	vadd.f32 v44, v1  }
0x385: {  	v45 =	vld [tilespmem:s28+$0xFFFFFE00];
	v46 =	vand.u32 $0xFFFF0000, v5;
	v0 =	vadd.f32 v4, v0  }
0x386: {  	v5 =	vshll.u32 v5, $0x10;
	v9 =	vld.idx.msk [tilespmem:v37+s16+$0x0], $0xffff;
	v1 =	vadd.f32 v46, v1  }
0x387: {  	v47 =	vld [tilespmem:s28+$0xFFFFFE80];
	v48 =	vand.u32 $0xFFFF0000, v6;
	v0 =	vadd.f32 v5, v0  }
0x388: {  	v6 =	vshll.u32 v6, $0x10;
	v10 =	vld.idx.msk [tilespmem:v39+s16+$0x0], $0xffff;
	v1 =	vadd.f32 v48, v1  }
0x389: {  	v49 =	vld [tilespmem:s28+$0xFFFFFF00];
	v50 =	vand.u32 $0xFFFF0000, v7;
	v0 =	vadd.f32 v6, v0  }
0x38a: {  	v7 =	vshll.u32 v7, $0x10;
	v8 =	vld.idx.msk [tilespmem:v41+s16+$0x0], $0xffff;
	v1 =	vadd.f32 v50, v1  }
0x38b: {  	v51 =	vld [tilespmem:s28+$0xFFFFFF80];
	v52 =	vand.u32 $0xFFFF0000, v9;
	v0 =	vadd.f32 v7, v0  }
0x38c: {  	v9 =	vshll.u32 v9, $0x10;
	v2 =	vld.idx.msk [tilespmem:v43+s16+$0x0], $0xffff;
	v1 =	vadd.f32 v52, v1  }
0x38d: {  	v53 =	vld [tilespmem:s28+$0x0];
	v54 =	vand.u32 $0xFFFF0000, v10;
	v0 =	vadd.f32 v9, v0  }
0x38e: {  	v10 =	vshll.u32 v10, $0x10;
	v3 =	vld.idx.msk [tilespmem:v45+s16+$0x0], $0xffff;
	v1 =	vadd.f32 v54, v1  }
0x38f: {  	v55 =	vld [tilespmem:s28+$0x80];
	v56 =	vand.u32 $0xFFFF0000, v8;
	v0 =	vadd.f32 v10, v0  }
0x390: {  	v8 =	vshll.u32 v8, $0x10;
	v4 =	vld.idx.msk [tilespmem:v47+s16+$0x0], $0xffff;
	v1 =	vadd.f32 v56, v1  }
0x391: {  	v57 =	vld [tilespmem:s28+$0x100];
	v58 =	vand.u32 $0xFFFF0000, v2;
	v0 =	vadd.f32 v8, v0  }
0x392: {  	v2 =	vshll.u32 v2, $0x10;
	v5 =	vld.idx.msk [tilespmem:v49+s16+$0x0], $0xffff;
	v1 =	vadd.f32 v58, v1  }
0x393: {  	v59 =	vld [tilespmem:s28+$0x180];
	v60 =	vand.u32 $0xFFFF0000, v3;
	v0 =	vadd.f32 v2, v0  }
0x394: {  	v3 =	vshll.u32 v3, $0x10;
	v6 =	vld.idx.msk [tilespmem:v51+s16+$0x0], $0xffff;
	v1 =	vadd.f32 v60, v1  }
0x395: {  	v61 =	vld [tilespmem:s28+$0x200];
	v62 =	vand.u32 $0xFFFF0000, v4;
	v0 =	vadd.f32 v3, v0  }
0x396: {  	v4 =	vshll.u32 v4, $0x10;
	v7 =	vld.idx.msk [tilespmem:v53+s16+$0x0], $0xffff;
	v1 =	vadd.f32 v62, v1  }
0x397: {  	v63 =	vld [tilespmem:s28+$0x280];
	v12 =	vand.u32 $0xFFFF0000, v5;
	v0 =	vadd.f32 v4, v0  }
0x398: {  	v5 =	vshll.u32 v5, $0x10;
	v9 =	vld.idx.msk [tilespmem:v55+s16+$0x0], $0xffff;
	v1 =	vadd.f32 v12, v1  }
0x399: {  	v13 =	vld [tilespmem:s28+$0x300];
	v14 =	vand.u32 $0xFFFF0000, v6;
	v0 =	vadd.f32 v5, v0  }
0x39a: {  	v6 =	vshll.u32 v6, $0x10;
	v10 =	vld.idx.msk [tilespmem:v57+s16+$0x0], $0xffff;
	v1 =	vadd.f32 v14, v1  }
0x39b: {  	v15 =	vld [tilespmem:s28+$0x380];
	v16 =	vand.u32 $0xFFFF0000, v7;
	v0 =	vadd.f32 v6, v0  }
0x39c: {  	v7 =	vshll.u32 v7, $0x10;
	v8 =	vld.idx.msk [tilespmem:v59+s16+$0x0], $0xffff;
	v1 =	vadd.f32 v16, v1  }
0x39d: {  	v17 =	vld [tilespmem:s28+$0x400];
	v18 =	vand.u32 $0xFFFF0000, v9;
	v0 =	vadd.f32 v7, v0  }
0x39e: {  	v9 =	vshll.u32 v9, $0x10;
	v2 =	vld.idx.msk [tilespmem:v61+s16+$0x0], $0xffff;
	v1 =	vadd.f32 v18, v1  }
0x39f: {  	v19 =	vld [tilespmem:s28+$0x480];
	v20 =	vand.u32 $0xFFFF0000, v10;
	v0 =	vadd.f32 v9, v0  }
0x3a0: {  	v10 =	vshll.u32 v10, $0x10;
	v3 =	vld.idx.msk [tilespmem:v63+s16+$0x0], $0xffff;
	v1 =	vadd.f32 v20, v1  }
0x3a1: {  	v21 =	vld [tilespmem:s28+$0x500];
	v22 =	vand.u32 $0xFFFF0000, v8;
	v0 =	vadd.f32 v10, v0  }
0x3a2: {  	v8 =	vshll.u32 v8, $0x10;
	v4 =	vld.idx.msk [tilespmem:v13+s16+$0x0], $0xffff;
	v1 =	vadd.f32 v22, v1  }
0x3a3: {  	v23 =	vld [tilespmem:s28+$0x580];
	v24 =	vand.u32 $0xFFFF0000, v2;
	v0 =	vadd.f32 v8, v0  }
0x3a4: {  	v2 =	vshll.u32 v2, $0x10;
	v5 =	vld.idx.msk [tilespmem:v15+s16+$0x0], $0xffff;
	v1 =	vadd.f32 v24, v1  }
0x3a5: {  	v25 =	vld [tilespmem:s28+$0x600];
	v26 =	vand.u32 $0xFFFF0000, v3;
	v0 =	vadd.f32 v2, v0  }
0x3a6: {  	v3 =	vshll.u32 v3, $0x10;
	v6 =	vld.idx.msk [tilespmem:v17+s16+$0x0], $0xffff;
	v1 =	vadd.f32 v26, v1  }
0x3a7: {  	v27 =	vld [tilespmem:s28+$0x680];
	v28 =	vand.u32 $0xFFFF0000, v4;
	v0 =	vadd.f32 v3, v0  }
0x3a8: {  	v4 =	vshll.u32 v4, $0x10;
	v7 =	vld.idx.msk [tilespmem:v19+s16+$0x0], $0xffff;
	v1 =	vadd.f32 v28, v1  }
0x3a9: {  	v29 =	vld [tilespmem:s28+$0x700];
	v30 =	vand.u32 $0xFFFF0000, v5;
	v0 =	vadd.f32 v4, v0  }
0x3aa: {  	v5 =	vshll.u32 v5, $0x10;
	v9 =	vld.idx.msk [tilespmem:v21+s16+$0x0], $0xffff;
	v1 =	vadd.f32 v30, v1  }
0x3ab: {  	v31 =	vld [tilespmem:s28+$0x780];
	v32 =	vand.u32 $0xFFFF0000, v6;
	v0 =	vadd.f32 v5, v0  }
0x3ac: {  	v6 =	vshll.u32 v6, $0x10;
	v10 =	vld.idx.msk [tilespmem:v23+s16+$0x0], $0xffff;
	v1 =	vadd.f32 v32, v1  }
0x3ad: {  	v33 =	vld [tilespmem:s28+$0x800];
	v34 =	vand.u32 $0xFFFF0000, v7;
	v0 =	vadd.f32 v6, v0  }
0x3ae: {  	v7 =	vshll.u32 v7, $0x10;
	v8 =	vld.idx.msk [tilespmem:v25+s16+$0x0], $0xffff;
	v1 =	vadd.f32 v34, v1  }
0x3af: {  	v35 =	vld [tilespmem:s28+$0x880];
	v36 =	vand.u32 $0xFFFF0000, v9;
	v0 =	vadd.f32 v7, v0  }
0x3b0: {  	v9 =	vshll.u32 v9, $0x10;
	v2 =	vld.idx.msk [tilespmem:v27+s16+$0x0], $0xffff;
	v1 =	vadd.f32 v36, v1  }
0x3b1: {  	v37 =	vld [tilespmem:s28+$0x900];
	v38 =	vand.u32 $0xFFFF0000, v10;
	v0 =	vadd.f32 v9, v0  }
0x3b2: {  	v10 =	vshll.u32 v10, $0x10;
	v3 =	vld.idx.msk [tilespmem:v29+s16+$0x0], $0xffff;
	v1 =	vadd.f32 v38, v1  }
0x3b3: {  	v39 =	vld [tilespmem:s28+$0x980];
	v40 =	vand.u32 $0xFFFF0000, v8;
	v0 =	vadd.f32 v10, v0  }
0x3b4: {  	v8 =	vshll.u32 v8, $0x10;
	v4 =	vld.idx.msk [tilespmem:v31+s16+$0x0], $0xffff;
	v1 =	vadd.f32 v40, v1  }
0x3b5: {  	v41 =	vld [tilespmem:s28+$0xA00];
	v42 =	vand.u32 $0xFFFF0000, v2;
	v0 =	vadd.f32 v8, v0  }
0x3b6: {  	v2 =	vshll.u32 v2, $0x10;
	v5 =	vld.idx.msk [tilespmem:v33+s16+$0x0], $0xffff;
	v1 =	vadd.f32 v42, v1  }
0x3b7: {  	v43 =	vld [tilespmem:s28+$0xA80];
	v44 =	vand.u32 $0xFFFF0000, v3;
	v0 =	vadd.f32 v2, v0  }
0x3b8: {  	v3 =	vshll.u32 v3, $0x10;
	v6 =	vld.idx.msk [tilespmem:v35+s16+$0x0], $0xffff;
	v1 =	vadd.f32 v44, v1  }
0x3b9: {  	v45 =	vld [tilespmem:s28+$0xB00];
	v46 =	vand.u32 $0xFFFF0000, v4;
	v0 =	vadd.f32 v3, v0  }
0x3ba: {  	v4 =	vshll.u32 v4, $0x10;
	v7 =	vld.idx.msk [tilespmem:v37+s16+$0x0], $0xffff;
	v1 =	vadd.f32 v46, v1  }
0x3bb: {  	v47 =	vld [tilespmem:s28+$0xB80];
	v48 =	vand.u32 $0xFFFF0000, v5;
	v0 =	vadd.f32 v4, v0  }
0x3bc: {  	v5 =	vshll.u32 v5, $0x10;
	v9 =	vld.idx.msk [tilespmem:v39+s16+$0x0], $0xffff;
	v1 =	vadd.f32 v48, v1  }
0x3bd: {  	v49 =	vld [tilespmem:s28+$0xC00];
	v50 =	vand.u32 $0xFFFF0000, v6;
	v0 =	vadd.f32 v5, v0  }
0x3be: {  	v6 =	vshll.u32 v6, $0x10;
	v10 =	vld.idx.msk [tilespmem:v41+s16+$0x0], $0xffff;
	v1 =	vadd.f32 v50, v1  }
0x3bf: {  	v51 =	vand.u32 $0xFFFF0000, v7;
	v0 =	vadd.f32 v6, v0  }
0x3c0: {  	v53 =	vld.idx.msk [tilespmem:v43+s16+$0x0], $0xffff;
	v52 =	vshll.u32 v7, $0x10;
	v1 =	vadd.f32 v51, v1  }
0x3c1: {  	v54 =	vand.u32 $0xFFFF0000, v9;
	v0 =	vadd.f32 v52, v0  }
0x3c2: {  	v55 =	vshll.u32 v9, $0x10;
	v2 =	vld.idx.msk [tilespmem:v45+s16+$0x0], $0xffff;
	v1 =	vadd.f32 v54, v1  }
0x3c3: {  	v56 =	vand.u32 $0xFFFF0000, v10;
	v0 =	vadd.f32 v55, v0  }
0x3c4: {  	v57 =	vshll.u32 v10, $0x10;
	v3 =	vld.idx.msk [tilespmem:v47+s16+$0x0], $0xffff;
	v1 =	vadd.f32 v56, v1  }
0x3c5: {  	v58 =	vand.u32 $0xFFFF0000, v53;
	v0 =	vadd.f32 v57, v0  }
0x3c6: {  	v59 =	vshll.u32 v53, $0x10;
	v4 =	vld.idx.msk [tilespmem:v49+s16+$0x0], $0xffff;
	v1 =	vadd.f32 v58, v1  }
0x3c7: {  	v60 =	vand.u32 $0xFFFF0000, v2;
	v0 =	vadd.f32 v59, v0  }
0x3c8: {  	v2 =	vshll.u32 v2, $0x10;
	v1 =	vadd.f32 v60, v1  }
0x3c9: {  	v61 =	vand.u32 $0xFFFF0000, v3;
	v0 =	vadd.f32 v2, v0  }
0x3ca: {  	v3 =	vshll.u32 v3, $0x10;
	v1 =	vadd.f32 v61, v1  }
0x3cb: {  	v62 =	vand.u32 $0xFFFF0000, v4;
	v0 =	vadd.f32 v3, v0  }
0x3cc: {  	v63 =	vshll.u32 v4, $0x10;
	v1 =	vadd.f32 v62, v1  }
0x3cd: {  	s26 =	sshra.s32 s26, $0x2;
	s25 =	sadd.s32 $0x1, s25;
	v0 =	vadd.f32 v63, v0  }
0x3ce: {  	p1 =	sne.s32 s25, s10;
	[tilespmem:s26+$0x1F480] =	vst v1  }
.Ltmp4:
0x3cf: {  	[tilespmem:s26+$0x1E480] =	vst v0;
	(pc) =	sbr.rel @p1 .LBB2_1-.Ltmp4, $4  }
0x3d0: {  	[hbm4b:s9+s2] =	stream.linear.scatter [tilespmem:s24], [sflag:$0x3], $0x2000, $0x38;
	[tilespmem:$0x1F880] =	vst v63  }
0x3d1: {  	_ =	swait.ge [sflag:s17], $0x2000  }
0x3d2: {  	[sflag:s17] =	ssyncset.done $0x0  }
0x3d3: {  	[sflag:s17] =	ssyncadd.s32 $0xFFFFE000  }
0x3d4: {  	_ =	sfence.sel $0x180000  }
0x3d5: {  	[bflag:$0x0] =	sbarrier.arrive $0xFFFF  }
0x3d6: {  	_ =	strace $0x90000047  }
0x3d7: {  	s0 =	sadd.s32 @!p0 $0x100000, s0;
	[bflag:$0x2] =	sbarrier.arrive $0xFFFF  }
0x3d8: {  	[sflag:s0] =	ssyncadd.tile.s32 @!p0 $0x1;
	_ =	shalt  }
.Lfunc_end2:
_tile_overlayer_lowered:
.L_overlay_start_2:
0x3d9: {  	(tag) =	ssettag $0x2  }
0x3da: {  	s0 =	rddreg [dreg:$0x0];
	s2 =	stileid.u32  }
0x3db: {  	s1 =	rddreg [dreg:$0x1];
	p0 =	sne.s32 s2, $0x0  }
0x3dc: {  	s3 =	rddreg [dreg:$0x2];
	[bflag:$0x3] =	sbarrier.arrive $0xFFFF;
	s2 =	simm.s32 @!p0 $0x1C03  }
0x3dd: {  	[timem:s3], [sflag:s2] =	dma.local @!p0 [hbm:s0], s1  }
0x3de: {  	s0 =	simm.s32 @!p0 $0x3  }
0x3df: {  	_ =	swait.ge @!p0 [sflag:s0], s1  }
0x3e0: {  	s1 =	ssub.s32 @!p0 $0x0, s1;
	[sflag:s0] =	ssyncset.done @!p0 $0x0  }
0x3e1: {  	[sflag:s0] =	ssyncadd.s32 @!p0 s1  }
0x3e2: {  	[bflag:$0x3] =	sbarrier.arrive $0xFFFF  }
0x3e3: {  	_ =	shalt  }

</sc_bundles>
